<compile_context>
chip_gen: v7x
topology: tpu7x:2x2x1
jax: 0.10.2.dev20260603
libtpu: 0.0.44.dev20260713+nightly
codegen_flags: <defaults>
</compile_context>

<pallas_src>
import functools

import jax
import jax.numpy as jnp
from jax import lax
from jax.experimental import pallas as pl
from jax.experimental.pallas import tpu as pltpu
from jax.experimental.pallas import tpu_sc as plsc

N1 = 10000; N2 = 2500; E1 = 320000; E2 = 80000
D = 32; T = 4; F = 3; DS = 128; DE = 4

NC = 2
NS = 16
NW = NC * NS
CH = 128

N1P = 12288
N2P = 2560
E1P = 327680
E2P = 81920
N1A = 10112

_mesh = plsc.VectorSubcoreMesh(core_axis_name="c", subcore_axis_name="s",
                               num_cores=NC, num_subcores=NS)


def _relu(x):
    return jnp.maximum(x, 0.0)


def _mlp2_tc(x, W0, b0, W1, b1):
    h = _relu(jnp.dot(x, W0, preferred_element_type=jnp.float32) + b0)
    return _relu(jnp.dot(h, W1, preferred_element_type=jnp.float32) + b1)



def _stage_idx(idx_hbm, base, idx_v, nch, sem):
    def cp(j, carry):
        o = pl.multiple_of(base + j * CH, CH)
        pltpu.async_copy(idx_hbm.at[pl.ds(o, CH)], idx_v.at[j], sem).wait()
        return carry
    lax.fori_loop(0, nch, cp, 0)


def _stage_table(tab_hbm, tab_sh, n_rows, sem):
    tr = n_rows // NS
    s = lax.axis_index("s")
    t0 = pl.multiple_of(s * tr, tr)
    pltpu.async_copy(tab_hbm.at[pl.ds(t0, tr)], tab_sh.at[pl.ds(t0, tr)],
                     sem).wait()


def _make_sc_gather(n_edges, n_tab):
    rows_w = n_edges // NW
    nch = rows_w // CH

    def body(a_tab, b_tab, src1d, dst1d, out, src_v, dst_v, abuf, bbuf, sbuf,
             a_sh, b_sh, sem):
        c = lax.axis_index("c")
        s = lax.axis_index("s")
        w = c * NS + s
        base = w * rows_w
        _stage_table(a_tab, a_sh, n_tab, sem)
        _stage_table(b_tab, b_sh, n_tab, sem)
        _stage_idx(src1d, base, src_v, nch, sem)
        _stage_idx(dst1d, base, dst_v, nch, sem)
        plsc.subcore_barrier()

        def chunk(j, carry):
            r0 = pl.multiple_of(base + j * CH, CH)
            p0 = pl.multiple_of(r0 // 4, CH // 4)
            pltpu.async_copy(a_sh.at[src_v.at[j]], abuf, sem).wait()
            pltpu.async_copy(b_sh.at[dst_v.at[j]], bbuf, sem).wait()
            for q in range(CH // 4):
                for l in range(4):
                    for k in range(D // 16):
                        sl = pl.ds(l * D + k * 16, 16)
                        es = pl.ds(k * 16, 16)
                        sbuf[q, sl] = abuf[q * 4 + l, es] + bbuf[q * 4 + l, es]
            pltpu.async_copy(sbuf, out.at[pl.ds(p0, CH // 4)], sem).wait()
            return carry

        lax.fori_loop(0, nch, chunk, 0)

    return functools.partial(
        pl.kernel, body,
        out_type=jax.ShapeDtypeStruct((n_edges // 4, 128), jnp.float32),
        mesh=_mesh,
        scratch_types=[
            pltpu.VMEM((nch, CH), jnp.int32),
            pltpu.VMEM((nch, CH), jnp.int32),
            pltpu.VMEM((CH, D), jnp.float32),
            pltpu.VMEM((CH, D), jnp.float32),
            pltpu.VMEM((CH // 4, 128), jnp.float32),
            pltpu.VMEM_SHARED((n_tab, D), jnp.float32),
            pltpu.VMEM_SHARED((n_tab, D), jnp.float32),
            pltpu.SemaphoreType.DMA,
        ])()


def _make_sc_scatter_packed(n_edges, n_acc):
    rows_w = n_edges // NW
    nch = rows_w // CH

    def body(msg4, idx1d, zeros, out, idx_cur, pbuf, rows_v, acc_sh, sem):
        c = lax.axis_index("c")
        s = lax.axis_index("s")
        w = c * NS + s
        base = w * rows_w
        zr = n_acc // NS
        z0 = pl.multiple_of(s * zr, zr)
        pltpu.sync_copy(zeros.at[pl.ds(z0, zr)], acc_sh.at[pl.ds(z0, zr)])
        plsc.subcore_barrier()

        def chunk(j, carry):
            r0 = pl.multiple_of(base + j * CH, CH)
            p0 = pl.multiple_of(r0 // 4, CH // 4)
            pltpu.async_copy(idx1d.at[pl.ds(r0, CH)], idx_cur, sem).wait()
            pltpu.async_copy(msg4.at[pl.ds(p0, CH // 4)], pbuf, sem).wait()
            for q in range(CH // 4):
                for l in range(4):
                    for k in range(D // 16):
                        sl = pl.ds(l * D + k * 16, 16)
                        es = pl.ds(k * 16, 16)
                        rows_v[q * 4 + l, es] = pbuf[q, sl]
            pltpu.async_copy(rows_v, acc_sh.at[idx_cur], sem, add=True).wait()
            return carry

        lax.fori_loop(0, nch, chunk, 0)
        plsc.subcore_barrier()
        pltpu.sync_copy(acc_sh.at[pl.ds(z0, zr)], out.at[c, pl.ds(z0, zr)])

    return functools.partial(
        pl.kernel, body,
        out_type=jax.ShapeDtypeStruct((NC, n_acc, D), jnp.float32),
        mesh=_mesh,
        scratch_types=[
            pltpu.VMEM((CH,), jnp.int32),
            pltpu.VMEM((CH // 4, 128), jnp.float32),
            pltpu.VMEM((CH, D), jnp.float32),
            pltpu.VMEM_SHARED((n_acc, D), jnp.float32),
            pltpu.SemaphoreType.DMA,
        ])()



def _make_sc_gather_plain(n_edges, n_tab):
    rows_w = n_edges // NW
    nch = rows_w // CH

    def body(a_tab, b_tab, src1d, dst1d, outa, outb, src_v, dst_v, abuf, bbuf,
             a_sh, b_sh, sem):
        c = lax.axis_index("c")
        s = lax.axis_index("s")
        w = c * NS + s
        base = w * rows_w
        _stage_table(a_tab, a_sh, n_tab, sem)
        _stage_table(b_tab, b_sh, n_tab, sem)
        _stage_idx(src1d, base, src_v, nch, sem)
        _stage_idx(dst1d, base, dst_v, nch, sem)
        plsc.subcore_barrier()

        def chunk(j, carry):
            r0 = pl.multiple_of(base + j * CH, CH)
            pltpu.async_copy(a_sh.at[src_v.at[j]], abuf, sem).wait()
            pltpu.async_copy(abuf, outa.at[pl.ds(r0, CH)], sem).wait()
            pltpu.async_copy(b_sh.at[dst_v.at[j]], bbuf, sem).wait()
            pltpu.async_copy(bbuf, outb.at[pl.ds(r0, CH)], sem).wait()
            return carry

        lax.fori_loop(0, nch, chunk, 0)

    return functools.partial(
        pl.kernel, body,
        out_type=[jax.ShapeDtypeStruct((n_edges, D), jnp.float32),
                  jax.ShapeDtypeStruct((n_edges, D), jnp.float32)],
        mesh=_mesh,
        scratch_types=[
            pltpu.VMEM((nch, CH), jnp.int32),
            pltpu.VMEM((nch, CH), jnp.int32),
            pltpu.VMEM((CH, D), jnp.float32),
            pltpu.VMEM((CH, D), jnp.float32),
            pltpu.VMEM_SHARED((n_tab, D), jnp.float32),
            pltpu.VMEM_SHARED((n_tab, D), jnp.float32),
            pltpu.SemaphoreType.DMA,
        ])()



def _make_sc_gather1(n_edges, n_tab):
    rows_w = n_edges // NW
    nch = rows_w // CH

    def body(tab, idx1d, out, idx_v, buf, t_sh, sem):
        c = lax.axis_index("c")
        s = lax.axis_index("s")
        w = c * NS + s
        base = w * rows_w
        _stage_table(tab, t_sh, n_tab, sem)
        _stage_idx(idx1d, base, idx_v, nch, sem)
        plsc.subcore_barrier()

        def chunk(j, carry):
            r0 = pl.multiple_of(base + j * CH, CH)
            pltpu.async_copy(t_sh.at[idx_v.at[j]], buf, sem).wait()
            pltpu.async_copy(buf, out.at[pl.ds(r0, CH)], sem).wait()
            return carry

        lax.fori_loop(0, nch, chunk, 0)

    return functools.partial(
        pl.kernel, body,
        out_type=jax.ShapeDtypeStruct((n_edges, D), jnp.float32),
        mesh=_mesh,
        scratch_types=[
            pltpu.VMEM((nch, CH), jnp.int32),
            pltpu.VMEM((CH, D), jnp.float32),
            pltpu.VMEM_SHARED((n_tab, D), jnp.float32),
            pltpu.SemaphoreType.DMA,
        ])()


def _make_sc_scatter_plain(n_edges, n_acc):
    rows_w = n_edges // NW
    nch = rows_w // CH

    def body(vals, idx1d, zeros, out, idx_cur, rows_v, acc_sh, sem):
        c = lax.axis_index("c")
        s = lax.axis_index("s")
        w = c * NS + s
        base = w * rows_w
        zr = n_acc // NS
        z0 = pl.multiple_of(s * zr, zr)
        pltpu.async_copy(zeros.at[pl.ds(z0, zr)], acc_sh.at[pl.ds(z0, zr)],
                         sem).wait()
        plsc.subcore_barrier()

        def chunk(j, carry):
            r0 = pl.multiple_of(base + j * CH, CH)
            pltpu.async_copy(idx1d.at[pl.ds(r0, CH)], idx_cur, sem).wait()
            pltpu.async_copy(vals.at[pl.ds(r0, CH)], rows_v, sem).wait()
            pltpu.async_copy(rows_v, acc_sh.at[idx_cur], sem, add=True).wait()
            return carry

        lax.fori_loop(0, nch, chunk, 0)
        plsc.subcore_barrier()
        pltpu.async_copy(acc_sh.at[pl.ds(z0, zr)], out.at[c, pl.ds(z0, zr)],
                         sem).wait()

    return functools.partial(
        pl.kernel, body,
        out_type=jax.ShapeDtypeStruct((NC, n_acc, D), jnp.float32),
        mesh=_mesh,
        scratch_types=[
            pltpu.VMEM((CH,), jnp.int32),
            pltpu.VMEM((CH, D), jnp.float32),
            pltpu.VMEM_SHARED((n_acc, D), jnp.float32),
            pltpu.SemaphoreType.DMA,
        ])()


def _make_sc_down(n_rows, n_acc):
    rows_w = n_rows // NW
    nch = rows_w // CH

    def body(vals, idx1d, zeros, zcnt, ones, out, cnt_out,
             idx_cur, rows_v, acc_sh, ones_v, cnt_sh, sem):
        c = lax.axis_index("c")
        s = lax.axis_index("s")
        w = c * NS + s
        base = w * rows_w
        zr = n_acc // NS
        z0 = pl.multiple_of(s * zr, zr)
        pltpu.async_copy(zeros.at[pl.ds(z0, zr)], acc_sh.at[pl.ds(z0, zr)],
                         sem).wait()
        pltpu.async_copy(zcnt.at[pl.ds(z0, zr)], cnt_sh.at[pl.ds(z0, zr)],
                         sem).wait()
        pltpu.async_copy(ones, ones_v, sem).wait()
        plsc.subcore_barrier()

        def chunk(j, carry):
            r0 = pl.multiple_of(base + j * CH, CH)
            pltpu.async_copy(idx1d.at[pl.ds(r0, CH)], idx_cur, sem).wait()
            pltpu.async_copy(vals.at[pl.ds(r0, CH)], rows_v, sem).wait()
            pltpu.async_copy(rows_v, acc_sh.at[idx_cur], sem, add=True).wait()
            pltpu.async_copy(ones_v, cnt_sh.at[idx_cur], sem, add=True).wait()
            return carry

        lax.fori_loop(0, nch, chunk, 0)
        plsc.subcore_barrier()
        pltpu.async_copy(acc_sh.at[pl.ds(z0, zr)], out.at[c, pl.ds(z0, zr)],
                         sem).wait()
        pltpu.async_copy(cnt_sh.at[pl.ds(z0, zr)], cnt_out.at[c, pl.ds(z0, zr)],
                         sem).wait()

    return functools.partial(
        pl.kernel, body,
        out_type=[jax.ShapeDtypeStruct((NC, n_acc, D), jnp.float32),
                  jax.ShapeDtypeStruct((NC, n_acc, 16), jnp.float32)],
        mesh=_mesh,
        scratch_types=[
            pltpu.VMEM((CH,), jnp.int32),
            pltpu.VMEM((CH, D), jnp.float32),
            pltpu.VMEM_SHARED((n_acc, D), jnp.float32),
            pltpu.VMEM((CH, 16), jnp.float32),
            pltpu.VMEM_SHARED((n_acc, 16), jnp.float32),
            pltpu.SemaphoreType.DMA,
        ])()


def _make_sc_row_gather(n_out, n_tab):
    rows_w = n_out // NW
    nch = rows_w // CH

    def body(tab0, tab1, idx1d, out0, out1, idx_v, buf0, buf1, t0_sh, t1_sh,
             sem):
        c = lax.axis_index("c")
        s = lax.axis_index("s")
        w = c * NS + s
        base = w * rows_w
        _stage_table(tab0, t0_sh, n_tab, sem)
        _stage_table(tab1, t1_sh, n_tab, sem)
        _stage_idx(idx1d, base, idx_v, nch, sem)
        plsc.subcore_barrier()

        def chunk(j, carry):
            r0 = pl.multiple_of(base + j * CH, CH)
            pltpu.async_copy(t0_sh.at[idx_v.at[j]], buf0, sem).wait()
            pltpu.async_copy(buf0, out0.at[pl.ds(r0, CH)], sem).wait()
            pltpu.async_copy(t1_sh.at[idx_v.at[j]], buf1, sem).wait()
            pltpu.async_copy(buf1, out1.at[pl.ds(r0, CH)], sem).wait()
            return carry

        lax.fori_loop(0, nch, chunk, 0)

    return functools.partial(
        pl.kernel, body,
        out_type=[jax.ShapeDtypeStruct((n_out, D), jnp.float32),
                  jax.ShapeDtypeStruct((n_out, D), jnp.float32)],
        mesh=_mesh,
        scratch_types=[
            pltpu.VMEM((nch, CH), jnp.int32),
            pltpu.VMEM((CH, D), jnp.float32),
            pltpu.VMEM((CH, D), jnp.float32),
            pltpu.VMEM_SHARED((n_tab, D), jnp.float32),
            pltpu.VMEM_SHARED((n_tab, D), jnp.float32),
            pltpu.SemaphoreType.DMA,
        ])()


_sc_down = _make_sc_down(N1P, N2P)
_sc_scat_fine_plain = _make_sc_scatter_plain(E1P, N1A)
_sc_scat_coarse_plain = _make_sc_scatter_plain(E2P, N2P)
_sc_gath_fine1 = _make_sc_gather1(E1P, N1A)
_sc_gath_coarse1 = _make_sc_gather1(E2P, N2P)
_sc_scat_fine = _make_sc_scatter_packed(E1P, N1A)
_sc_scat_coarse = _make_sc_scatter_packed(E2P, N2P)
_sc_gath_fine = _make_sc_gather(E1P, N1P)
_sc_gath_coarse = _make_sc_gather(E2P, N2P)
_sc_upsample = _make_sc_row_gather(N1P, N2P)



def _row_spec(bs, d):
    return pl.BlockSpec((bs, d), lambda i: (i, 0))


def _full_spec(shape):
    return pl.BlockSpec(shape, lambda i: tuple(0 for _ in shape))


def _tc_call(body, grid, in_specs, out_specs, out_shape):
    return pl.pallas_call(body, grid=(grid,), in_specs=in_specs,
                          out_specs=out_specs, out_shape=out_shape)


def _tc_msg(s3, ef128, K8, be0t, W1bd, be1t, Wpebd, bp0t, Wp1bd, bp1t):
    nrow = s3.shape[0]
    bs = 64

    def body(s_r, ef_r, K8_r, be0_r, W1_r, be1_r, Wpe_r, bp0_r, Wp1_r,
             bp1_r, out_r):
        X = ef_r[...]
        for g in range(8):
            Hg = _relu(jnp.dot(X, K8_r[g], preferred_element_type=jnp.float32)
                       + be0_r[...])
            Eg = _relu(jnp.dot(Hg, W1_r[...], preferred_element_type=jnp.float32)
                       + be1_r[...])
            Etg = jnp.dot(Eg, Wpe_r[...],
                          preferred_element_type=jnp.float32) + bp0_r[...]
            pre = _relu(s_r[:, g, :] + Etg)
            out_r[:, g, :] = _relu(
                jnp.dot(pre, Wp1_r[...], preferred_element_type=jnp.float32)
                + bp1_r[...])

    return _tc_call(
        body, nrow // bs,
        [pl.BlockSpec((bs, 8, 128), lambda i: (i, 0, 0)), _row_spec(bs, 128),
         _full_spec((8, 128, 128)), _full_spec((1, 128)),
         _full_spec((128, 128)), _full_spec((1, 128)),
         _full_spec((128, 128)), _full_spec((1, 128)),
         _full_spec((128, 128)), _full_spec((1, 128))],
        pl.BlockSpec((bs, 8, 128), lambda i: (i, 0, 0)),
        jax.ShapeDtypeStruct((nrow, 8, 128), jnp.float32),
    )(s3, ef128, K8, be0t, W1bd, be1t, Wpebd, bp0t, Wp1bd, bp1t)



def _tc_et(ef128, K8, be0t, W1bd, be1t, Wpebd, bp0t):
    nrow = ef128.shape[0]
    bs = 32

    def body(ef_r, K8_r, be0_r, W1_r, be1_r, Wpe_r, bp0_r, out_r):
        X = ef_r[...]
        ets = []
        for g in range(8):
            Hg = _relu(jnp.dot(X, K8_r[g], preferred_element_type=jnp.float32)
                       + be0_r[...])
            Eg = _relu(jnp.dot(Hg, W1_r[...], preferred_element_type=jnp.float32)
                       + be1_r[...])
            ets.append(jnp.dot(Eg, Wpe_r[...],
                               preferred_element_type=jnp.float32) + bp0_r[...])
        st = jnp.stack(ets, axis=1)
        out_r[...] = st.reshape(bs * 32, D)

    return _tc_call(
        body, nrow // bs,
        [_row_spec(bs, 128), _full_spec((8, 128, 128)), _full_spec((1, 128)),
         _full_spec((128, 128)), _full_spec((1, 128)), _full_spec((128, 128)),
         _full_spec((1, 128))],
        _row_spec(bs * 32, D),
        jax.ShapeDtypeStruct((nrow * 32, D), jnp.float32),
    )(ef128, K8, be0t, W1bd, be1t, Wpebd, bp0t)



def _tc_et_t(efT, We0T, be0c, We1T, be1c, WpeT, bp0c):
    n = efT.shape[1]
    bs = 2048

    def body(ef_r, W0_r, b0_r, W1_r, b1_r, Wp_r, bp_r, out_r):
        X = ef_r[...]
        H = _relu(jnp.dot(W0_r[...], X, preferred_element_type=jnp.float32)
                  + b0_r[...])
        E2 = _relu(jnp.dot(W1_r[...], H, preferred_element_type=jnp.float32)
                   + b1_r[...])
        out_r[...] = jnp.dot(Wp_r[...], E2,
                             preferred_element_type=jnp.float32) + bp_r[...]

    return _tc_call(
        body, n // bs,
        [pl.BlockSpec((DE, bs), lambda i: (0, i)), _full_spec((D, DE)),
         _full_spec((D, 1)), _full_spec((D, D)), _full_spec((D, 1)),
         _full_spec((D, D)), _full_spec((D, 1))],
        pl.BlockSpec((D, bs), lambda i: (0, i)),
        jax.ShapeDtypeStruct((D, n), jnp.float32),
    )(efT, We0T, be0c, We1T, be1c, WpeT, bp0c)


def _tc_msg_plain(sa, sb, et, Wp1, bp1):
    n = sa.shape[0]
    bs = 2048

    def body(sa_r, sb_r, et_r, Wp1_r, bp1_r, out_r):
        pre = _relu(sa_r[...] + sb_r[...] + et_r[...].T)
        out_r[...] = _relu(jnp.dot(pre, Wp1_r[...],
                                   preferred_element_type=jnp.float32)
                           + bp1_r[...])

    return _tc_call(
        body, n // bs,
        [_row_spec(bs, D)] * 2 + [pl.BlockSpec((D, bs), lambda i: (0, i)),
                                  _full_spec((D, D)), _full_spec((1, D))],
        _row_spec(bs, D), jax.ShapeDtypeStruct((n, D), jnp.float32),
    )(sa, sb, et, Wp1, bp1)


def _tc_fine_prep(sf, dyn, Ws0, bs0, Ws1, bs1, Wd0, bd0, Wd1, bd1, Wua, Wuc, bu0):
    bs = 2048

    def body(sf_r, dyn_r, Ws0_r, bs0_r, Ws1_r, bs1_r, Wd0_r, bd0_r, Wd1_r,
             bd1_r, Wua_r, Wuc_r, bu0_r, hs_r, hd_r, p_r):
        hs = _mlp2_tc(sf_r[...], Ws0_r[...], bs0_r[...], Ws1_r[...], bs1_r[...])
        hd = _mlp2_tc(dyn_r[...], Wd0_r[...], bd0_r[...], Wd1_r[...], bd1_r[...])
        hs_r[...] = hs
        hd_r[...] = hd
        p_r[...] = (jnp.dot(hs, Wua_r[...], preferred_element_type=jnp.float32)
                    + jnp.dot(hd, Wuc_r[...], preferred_element_type=jnp.float32)
                    + bu0_r[...])

    return _tc_call(
        body, N1P // bs,
        [_row_spec(bs, DS), _row_spec(bs, T * F), _full_spec((DS, D)),
         _full_spec((1, D)), _full_spec((D, D)), _full_spec((1, D)),
         _full_spec((T * F, D)), _full_spec((1, D)), _full_spec((D, D)),
         _full_spec((1, D)), _full_spec((D, D)), _full_spec((D, D)),
         _full_spec((1, D))],
        [_row_spec(bs, D)] * 3,
        [jax.ShapeDtypeStruct((N1P, D), jnp.float32)] * 3,
    )(sf, dyn, Ws0, bs0, Ws1, bs1, Wd0, bd0, Wd1, bd1, Wua, Wuc, bu0)


def _tc_coarse_prep(sf2, dsum, dcnt, Ws0, bs0, Ws1, bs1, Wpa, Wpb, Wpc, Wpd):
    def body(sf_r, dsum_r, dcnt_r, Ws0_r, bs0_r, Ws1_r, bs1_r, Wpa_r, Wpb_r,
             Wpc_r, Wpd_r, hs_r, hd_r, a_r, b_r):
        hs = _mlp2_tc(sf_r[...], Ws0_r[...], bs0_r[...], Ws1_r[...], bs1_r[...])
        sums = dsum_r[0] + dsum_r[1]
        cnt = dcnt_r[0, :, 0:1] + dcnt_r[1, :, 0:1]
        hd = sums / jnp.maximum(cnt, 1.0)
        hs_r[...] = hs
        hd_r[...] = hd
        a_r[...] = (jnp.dot(hs, Wpa_r[...], preferred_element_type=jnp.float32)
                    + jnp.dot(hd, Wpc_r[...], preferred_element_type=jnp.float32))
        b_r[...] = (jnp.dot(hs, Wpb_r[...], preferred_element_type=jnp.float32)
                    + jnp.dot(hd, Wpd_r[...], preferred_element_type=jnp.float32))

    return _tc_call(
        body, 1,
        [_row_spec(N2P, DS), _full_spec((NC, N2P, D)), _full_spec((NC, N2P, 16)),
         _full_spec((DS, D)), _full_spec((1, D)), _full_spec((D, D)),
         _full_spec((1, D)), _full_spec((D, D)), _full_spec((D, D)),
         _full_spec((D, D)), _full_spec((D, D))],
        [_row_spec(N2P, D)] * 4,
        [jax.ShapeDtypeStruct((N2P, D), jnp.float32)] * 4,
    )(sf2, dsum, dcnt, Ws0, bs0, Ws1, bs1, Wpa, Wpb, Wpc, Wpd)


def _tc_coarse_update(hs2, hd2, agg, Ww, bw, Wub, Wud):
    def body(hs_r, hd_r, agg_r, Ww_r, bw_r, Wub_r, Wud_r, q_r, hdp_r):
        a = agg_r[0] + agg_r[1]
        hdp = hd_r[...] + jnp.dot(a, Ww_r[...],
                                  preferred_element_type=jnp.float32) + bw_r[...]
        hdp_r[...] = hdp
        q_r[...] = (jnp.dot(hs_r[...], Wub_r[...], preferred_element_type=jnp.float32)
                    + jnp.dot(hdp, Wud_r[...], preferred_element_type=jnp.float32))

    return _tc_call(
        body, 1,
        [_row_spec(N2P, D), _row_spec(N2P, D), _full_spec((NC, N2P, D)),
         _full_spec((D, D)), _full_spec((1, D)), _full_spec((D, D)),
         _full_spec((D, D))],
        [_row_spec(N2P, D)] * 2,
        [jax.ShapeDtypeStruct((N2P, D), jnp.float32)] * 2,
    )(hs2, hd2, agg, Ww, bw, Wub, Wud)


def _tc_fine_update(hs1, hd1, P, qg, hdk, Wu1, bu1, Wpa, Wpb, Wpc, Wpd):
    bs = 2048

    def body(hs_r, hd_r, p_r, qg_r, hdk_r, Wu1_r, bu1_r, Wpa_r, Wpb_r, Wpc_r,
             Wpd_r, hdp_r, a_r, b_r):
        u1 = _relu(p_r[...] + qg_r[...])
        psi = _relu(jnp.dot(u1, Wu1_r[...],
                            preferred_element_type=jnp.float32) + bu1_r[...])
        hdp = hd_r[...] + psi * hdk_r[...]
        hdp_r[...] = hdp
        hs = hs_r[...]
        a_r[...] = (jnp.dot(hs, Wpa_r[...], preferred_element_type=jnp.float32)
                    + jnp.dot(hdp, Wpc_r[...], preferred_element_type=jnp.float32))
        b_r[...] = (jnp.dot(hs, Wpb_r[...], preferred_element_type=jnp.float32)
                    + jnp.dot(hdp, Wpd_r[...], preferred_element_type=jnp.float32))

    return _tc_call(
        body, N1P // bs,
        [_row_spec(bs, D)] * 5 + [_full_spec((D, D)), _full_spec((1, D)),
                                  _full_spec((D, D)), _full_spec((D, D)),
                                  _full_spec((D, D)), _full_spec((D, D))],
        [_row_spec(bs, D)] * 3,
        [jax.ShapeDtypeStruct((N1P, D), jnp.float32)] * 3,
    )(hs1, hd1, P, qg, hdk, Wu1, bu1, Wpa, Wpb, Wpc, Wpd)


def _tc_final(hd1, agg, Ur, Ww, bw, Wphi0, bphi0, Wphi1, bphi1, Wkron):
    bs = 1000

    def body(hd_r, agg_r, ur_r, Ww_r, bw_r, W0_r, b0_r, W1_r, b1_r, Wk_r, out_r):
        a = agg_r[0] + agg_r[1]
        hd = hd_r[...] + jnp.dot(a, Ww_r[...],
                                 preferred_element_type=jnp.float32) + bw_r[...]
        phi = _mlp2_tc(hd, W0_r[...], b0_r[...], W1_r[...], b1_r[...])
        wu = jnp.dot(ur_r[...], Wk_r[...], preferred_element_type=jnp.float32)
        out_r[...] = _relu(wu + phi)

    return _tc_call(
        body, N1 // bs,
        [_row_spec(bs, D), pl.BlockSpec((NC, bs, D), lambda i: (0, i, 0)),
         _row_spec(bs, T * F), _full_spec((D, D)), _full_spec((1, D)),
         _full_spec((D, D)), _full_spec((1, D)), _full_spec((D, F)),
         _full_spec((1, F)), _full_spec((T * F, F))],
        _row_spec(bs, F), jax.ShapeDtypeStruct((N1, F), jnp.float32),
    )(hd1, agg, Ur, Ww, bw, Wphi0, bphi0, Wphi1, bphi1, Wkron)



def _fb_down(hd1, pmap, z2, zc, ones):
    dsum = jax.ops.segment_sum(hd1, pmap, num_segments=N2P)
    dcnt = jax.ops.segment_sum(jnp.ones((N1P, 16), jnp.float32), pmap,
                               num_segments=N2P)
    zz = jnp.zeros_like(dsum)
    return jnp.stack([dsum, zz]), jnp.stack([dcnt, jnp.zeros_like(dcnt)])


def _fb_gather(A, B, src, dst):
    s = A[src] + B[dst]
    return s.reshape(-1, 128)


def _fb_scatter(msg4, dst, zeros):
    msg = msg4.reshape(-1, D)
    agg = jax.ops.segment_sum(msg, dst, num_segments=zeros.shape[0])
    return jnp.stack([agg, jnp.zeros_like(agg)])


def _fb_upsample(Q, HD, cidx):
    return Q[cidx], HD[cidx]



def kernel(static_node_features_fine, static_node_features_coarse,
           U_history_fine, edge_features_fine, edge_features_coarse,
           edge_index_fine, edge_index_coarse, prolongation_map_fine_to_coarse,
           params):
    p = params
    f32 = jnp.float32

    def r2(b):
        return b.reshape(1, -1)

    Wpa, Wpb, Wpc, Wpd, Wpe = (p['Wp0'][i * D:(i + 1) * D] for i in range(5))
    Wua, Wub, Wuc, Wud = (p['Wu0'][i * D:(i + 1) * D] for i in range(4))
    Wkron = jnp.kron(p['wp'], jnp.eye(F, dtype=f32))

    eye32 = jnp.eye(32, dtype=f32)
    K8 = jnp.stack([jnp.kron(eye32[:, 4 * g:4 * g + 4], p['We0'])
                    for g in range(8)])
    eye4 = jnp.eye(4, dtype=f32)

    def bd4(W):
        return jnp.kron(eye4, W)

    def t4(b):
        return jnp.tile(b, 4).reshape(1, 128)

    We0T = p['We0'].T; We1T = p['We1'].T; WpeT = Wpe.T
    be0c = p['be0'].reshape(-1, 1); be1c = p['be1'].reshape(-1, 1)
    bp0c = p['bp0'].reshape(-1, 1)

    sf1 = jnp.pad(static_node_features_fine, ((0, N1P - N1), (0, 0)))
    dyn = jnp.pad(U_history_fine.reshape(N1, T * F), ((0, N1P - N1), (0, 0)))
    sf2 = jnp.pad(static_node_features_coarse, ((0, N2P - N2), (0, 0)))
    ef1T = jnp.pad(edge_features_fine, ((0, E1P - E1), (0, 0))).T
    ef2T = jnp.pad(edge_features_coarse, ((0, E2P - E2), (0, 0))).T
    src1 = jnp.pad(edge_index_fine[0], (0, E1P - E1))
    dst1 = jnp.pad(edge_index_fine[1], (0, E1P - E1), constant_values=N1)
    src2 = jnp.pad(edge_index_coarse[0], (0, E2P - E2))
    dst2 = jnp.pad(edge_index_coarse[1], (0, E2P - E2), constant_values=N2)
    pmap = jnp.pad(prolongation_map_fine_to_coarse, (0, N1P - N1),
                   constant_values=N2)
    cidx = jnp.pad(prolongation_map_fine_to_coarse, (0, N1P - N1))
    Ur = U_history_fine.reshape(N1, T * F)

    z1 = jnp.zeros((N1A, D), f32)
    z2 = jnp.zeros((N2P, D), f32)
    zc = jnp.zeros((N2P, 16), f32)
    zc1 = jnp.zeros((N1A, 16), f32)
    ones = jnp.ones((CH, 16), f32)

    hs1, hd1, P = _tc_fine_prep(sf1, dyn, p['Ws0'], r2(p['bs0']), p['Ws1'],
                                r2(p['bs1']), p['Wd0'], r2(p['bd0']), p['Wd1'],
                                r2(p['bd1']), Wua, Wuc, r2(p['bu0']))

    dsum, dcnt = _sc_down(hd1, pmap, z2, zc, ones)
    hs2, hd2, A2, B2 = _tc_coarse_prep(sf2, dsum, dcnt, p['Ws0'], r2(p['bs0']),
                                       p['Ws1'], r2(p['bs1']), Wpa, Wpb, Wpc, Wpd)

    sa2 = jnp.take(A2, src2, axis=0)
    sb2 = jnp.take(B2, dst2, axis=0)
    et2T = _tc_et_t(ef2T, We0T, be0c, We1T, be1c, WpeT, bp0c)
    msg2 = _tc_msg_plain(sa2, sb2, et2T, p['Wp1'], r2(p['bp1']))
    agg2 = _fb_scatter(msg2.reshape(-1, 4 * D), dst2, z2)
    Q, hd2p = _tc_coarse_update(hs2, hd2, agg2, p['Ww'], r2(p['bw']), Wub, Wud)

    qg, hdk = _sc_upsample(Q, hd2p, cidx)
    hd1p, A1, B1 = _tc_fine_update(hs1, hd1, P, qg, hdk, p['Wu1'], r2(p['bu1']),
                                   Wpa, Wpb, Wpc, Wpd)

    sa1 = jnp.take(A1, src1, axis=0)
    sb1 = jnp.take(B1, dst1, axis=0)
    et1T = _tc_et_t(ef1T, We0T, be0c, We1T, be1c, WpeT, bp0c)
    msg1 = _tc_msg_plain(sa1, sb1, et1T, p['Wp1'], r2(p['bp1']))
    agg1 = _fb_scatter(msg1.reshape(-1, 4 * D), dst1, z1)
    out = _tc_final(hd1p, agg1, Ur, p['Ww'], r2(p['bw']), p['Wphi0'],
                    r2(p['bphi0']), p['Wphi1'], r2(p['bphi1']), Wkron)
    return out

# --- scband reference (transcript-rebuilt; emitter-appended) ---
"""Pipeline reference for scband-m-swegnnmodel-21114059227747 (READ-ONLY COPY).

The authoritative reference and input builder live on the scoring server;
editing this copy changes nothing except your own understanding.
"""

import jax, jax.numpy as jnp
import numpy as np

N1 = 10000; N2 = 2500; E1 = 320000; E2 = 80000
D = 32; T = 4; F = 3; DS = 128; DE = 4

def _mlp2(x, W0, b0, W1, b1):
    h = jax.nn.relu(jnp.dot(x, W0) + b0)
    return jax.nn.relu(jnp.dot(h, W1) + b1)

def setup_inputs(seed: int = 0):
    key = jax.random.key(seed)
    ks = jax.random.split(key, 40)
    def p(i, shape):
        return jax.random.normal(ks[i], shape, dtype=jnp.float32) * 0.1
    params = {
        'Ws0': p(10, (DS, D)), 'bs0': jnp.zeros((D,), jnp.float32),
        'Ws1': p(11, (D, D)), 'bs1': jnp.zeros((D,), jnp.float32),
        'Wd0': p(12, (T * F, D)), 'bd0': jnp.zeros((D,), jnp.float32),
        'Wd1': p(13, (D, D)), 'bd1': jnp.zeros((D,), jnp.float32),
        'We0': p(14, (DE, D)), 'be0': jnp.zeros((D,), jnp.float32),
        'We1': p(15, (D, D)), 'be1': jnp.zeros((D,), jnp.float32),
        'Wp0': p(16, (5 * D, D)), 'bp0': jnp.zeros((D,), jnp.float32),
        'Wp1': p(17, (D, D)), 'bp1': jnp.zeros((D,), jnp.float32),
        'Ww': p(18, (D, D)), 'bw': jnp.zeros((D,), jnp.float32),
        'Wu0': p(19, (4 * D, D)), 'bu0': jnp.zeros((D,), jnp.float32),
        'Wu1': p(20, (D, D)), 'bu1': jnp.zeros((D,), jnp.float32),
        'wp': p(21, (T, 1)),
        'Wphi0': p(22, (D, D)), 'bphi0': jnp.zeros((D,), jnp.float32),
        'Wphi1': p(23, (D, F)), 'bphi1': jnp.zeros((F,), jnp.float32),
    }
    return {
        'static_node_features_fine': jax.random.normal(ks[0], (N1, DS), dtype=jnp.float32),
        'static_node_features_coarse': jax.random.normal(ks[1], (N2, DS), dtype=jnp.float32),
        'U_history_fine': jax.random.normal(ks[2], (N1, T, F), dtype=jnp.float32),
        'edge_features_fine': jax.random.normal(ks[3], (E1, DE), dtype=jnp.float32),
        'edge_features_coarse': jax.random.normal(ks[4], (E2, DE), dtype=jnp.float32),
        'edge_index_fine': jax.random.randint(ks[5], (2, E1), 0, N1, dtype=jnp.int32),
        'edge_index_coarse': jax.random.randint(ks[6], (2, E2), 0, N2, dtype=jnp.int32),
        'prolongation_map_fine_to_coarse': jax.random.randint(ks[7], (N1,), 0, N2, dtype=jnp.int32),
        'params': params,
    }

def _gnn_layer(h_s, h_d, e_emb, edge_index, n_nodes, p):
    src = edge_index[0]; dst = edge_index[1]
    msg_in = jnp.concatenate([h_s[src], h_s[dst], h_d[src], h_d[dst], e_emb], axis=-1)
    msg = _mlp2(msg_in, p['Wp0'], p['bp0'], p['Wp1'], p['bp1'])
    agg = jax.ops.segment_sum(msg, dst, num_segments=n_nodes)
    return h_d + jnp.dot(agg, p['Ww']) + p['bw']

def reference(static_node_features_fine, static_node_features_coarse, U_history_fine, edge_features_fine, edge_features_coarse, edge_index_fine, edge_index_coarse, prolongation_map_fine_to_coarse, params):
    p = params
    # StaticNodeEncoder (phi_s), shared across scales
    h_s1 = _mlp2(static_node_features_fine, p['Ws0'], p['bs0'], p['Ws1'], p['bs1'])
    h_s2 = _mlp2(static_node_features_coarse, p['Ws0'], p['bs0'], p['Ws1'], p['bs1'])
    # EdgeEncoder (phi_epsilon), shared across edges
    e1 = _mlp2(edge_features_fine, p['We0'], p['be0'], p['We1'], p['be1'])
    e2 = _mlp2(edge_features_coarse, p['We0'], p['be0'], p['We1'], p['be1'])
    # DynamicNodeEncoder (phi_d) on flattened history at finest scale
    dyn_flat = U_history_fine.reshape(N1, T * F)
    h_d1 = _mlp2(dyn_flat, p['Wd0'], p['bd0'], p['Wd1'], p['bd1'])
    # MeanPoolDownsample (Eq. 5): segment mean fine -> coarse
    sums = jax.ops.segment_sum(h_d1, prolongation_map_fine_to_coarse, num_segments=N2)
    cnts = jax.ops.segment_sum(jnp.ones((N1, 1), jnp.float32), prolongation_map_fine_to_coarse, num_segments=N2)
    h_d2 = sums / jnp.maximum(cnts, 1.0)
    # coarse-scale mSWEGNNLayer (Eq. 3, 4)
    h_d2 = _gnn_layer(h_s2, h_d2, e2, edge_index_coarse, N2, p)
    # LearnableUpsample (Eq. 6): inter-scale edges = (fine node i, its coarse parent k)
    fine_idx = jnp.arange(N1)
    coarse_idx = prolongation_map_fine_to_coarse
    h_dk = h_d2[coarse_idx]
    up_in = jnp.concatenate([h_s1[fine_idx], h_s2[coarse_idx], h_d1[fine_idx], h_dk], axis=-1)
    psi_up = _mlp2(up_in, p['Wu0'], p['bu0'], p['Wu1'], p['bu1'])
    contributions = psi_up * h_dk
    h_up = jax.ops.segment_sum(contributions, fine_idx, num_segments=N1)
    h_d1 = h_d1 + h_up
    # fine-scale mSWEGNNLayer
    h_d1 = _gnn_layer(h_s1, h_d1, e1, edge_index_fine, N1, p)
    # OutputDecoder (Eq. 8)
    permuted = jnp.transpose(U_history_fine, (0, 2, 1))
    weighted_U = jnp.squeeze(jnp.dot(permuted, p['wp']), axis=-1)
    phi = _mlp2(h_d1, p['Wphi0'], p['bphi0'], p['Wphi1'], p['bphi1'])
    return jax.nn.relu(weighted_U + phi)

if __name__ == "__main__":
    import jax
    _d = setup_inputs()
    print(jax.jit(kernel)(*tuple(_d.values())))

</pallas_src>

<mosaic_0001>
#map = affine_map<(d0, d1) -> (0, 0)>
#map1 = affine_map<(d0, d1) -> (0)>
#map2 = affine_map<(d0, d1) -> (0, 0, 0)>
module attributes {stable_mosaic.version = 14 : i64} {
  func.func @body(%arg0: i32, %arg1: i32, %arg2: memref<12288x32xf32, #tpu.memory_space<hbm>>, %arg3: memref<12288xi32, #tpu.memory_space<hbm>>, %arg4: memref<2560x32xf32, #tpu.memory_space<hbm>>, %arg5: memref<2560x16xf32, #tpu.memory_space<hbm>>, %arg6: memref<128x16xf32, #tpu.memory_space<hbm>>, %arg7: memref<2x2560x32xf32, #tpu.memory_space<hbm>>, %arg8: memref<2x2560x16xf32, #tpu.memory_space<hbm>>, %arg9: memref<128xi32, #tpu.memory_space<vmem>>, %arg10: memref<128x32xf32, #tpu.memory_space<vmem>>, %arg11: memref<2560x32xf32, #tpu.memory_space<vmem_shared>>, %arg12: memref<128x16xf32, #tpu.memory_space<vmem>>, %arg13: memref<2560x16xf32, #tpu.memory_space<vmem_shared>>, %arg14: memref<!tpu.dma_semaphore, #tpu.memory_space<semaphore_mem>>) attributes {dimension_semantics = [#tpu.dimension_semantics<core_parallel>, #tpu.dimension_semantics<subcore_parallel>], iteration_bounds = array<i64: 2, 16>, scalar_prefetch = 0 : i64, scratch_operands = 6 : i64, tpu.core_type = #tpu.core_type<sc_vector_subcore>, window_params = [{transform_indices = #map}, {transform_indices = #map1}, {transform_indices = #map}, {transform_indices = #map}, {transform_indices = #map}, {transform_indices = #map2}, {transform_indices = #map2}]} {
    %mul3A = arith.constant 16 : i32
    %mul3A_0 = arith.muli %arg0, %mul3A : i32
    %add3A = arith.addi %mul3A_0, %arg1 : i32
    %mul3A_1 = arith.constant 384 : i32
    %mul3A_2 = arith.muli %add3A, %mul3A_1 : i32
    %mul3A_3 = arith.constant 160 : i32
    %mul3A_4 = arith.muli %arg1, %mul3A_3 : i32
    %multiple_of3A = tpu.assume_multiple %mul3A_4, 160 : i32
    %dma_start3A = arith.constant 0 : i32
    %dma_start3A_5 = tpu.memref_slice %arg11[%multiple_of3A, %dma_start3A] : memref<2560x32xf32, #tpu.memory_space<vmem_shared>> -> memref<160x32xf32, #tpu.memory_space<vmem_shared>>
    %dma_start3A_6 = arith.constant 0 : i32
    %dma_start3A_7 = tpu.memref_slice %arg4[%multiple_of3A, %dma_start3A_6] : memref<2560x32xf32, #tpu.memory_space<hbm>> -> memref<160x32xf32, #tpu.memory_space<hbm>>
    tpu.enqueue_dma source(%dma_start3A_7 : memref<160x32xf32, #tpu.memory_space<hbm>>) target(%dma_start3A_5 : memref<160x32xf32, #tpu.memory_space<vmem_shared>>) target_semaphore(%arg14 : memref<!tpu.dma_semaphore, #tpu.memory_space<semaphore_mem>>)
    %dma_wait3A = arith.constant 0 : i32
    %dma_wait3A_8 = tpu.memref_slice %arg11[%multiple_of3A, %dma_wait3A] : memref<2560x32xf32, #tpu.memory_space<vmem_shared>> -> memref<160x32xf32, #tpu.memory_space<vmem_shared>>
    %dma_wait3A_9 = arith.constant 0 : i32
    %dma_wait3A_10 = tpu.memref_slice %arg4[%multiple_of3A, %dma_wait3A_9] : memref<2560x32xf32, #tpu.memory_space<hbm>> -> memref<160x32xf32, #tpu.memory_space<hbm>>
    tpu.wait_dma2 semaphore(%arg14 : memref<!tpu.dma_semaphore, #tpu.memory_space<semaphore_mem>>) src(%dma_wait3A_10 : memref<160x32xf32, #tpu.memory_space<hbm>>) dst(%dma_wait3A_8 : memref<160x32xf32, #tpu.memory_space<vmem_shared>>)
    %dma_start3A_11 = arith.constant 0 : i32
    %dma_start3A_12 = tpu.memref_slice %arg13[%multiple_of3A, %dma_start3A_11] : memref<2560x16xf32, #tpu.memory_space<vmem_shared>> -> memref<160x16xf32, #tpu.memory_space<vmem_shared>>
    %dma_start3A_13 = arith.constant 0 : i32
    %dma_start3A_14 = tpu.memref_slice %arg5[%multiple_of3A, %dma_start3A_13] : memref<2560x16xf32, #tpu.memory_space<hbm>> -> memref<160x16xf32, #tpu.memory_space<hbm>>
    tpu.enqueue_dma source(%dma_start3A_14 : memref<160x16xf32, #tpu.memory_space<hbm>>) target(%dma_start3A_12 : memref<160x16xf32, #tpu.memory_space<vmem_shared>>) target_semaphore(%arg14 : memref<!tpu.dma_semaphore, #tpu.memory_space<semaphore_mem>>)
    %dma_wait3A_15 = arith.constant 0 : i32
    %dma_wait3A_16 = tpu.memref_slice %arg13[%multiple_of3A, %dma_wait3A_15] : memref<2560x16xf32, #tpu.memory_space<vmem_shared>> -> memref<160x16xf32, #tpu.memory_space<vmem_shared>>
    %dma_wait3A_17 = arith.constant 0 : i32
    %dma_wait3A_18 = tpu.memref_slice %arg5[%multiple_of3A, %dma_wait3A_17] : memref<2560x16xf32, #tpu.memory_space<hbm>> -> memref<160x16xf32, #tpu.memory_space<hbm>>
    tpu.wait_dma2 semaphore(%arg14 : memref<!tpu.dma_semaphore, #tpu.memory_space<semaphore_mem>>) src(%dma_wait3A_18 : memref<160x16xf32, #tpu.memory_space<hbm>>) dst(%dma_wait3A_16 : memref<160x16xf32, #tpu.memory_space<vmem_shared>>)
    tpu.enqueue_dma source(%arg6 : memref<128x16xf32, #tpu.memory_space<hbm>>) target(%arg12 : memref<128x16xf32, #tpu.memory_space<vmem>>) target_semaphore(%arg14 : memref<!tpu.dma_semaphore, #tpu.memory_space<semaphore_mem>>)
    tpu.wait_dma2 semaphore(%arg14 : memref<!tpu.dma_semaphore, #tpu.memory_space<semaphore_mem>>) src(%arg6 : memref<128x16xf32, #tpu.memory_space<hbm>>) dst(%arg12 : memref<128x16xf32, #tpu.memory_space<vmem>>)
    %barrier3A = arith.constant 0 : index
    tpu.barrier barrier_id(%barrier3A)
    %scan3A = arith.constant 0 : i32
    %scan3A_19 = arith.constant 0 : i32
    %scan3A_20 = arith.constant 3 : i32
    %scan3A_21 = arith.addi %scan3A_19, %scan3A_20 : i32
    %scan3A_22 = arith.constant 1 : i32
    scf.for %scan3A_45 = %scan3A_19 to %scan3A_21 step %scan3A_22  : i32 {
      %mul3A_46 = arith.constant 128 : i32
      %mul3A_47 = arith.muli %scan3A_45, %mul3A_46 : i32
      %add3A_48 = arith.addi %mul3A_2, %mul3A_47 : i32
      %multiple_of3A_49 = tpu.assume_multiple %add3A_48, 128 : i32
      %dma_start3A_50 = tpu.memref_slice %arg3[%multiple_of3A_49] : memref<12288xi32, #tpu.memory_space<hbm>> -> memref<128xi32, #tpu.memory_space<hbm>>
      %dma_start3A_51 = tpu.memref_slice %arg3[%multiple_of3A_49] : memref<12288xi32, #tpu.memory_space<hbm>> -> memref<128xi32, #tpu.memory_space<hbm>>
      tpu.enqueue_dma source(%dma_start3A_51 : memref<128xi32, #tpu.memory_space<hbm>>) target(%arg9 : memref<128xi32, #tpu.memory_space<vmem>>) target_semaphore(%arg14 : memref<!tpu.dma_semaphore, #tpu.memory_space<semaphore_mem>>)
      %dma_wait3A_52 = tpu.memref_slice %arg3[%multiple_of3A_49] : memref<12288xi32, #tpu.memory_space<hbm>> -> memref<128xi32, #tpu.memory_space<hbm>>
      %dma_wait3A_53 = tpu.memref_slice %arg3[%multiple_of3A_49] : memref<12288xi32, #tpu.memory_space<hbm>> -> memref<128xi32, #tpu.memory_space<hbm>>
      tpu.wait_dma2 semaphore(%arg14 : memref<!tpu.dma_semaphore, #tpu.memory_space<semaphore_mem>>) src(%dma_wait3A_53 : memref<128xi32, #tpu.memory_space<hbm>>) dst(%arg9 : memref<128xi32, #tpu.memory_space<vmem>>)
      %dma_start3A_54 = arith.constant 0 : i32
      %dma_start3A_55 = tpu.memref_slice %arg2[%multiple_of3A_49, %dma_start3A_54] : memref<12288x32xf32, #tpu.memory_space<hbm>> -> memref<128x32xf32, #tpu.memory_space<hbm>>
      %dma_start3A_56 = arith.constant 0 : i32
      %dma_start3A_57 = tpu.memref_slice %arg2[%multiple_of3A_49, %dma_start3A_56] : memref<12288x32xf32, #tpu.memory_space<hbm>> -> memref<128x32xf32, #tpu.memory_space<hbm>>
      tpu.enqueue_dma source(%dma_start3A_57 : memref<128x32xf32, #tpu.memory_space<hbm>>) target(%arg10 : memref<128x32xf32, #tpu.memory_space<vmem>>) target_semaphore(%arg14 : memref<!tpu.dma_semaphore, #tpu.memory_space<semaphore_mem>>)
      %dma_wait3A_58 = arith.constant 0 : i32
      %dma_wait3A_59 = tpu.memref_slice %arg2[%multiple_of3A_49, %dma_wait3A_58] : memref<12288x32xf32, #tpu.memory_space<hbm>> -> memref<128x32xf32, #tpu.memory_space<hbm>>
      %dma_wait3A_60 = arith.constant 0 : i32
      %dma_wait3A_61 = tpu.memref_slice %arg2[%multiple_of3A_49, %dma_wait3A_60] : memref<12288x32xf32, #tpu.memory_space<hbm>> -> memref<128x32xf32, #tpu.memory_space<hbm>>
      tpu.wait_dma2 semaphore(%arg14 : memref<!tpu.dma_semaphore, #tpu.memory_space<semaphore_mem>>) src(%dma_wait3A_61 : memref<128x32xf32, #tpu.memory_space<hbm>>) dst(%arg10 : memref<128x32xf32, #tpu.memory_space<vmem>>)
      %dma_start3A_62 = arith.constant 0 : i32
      %dma_start3A_63 = arith.constant 0 : i32
      %dma_start3A_64 = tpu.memref_slice %arg11[%dma_start3A_62, %dma_start3A_63] : memref<2560x32xf32, #tpu.memory_space<vmem_shared>> -> memref<2560x32xf32, #tpu.memory_space<vmem_shared>>
      tpu.enqueue_indirect_dma source(%arg10 : memref<128x32xf32, #tpu.memory_space<vmem>>) target(%dma_start3A_64 : memref<2560x32xf32, #tpu.memory_space<vmem_shared>>) offsets(%arg9 : memref<128xi32, #tpu.memory_space<vmem>>) semaphore(%arg14 : memref<!tpu.dma_semaphore, #tpu.memory_space<semaphore_mem>>) {add = true}
      %dma_wait3A_65 = arith.constant 0 : i32
      %dma_wait3A_66 = arith.constant 0 : i32
      %dma_wait3A_67 = tpu.memref_slice %arg11[%dma_wait3A_65, %dma_wait3A_66] : memref<2560x32xf32, #tpu.memory_space<vmem_shared>> -> memref<2560x32xf32, #tpu.memory_space<vmem_shared>>
      tpu.wait_indirect_dma semaphore(%arg14 : memref<!tpu.dma_semaphore, #tpu.memory_space<semaphore_mem>>) src(%arg10 : memref<128x32xf32, #tpu.memory_space<vmem>>) dst(%dma_wait3A_67 : memref<2560x32xf32, #tpu.memory_space<vmem_shared>>)
      %dma_start3A_68 = arith.constant 0 : i32
      %dma_start3A_69 = arith.constant 0 : i32
      %dma_start3A_70 = tpu.memref_slice %arg13[%dma_start3A_68, %dma_start3A_69] : memref<2560x16xf32, #tpu.memory_space<vmem_shared>> -> memref<2560x16xf32, #tpu.memory_space<vmem_shared>>
      tpu.enqueue_indirect_dma source(%arg12 : memref<128x16xf32, #tpu.memory_space<vmem>>) target(%dma_start3A_70 : memref<2560x16xf32, #tpu.memory_space<vmem_shared>>) offsets(%arg9 : memref<128xi32, #tpu.memory_space<vmem>>) semaphore(%arg14 : memref<!tpu.dma_semaphore, #tpu.memory_space<semaphore_mem>>) {add = true}
      %dma_wait3A_71 = arith.constant 0 : i32
      %dma_wait3A_72 = arith.constant 0 : i32
      %dma_wait3A_73 = tpu.memref_slice %arg13[%dma_wait3A_71, %dma_wait3A_72] : memref<2560x16xf32, #tpu.memory_space<vmem_shared>> -> memref<2560x16xf32, #tpu.memory_space<vmem_shared>>
      tpu.wait_indirect_dma semaphore(%arg14 : memref<!tpu.dma_semaphore, #tpu.memory_space<semaphore_mem>>) src(%arg12 : memref<128x16xf32, #tpu.memory_space<vmem>>) dst(%dma_wait3A_73 : memref<2560x16xf32, #tpu.memory_space<vmem_shared>>)
    }
    %scan3A_23 = arith.constant 3 : i32
    %barrier3A_24 = arith.constant 0 : index
    tpu.barrier barrier_id(%barrier3A_24)
    %dma_start3A_25 = arith.constant 0 : i32
    %dma_start3A_26 = tpu.memref_slice %arg7[%arg0, %multiple_of3A, %dma_start3A_25] : memref<2x2560x32xf32, #tpu.memory_space<hbm>> -> memref<1x160x32xf32, #tpu.memory_space<hbm>>
    %dma_start3A_27 = tpu.memref_squeeze %dma_start3A_26 : memref<1x160x32xf32, #tpu.memory_space<hbm>> -> memref<160x32xf32, #tpu.memory_space<hbm>>
    %dma_start3A_28 = arith.constant 0 : i32
    %dma_start3A_29 = tpu.memref_slice %arg11[%multiple_of3A, %dma_start3A_28] : memref<2560x32xf32, #tpu.memory_space<vmem_shared>> -> memref<160x32xf32, #tpu.memory_space<vmem_shared>>
    tpu.enqueue_dma source(%dma_start3A_29 : memref<160x32xf32, #tpu.memory_space<vmem_shared>>) target(%dma_start3A_27 : memref<160x32xf32, #tpu.memory_space<hbm>>) target_semaphore(%arg14 : memref<!tpu.dma_semaphore, #tpu.memory_space<semaphore_mem>>)
    %dma_wait3A_30 = arith.constant 0 : i32
    %dma_wait3A_31 = tpu.memref_slice %arg7[%arg0, %multiple_of3A, %dma_wait3A_30] : memref<2x2560x32xf32, #tpu.memory_space<hbm>> -> memref<1x160x32xf32, #tpu.memory_space<hbm>>
    %dma_wait3A_32 = tpu.memref_squeeze %dma_wait3A_31 : memref<1x160x32xf32, #tpu.memory_space<hbm>> -> memref<160x32xf32, #tpu.memory_space<hbm>>
    %dma_wait3A_33 = arith.constant 0 : i32
    %dma_wait3A_34 = tpu.memref_slice %arg11[%multiple_of3A, %dma_wait3A_33] : memref<2560x32xf32, #tpu.memory_space<vmem_shared>> -> memref<160x32xf32, #tpu.memory_space<vmem_shared>>
    tpu.wait_dma2 semaphore(%arg14 : memref<!tpu.dma_semaphore, #tpu.memory_space<semaphore_mem>>) src(%dma_wait3A_34 : memref<160x32xf32, #tpu.memory_space<vmem_shared>>) dst(%dma_wait3A_32 : memref<160x32xf32, #tpu.memory_space<hbm>>)
    %dma_start3A_35 = arith.constant 0 : i32
    %dma_start3A_36 = tpu.memref_slice %arg8[%arg0, %multiple_of3A, %dma_start3A_35] : memref<2x2560x16xf32, #tpu.memory_space<hbm>> -> memref<1x160x16xf32, #tpu.memory_space<hbm>>
    %dma_start3A_37 = tpu.memref_squeeze %dma_start3A_36 : memref<1x160x16xf32, #tpu.memory_space<hbm>> -> memref<160x16xf32, #tpu.memory_space<hbm>>
    %dma_start3A_38 = arith.constant 0 : i32
    %dma_start3A_39 = tpu.memref_slice %arg13[%multiple_of3A, %dma_start3A_38] : memref<2560x16xf32, #tpu.memory_space<vmem_shared>> -> memref<160x16xf32, #tpu.memory_space<vmem_shared>>
    tpu.enqueue_dma source(%dma_start3A_39 : memref<160x16xf32, #tpu.memory_space<vmem_shared>>) target(%dma_start3A_37 : memref<160x16xf32, #tpu.memory_space<hbm>>) target_semaphore(%arg14 : memref<!tpu.dma_semaphore, #tpu.memory_space<semaphore_mem>>)
    %dma_wait3A_40 = arith.constant 0 : i32
    %dma_wait3A_41 = tpu.memref_slice %arg8[%arg0, %multiple_of3A, %dma_wait3A_40] : memref<2x2560x16xf32, #tpu.memory_space<hbm>> -> memref<1x160x16xf32, #tpu.memory_space<hbm>>
    %dma_wait3A_42 = tpu.memref_squeeze %dma_wait3A_41 : memref<1x160x16xf32, #tpu.memory_space<hbm>> -> memref<160x16xf32, #tpu.memory_space<hbm>>
    %dma_wait3A_43 = arith.constant 0 : i32
    %dma_wait3A_44 = tpu.memref_slice %arg13[%multiple_of3A, %dma_wait3A_43] : memref<2560x16xf32, #tpu.memory_space<vmem_shared>> -> memref<160x16xf32, #tpu.memory_space<vmem_shared>>
    tpu.wait_dma2 semaphore(%arg14 : memref<!tpu.dma_semaphore, #tpu.memory_space<semaphore_mem>>) src(%dma_wait3A_44 : memref<160x16xf32, #tpu.memory_space<vmem_shared>>) dst(%dma_wait3A_42 : memref<160x16xf32, #tpu.memory_space<hbm>>)
    return
  }
}

#map = affine_map<(d0, d1) -> (0, 0)>
#map1 = affine_map<(d0, d1) -> (0)>
module attributes {stable_mosaic.version = 14 : i64} {
  func.func @body(%arg0: i32, %arg1: i32, %arg2: memref<2560x32xf32, #tpu.memory_space<hbm>>, %arg3: memref<2560x32xf32, #tpu.memory_space<hbm>>, %arg4: memref<12288xi32, #tpu.memory_space<hbm>>, %arg5: memref<12288x32xf32, #tpu.memory_space<hbm>>, %arg6: memref<12288x32xf32, #tpu.memory_space<hbm>>, %arg7: memref<3x128xi32, #tpu.memory_space<vmem>>, %arg8: memref<128x32xf32, #tpu.memory_space<vmem>>, %arg9: memref<128x32xf32, #tpu.memory_space<vmem>>, %arg10: memref<2560x32xf32, #tpu.memory_space<vmem_shared>>, %arg11: memref<2560x32xf32, #tpu.memory_space<vmem_shared>>, %arg12: memref<!tpu.dma_semaphore, #tpu.memory_space<semaphore_mem>>) attributes {dimension_semantics = [#tpu.dimension_semantics<core_parallel>, #tpu.dimension_semantics<subcore_parallel>], iteration_bounds = array<i64: 2, 16>, scalar_prefetch = 0 : i64, scratch_operands = 6 : i64, tpu.core_type = #tpu.core_type<sc_vector_subcore>, window_params = [{transform_indices = #map}, {transform_indices = #map}, {transform_indices = #map1}, {transform_indices = #map}, {transform_indices = #map}]} {
    %mul3A = arith.constant 16 : i32
    %mul3A_0 = arith.muli %arg0, %mul3A : i32
    %add3A = arith.addi %mul3A_0, %arg1 : i32
    %mul3A_1 = arith.constant 384 : i32
    %mul3A_2 = arith.muli %add3A, %mul3A_1 : i32
    %mul3A_3 = arith.constant 160 : i32
    %mul3A_4 = arith.muli %arg1, %mul3A_3 : i32
    %multiple_of3A = tpu.assume_multiple %mul3A_4, 160 : i32
    %dma_start3A = arith.constant 0 : i32
    %dma_start3A_5 = tpu.memref_slice %arg10[%multiple_of3A, %dma_start3A] : memref<2560x32xf32, #tpu.memory_space<vmem_shared>> -> memref<160x32xf32, #tpu.memory_space<vmem_shared>>
    %dma_start3A_6 = arith.constant 0 : i32
    %dma_start3A_7 = tpu.memref_slice %arg2[%multiple_of3A, %dma_start3A_6] : memref<2560x32xf32, #tpu.memory_space<hbm>> -> memref<160x32xf32, #tpu.memory_space<hbm>>
    tpu.enqueue_dma source(%dma_start3A_7 : memref<160x32xf32, #tpu.memory_space<hbm>>) target(%dma_start3A_5 : memref<160x32xf32, #tpu.memory_space<vmem_shared>>) target_semaphore(%arg12 : memref<!tpu.dma_semaphore, #tpu.memory_space<semaphore_mem>>)
    %dma_wait3A = arith.constant 0 : i32
    %dma_wait3A_8 = tpu.memref_slice %arg10[%multiple_of3A, %dma_wait3A] : memref<2560x32xf32, #tpu.memory_space<vmem_shared>> -> memref<160x32xf32, #tpu.memory_space<vmem_shared>>
    %dma_wait3A_9 = arith.constant 0 : i32
    %dma_wait3A_10 = tpu.memref_slice %arg2[%multiple_of3A, %dma_wait3A_9] : memref<2560x32xf32, #tpu.memory_space<hbm>> -> memref<160x32xf32, #tpu.memory_space<hbm>>
    tpu.wait_dma2 semaphore(%arg12 : memref<!tpu.dma_semaphore, #tpu.memory_space<semaphore_mem>>) src(%dma_wait3A_10 : memref<160x32xf32, #tpu.memory_space<hbm>>) dst(%dma_wait3A_8 : memref<160x32xf32, #tpu.memory_space<vmem_shared>>)
    %mul3A_11 = arith.constant 160 : i32
    %mul3A_12 = arith.muli %arg1, %mul3A_11 : i32
    %multiple_of3A_13 = tpu.assume_multiple %mul3A_12, 160 : i32
    %dma_start3A_14 = arith.constant 0 : i32
    %dma_start3A_15 = tpu.memref_slice %arg11[%multiple_of3A_13, %dma_start3A_14] : memref<2560x32xf32, #tpu.memory_space<vmem_shared>> -> memref<160x32xf32, #tpu.memory_space<vmem_shared>>
    %dma_start3A_16 = arith.constant 0 : i32
    %dma_start3A_17 = tpu.memref_slice %arg3[%multiple_of3A_13, %dma_start3A_16] : memref<2560x32xf32, #tpu.memory_space<hbm>> -> memref<160x32xf32, #tpu.memory_space<hbm>>
    tpu.enqueue_dma source(%dma_start3A_17 : memref<160x32xf32, #tpu.memory_space<hbm>>) target(%dma_start3A_15 : memref<160x32xf32, #tpu.memory_space<vmem_shared>>) target_semaphore(%arg12 : memref<!tpu.dma_semaphore, #tpu.memory_space<semaphore_mem>>)
    %dma_wait3A_18 = arith.constant 0 : i32
    %dma_wait3A_19 = tpu.memref_slice %arg11[%multiple_of3A_13, %dma_wait3A_18] : memref<2560x32xf32, #tpu.memory_space<vmem_shared>> -> memref<160x32xf32, #tpu.memory_space<vmem_shared>>
    %dma_wait3A_20 = arith.constant 0 : i32
    %dma_wait3A_21 = tpu.memref_slice %arg3[%multiple_of3A_13, %dma_wait3A_20] : memref<2560x32xf32, #tpu.memory_space<hbm>> -> memref<160x32xf32, #tpu.memory_space<hbm>>
    tpu.wait_dma2 semaphore(%arg12 : memref<!tpu.dma_semaphore, #tpu.memory_space<semaphore_mem>>) src(%dma_wait3A_21 : memref<160x32xf32, #tpu.memory_space<hbm>>) dst(%dma_wait3A_19 : memref<160x32xf32, #tpu.memory_space<vmem_shared>>)
    %scan3A = arith.constant 0 : i32
    %scan3A_22 = arith.constant 0 : i32
    %scan3A_23 = arith.constant 3 : i32
    %scan3A_24 = arith.addi %scan3A_22, %scan3A_23 : i32
    %scan3A_25 = arith.constant 1 : i32
    scf.for %scan3A_33 = %scan3A_22 to %scan3A_24 step %scan3A_25  : i32 {
      %mul3A_34 = arith.constant 128 : i32
      %mul3A_35 = arith.muli %scan3A_33, %mul3A_34 : i32
      %add3A_36 = arith.addi %mul3A_2, %mul3A_35 : i32
      %multiple_of3A_37 = tpu.assume_multiple %add3A_36, 128 : i32
      %dma_start3A_38 = arith.constant 0 : i32
      %dma_start3A_39 = tpu.memref_slice %arg7[%scan3A_33, %dma_start3A_38] : memref<3x128xi32, #tpu.memory_space<vmem>> -> memref<1x128xi32, #tpu.memory_space<vmem>>
      %dma_start3A_40 = tpu.memref_squeeze %dma_start3A_39 : memref<1x128xi32, #tpu.memory_space<vmem>> -> memref<128xi32, #tpu.memory_space<vmem>>
      %dma_start3A_41 = tpu.memref_slice %arg4[%multiple_of3A_37] : memref<12288xi32, #tpu.memory_space<hbm>> -> memref<128xi32, #tpu.memory_space<hbm>>
      %dma_start3A_42 = arith.constant 0 : i32
      %dma_start3A_43 = tpu.memref_slice %arg7[%scan3A_33, %dma_start3A_42] : memref<3x128xi32, #tpu.memory_space<vmem>> -> memref<1x128xi32, #tpu.memory_space<vmem>>
      %dma_start3A_44 = tpu.memref_squeeze %dma_start3A_43 : memref<1x128xi32, #tpu.memory_space<vmem>> -> memref<128xi32, #tpu.memory_space<vmem>>
      %dma_start3A_45 = tpu.memref_slice %arg4[%multiple_of3A_37] : memref<12288xi32, #tpu.memory_space<hbm>> -> memref<128xi32, #tpu.memory_space<hbm>>
      tpu.enqueue_dma source(%dma_start3A_45 : memref<128xi32, #tpu.memory_space<hbm>>) target(%dma_start3A_44 : memref<128xi32, #tpu.memory_space<vmem>>) target_semaphore(%arg12 : memref<!tpu.dma_semaphore, #tpu.memory_space<semaphore_mem>>)
      %dma_wait3A_46 = arith.constant 0 : i32
      %dma_wait3A_47 = tpu.memref_slice %arg7[%scan3A_33, %dma_wait3A_46] : memref<3x128xi32, #tpu.memory_space<vmem>> -> memref<1x128xi32, #tpu.memory_space<vmem>>
      %dma_wait3A_48 = tpu.memref_squeeze %dma_wait3A_47 : memref<1x128xi32, #tpu.memory_space<vmem>> -> memref<128xi32, #tpu.memory_space<vmem>>
      %dma_wait3A_49 = tpu.memref_slice %arg4[%multiple_of3A_37] : memref<12288xi32, #tpu.memory_space<hbm>> -> memref<128xi32, #tpu.memory_space<hbm>>
      %dma_wait3A_50 = arith.constant 0 : i32
      %dma_wait3A_51 = tpu.memref_slice %arg7[%scan3A_33, %dma_wait3A_50] : memref<3x128xi32, #tpu.memory_space<vmem>> -> memref<1x128xi32, #tpu.memory_space<vmem>>
      %dma_wait3A_52 = tpu.memref_squeeze %dma_wait3A_51 : memref<1x128xi32, #tpu.memory_space<vmem>> -> memref<128xi32, #tpu.memory_space<vmem>>
      %dma_wait3A_53 = tpu.memref_slice %arg4[%multiple_of3A_37] : memref<12288xi32, #tpu.memory_space<hbm>> -> memref<128xi32, #tpu.memory_space<hbm>>
      tpu.wait_dma2 semaphore(%arg12 : memref<!tpu.dma_semaphore, #tpu.memory_space<semaphore_mem>>) src(%dma_wait3A_53 : memref<128xi32, #tpu.memory_space<hbm>>) dst(%dma_wait3A_52 : memref<128xi32, #tpu.memory_space<vmem>>)
    }
    %scan3A_26 = arith.constant 3 : i32
    %barrier3A = arith.constant 0 : index
    tpu.barrier barrier_id(%barrier3A)
    %scan3A_27 = arith.constant 0 : i32
    %scan3A_28 = arith.constant 0 : i32
    %scan3A_29 = arith.constant 3 : i32
    %scan3A_30 = arith.addi %scan3A_28, %scan3A_29 : i32
    %scan3A_31 = arith.constant 1 : i32
    scf.for %scan3A_33 = %scan3A_28 to %scan3A_30 step %scan3A_31  : i32 {
      %mul3A_34 = arith.constant 128 : i32
      %mul3A_35 = arith.muli %scan3A_33, %mul3A_34 : i32
      %add3A_36 = arith.addi %mul3A_2, %mul3A_35 : i32
      %multiple_of3A_37 = tpu.assume_multiple %add3A_36, 128 : i32
      %dma_start3A_38 = arith.constant 0 : i32
      %dma_start3A_39 = tpu.memref_slice %arg7[%scan3A_33, %dma_start3A_38] : memref<3x128xi32, #tpu.memory_space<vmem>> -> memref<1x128xi32, #tpu.memory_space<vmem>>
      %dma_start3A_40 = tpu.memref_squeeze %dma_start3A_39 : memref<1x128xi32, #tpu.memory_space<vmem>> -> memref<128xi32, #tpu.memory_space<vmem>>
      %dma_start3A_41 = arith.constant 0 : i32
      %dma_start3A_42 = arith.constant 0 : i32
      %dma_start3A_43 = tpu.memref_slice %arg10[%dma_start3A_41, %dma_start3A_42] : memref<2560x32xf32, #tpu.memory_space<vmem_shared>> -> memref<2560x32xf32, #tpu.memory_space<vmem_shared>>
      tpu.enqueue_indirect_dma source(%dma_start3A_43 : memref<2560x32xf32, #tpu.memory_space<vmem_shared>>) target(%arg8 : memref<128x32xf32, #tpu.memory_space<vmem>>) offsets(%dma_start3A_40 : memref<128xi32, #tpu.memory_space<vmem>>) semaphore(%arg12 : memref<!tpu.dma_semaphore, #tpu.memory_space<semaphore_mem>>)
      %dma_wait3A_44 = arith.constant 0 : i32
      %dma_wait3A_45 = tpu.memref_slice %arg7[%scan3A_33, %dma_wait3A_44] : memref<3x128xi32, #tpu.memory_space<vmem>> -> memref<1x128xi32, #tpu.memory_space<vmem>>
      %dma_wait3A_46 = tpu.memref_squeeze %dma_wait3A_45 : memref<1x128xi32, #tpu.memory_space<vmem>> -> memref<128xi32, #tpu.memory_space<vmem>>
      %dma_wait3A_47 = arith.constant 0 : i32
      %dma_wait3A_48 = arith.constant 0 : i32
      %dma_wait3A_49 = tpu.memref_slice %arg10[%dma_wait3A_47, %dma_wait3A_48] : memref<2560x32xf32, #tpu.memory_space<vmem_shared>> -> memref<2560x32xf32, #tpu.memory_space<vmem_shared>>
      tpu.wait_indirect_dma semaphore(%arg12 : memref<!tpu.dma_semaphore, #tpu.memory_space<semaphore_mem>>) src(%dma_wait3A_49 : memref<2560x32xf32, #tpu.memory_space<vmem_shared>>) dst(%arg8 : memref<128x32xf32, #tpu.memory_space<vmem>>)
      %dma_start3A_50 = arith.constant 0 : i32
      %dma_start3A_51 = tpu.memref_slice %arg5[%multiple_of3A_37, %dma_start3A_50] : memref<12288x32xf32, #tpu.memory_space<hbm>> -> memref<128x32xf32, #tpu.memory_space<hbm>>
      %dma_start3A_52 = arith.constant 0 : i32
      %dma_start3A_53 = tpu.memref_slice %arg5[%multiple_of3A_37, %dma_start3A_52] : memref<12288x32xf32, #tpu.memory_space<hbm>> -> memref<128x32xf32, #tpu.memory_space<hbm>>
      tpu.enqueue_dma source(%arg8 : memref<128x32xf32, #tpu.memory_space<vmem>>) target(%dma_start3A_53 : memref<128x32xf32, #tpu.memory_space<hbm>>) target_semaphore(%arg12 : memref<!tpu.dma_semaphore, #tpu.memory_space<semaphore_mem>>)
      %dma_wait3A_54 = arith.constant 0 : i32
      %dma_wait3A_55 = tpu.memref_slice %arg5[%multiple_of3A_37, %dma_wait3A_54] : memref<12288x32xf32, #tpu.memory_space<hbm>> -> memref<128x32xf32, #tpu.memory_space<hbm>>
      %dma_wait3A_56 = arith.constant 0 : i32
      %dma_wait3A_57 = tpu.memref_slice %arg5[%multiple_of3A_37, %dma_wait3A_56] : memref<12288x32xf32, #tpu.memory_space<hbm>> -> memref<128x32xf32, #tpu.memory_space<hbm>>
      tpu.wait_dma2 semaphore(%arg12 : memref<!tpu.dma_semaphore, #tpu.memory_space<semaphore_mem>>) src(%arg8 : memref<128x32xf32, #tpu.memory_space<vmem>>) dst(%dma_wait3A_57 : memref<128x32xf32, #tpu.memory_space<hbm>>)
      %dma_start3A_58 = arith.constant 0 : i32
      %dma_start3A_59 = tpu.memref_slice %arg7[%scan3A_33, %dma_start3A_58] : memref<3x128xi32, #tpu.memory_space<vmem>> -> memref<1x128xi32, #tpu.memory_space<vmem>>
      %dma_start3A_60 = tpu.memref_squeeze %dma_start3A_59 : memref<1x128xi32, #tpu.memory_space<vmem>> -> memref<128xi32, #tpu.memory_space<vmem>>
      %dma_start3A_61 = arith.constant 0 : i32
      %dma_start3A_62 = arith.constant 0 : i32
      %dma_start3A_63 = tpu.memref_slice %arg11[%dma_start3A_61, %dma_start3A_62] : memref<2560x32xf32, #tpu.memory_space<vmem_shared>> -> memref<2560x32xf32, #tpu.memory_space<vmem_shared>>
      tpu.enqueue_indirect_dma source(%dma_start3A_63 : memref<2560x32xf32, #tpu.memory_space<vmem_shared>>) target(%arg9 : memref<128x32xf32, #tpu.memory_space<vmem>>) offsets(%dma_start3A_60 : memref<128xi32, #tpu.memory_space<vmem>>) semaphore(%arg12 : memref<!tpu.dma_semaphore, #tpu.memory_space<semaphore_mem>>)
      %dma_wait3A_64 = arith.constant 0 : i32
      %dma_wait3A_65 = tpu.memref_slice %arg7[%scan3A_33, %dma_wait3A_64] : memref<3x128xi32, #tpu.memory_space<vmem>> -> memref<1x128xi32, #tpu.memory_space<vmem>>
      %dma_wait3A_66 = tpu.memref_squeeze %dma_wait3A_65 : memref<1x128xi32, #tpu.memory_space<vmem>> -> memref<128xi32, #tpu.memory_space<vmem>>
      %dma_wait3A_67 = arith.constant 0 : i32
      %dma_wait3A_68 = arith.constant 0 : i32
      %dma_wait3A_69 = tpu.memref_slice %arg11[%dma_wait3A_67, %dma_wait3A_68] : memref<2560x32xf32, #tpu.memory_space<vmem_shared>> -> memref<2560x32xf32, #tpu.memory_space<vmem_shared>>
      tpu.wait_indirect_dma semaphore(%arg12 : memref<!tpu.dma_semaphore, #tpu.memory_space<semaphore_mem>>) src(%dma_wait3A_69 : memref<2560x32xf32, #tpu.memory_space<vmem_shared>>) dst(%arg9 : memref<128x32xf32, #tpu.memory_space<vmem>>)
      %dma_start3A_70 = arith.constant 0 : i32
      %dma_start3A_71 = tpu.memref_slice %arg6[%multiple_of3A_37, %dma_start3A_70] : memref<12288x32xf32, #tpu.memory_space<hbm>> -> memref<128x32xf32, #tpu.memory_space<hbm>>
      %dma_start3A_72 = arith.constant 0 : i32
      %dma_start3A_73 = tpu.memref_slice %arg6[%multiple_of3A_37, %dma_start3A_72] : memref<12288x32xf32, #tpu.memory_space<hbm>> -> memref<128x32xf32, #tpu.memory_space<hbm>>
      tpu.enqueue_dma source(%arg9 : memref<128x32xf32, #tpu.memory_space<vmem>>) target(%dma_start3A_73 : memref<128x32xf32, #tpu.memory_space<hbm>>) target_semaphore(%arg12 : memref<!tpu.dma_semaphore, #tpu.memory_space<semaphore_mem>>)
      %dma_wait3A_74 = arith.constant 0 : i32
      %dma_wait3A_75 = tpu.memref_slice %arg6[%multiple_of3A_37, %dma_wait3A_74] : memref<12288x32xf32, #tpu.memory_space<hbm>> -> memref<128x32xf32, #tpu.memory_space<hbm>>
      %dma_wait3A_76 = arith.constant 0 : i32
      %dma_wait3A_77 = tpu.memref_slice %arg6[%multiple_of3A_37, %dma_wait3A_76] : memref<12288x32xf32, #tpu.memory_space<hbm>> -> memref<128x32xf32, #tpu.memory_space<hbm>>
      tpu.wait_dma2 semaphore(%arg12 : memref<!tpu.dma_semaphore, #tpu.memory_space<semaphore_mem>>) src(%arg9 : memref<128x32xf32, #tpu.memory_space<vmem>>) dst(%dma_wait3A_77 : memref<128x32xf32, #tpu.memory_space<hbm>>)
    }
    %scan3A_32 = arith.constant 3 : i32
    return
  }
}

module attributes {stable_mosaic.version = 14 : i64} {
  func.func @body(%arg0: i32, %arg1: memref<2048x128xf32, #tpu.memory_space<vmem>>, %arg2: memref<2048x12xf32, #tpu.memory_space<vmem>>, %arg3: memref<128x32xf32, #tpu.memory_space<vmem>>, %arg4: memref<1x32xf32, #tpu.memory_space<vmem>>, %arg5: memref<32x32xf32, #tpu.memory_space<vmem>>, %arg6: memref<1x32xf32, #tpu.memory_space<vmem>>, %arg7: memref<12x32xf32, #tpu.memory_space<vmem>>, %arg8: memref<1x32xf32, #tpu.memory_space<vmem>>, %arg9: memref<32x32xf32, #tpu.memory_space<vmem>>, %arg10: memref<1x32xf32, #tpu.memory_space<vmem>>, %arg11: memref<32x32xf32, #tpu.memory_space<vmem>>, %arg12: memref<32x32xf32, #tpu.memory_space<vmem>>, %arg13: memref<1x32xf32, #tpu.memory_space<vmem>>, %arg14: memref<2048x32xf32, #tpu.memory_space<vmem>>, %arg15: memref<2048x32xf32, #tpu.memory_space<vmem>>, %arg16: memref<2048x32xf32, #tpu.memory_space<vmem>>) attributes {dimension_semantics = [#tpu.dimension_semantics<arbitrary>], iteration_bounds = array<i64: 6>, scalar_prefetch = 0 : i64, scratch_operands = 0 : i64, tpu.core_type = #tpu.core_type<tc>, window_params = [{transform_indices = @transform_0, window_bounds = array<i64: 2048, 128>}, {transform_indices = @transform_1, window_bounds = array<i64: 2048, 12>}, {pipeline_mode = #tpu.pipeline_mode<synchronous>, transform_indices = @transform_2, window_bounds = array<i64: 128, 32>}, {pipeline_mode = #tpu.pipeline_mode<synchronous>, transform_indices = @transform_3, window_bounds = array<i64: 1, 32>}, {pipeline_mode = #tpu.pipeline_mode<synchronous>, transform_indices = @transform_4, window_bounds = array<i64: 32, 32>}, {pipeline_mode = #tpu.pipeline_mode<synchronous>, transform_indices = @transform_5, window_bounds = array<i64: 1, 32>}, {pipeline_mode = #tpu.pipeline_mode<synchronous>, transform_indices = @transform_6, window_bounds = array<i64: 12, 32>}, {pipeline_mode = #tpu.pipeline_mode<synchronous>, transform_indices = @transform_7, window_bounds = array<i64: 1, 32>}, {pipeline_mode = #tpu.pipeline_mode<synchronous>, transform_indices = @transform_8, window_bounds = array<i64: 32, 32>}, {pipeline_mode = #tpu.pipeline_mode<synchronous>, transform_indices = @transform_9, window_bounds = array<i64: 1, 32>}, {pipeline_mode = #tpu.pipeline_mode<synchronous>, transform_indices = @transform_10, window_bounds = array<i64: 32, 32>}, {pipeline_mode = #tpu.pipeline_mode<synchronous>, transform_indices = @transform_11, window_bounds = array<i64: 32, 32>}, {pipeline_mode = #tpu.pipeline_mode<synchronous>, transform_indices = @transform_12, window_bounds = array<i64: 1, 32>}, {transform_indices = @transform_13, window_bounds = array<i64: 2048, 32>}, {transform_indices = @transform_14, window_bounds = array<i64: 2048, 32>}, {transform_indices = @transform_15, window_bounds = array<i64: 2048, 32>}]} {
    %get3A = arith.constant 0 : index
    %get3A_0 = arith.constant 0 : index
    %get3A_1 = vector.load %arg1[%get3A, %get3A_0] : memref<2048x128xf32, #tpu.memory_space<vmem>>, vector<2048x128xf32>
    %get3A_2 = arith.constant 0 : index
    %get3A_3 = arith.constant 0 : index
    %get3A_4 = vector.load %arg3[%get3A_2, %get3A_3] : memref<128x32xf32, #tpu.memory_space<vmem>>, vector<128x32xf32>
    %get3A_5 = arith.constant 0 : index
    %get3A_6 = arith.constant 0 : index
    %get3A_7 = vector.load %arg4[%get3A_5, %get3A_6] : memref<1x32xf32, #tpu.memory_space<vmem>>, vector<1x32xf32>
    %get3A_8 = arith.constant 0 : index
    %get3A_9 = arith.constant 0 : index
    %get3A_10 = vector.load %arg5[%get3A_8, %get3A_9] : memref<32x32xf32, #tpu.memory_space<vmem>>, vector<32x32xf32>
    %get3A_11 = arith.constant 0 : index
    %get3A_12 = arith.constant 0 : index
    %get3A_13 = vector.load %arg6[%get3A_11, %get3A_12] : memref<1x32xf32, #tpu.memory_space<vmem>>, vector<1x32xf32>
    %dot_general3A = arith.constant dense<0.000000e+00> : vector<2048x32xf32>
    %dot_general3A_14 = tpu.matmul %get3A_1, %get3A_4, %dot_general3A {dimension_numbers = #tpu.dot_dimension_numbers<[1], [0], [0], [1], [0, 0, 1, 1], [], []>, transpose_lhs_hint = false} : vector<2048x128xf32>, vector<128x32xf32>, vector<2048x32xf32> -> vector<2048x32xf32>
    %add3A = vector.broadcast %get3A_7 : vector<1x32xf32> to vector<2048x32xf32>
    %add3A_15 = arith.addf %dot_general3A_14, %add3A : vector<2048x32xf32>
    %max3A = arith.constant 0.000000e+00 : f32
    %max3A_16 = vector.broadcast %max3A : f32 to vector<2048x32xf32>
    %max3A_17 = arith.maximumf %add3A_15, %max3A_16 : vector<2048x32xf32>
    %dot_general3A_18 = arith.constant dense<0.000000e+00> : vector<2048x32xf32>
    %dot_general3A_19 = tpu.matmul %max3A_17, %get3A_10, %dot_general3A_18 {dimension_numbers = #tpu.dot_dimension_numbers<[1], [0], [0], [1], [0, 0, 1, 1], [], []>, transpose_lhs_hint = false} : vector<2048x32xf32>, vector<32x32xf32>, vector<2048x32xf32> -> vector<2048x32xf32>
    %add3A_20 = vector.broadcast %get3A_13 : vector<1x32xf32> to vector<2048x32xf32>
    %add3A_21 = arith.addf %dot_general3A_19, %add3A_20 : vector<2048x32xf32>
    %max3A_22 = arith.constant 0.000000e+00 : f32
    %max3A_23 = vector.broadcast %max3A_22 : f32 to vector<2048x32xf32>
    %max3A_24 = arith.maximumf %add3A_21, %max3A_23 : vector<2048x32xf32>
    %get3A_25 = arith.constant 0 : index
    %get3A_26 = arith.constant 0 : index
    %get3A_27 = vector.load %arg2[%get3A_25, %get3A_26] : memref<2048x12xf32, #tpu.memory_space<vmem>>, vector<2048x12xf32>
    %get3A_28 = arith.constant 0 : index
    %get3A_29 = arith.constant 0 : index
    %get3A_30 = vector.load %arg7[%get3A_28, %get3A_29] : memref<12x32xf32, #tpu.memory_space<vmem>>, vector<12x32xf32>
    %get3A_31 = arith.constant 0 : index
    %get3A_32 = arith.constant 0 : index
    %get3A_33 = vector.load %arg8[%get3A_31, %get3A_32] : memref<1x32xf32, #tpu.memory_space<vmem>>, vector<1x32xf32>
    %get3A_34 = arith.constant 0 : index
    %get3A_35 = arith.constant 0 : index
    %get3A_36 = vector.load %arg9[%get3A_34, %get3A_35] : memref<32x32xf32, #tpu.memory_space<vmem>>, vector<32x32xf32>
    %get3A_37 = arith.constant 0 : index
    %get3A_38 = arith.constant 0 : index
    %get3A_39 = vector.load %arg10[%get3A_37, %get3A_38] : memref<1x32xf32, #tpu.memory_space<vmem>>, vector<1x32xf32>
    %dot_general3A_40 = arith.constant dense<0.000000e+00> : vector<2048x32xf32>
    %dot_general3A_41 = tpu.matmul %get3A_27, %get3A_30, %dot_general3A_40 {dimension_numbers = #tpu.dot_dimension_numbers<[1], [0], [0], [1], [0, 0, 1, 1], [], []>, transpose_lhs_hint = false} : vector<2048x12xf32>, vector<12x32xf32>, vector<2048x32xf32> -> vector<2048x32xf32>
    %add3A_42 = vector.broadcast %get3A_33 : vector<1x32xf32> to vector<2048x32xf32>
    %add3A_43 = arith.addf %dot_general3A_41, %add3A_42 : vector<2048x32xf32>
    %max3A_44 = arith.constant 0.000000e+00 : f32
    %max3A_45 = vector.broadcast %max3A_44 : f32 to vector<2048x32xf32>
    %max3A_46 = arith.maximumf %add3A_43, %max3A_45 : vector<2048x32xf32>
    %dot_general3A_47 = arith.constant dense<0.000000e+00> : vector<2048x32xf32>
    %dot_general3A_48 = tpu.matmul %max3A_46, %get3A_36, %dot_general3A_47 {dimension_numbers = #tpu.dot_dimension_numbers<[1], [0], [0], [1], [0, 0, 1, 1], [], []>, transpose_lhs_hint = false} : vector<2048x32xf32>, vector<32x32xf32>, vector<2048x32xf32> -> vector<2048x32xf32>
    %add3A_49 = vector.broadcast %get3A_39 : vector<1x32xf32> to vector<2048x32xf32>
    %add3A_50 = arith.addf %dot_general3A_48, %add3A_49 : vector<2048x32xf32>
    %max3A_51 = arith.constant 0.000000e+00 : f32
    %max3A_52 = vector.broadcast %max3A_51 : f32 to vector<2048x32xf32>
    %max3A_53 = arith.maximumf %add3A_50, %max3A_52 : vector<2048x32xf32>
    %swap3A = arith.constant 0 : index
    %swap3A_54 = arith.constant 0 : index
    %swap3A_55 = vector.load %arg14[%swap3A, %swap3A_54] : memref<2048x32xf32, #tpu.memory_space<vmem>>, vector<2048x32xf32>
    tpu.vector_store %arg14[%swap3A, %swap3A_54], %max3A_24 {strides = array<i32>} : memref<2048x32xf32, #tpu.memory_space<vmem>>, vector<2048x32xf32>,
    %swap3A_56 = arith.constant 0 : index
    %swap3A_57 = arith.constant 0 : index
    %swap3A_58 = vector.load %arg15[%swap3A_56, %swap3A_57] : memref<2048x32xf32, #tpu.memory_space<vmem>>, vector<2048x32xf32>
    tpu.vector_store %arg15[%swap3A_56, %swap3A_57], %max3A_53 {strides = array<i32>} : memref<2048x32xf32, #tpu.memory_space<vmem>>, vector<2048x32xf32>,
    %get3A_59 = arith.constant 0 : index
    %get3A_60 = arith.constant 0 : index
    %get3A_61 = vector.load %arg11[%get3A_59, %get3A_60] : memref<32x32xf32, #tpu.memory_space<vmem>>, vector<32x32xf32>
    %dot_general3A_62 = arith.constant dense<0.000000e+00> : vector<2048x32xf32>
    %dot_general3A_63 = tpu.matmul %max3A_24, %get3A_61, %dot_general3A_62 {dimension_numbers = #tpu.dot_dimension_numbers<[1], [0], [0], [1], [0, 0, 1, 1], [], []>, transpose_lhs_hint = false} : vector<2048x32xf32>, vector<32x32xf32>, vector<2048x32xf32> -> vector<2048x32xf32>
    %get3A_64 = arith.constant 0 : index
    %get3A_65 = arith.constant 0 : index
    %get3A_66 = vector.load %arg12[%get3A_64, %get3A_65] : memref<32x32xf32, #tpu.memory_space<vmem>>, vector<32x32xf32>
    %dot_general3A_67 = arith.constant dense<0.000000e+00> : vector<2048x32xf32>
    %dot_general3A_68 = tpu.matmul %max3A_53, %get3A_66, %dot_general3A_67 {dimension_numbers = #tpu.dot_dimension_numbers<[1], [0], [0], [1], [0, 0, 1, 1], [], []>, transpose_lhs_hint = false} : vector<2048x32xf32>, vector<32x32xf32>, vector<2048x32xf32> -> vector<2048x32xf32>
    %add3A_69 = arith.addf %dot_general3A_63, %dot_general3A_68 : vector<2048x32xf32>
    %get3A_70 = arith.constant 0 : index
    %get3A_71 = arith.constant 0 : index
    %get3A_72 = vector.load %arg13[%get3A_70, %get3A_71] : memref<1x32xf32, #tpu.memory_space<vmem>>, vector<1x32xf32>
    %add3A_73 = vector.broadcast %get3A_72 : vector<1x32xf32> to vector<2048x32xf32>
    %add3A_74 = arith.addf %add3A_69, %add3A_73 : vector<2048x32xf32>
    %swap3A_75 = arith.constant 0 : index
    %swap3A_76 = arith.constant 0 : index
    %swap3A_77 = vector.load %arg16[%swap3A_75, %swap3A_76] : memref<2048x32xf32, #tpu.memory_space<vmem>>, vector<2048x32xf32>
    tpu.vector_store %arg16[%swap3A_75, %swap3A_76], %add3A_74 {strides = array<i32>} : memref<2048x32xf32, #tpu.memory_space<vmem>>, vector<2048x32xf32>,
    return
  }
  func.func @transform_0(%arg0: i32) -> (i32, i32) {
    %c0_i32 = arith.constant 0 : i32
    %c0_i32_0 = arith.constant 0 : i32
    return %arg0, %c0_i32 : i32, i32
  }
  func.func @transform_1(%arg0: i32) -> (i32, i32) {
    %c0_i32 = arith.constant 0 : i32
    %c0_i32_0 = arith.constant 0 : i32
    return %arg0, %c0_i32 : i32, i32
  }
  func.func @transform_2(%arg0: i32) -> (i32, i32) {
    %c0_i32 = arith.constant 0 : i32
    %c0_i32_0 = arith.constant 0 : i32
    %c0_i32_1 = arith.constant 0 : i32
    return %c0_i32, %c0_i32_0 : i32, i32
  }
  func.func @transform_3(%arg0: i32) -> (i32, i32) {
    %c0_i32 = arith.constant 0 : i32
    %c0_i32_0 = arith.constant 0 : i32
    %c0_i32_1 = arith.constant 0 : i32
    return %c0_i32, %c0_i32_0 : i32, i32
  }
  func.func @transform_4(%arg0: i32) -> (i32, i32) {
    %c0_i32 = arith.constant 0 : i32
    %c0_i32_0 = arith.constant 0 : i32
    %c0_i32_1 = arith.constant 0 : i32
    return %c0_i32, %c0_i32_0 : i32, i32
  }
  func.func @transform_5(%arg0: i32) -> (i32, i32) {
    %c0_i32 = arith.constant 0 : i32
    %c0_i32_0 = arith.constant 0 : i32
    %c0_i32_1 = arith.constant 0 : i32
    return %c0_i32, %c0_i32_0 : i32, i32
  }
  func.func @transform_6(%arg0: i32) -> (i32, i32) {
    %c0_i32 = arith.constant 0 : i32
    %c0_i32_0 = arith.constant 0 : i32
    %c0_i32_1 = arith.constant 0 : i32
    return %c0_i32, %c0_i32_0 : i32, i32
  }
  func.func @transform_7(%arg0: i32) -> (i32, i32) {
    %c0_i32 = arith.constant 0 : i32
    %c0_i32_0 = arith.constant 0 : i32
    %c0_i32_1 = arith.constant 0 : i32
    return %c0_i32, %c0_i32_0 : i32, i32
  }
  func.func @transform_8(%arg0: i32) -> (i32, i32) {
    %c0_i32 = arith.constant 0 : i32
    %c0_i32_0 = arith.constant 0 : i32
    %c0_i32_1 = arith.constant 0 : i32
    return %c0_i32, %c0_i32_0 : i32, i32
  }
  func.func @transform_9(%arg0: i32) -> (i32, i32) {
    %c0_i32 = arith.constant 0 : i32
    %c0_i32_0 = arith.constant 0 : i32
    %c0_i32_1 = arith.constant 0 : i32
    return %c0_i32, %c0_i32_0 : i32, i32
  }
  func.func @transform_10(%arg0: i32) -> (i32, i32) {
    %c0_i32 = arith.constant 0 : i32
    %c0_i32_0 = arith.constant 0 : i32
    %c0_i32_1 = arith.constant 0 : i32
    return %c0_i32, %c0_i32_0 : i32, i32
  }
  func.func @transform_11(%arg0: i32) -> (i32, i32) {
    %c0_i32 = arith.constant 0 : i32
    %c0_i32_0 = arith.constant 0 : i32
    %c0_i32_1 = arith.constant 0 : i32
    return %c0_i32, %c0_i32_0 : i32, i32
  }
  func.func @transform_12(%arg0: i32) -> (i32, i32) {
    %c0_i32 = arith.constant 0 : i32
    %c0_i32_0 = arith.constant 0 : i32
    %c0_i32_1 = arith.constant 0 : i32
    return %c0_i32, %c0_i32_0 : i32, i32
  }
  func.func @transform_13(%arg0: i32) -> (i32, i32) {
    %c0_i32 = arith.constant 0 : i32
    %c0_i32_0 = arith.constant 0 : i32
    return %arg0, %c0_i32 : i32, i32
  }
  func.func @transform_14(%arg0: i32) -> (i32, i32) {
    %c0_i32 = arith.constant 0 : i32
    %c0_i32_0 = arith.constant 0 : i32
    return %arg0, %c0_i32 : i32, i32
  }
  func.func @transform_15(%arg0: i32) -> (i32, i32) {
    %c0_i32 = arith.constant 0 : i32
    %c0_i32_0 = arith.constant 0 : i32
    return %arg0, %c0_i32 : i32, i32
  }
}

module attributes {stable_mosaic.version = 14 : i64} {
  func.func @body(%arg0: i32, %arg1: memref<4x2048xf32, #tpu.memory_space<vmem>>, %arg2: memref<32x4xf32, #tpu.memory_space<vmem>>, %arg3: memref<32x1xf32, #tpu.memory_space<vmem>>, %arg4: memref<32x32xf32, #tpu.memory_space<vmem>>, %arg5: memref<32x1xf32, #tpu.memory_space<vmem>>, %arg6: memref<32x32xf32, #tpu.memory_space<vmem>>, %arg7: memref<32x1xf32, #tpu.memory_space<vmem>>, %arg8: memref<32x2048xf32, #tpu.memory_space<vmem>>) attributes {dimension_semantics = [#tpu.dimension_semantics<arbitrary>], iteration_bounds = array<i64: 40>, scalar_prefetch = 0 : i64, scratch_operands = 0 : i64, tpu.core_type = #tpu.core_type<tc>, window_params = [{transform_indices = @transform_0, window_bounds = array<i64: 4, 2048>}, {pipeline_mode = #tpu.pipeline_mode<synchronous>, transform_indices = @transform_1, window_bounds = array<i64: 32, 4>}, {pipeline_mode = #tpu.pipeline_mode<synchronous>, transform_indices = @transform_2, window_bounds = array<i64: 32, 1>}, {pipeline_mode = #tpu.pipeline_mode<synchronous>, transform_indices = @transform_3, window_bounds = array<i64: 32, 32>}, {pipeline_mode = #tpu.pipeline_mode<synchronous>, transform_indices = @transform_4, window_bounds = array<i64: 32, 1>}, {pipeline_mode = #tpu.pipeline_mode<synchronous>, transform_indices = @transform_5, window_bounds = array<i64: 32, 32>}, {pipeline_mode = #tpu.pipeline_mode<synchronous>, transform_indices = @transform_6, window_bounds = array<i64: 32, 1>}, {transform_indices = @transform_7, window_bounds = array<i64: 32, 2048>}]} {
    %get3A = arith.constant 0 : index
    %get3A_0 = arith.constant 0 : index
    %get3A_1 = vector.load %arg1[%get3A, %get3A_0] : memref<4x2048xf32, #tpu.memory_space<vmem>>, vector<4x2048xf32>
    %get3A_2 = arith.constant 0 : index
    %get3A_3 = arith.constant 0 : index
    %get3A_4 = vector.load %arg2[%get3A_2, %get3A_3] : memref<32x4xf32, #tpu.memory_space<vmem>>, vector<32x4xf32>
    %dot_general3A = arith.constant dense<0.000000e+00> : vector<32x2048xf32>
    %dot_general3A_5 = tpu.matmul %get3A_4, %get3A_1, %dot_general3A {dimension_numbers = #tpu.dot_dimension_numbers<[1], [0], [0], [1], [0, 0, 1, 1], [], []>, transpose_lhs_hint = false} : vector<32x4xf32>, vector<4x2048xf32>, vector<32x2048xf32> -> vector<32x2048xf32>
    %get3A_6 = arith.constant 0 : index
    %get3A_7 = arith.constant 0 : index
    %get3A_8 = vector.load %arg3[%get3A_6, %get3A_7] : memref<32x1xf32, #tpu.memory_space<vmem>>, vector<32x1xf32>
    %add3A = vector.broadcast %get3A_8 : vector<32x1xf32> to vector<32x2048xf32>
    %add3A_9 = arith.addf %dot_general3A_5, %add3A : vector<32x2048xf32>
    %max3A = arith.constant 0.000000e+00 : f32
    %max3A_10 = vector.broadcast %max3A : f32 to vector<32x2048xf32>
    %max3A_11 = arith.maximumf %add3A_9, %max3A_10 : vector<32x2048xf32>
    %get3A_12 = arith.constant 0 : index
    %get3A_13 = arith.constant 0 : index
    %get3A_14 = vector.load %arg4[%get3A_12, %get3A_13] : memref<32x32xf32, #tpu.memory_space<vmem>>, vector<32x32xf32>
    %dot_general3A_15 = arith.constant dense<0.000000e+00> : vector<32x2048xf32>
    %dot_general3A_16 = tpu.matmul %get3A_14, %max3A_11, %dot_general3A_15 {dimension_numbers = #tpu.dot_dimension_numbers<[1], [0], [0], [1], [0, 0, 1, 1], [], []>, transpose_lhs_hint = false} : vector<32x32xf32>, vector<32x2048xf32>, vector<32x2048xf32> -> vector<32x2048xf32>
    %get3A_17 = arith.constant 0 : index
    %get3A_18 = arith.constant 0 : index
    %get3A_19 = vector.load %arg5[%get3A_17, %get3A_18] : memref<32x1xf32, #tpu.memory_space<vmem>>, vector<32x1xf32>
    %add3A_20 = vector.broadcast %get3A_19 : vector<32x1xf32> to vector<32x2048xf32>
    %add3A_21 = arith.addf %dot_general3A_16, %add3A_20 : vector<32x2048xf32>
    %max3A_22 = arith.constant 0.000000e+00 : f32
    %max3A_23 = vector.broadcast %max3A_22 : f32 to vector<32x2048xf32>
    %max3A_24 = arith.maximumf %add3A_21, %max3A_23 : vector<32x2048xf32>
    %get3A_25 = arith.constant 0 : index
    %get3A_26 = arith.constant 0 : index
    %get3A_27 = vector.load %arg6[%get3A_25, %get3A_26] : memref<32x32xf32, #tpu.memory_space<vmem>>, vector<32x32xf32>
    %dot_general3A_28 = arith.constant dense<0.000000e+00> : vector<32x2048xf32>
    %dot_general3A_29 = tpu.matmul %get3A_27, %max3A_24, %dot_general3A_28 {dimension_numbers = #tpu.dot_dimension_numbers<[1], [0], [0], [1], [0, 0, 1, 1], [], []>, transpose_lhs_hint = false} : vector<32x32xf32>, vector<32x2048xf32>, vector<32x2048xf32> -> vector<32x2048xf32>
    %get3A_30 = arith.constant 0 : index
    %get3A_31 = arith.constant 0 : index
    %get3A_32 = vector.load %arg7[%get3A_30, %get3A_31] : memref<32x1xf32, #tpu.memory_space<vmem>>, vector<32x1xf32>
    %add3A_33 = vector.broadcast %get3A_32 : vector<32x1xf32> to vector<32x2048xf32>
    %add3A_34 = arith.addf %dot_general3A_29, %add3A_33 : vector<32x2048xf32>
    %swap3A = arith.constant 0 : index
    %swap3A_35 = arith.constant 0 : index
    %swap3A_36 = vector.load %arg8[%swap3A, %swap3A_35] : memref<32x2048xf32, #tpu.memory_space<vmem>>, vector<32x2048xf32>
    tpu.vector_store %arg8[%swap3A, %swap3A_35], %add3A_34 {strides = array<i32>} : memref<32x2048xf32, #tpu.memory_space<vmem>>, vector<32x2048xf32>,
    return
  }
  func.func @transform_0(%arg0: i32) -> (i32, i32) {
    %c0_i32 = arith.constant 0 : i32
    %c0_i32_0 = arith.constant 0 : i32
    return %c0_i32, %arg0 : i32, i32
  }
  func.func @transform_1(%arg0: i32) -> (i32, i32) {
    %c0_i32 = arith.constant 0 : i32
    %c0_i32_0 = arith.constant 0 : i32
    %c0_i32_1 = arith.constant 0 : i32
    return %c0_i32, %c0_i32_0 : i32, i32
  }
  func.func @transform_2(%arg0: i32) -> (i32, i32) {
    %c0_i32 = arith.constant 0 : i32
    %c0_i32_0 = arith.constant 0 : i32
    %c0_i32_1 = arith.constant 0 : i32
    return %c0_i32, %c0_i32_0 : i32, i32
  }
  func.func @transform_3(%arg0: i32) -> (i32, i32) {
    %c0_i32 = arith.constant 0 : i32
    %c0_i32_0 = arith.constant 0 : i32
    %c0_i32_1 = arith.constant 0 : i32
    return %c0_i32, %c0_i32_0 : i32, i32
  }
  func.func @transform_4(%arg0: i32) -> (i32, i32) {
    %c0_i32 = arith.constant 0 : i32
    %c0_i32_0 = arith.constant 0 : i32
    %c0_i32_1 = arith.constant 0 : i32
    return %c0_i32, %c0_i32_0 : i32, i32
  }
  func.func @transform_5(%arg0: i32) -> (i32, i32) {
    %c0_i32 = arith.constant 0 : i32
    %c0_i32_0 = arith.constant 0 : i32
    %c0_i32_1 = arith.constant 0 : i32
    return %c0_i32, %c0_i32_0 : i32, i32
  }
  func.func @transform_6(%arg0: i32) -> (i32, i32) {
    %c0_i32 = arith.constant 0 : i32
    %c0_i32_0 = arith.constant 0 : i32
    %c0_i32_1 = arith.constant 0 : i32
    return %c0_i32, %c0_i32_0 : i32, i32
  }
  func.func @transform_7(%arg0: i32) -> (i32, i32) {
    %c0_i32 = arith.constant 0 : i32
    %c0_i32_0 = arith.constant 0 : i32
    return %c0_i32, %arg0 : i32, i32
  }
}

module attributes {stable_mosaic.version = 14 : i64} {
  func.func @body(%arg0: i32, %arg1: memref<2560x128xf32, #tpu.memory_space<vmem>>, %arg2: memref<2x2560x32xf32, #tpu.memory_space<vmem>>, %arg3: memref<2x2560x16xf32, #tpu.memory_space<vmem>>, %arg4: memref<128x32xf32, #tpu.memory_space<vmem>>, %arg5: memref<1x32xf32, #tpu.memory_space<vmem>>, %arg6: memref<32x32xf32, #tpu.memory_space<vmem>>, %arg7: memref<1x32xf32, #tpu.memory_space<vmem>>, %arg8: memref<32x32xf32, #tpu.memory_space<vmem>>, %arg9: memref<32x32xf32, #tpu.memory_space<vmem>>, %arg10: memref<32x32xf32, #tpu.memory_space<vmem>>, %arg11: memref<32x32xf32, #tpu.memory_space<vmem>>, %arg12: memref<2560x32xf32, #tpu.memory_space<vmem>>, %arg13: memref<2560x32xf32, #tpu.memory_space<vmem>>, %arg14: memref<2560x32xf32, #tpu.memory_space<vmem>>, %arg15: memref<2560x32xf32, #tpu.memory_space<vmem>>) attributes {dimension_semantics = [#tpu.dimension_semantics<arbitrary>], iteration_bounds = array<i64: 1>, scalar_prefetch = 0 : i64, scratch_operands = 0 : i64, tpu.core_type = #tpu.core_type<tc>, window_params = [{transform_indices = @transform_0, window_bounds = array<i64: 2560, 128>}, {pipeline_mode = #tpu.pipeline_mode<synchronous>, transform_indices = @transform_1, window_bounds = array<i64: 2, 2560, 32>}, {pipeline_mode = #tpu.pipeline_mode<synchronous>, transform_indices = @transform_2, window_bounds = array<i64: 2, 2560, 16>}, {pipeline_mode = #tpu.pipeline_mode<synchronous>, transform_indices = @transform_3, window_bounds = array<i64: 128, 32>}, {pipeline_mode = #tpu.pipeline_mode<synchronous>, transform_indices = @transform_4, window_bounds = array<i64: 1, 32>}, {pipeline_mode = #tpu.pipeline_mode<synchronous>, transform_indices = @transform_5, window_bounds = array<i64: 32, 32>}, {pipeline_mode = #tpu.pipeline_mode<synchronous>, transform_indices = @transform_6, window_bounds = array<i64: 1, 32>}, {pipeline_mode = #tpu.pipeline_mode<synchronous>, transform_indices = @transform_7, window_bounds = array<i64: 32, 32>}, {pipeline_mode = #tpu.pipeline_mode<synchronous>, transform_indices = @transform_8, window_bounds = array<i64: 32, 32>}, {pipeline_mode = #tpu.pipeline_mode<synchronous>, transform_indices = @transform_9, window_bounds = array<i64: 32, 32>}, {pipeline_mode = #tpu.pipeline_mode<synchronous>, transform_indices = @transform_10, window_bounds = array<i64: 32, 32>}, {transform_indices = @transform_11, window_bounds = array<i64: 2560, 32>}, {transform_indices = @transform_12, window_bounds = array<i64: 2560, 32>}, {transform_indices = @transform_13, window_bounds = array<i64: 2560, 32>}, {transform_indices = @transform_14, window_bounds = array<i64: 2560, 32>}]} {
    %get3A = arith.constant 0 : index
    %get3A_0 = arith.constant 0 : index
    %get3A_1 = vector.load %arg1[%get3A, %get3A_0] : memref<2560x128xf32, #tpu.memory_space<vmem>>, vector<2560x128xf32>
    %get3A_2 = arith.constant 0 : index
    %get3A_3 = arith.constant 0 : index
    %get3A_4 = vector.load %arg4[%get3A_2, %get3A_3] : memref<128x32xf32, #tpu.memory_space<vmem>>, vector<128x32xf32>
    %get3A_5 = arith.constant 0 : index
    %get3A_6 = arith.constant 0 : index
    %get3A_7 = vector.load %arg5[%get3A_5, %get3A_6] : memref<1x32xf32, #tpu.memory_space<vmem>>, vector<1x32xf32>
    %get3A_8 = arith.constant 0 : index
    %get3A_9 = arith.constant 0 : index
    %get3A_10 = vector.load %arg6[%get3A_8, %get3A_9] : memref<32x32xf32, #tpu.memory_space<vmem>>, vector<32x32xf32>
    %get3A_11 = arith.constant 0 : index
    %get3A_12 = arith.constant 0 : index
    %get3A_13 = vector.load %arg7[%get3A_11, %get3A_12] : memref<1x32xf32, #tpu.memory_space<vmem>>, vector<1x32xf32>
    %dot_general3A = arith.constant dense<0.000000e+00> : vector<2560x32xf32>
    %dot_general3A_14 = tpu.matmul %get3A_1, %get3A_4, %dot_general3A {dimension_numbers = #tpu.dot_dimension_numbers<[1], [0], [0], [1], [0, 0, 1, 1], [], []>, transpose_lhs_hint = false} : vector<2560x128xf32>, vector<128x32xf32>, vector<2560x32xf32> -> vector<2560x32xf32>
    %add3A = vector.broadcast %get3A_7 : vector<1x32xf32> to vector<2560x32xf32>
    %add3A_15 = arith.addf %dot_general3A_14, %add3A : vector<2560x32xf32>
    %max3A = arith.constant 0.000000e+00 : f32
    %max3A_16 = vector.broadcast %max3A : f32 to vector<2560x32xf32>
    %max3A_17 = arith.maximumf %add3A_15, %max3A_16 : vector<2560x32xf32>
    %dot_general3A_18 = arith.constant dense<0.000000e+00> : vector<2560x32xf32>
    %dot_general3A_19 = tpu.matmul %max3A_17, %get3A_10, %dot_general3A_18 {dimension_numbers = #tpu.dot_dimension_numbers<[1], [0], [0], [1], [0, 0, 1, 1], [], []>, transpose_lhs_hint = false} : vector<2560x32xf32>, vector<32x32xf32>, vector<2560x32xf32> -> vector<2560x32xf32>
    %add3A_20 = vector.broadcast %get3A_13 : vector<1x32xf32> to vector<2560x32xf32>
    %add3A_21 = arith.addf %dot_general3A_19, %add3A_20 : vector<2560x32xf32>
    %max3A_22 = arith.constant 0.000000e+00 : f32
    %max3A_23 = vector.broadcast %max3A_22 : f32 to vector<2560x32xf32>
    %max3A_24 = arith.maximumf %add3A_21, %max3A_23 : vector<2560x32xf32>
    %get3A_25 = arith.constant 0 : index
    %get3A_26 = arith.constant 0 : index
    %get3A_27 = arith.constant 0 : index
    %get3A_28 = vector.load %arg2[%get3A_25, %get3A_26, %get3A_27] : memref<2x2560x32xf32, #tpu.memory_space<vmem>>, vector<1x2560x32xf32>
    %get3A_29 = vector.shape_cast %get3A_28 : vector<1x2560x32xf32> to vector<2560x32xf32>
    %get3A_30 = arith.constant 1 : index
    %get3A_31 = arith.constant 0 : index
    %get3A_32 = arith.constant 0 : index
    %get3A_33 = vector.load %arg2[%get3A_30, %get3A_31, %get3A_32] : memref<2x2560x32xf32, #tpu.memory_space<vmem>>, vector<1x2560x32xf32>
    %get3A_34 = vector.shape_cast %get3A_33 : vector<1x2560x32xf32> to vector<2560x32xf32>
    %add3A_35 = arith.addf %get3A_29, %get3A_34 : vector<2560x32xf32>
    %get3A_36 = arith.constant 0 : index
    %get3A_37 = arith.constant 0 : index
    %get3A_38 = arith.constant 0 : index
    %get3A_39 = vector.load %arg3[%get3A_36, %get3A_37, %get3A_38] : memref<2x2560x16xf32, #tpu.memory_space<vmem>>, vector<1x2560x1xf32>
    %get3A_40 = vector.shape_cast %get3A_39 : vector<1x2560x1xf32> to vector<2560x1xf32>
    %get3A_41 = arith.constant 1 : index
    %get3A_42 = arith.constant 0 : index
    %get3A_43 = arith.constant 0 : index
    %get3A_44 = vector.load %arg3[%get3A_41, %get3A_42, %get3A_43] : memref<2x2560x16xf32, #tpu.memory_space<vmem>>, vector<1x2560x1xf32>
    %get3A_45 = vector.shape_cast %get3A_44 : vector<1x2560x1xf32> to vector<2560x1xf32>
    %add3A_46 = arith.addf %get3A_40, %get3A_45 : vector<2560x1xf32>
    %max3A_47 = arith.constant 1.000000e+00 : f32
    %max3A_48 = vector.broadcast %max3A_47 : f32 to vector<2560x1xf32>
    %max3A_49 = arith.maximumf %add3A_46, %max3A_48 : vector<2560x1xf32>
    %div3A = vector.broadcast %max3A_49 : vector<2560x1xf32> to vector<2560x32xf32>
    %div3A_50 = arith.divf %add3A_35, %div3A : vector<2560x32xf32>
    %swap3A = arith.constant 0 : index
    %swap3A_51 = arith.constant 0 : index
    %swap3A_52 = vector.load %arg12[%swap3A, %swap3A_51] : memref<2560x32xf32, #tpu.memory_space<vmem>>, vector<2560x32xf32>
    tpu.vector_store %arg12[%swap3A, %swap3A_51], %max3A_24 {strides = array<i32>} : memref<2560x32xf32, #tpu.memory_space<vmem>>, vector<2560x32xf32>,
    %swap3A_53 = arith.constant 0 : index
    %swap3A_54 = arith.constant 0 : index
    %swap3A_55 = vector.load %arg13[%swap3A_53, %swap3A_54] : memref<2560x32xf32, #tpu.memory_space<vmem>>, vector<2560x32xf32>
    tpu.vector_store %arg13[%swap3A_53, %swap3A_54], %div3A_50 {strides = array<i32>} : memref<2560x32xf32, #tpu.memory_space<vmem>>, vector<2560x32xf32>,
    %get3A_56 = arith.constant 0 : index
    %get3A_57 = arith.constant 0 : index
    %get3A_58 = vector.load %arg8[%get3A_56, %get3A_57] : memref<32x32xf32, #tpu.memory_space<vmem>>, vector<32x32xf32>
    %dot_general3A_59 = arith.constant dense<0.000000e+00> : vector<2560x32xf32>
    %dot_general3A_60 = tpu.matmul %max3A_24, %get3A_58, %dot_general3A_59 {dimension_numbers = #tpu.dot_dimension_numbers<[1], [0], [0], [1], [0, 0, 1, 1], [], []>, transpose_lhs_hint = false} : vector<2560x32xf32>, vector<32x32xf32>, vector<2560x32xf32> -> vector<2560x32xf32>
    %get3A_61 = arith.constant 0 : index
    %get3A_62 = arith.constant 0 : index
    %get3A_63 = vector.load %arg10[%get3A_61, %get3A_62] : memref<32x32xf32, #tpu.memory_space<vmem>>, vector<32x32xf32>
    %dot_general3A_64 = arith.constant dense<0.000000e+00> : vector<2560x32xf32>
    %dot_general3A_65 = tpu.matmul %div3A_50, %get3A_63, %dot_general3A_64 {dimension_numbers = #tpu.dot_dimension_numbers<[1], [0], [0], [1], [0, 0, 1, 1], [], []>, transpose_lhs_hint = false} : vector<2560x32xf32>, vector<32x32xf32>, vector<2560x32xf32> -> vector<2560x32xf32>
    %add3A_66 = arith.addf %dot_general3A_60, %dot_general3A_65 : vector<2560x32xf32>
    %swap3A_67 = arith.constant 0 : index
    %swap3A_68 = arith.constant 0 : index
    %swap3A_69 = vector.load %arg14[%swap3A_67, %swap3A_68] : memref<2560x32xf32, #tpu.memory_space<vmem>>, vector<2560x32xf32>
    tpu.vector_store %arg14[%swap3A_67, %swap3A_68], %add3A_66 {strides = array<i32>} : memref<2560x32xf32, #tpu.memory_space<vmem>>, vector<2560x32xf32>,
    %get3A_70 = arith.constant 0 : index
    %get3A_71 = arith.constant 0 : index
    %get3A_72 = vector.load %arg9[%get3A_70, %get3A_71] : memref<32x32xf32, #tpu.memory_space<vmem>>, vector<32x32xf32>
    %dot_general3A_73 = arith.constant dense<0.000000e+00> : vector<2560x32xf32>
    %dot_general3A_74 = tpu.matmul %max3A_24, %get3A_72, %dot_general3A_73 {dimension_numbers = #tpu.dot_dimension_numbers<[1], [0], [0], [1], [0, 0, 1, 1], [], []>, transpose_lhs_hint = false} : vector<2560x32xf32>, vector<32x32xf32>, vector<2560x32xf32> -> vector<2560x32xf32>
    %get3A_75 = arith.constant 0 : index
    %get3A_76 = arith.constant 0 : index
    %get3A_77 = vector.load %arg11[%get3A_75, %get3A_76] : memref<32x32xf32, #tpu.memory_space<vmem>>, vector<32x32xf32>
    %dot_general3A_78 = arith.constant dense<0.000000e+00> : vector<2560x32xf32>
    %dot_general3A_79 = tpu.matmul %div3A_50, %get3A_77, %dot_general3A_78 {dimension_numbers = #tpu.dot_dimension_numbers<[1], [0], [0], [1], [0, 0, 1, 1], [], []>, transpose_lhs_hint = false} : vector<2560x32xf32>, vector<32x32xf32>, vector<2560x32xf32> -> vector<2560x32xf32>
    %add3A_80 = arith.addf %dot_general3A_74, %dot_general3A_79 : vector<2560x32xf32>
    %swap3A_81 = arith.constant 0 : index
    %swap3A_82 = arith.constant 0 : index
    %swap3A_83 = vector.load %arg15[%swap3A_81, %swap3A_82] : memref<2560x32xf32, #tpu.memory_space<vmem>>, vector<2560x32xf32>
    tpu.vector_store %arg15[%swap3A_81, %swap3A_82], %add3A_80 {strides = array<i32>} : memref<2560x32xf32, #tpu.memory_space<vmem>>, vector<2560x32xf32>,
    return
  }
  func.func @transform_0(%arg0: i32) -> (i32, i32) {
    %c0_i32 = arith.constant 0 : i32
    %c0_i32_0 = arith.constant 0 : i32
    return %arg0, %c0_i32 : i32, i32
  }
  func.func @transform_1(%arg0: i32) -> (i32, i32, i32) {
    %c0_i32 = arith.constant 0 : i32
    %c0_i32_0 = arith.constant 0 : i32
    %c0_i32_1 = arith.constant 0 : i32
    %c0_i32_2 = arith.constant 0 : i32
    return %c0_i32, %c0_i32_0, %c0_i32_1 : i32, i32, i32
  }
  func.func @transform_2(%arg0: i32) -> (i32, i32, i32) {
    %c0_i32 = arith.constant 0 : i32
    %c0_i32_0 = arith.constant 0 : i32
    %c0_i32_1 = arith.constant 0 : i32
    %c0_i32_2 = arith.constant 0 : i32
    return %c0_i32, %c0_i32_0, %c0_i32_1 : i32, i32, i32
  }
  func.func @transform_3(%arg0: i32) -> (i32, i32) {
    %c0_i32 = arith.constant 0 : i32
    %c0_i32_0 = arith.constant 0 : i32
    %c0_i32_1 = arith.constant 0 : i32
    return %c0_i32, %c0_i32_0 : i32, i32
  }
  func.func @transform_4(%arg0: i32) -> (i32, i32) {
    %c0_i32 = arith.constant 0 : i32
    %c0_i32_0 = arith.constant 0 : i32
    %c0_i32_1 = arith.constant 0 : i32
    return %c0_i32, %c0_i32_0 : i32, i32
  }
  func.func @transform_5(%arg0: i32) -> (i32, i32) {
    %c0_i32 = arith.constant 0 : i32
    %c0_i32_0 = arith.constant 0 : i32
    %c0_i32_1 = arith.constant 0 : i32
    return %c0_i32, %c0_i32_0 : i32, i32
  }
  func.func @transform_6(%arg0: i32) -> (i32, i32) {
    %c0_i32 = arith.constant 0 : i32
    %c0_i32_0 = arith.constant 0 : i32
    %c0_i32_1 = arith.constant 0 : i32
    return %c0_i32, %c0_i32_0 : i32, i32
  }
  func.func @transform_7(%arg0: i32) -> (i32, i32) {
    %c0_i32 = arith.constant 0 : i32
    %c0_i32_0 = arith.constant 0 : i32
    %c0_i32_1 = arith.constant 0 : i32
    return %c0_i32, %c0_i32_0 : i32, i32
  }
  func.func @transform_8(%arg0: i32) -> (i32, i32) {
    %c0_i32 = arith.constant 0 : i32
    %c0_i32_0 = arith.constant 0 : i32
    %c0_i32_1 = arith.constant 0 : i32
    return %c0_i32, %c0_i32_0 : i32, i32
  }
  func.func @transform_9(%arg0: i32) -> (i32, i32) {
    %c0_i32 = arith.constant 0 : i32
    %c0_i32_0 = arith.constant 0 : i32
    %c0_i32_1 = arith.constant 0 : i32
    return %c0_i32, %c0_i32_0 : i32, i32
  }
  func.func @transform_10(%arg0: i32) -> (i32, i32) {
    %c0_i32 = arith.constant 0 : i32
    %c0_i32_0 = arith.constant 0 : i32
    %c0_i32_1 = arith.constant 0 : i32
    return %c0_i32, %c0_i32_0 : i32, i32
  }
  func.func @transform_11(%arg0: i32) -> (i32, i32) {
    %c0_i32 = arith.constant 0 : i32
    %c0_i32_0 = arith.constant 0 : i32
    return %arg0, %c0_i32 : i32, i32
  }
  func.func @transform_12(%arg0: i32) -> (i32, i32) {
    %c0_i32 = arith.constant 0 : i32
    %c0_i32_0 = arith.constant 0 : i32
    return %arg0, %c0_i32 : i32, i32
  }
  func.func @transform_13(%arg0: i32) -> (i32, i32) {
    %c0_i32 = arith.constant 0 : i32
    %c0_i32_0 = arith.constant 0 : i32
    return %arg0, %c0_i32 : i32, i32
  }
  func.func @transform_14(%arg0: i32) -> (i32, i32) {
    %c0_i32 = arith.constant 0 : i32
    %c0_i32_0 = arith.constant 0 : i32
    return %arg0, %c0_i32 : i32, i32
  }
}

module attributes {stable_mosaic.version = 14 : i64} {
  func.func @body(%arg0: i32, %arg1: memref<2048x32xf32, #tpu.memory_space<vmem>>, %arg2: memref<2048x32xf32, #tpu.memory_space<vmem>>, %arg3: memref<32x2048xf32, #tpu.memory_space<vmem>>, %arg4: memref<32x32xf32, #tpu.memory_space<vmem>>, %arg5: memref<1x32xf32, #tpu.memory_space<vmem>>, %arg6: memref<2048x32xf32, #tpu.memory_space<vmem>>) attributes {dimension_semantics = [#tpu.dimension_semantics<arbitrary>], iteration_bounds = array<i64: 40>, scalar_prefetch = 0 : i64, scratch_operands = 0 : i64, tpu.core_type = #tpu.core_type<tc>, window_params = [{transform_indices = @transform_0, window_bounds = array<i64: 2048, 32>}, {transform_indices = @transform_1, window_bounds = array<i64: 2048, 32>}, {transform_indices = @transform_2, window_bounds = array<i64: 32, 2048>}, {pipeline_mode = #tpu.pipeline_mode<synchronous>, transform_indices = @transform_3, window_bounds = array<i64: 32, 32>}, {pipeline_mode = #tpu.pipeline_mode<synchronous>, transform_indices = @transform_4, window_bounds = array<i64: 1, 32>}, {transform_indices = @transform_5, window_bounds = array<i64: 2048, 32>}]} {
    %get3A = arith.constant 0 : index
    %get3A_0 = arith.constant 0 : index
    %get3A_1 = vector.load %arg1[%get3A, %get3A_0] : memref<2048x32xf32, #tpu.memory_space<vmem>>, vector<2048x32xf32>
    %get3A_2 = arith.constant 0 : index
    %get3A_3 = arith.constant 0 : index
    %get3A_4 = vector.load %arg2[%get3A_2, %get3A_3] : memref<2048x32xf32, #tpu.memory_space<vmem>>, vector<2048x32xf32>
    %add3A = arith.addf %get3A_1, %get3A_4 : vector<2048x32xf32>
    %get3A_5 = arith.constant 0 : index
    %get3A_6 = arith.constant 0 : index
    %get3A_7 = vector.load %arg3[%get3A_5, %get3A_6] : memref<32x2048xf32, #tpu.memory_space<vmem>>, vector<32x2048xf32>
    %transpose3A = tpu.transpose %get3A_7, [1, 0] : vector<32x2048xf32> -> vector<2048x32xf32>
    %add3A_8 = arith.addf %add3A, %transpose3A : vector<2048x32xf32>
    %max3A = arith.constant 0.000000e+00 : f32
    %max3A_9 = vector.broadcast %max3A : f32 to vector<2048x32xf32>
    %max3A_10 = arith.maximumf %add3A_8, %max3A_9 : vector<2048x32xf32>
    %get3A_11 = arith.constant 0 : index
    %get3A_12 = arith.constant 0 : index
    %get3A_13 = vector.load %arg4[%get3A_11, %get3A_12] : memref<32x32xf32, #tpu.memory_space<vmem>>, vector<32x32xf32>
    %dot_general3A = arith.constant dense<0.000000e+00> : vector<2048x32xf32>
    %dot_general3A_14 = tpu.matmul %max3A_10, %get3A_13, %dot_general3A {dimension_numbers = #tpu.dot_dimension_numbers<[1], [0], [0], [1], [0, 0, 1, 1], [], []>, transpose_lhs_hint = false} : vector<2048x32xf32>, vector<32x32xf32>, vector<2048x32xf32> -> vector<2048x32xf32>
    %get3A_15 = arith.constant 0 : index
    %get3A_16 = arith.constant 0 : index
    %get3A_17 = vector.load %arg5[%get3A_15, %get3A_16] : memref<1x32xf32, #tpu.memory_space<vmem>>, vector<1x32xf32>
    %add3A_18 = vector.broadcast %get3A_17 : vector<1x32xf32> to vector<2048x32xf32>
    %add3A_19 = arith.addf %dot_general3A_14, %add3A_18 : vector<2048x32xf32>
    %max3A_20 = arith.constant 0.000000e+00 : f32
    %max3A_21 = vector.broadcast %max3A_20 : f32 to vector<2048x32xf32>
    %max3A_22 = arith.maximumf %add3A_19, %max3A_21 : vector<2048x32xf32>
    %swap3A = arith.constant 0 : index
    %swap3A_23 = arith.constant 0 : index
    %swap3A_24 = vector.load %arg6[%swap3A, %swap3A_23] : memref<2048x32xf32, #tpu.memory_space<vmem>>, vector<2048x32xf32>
    tpu.vector_store %arg6[%swap3A, %swap3A_23], %max3A_22 {strides = array<i32>} : memref<2048x32xf32, #tpu.memory_space<vmem>>, vector<2048x32xf32>,
    return
  }
  func.func @transform_0(%arg0: i32) -> (i32, i32) {
    %c0_i32 = arith.constant 0 : i32
    %c0_i32_0 = arith.constant 0 : i32
    return %arg0, %c0_i32 : i32, i32
  }
  func.func @transform_1(%arg0: i32) -> (i32, i32) {
    %c0_i32 = arith.constant 0 : i32
    %c0_i32_0 = arith.constant 0 : i32
    return %arg0, %c0_i32 : i32, i32
  }
  func.func @transform_2(%arg0: i32) -> (i32, i32) {
    %c0_i32 = arith.constant 0 : i32
    %c0_i32_0 = arith.constant 0 : i32
    return %c0_i32, %arg0 : i32, i32
  }
  func.func @transform_3(%arg0: i32) -> (i32, i32) {
    %c0_i32 = arith.constant 0 : i32
    %c0_i32_0 = arith.constant 0 : i32
    %c0_i32_1 = arith.constant 0 : i32
    return %c0_i32, %c0_i32_0 : i32, i32
  }
  func.func @transform_4(%arg0: i32) -> (i32, i32) {
    %c0_i32 = arith.constant 0 : i32
    %c0_i32_0 = arith.constant 0 : i32
    %c0_i32_1 = arith.constant 0 : i32
    return %c0_i32, %c0_i32_0 : i32, i32
  }
  func.func @transform_5(%arg0: i32) -> (i32, i32) {
    %c0_i32 = arith.constant 0 : i32
    %c0_i32_0 = arith.constant 0 : i32
    return %arg0, %c0_i32 : i32, i32
  }
}

module attributes {stable_mosaic.version = 14 : i64} {
  func.func @body(%arg0: i32, %arg1: memref<2560x32xf32, #tpu.memory_space<vmem>>, %arg2: memref<2560x32xf32, #tpu.memory_space<vmem>>, %arg3: memref<2x2560x32xf32, #tpu.memory_space<vmem>>, %arg4: memref<32x32xf32, #tpu.memory_space<vmem>>, %arg5: memref<1x32xf32, #tpu.memory_space<vmem>>, %arg6: memref<32x32xf32, #tpu.memory_space<vmem>>, %arg7: memref<32x32xf32, #tpu.memory_space<vmem>>, %arg8: memref<2560x32xf32, #tpu.memory_space<vmem>>, %arg9: memref<2560x32xf32, #tpu.memory_space<vmem>>) attributes {dimension_semantics = [#tpu.dimension_semantics<arbitrary>], iteration_bounds = array<i64: 1>, scalar_prefetch = 0 : i64, scratch_operands = 0 : i64, tpu.core_type = #tpu.core_type<tc>, window_params = [{transform_indices = @transform_0, window_bounds = array<i64: 2560, 32>}, {transform_indices = @transform_1, window_bounds = array<i64: 2560, 32>}, {pipeline_mode = #tpu.pipeline_mode<synchronous>, transform_indices = @transform_2, window_bounds = array<i64: 2, 2560, 32>}, {pipeline_mode = #tpu.pipeline_mode<synchronous>, transform_indices = @transform_3, window_bounds = array<i64: 32, 32>}, {pipeline_mode = #tpu.pipeline_mode<synchronous>, transform_indices = @transform_4, window_bounds = array<i64: 1, 32>}, {pipeline_mode = #tpu.pipeline_mode<synchronous>, transform_indices = @transform_5, window_bounds = array<i64: 32, 32>}, {pipeline_mode = #tpu.pipeline_mode<synchronous>, transform_indices = @transform_6, window_bounds = array<i64: 32, 32>}, {transform_indices = @transform_7, window_bounds = array<i64: 2560, 32>}, {transform_indices = @transform_8, window_bounds = array<i64: 2560, 32>}]} {
    %get3A = arith.constant 0 : index
    %get3A_0 = arith.constant 0 : index
    %get3A_1 = arith.constant 0 : index
    %get3A_2 = vector.load %arg3[%get3A, %get3A_0, %get3A_1] : memref<2x2560x32xf32, #tpu.memory_space<vmem>>, vector<1x2560x32xf32>
    %get3A_3 = vector.shape_cast %get3A_2 : vector<1x2560x32xf32> to vector<2560x32xf32>
    %get3A_4 = arith.constant 1 : index
    %get3A_5 = arith.constant 0 : index
    %get3A_6 = arith.constant 0 : index
    %get3A_7 = vector.load %arg3[%get3A_4, %get3A_5, %get3A_6] : memref<2x2560x32xf32, #tpu.memory_space<vmem>>, vector<1x2560x32xf32>
    %get3A_8 = vector.shape_cast %get3A_7 : vector<1x2560x32xf32> to vector<2560x32xf32>
    %add3A = arith.addf %get3A_3, %get3A_8 : vector<2560x32xf32>
    %get3A_9 = arith.constant 0 : index
    %get3A_10 = arith.constant 0 : index
    %get3A_11 = vector.load %arg2[%get3A_9, %get3A_10] : memref<2560x32xf32, #tpu.memory_space<vmem>>, vector<2560x32xf32>
    %get3A_12 = arith.constant 0 : index
    %get3A_13 = arith.constant 0 : index
    %get3A_14 = vector.load %arg4[%get3A_12, %get3A_13] : memref<32x32xf32, #tpu.memory_space<vmem>>, vector<32x32xf32>
    %dot_general3A = arith.constant dense<0.000000e+00> : vector<2560x32xf32>
    %dot_general3A_15 = tpu.matmul %add3A, %get3A_14, %dot_general3A {dimension_numbers = #tpu.dot_dimension_numbers<[1], [0], [0], [1], [0, 0, 1, 1], [], []>, transpose_lhs_hint = false} : vector<2560x32xf32>, vector<32x32xf32>, vector<2560x32xf32> -> vector<2560x32xf32>
    %add3A_16 = arith.addf %get3A_11, %dot_general3A_15 : vector<2560x32xf32>
    %get3A_17 = arith.constant 0 : index
    %get3A_18 = arith.constant 0 : index
    %get3A_19 = vector.load %arg5[%get3A_17, %get3A_18] : memref<1x32xf32, #tpu.memory_space<vmem>>, vector<1x32xf32>
    %add3A_20 = vector.broadcast %get3A_19 : vector<1x32xf32> to vector<2560x32xf32>
    %add3A_21 = arith.addf %add3A_16, %add3A_20 : vector<2560x32xf32>
    %swap3A = arith.constant 0 : index
    %swap3A_22 = arith.constant 0 : index
    %swap3A_23 = vector.load %arg9[%swap3A, %swap3A_22] : memref<2560x32xf32, #tpu.memory_space<vmem>>, vector<2560x32xf32>
    tpu.vector_store %arg9[%swap3A, %swap3A_22], %add3A_21 {strides = array<i32>} : memref<2560x32xf32, #tpu.memory_space<vmem>>, vector<2560x32xf32>,
    %get3A_24 = arith.constant 0 : index
    %get3A_25 = arith.constant 0 : index
    %get3A_26 = vector.load %arg1[%get3A_24, %get3A_25] : memref<2560x32xf32, #tpu.memory_space<vmem>>, vector<2560x32xf32>
    %get3A_27 = arith.constant 0 : index
    %get3A_28 = arith.constant 0 : index
    %get3A_29 = vector.load %arg6[%get3A_27, %get3A_28] : memref<32x32xf32, #tpu.memory_space<vmem>>, vector<32x32xf32>
    %dot_general3A_30 = arith.constant dense<0.000000e+00> : vector<2560x32xf32>
    %dot_general3A_31 = tpu.matmul %get3A_26, %get3A_29, %dot_general3A_30 {dimension_numbers = #tpu.dot_dimension_numbers<[1], [0], [0], [1], [0, 0, 1, 1], [], []>, transpose_lhs_hint = false} : vector<2560x32xf32>, vector<32x32xf32>, vector<2560x32xf32> -> vector<2560x32xf32>
    %get3A_32 = arith.constant 0 : index
    %get3A_33 = arith.constant 0 : index
    %get3A_34 = vector.load %arg7[%get3A_32, %get3A_33] : memref<32x32xf32, #tpu.memory_space<vmem>>, vector<32x32xf32>
    %dot_general3A_35 = arith.constant dense<0.000000e+00> : vector<2560x32xf32>
    %dot_general3A_36 = tpu.matmul %add3A_21, %get3A_34, %dot_general3A_35 {dimension_numbers = #tpu.dot_dimension_numbers<[1], [0], [0], [1], [0, 0, 1, 1], [], []>, transpose_lhs_hint = false} : vector<2560x32xf32>, vector<32x32xf32>, vector<2560x32xf32> -> vector<2560x32xf32>
    %add3A_37 = arith.addf %dot_general3A_31, %dot_general3A_36 : vector<2560x32xf32>
    %swap3A_38 = arith.constant 0 : index
    %swap3A_39 = arith.constant 0 : index
    %swap3A_40 = vector.load %arg8[%swap3A_38, %swap3A_39] : memref<2560x32xf32, #tpu.memory_space<vmem>>, vector<2560x32xf32>
    tpu.vector_store %arg8[%swap3A_38, %swap3A_39], %add3A_37 {strides = array<i32>} : memref<2560x32xf32, #tpu.memory_space<vmem>>, vector<2560x32xf32>,
    return
  }
  func.func @transform_0(%arg0: i32) -> (i32, i32) {
    %c0_i32 = arith.constant 0 : i32
    %c0_i32_0 = arith.constant 0 : i32
    return %arg0, %c0_i32 : i32, i32
  }
  func.func @transform_1(%arg0: i32) -> (i32, i32) {
    %c0_i32 = arith.constant 0 : i32
    %c0_i32_0 = arith.constant 0 : i32
    return %arg0, %c0_i32 : i32, i32
  }
  func.func @transform_2(%arg0: i32) -> (i32, i32, i32) {
    %c0_i32 = arith.constant 0 : i32
    %c0_i32_0 = arith.constant 0 : i32
    %c0_i32_1 = arith.constant 0 : i32
    %c0_i32_2 = arith.constant 0 : i32
    return %c0_i32, %c0_i32_0, %c0_i32_1 : i32, i32, i32
  }
  func.func @transform_3(%arg0: i32) -> (i32, i32) {
    %c0_i32 = arith.constant 0 : i32
    %c0_i32_0 = arith.constant 0 : i32
    %c0_i32_1 = arith.constant 0 : i32
    return %c0_i32, %c0_i32_0 : i32, i32
  }
  func.func @transform_4(%arg0: i32) -> (i32, i32) {
    %c0_i32 = arith.constant 0 : i32
    %c0_i32_0 = arith.constant 0 : i32
    %c0_i32_1 = arith.constant 0 : i32
    return %c0_i32, %c0_i32_0 : i32, i32
  }
  func.func @transform_5(%arg0: i32) -> (i32, i32) {
    %c0_i32 = arith.constant 0 : i32
    %c0_i32_0 = arith.constant 0 : i32
    %c0_i32_1 = arith.constant 0 : i32
    return %c0_i32, %c0_i32_0 : i32, i32
  }
  func.func @transform_6(%arg0: i32) -> (i32, i32) {
    %c0_i32 = arith.constant 0 : i32
    %c0_i32_0 = arith.constant 0 : i32
    %c0_i32_1 = arith.constant 0 : i32
    return %c0_i32, %c0_i32_0 : i32, i32
  }
  func.func @transform_7(%arg0: i32) -> (i32, i32) {
    %c0_i32 = arith.constant 0 : i32
    %c0_i32_0 = arith.constant 0 : i32
    return %arg0, %c0_i32 : i32, i32
  }
  func.func @transform_8(%arg0: i32) -> (i32, i32) {
    %c0_i32 = arith.constant 0 : i32
    %c0_i32_0 = arith.constant 0 : i32
    return %arg0, %c0_i32 : i32, i32
  }
}

module attributes {stable_mosaic.version = 14 : i64} {
  func.func @body(%arg0: i32, %arg1: memref<4x2048xf32, #tpu.memory_space<vmem>>, %arg2: memref<32x4xf32, #tpu.memory_space<vmem>>, %arg3: memref<32x1xf32, #tpu.memory_space<vmem>>, %arg4: memref<32x32xf32, #tpu.memory_space<vmem>>, %arg5: memref<32x1xf32, #tpu.memory_space<vmem>>, %arg6: memref<32x32xf32, #tpu.memory_space<vmem>>, %arg7: memref<32x1xf32, #tpu.memory_space<vmem>>, %arg8: memref<32x2048xf32, #tpu.memory_space<vmem>>) attributes {dimension_semantics = [#tpu.dimension_semantics<arbitrary>], iteration_bounds = array<i64: 160>, scalar_prefetch = 0 : i64, scratch_operands = 0 : i64, tpu.core_type = #tpu.core_type<tc>, window_params = [{transform_indices = @transform_0, window_bounds = array<i64: 4, 2048>}, {pipeline_mode = #tpu.pipeline_mode<synchronous>, transform_indices = @transform_1, window_bounds = array<i64: 32, 4>}, {pipeline_mode = #tpu.pipeline_mode<synchronous>, transform_indices = @transform_2, window_bounds = array<i64: 32, 1>}, {pipeline_mode = #tpu.pipeline_mode<synchronous>, transform_indices = @transform_3, window_bounds = array<i64: 32, 32>}, {pipeline_mode = #tpu.pipeline_mode<synchronous>, transform_indices = @transform_4, window_bounds = array<i64: 32, 1>}, {pipeline_mode = #tpu.pipeline_mode<synchronous>, transform_indices = @transform_5, window_bounds = array<i64: 32, 32>}, {pipeline_mode = #tpu.pipeline_mode<synchronous>, transform_indices = @transform_6, window_bounds = array<i64: 32, 1>}, {transform_indices = @transform_7, window_bounds = array<i64: 32, 2048>}]} {
    %get3A = arith.constant 0 : index
    %get3A_0 = arith.constant 0 : index
    %get3A_1 = vector.load %arg1[%get3A, %get3A_0] : memref<4x2048xf32, #tpu.memory_space<vmem>>, vector<4x2048xf32>
    %get3A_2 = arith.constant 0 : index
    %get3A_3 = arith.constant 0 : index
    %get3A_4 = vector.load %arg2[%get3A_2, %get3A_3] : memref<32x4xf32, #tpu.memory_space<vmem>>, vector<32x4xf32>
    %dot_general3A = arith.constant dense<0.000000e+00> : vector<32x2048xf32>
    %dot_general3A_5 = tpu.matmul %get3A_4, %get3A_1, %dot_general3A {dimension_numbers = #tpu.dot_dimension_numbers<[1], [0], [0], [1], [0, 0, 1, 1], [], []>, transpose_lhs_hint = false} : vector<32x4xf32>, vector<4x2048xf32>, vector<32x2048xf32> -> vector<32x2048xf32>
    %get3A_6 = arith.constant 0 : index
    %get3A_7 = arith.constant 0 : index
    %get3A_8 = vector.load %arg3[%get3A_6, %get3A_7] : memref<32x1xf32, #tpu.memory_space<vmem>>, vector<32x1xf32>
    %add3A = vector.broadcast %get3A_8 : vector<32x1xf32> to vector<32x2048xf32>
    %add3A_9 = arith.addf %dot_general3A_5, %add3A : vector<32x2048xf32>
    %max3A = arith.constant 0.000000e+00 : f32
    %max3A_10 = vector.broadcast %max3A : f32 to vector<32x2048xf32>
    %max3A_11 = arith.maximumf %add3A_9, %max3A_10 : vector<32x2048xf32>
    %get3A_12 = arith.constant 0 : index
    %get3A_13 = arith.constant 0 : index
    %get3A_14 = vector.load %arg4[%get3A_12, %get3A_13] : memref<32x32xf32, #tpu.memory_space<vmem>>, vector<32x32xf32>
    %dot_general3A_15 = arith.constant dense<0.000000e+00> : vector<32x2048xf32>
    %dot_general3A_16 = tpu.matmul %get3A_14, %max3A_11, %dot_general3A_15 {dimension_numbers = #tpu.dot_dimension_numbers<[1], [0], [0], [1], [0, 0, 1, 1], [], []>, transpose_lhs_hint = false} : vector<32x32xf32>, vector<32x2048xf32>, vector<32x2048xf32> -> vector<32x2048xf32>
    %get3A_17 = arith.constant 0 : index
    %get3A_18 = arith.constant 0 : index
    %get3A_19 = vector.load %arg5[%get3A_17, %get3A_18] : memref<32x1xf32, #tpu.memory_space<vmem>>, vector<32x1xf32>
    %add3A_20 = vector.broadcast %get3A_19 : vector<32x1xf32> to vector<32x2048xf32>
    %add3A_21 = arith.addf %dot_general3A_16, %add3A_20 : vector<32x2048xf32>
    %max3A_22 = arith.constant 0.000000e+00 : f32
    %max3A_23 = vector.broadcast %max3A_22 : f32 to vector<32x2048xf32>
    %max3A_24 = arith.maximumf %add3A_21, %max3A_23 : vector<32x2048xf32>
    %get3A_25 = arith.constant 0 : index
    %get3A_26 = arith.constant 0 : index
    %get3A_27 = vector.load %arg6[%get3A_25, %get3A_26] : memref<32x32xf32, #tpu.memory_space<vmem>>, vector<32x32xf32>
    %dot_general3A_28 = arith.constant dense<0.000000e+00> : vector<32x2048xf32>
    %dot_general3A_29 = tpu.matmul %get3A_27, %max3A_24, %dot_general3A_28 {dimension_numbers = #tpu.dot_dimension_numbers<[1], [0], [0], [1], [0, 0, 1, 1], [], []>, transpose_lhs_hint = false} : vector<32x32xf32>, vector<32x2048xf32>, vector<32x2048xf32> -> vector<32x2048xf32>
    %get3A_30 = arith.constant 0 : index
    %get3A_31 = arith.constant 0 : index
    %get3A_32 = vector.load %arg7[%get3A_30, %get3A_31] : memref<32x1xf32, #tpu.memory_space<vmem>>, vector<32x1xf32>
    %add3A_33 = vector.broadcast %get3A_32 : vector<32x1xf32> to vector<32x2048xf32>
    %add3A_34 = arith.addf %dot_general3A_29, %add3A_33 : vector<32x2048xf32>
    %swap3A = arith.constant 0 : index
    %swap3A_35 = arith.constant 0 : index
    %swap3A_36 = vector.load %arg8[%swap3A, %swap3A_35] : memref<32x2048xf32, #tpu.memory_space<vmem>>, vector<32x2048xf32>
    tpu.vector_store %arg8[%swap3A, %swap3A_35], %add3A_34 {strides = array<i32>} : memref<32x2048xf32, #tpu.memory_space<vmem>>, vector<32x2048xf32>,
    return
  }
  func.func @transform_0(%arg0: i32) -> (i32, i32) {
    %c0_i32 = arith.constant 0 : i32
    %c0_i32_0 = arith.constant 0 : i32
    return %c0_i32, %arg0 : i32, i32
  }
  func.func @transform_1(%arg0: i32) -> (i32, i32) {
    %c0_i32 = arith.constant 0 : i32
    %c0_i32_0 = arith.constant 0 : i32
    %c0_i32_1 = arith.constant 0 : i32
    return %c0_i32, %c0_i32_0 : i32, i32
  }
  func.func @transform_2(%arg0: i32) -> (i32, i32) {
    %c0_i32 = arith.constant 0 : i32
    %c0_i32_0 = arith.constant 0 : i32
    %c0_i32_1 = arith.constant 0 : i32
    return %c0_i32, %c0_i32_0 : i32, i32
  }
  func.func @transform_3(%arg0: i32) -> (i32, i32) {
    %c0_i32 = arith.constant 0 : i32
    %c0_i32_0 = arith.constant 0 : i32
    %c0_i32_1 = arith.constant 0 : i32
    return %c0_i32, %c0_i32_0 : i32, i32
  }
  func.func @transform_4(%arg0: i32) -> (i32, i32) {
    %c0_i32 = arith.constant 0 : i32
    %c0_i32_0 = arith.constant 0 : i32
    %c0_i32_1 = arith.constant 0 : i32
    return %c0_i32, %c0_i32_0 : i32, i32
  }
  func.func @transform_5(%arg0: i32) -> (i32, i32) {
    %c0_i32 = arith.constant 0 : i32
    %c0_i32_0 = arith.constant 0 : i32
    %c0_i32_1 = arith.constant 0 : i32
    return %c0_i32, %c0_i32_0 : i32, i32
  }
  func.func @transform_6(%arg0: i32) -> (i32, i32) {
    %c0_i32 = arith.constant 0 : i32
    %c0_i32_0 = arith.constant 0 : i32
    %c0_i32_1 = arith.constant 0 : i32
    return %c0_i32, %c0_i32_0 : i32, i32
  }
  func.func @transform_7(%arg0: i32) -> (i32, i32) {
    %c0_i32 = arith.constant 0 : i32
    %c0_i32_0 = arith.constant 0 : i32
    return %c0_i32, %arg0 : i32, i32
  }
}

module attributes {stable_mosaic.version = 14 : i64} {
  func.func @body(%arg0: i32, %arg1: memref<2048x32xf32, #tpu.memory_space<vmem>>, %arg2: memref<2048x32xf32, #tpu.memory_space<vmem>>, %arg3: memref<2048x32xf32, #tpu.memory_space<vmem>>, %arg4: memref<2048x32xf32, #tpu.memory_space<vmem>>, %arg5: memref<2048x32xf32, #tpu.memory_space<vmem>>, %arg6: memref<32x32xf32, #tpu.memory_space<vmem>>, %arg7: memref<1x32xf32, #tpu.memory_space<vmem>>, %arg8: memref<32x32xf32, #tpu.memory_space<vmem>>, %arg9: memref<32x32xf32, #tpu.memory_space<vmem>>, %arg10: memref<32x32xf32, #tpu.memory_space<vmem>>, %arg11: memref<32x32xf32, #tpu.memory_space<vmem>>, %arg12: memref<2048x32xf32, #tpu.memory_space<vmem>>, %arg13: memref<2048x32xf32, #tpu.memory_space<vmem>>, %arg14: memref<2048x32xf32, #tpu.memory_space<vmem>>) attributes {dimension_semantics = [#tpu.dimension_semantics<arbitrary>], iteration_bounds = array<i64: 6>, scalar_prefetch = 0 : i64, scratch_operands = 0 : i64, tpu.core_type = #tpu.core_type<tc>, window_params = [{transform_indices = @transform_0, window_bounds = array<i64: 2048, 32>}, {transform_indices = @transform_1, window_bounds = array<i64: 2048, 32>}, {transform_indices = @transform_2, window_bounds = array<i64: 2048, 32>}, {transform_indices = @transform_3, window_bounds = array<i64: 2048, 32>}, {transform_indices = @transform_4, window_bounds = array<i64: 2048, 32>}, {pipeline_mode = #tpu.pipeline_mode<synchronous>, transform_indices = @transform_5, window_bounds = array<i64: 32, 32>}, {pipeline_mode = #tpu.pipeline_mode<synchronous>, transform_indices = @transform_6, window_bounds = array<i64: 1, 32>}, {pipeline_mode = #tpu.pipeline_mode<synchronous>, transform_indices = @transform_7, window_bounds = array<i64: 32, 32>}, {pipeline_mode = #tpu.pipeline_mode<synchronous>, transform_indices = @transform_8, window_bounds = array<i64: 32, 32>}, {pipeline_mode = #tpu.pipeline_mode<synchronous>, transform_indices = @transform_9, window_bounds = array<i64: 32, 32>}, {pipeline_mode = #tpu.pipeline_mode<synchronous>, transform_indices = @transform_10, window_bounds = array<i64: 32, 32>}, {transform_indices = @transform_11, window_bounds = array<i64: 2048, 32>}, {transform_indices = @transform_12, window_bounds = array<i64: 2048, 32>}, {transform_indices = @transform_13, window_bounds = array<i64: 2048, 32>}]} {
    %get3A = arith.constant 0 : index
    %get3A_0 = arith.constant 0 : index
    %get3A_1 = vector.load %arg3[%get3A, %get3A_0] : memref<2048x32xf32, #tpu.memory_space<vmem>>, vector<2048x32xf32>
    %get3A_2 = arith.constant 0 : index
    %get3A_3 = arith.constant 0 : index
    %get3A_4 = vector.load %arg4[%get3A_2, %get3A_3] : memref<2048x32xf32, #tpu.memory_space<vmem>>, vector<2048x32xf32>
    %add3A = arith.addf %get3A_1, %get3A_4 : vector<2048x32xf32>
    %max3A = arith.constant 0.000000e+00 : f32
    %max3A_5 = vector.broadcast %max3A : f32 to vector<2048x32xf32>
    %max3A_6 = arith.maximumf %add3A, %max3A_5 : vector<2048x32xf32>
    %get3A_7 = arith.constant 0 : index
    %get3A_8 = arith.constant 0 : index
    %get3A_9 = vector.load %arg6[%get3A_7, %get3A_8] : memref<32x32xf32, #tpu.memory_space<vmem>>, vector<32x32xf32>
    %dot_general3A = arith.constant dense<0.000000e+00> : vector<2048x32xf32>
    %dot_general3A_10 = tpu.matmul %max3A_6, %get3A_9, %dot_general3A {dimension_numbers = #tpu.dot_dimension_numbers<[1], [0], [0], [1], [0, 0, 1, 1], [], []>, transpose_lhs_hint = false} : vector<2048x32xf32>, vector<32x32xf32>, vector<2048x32xf32> -> vector<2048x32xf32>
    %get3A_11 = arith.constant 0 : index
    %get3A_12 = arith.constant 0 : index
    %get3A_13 = vector.load %arg7[%get3A_11, %get3A_12] : memref<1x32xf32, #tpu.memory_space<vmem>>, vector<1x32xf32>
    %add3A_14 = vector.broadcast %get3A_13 : vector<1x32xf32> to vector<2048x32xf32>
    %add3A_15 = arith.addf %dot_general3A_10, %add3A_14 : vector<2048x32xf32>
    %max3A_16 = arith.constant 0.000000e+00 : f32
    %max3A_17 = vector.broadcast %max3A_16 : f32 to vector<2048x32xf32>
    %max3A_18 = arith.maximumf %add3A_15, %max3A_17 : vector<2048x32xf32>
    %get3A_19 = arith.constant 0 : index
    %get3A_20 = arith.constant 0 : index
    %get3A_21 = vector.load %arg2[%get3A_19, %get3A_20] : memref<2048x32xf32, #tpu.memory_space<vmem>>, vector<2048x32xf32>
    %get3A_22 = arith.constant 0 : index
    %get3A_23 = arith.constant 0 : index
    %get3A_24 = vector.load %arg5[%get3A_22, %get3A_23] : memref<2048x32xf32, #tpu.memory_space<vmem>>, vector<2048x32xf32>
    %mul3A = arith.mulf %max3A_18, %get3A_24 : vector<2048x32xf32>
    %add3A_25 = arith.addf %get3A_21, %mul3A : vector<2048x32xf32>
    %swap3A = arith.constant 0 : index
    %swap3A_26 = arith.constant 0 : index
    %swap3A_27 = vector.load %arg12[%swap3A, %swap3A_26] : memref<2048x32xf32, #tpu.memory_space<vmem>>, vector<2048x32xf32>
    tpu.vector_store %arg12[%swap3A, %swap3A_26], %add3A_25 {strides = array<i32>} : memref<2048x32xf32, #tpu.memory_space<vmem>>, vector<2048x32xf32>,
    %get3A_28 = arith.constant 0 : index
    %get3A_29 = arith.constant 0 : index
    %get3A_30 = vector.load %arg1[%get3A_28, %get3A_29] : memref<2048x32xf32, #tpu.memory_space<vmem>>, vector<2048x32xf32>
    %get3A_31 = arith.constant 0 : index
    %get3A_32 = arith.constant 0 : index
    %get3A_33 = vector.load %arg8[%get3A_31, %get3A_32] : memref<32x32xf32, #tpu.memory_space<vmem>>, vector<32x32xf32>
    %dot_general3A_34 = arith.constant dense<0.000000e+00> : vector<2048x32xf32>
    %dot_general3A_35 = tpu.matmul %get3A_30, %get3A_33, %dot_general3A_34 {dimension_numbers = #tpu.dot_dimension_numbers<[1], [0], [0], [1], [0, 0, 1, 1], [], []>, transpose_lhs_hint = false} : vector<2048x32xf32>, vector<32x32xf32>, vector<2048x32xf32> -> vector<2048x32xf32>
    %get3A_36 = arith.constant 0 : index
    %get3A_37 = arith.constant 0 : index
    %get3A_38 = vector.load %arg10[%get3A_36, %get3A_37] : memref<32x32xf32, #tpu.memory_space<vmem>>, vector<32x32xf32>
    %dot_general3A_39 = arith.constant dense<0.000000e+00> : vector<2048x32xf32>
    %dot_general3A_40 = tpu.matmul %add3A_25, %get3A_38, %dot_general3A_39 {dimension_numbers = #tpu.dot_dimension_numbers<[1], [0], [0], [1], [0, 0, 1, 1], [], []>, transpose_lhs_hint = false} : vector<2048x32xf32>, vector<32x32xf32>, vector<2048x32xf32> -> vector<2048x32xf32>
    %add3A_41 = arith.addf %dot_general3A_35, %dot_general3A_40 : vector<2048x32xf32>
    %swap3A_42 = arith.constant 0 : index
    %swap3A_43 = arith.constant 0 : index
    %swap3A_44 = vector.load %arg13[%swap3A_42, %swap3A_43] : memref<2048x32xf32, #tpu.memory_space<vmem>>, vector<2048x32xf32>
    tpu.vector_store %arg13[%swap3A_42, %swap3A_43], %add3A_41 {strides = array<i32>} : memref<2048x32xf32, #tpu.memory_space<vmem>>, vector<2048x32xf32>,
    %get3A_45 = arith.constant 0 : index
    %get3A_46 = arith.constant 0 : index
    %get3A_47 = vector.load %arg9[%get3A_45, %get3A_46] : memref<32x32xf32, #tpu.memory_space<vmem>>, vector<32x32xf32>
    %dot_general3A_48 = arith.constant dense<0.000000e+00> : vector<2048x32xf32>
    %dot_general3A_49 = tpu.matmul %get3A_30, %get3A_47, %dot_general3A_48 {dimension_numbers = #tpu.dot_dimension_numbers<[1], [0], [0], [1], [0, 0, 1, 1], [], []>, transpose_lhs_hint = false} : vector<2048x32xf32>, vector<32x32xf32>, vector<2048x32xf32> -> vector<2048x32xf32>
    %get3A_50 = arith.constant 0 : index
    %get3A_51 = arith.constant 0 : index
    %get3A_52 = vector.load %arg11[%get3A_50, %get3A_51] : memref<32x32xf32, #tpu.memory_space<vmem>>, vector<32x32xf32>
    %dot_general3A_53 = arith.constant dense<0.000000e+00> : vector<2048x32xf32>
    %dot_general3A_54 = tpu.matmul %add3A_25, %get3A_52, %dot_general3A_53 {dimension_numbers = #tpu.dot_dimension_numbers<[1], [0], [0], [1], [0, 0, 1, 1], [], []>, transpose_lhs_hint = false} : vector<2048x32xf32>, vector<32x32xf32>, vector<2048x32xf32> -> vector<2048x32xf32>
    %add3A_55 = arith.addf %dot_general3A_49, %dot_general3A_54 : vector<2048x32xf32>
    %swap3A_56 = arith.constant 0 : index
    %swap3A_57 = arith.constant 0 : index
    %swap3A_58 = vector.load %arg14[%swap3A_56, %swap3A_57] : memref<2048x32xf32, #tpu.memory_space<vmem>>, vector<2048x32xf32>
    tpu.vector_store %arg14[%swap3A_56, %swap3A_57], %add3A_55 {strides = array<i32>} : memref<2048x32xf32, #tpu.memory_space<vmem>>, vector<2048x32xf32>,
    return
  }
  func.func @transform_0(%arg0: i32) -> (i32, i32) {
    %c0_i32 = arith.constant 0 : i32
    %c0_i32_0 = arith.constant 0 : i32
    return %arg0, %c0_i32 : i32, i32
  }
  func.func @transform_1(%arg0: i32) -> (i32, i32) {
    %c0_i32 = arith.constant 0 : i32
    %c0_i32_0 = arith.constant 0 : i32
    return %arg0, %c0_i32 : i32, i32
  }
  func.func @transform_2(%arg0: i32) -> (i32, i32) {
    %c0_i32 = arith.constant 0 : i32
    %c0_i32_0 = arith.constant 0 : i32
    return %arg0, %c0_i32 : i32, i32
  }
  func.func @transform_3(%arg0: i32) -> (i32, i32) {
    %c0_i32 = arith.constant 0 : i32
    %c0_i32_0 = arith.constant 0 : i32
    return %arg0, %c0_i32 : i32, i32
  }
  func.func @transform_4(%arg0: i32) -> (i32, i32) {
    %c0_i32 = arith.constant 0 : i32
    %c0_i32_0 = arith.constant 0 : i32
    return %arg0, %c0_i32 : i32, i32
  }
  func.func @transform_5(%arg0: i32) -> (i32, i32) {
    %c0_i32 = arith.constant 0 : i32
    %c0_i32_0 = arith.constant 0 : i32
    %c0_i32_1 = arith.constant 0 : i32
    return %c0_i32, %c0_i32_0 : i32, i32
  }
  func.func @transform_6(%arg0: i32) -> (i32, i32) {
    %c0_i32 = arith.constant 0 : i32
    %c0_i32_0 = arith.constant 0 : i32
    %c0_i32_1 = arith.constant 0 : i32
    return %c0_i32, %c0_i32_0 : i32, i32
  }
  func.func @transform_7(%arg0: i32) -> (i32, i32) {
    %c0_i32 = arith.constant 0 : i32
    %c0_i32_0 = arith.constant 0 : i32
    %c0_i32_1 = arith.constant 0 : i32
    return %c0_i32, %c0_i32_0 : i32, i32
  }
  func.func @transform_8(%arg0: i32) -> (i32, i32) {
    %c0_i32 = arith.constant 0 : i32
    %c0_i32_0 = arith.constant 0 : i32
    %c0_i32_1 = arith.constant 0 : i32
    return %c0_i32, %c0_i32_0 : i32, i32
  }
  func.func @transform_9(%arg0: i32) -> (i32, i32) {
    %c0_i32 = arith.constant 0 : i32
    %c0_i32_0 = arith.constant 0 : i32
    %c0_i32_1 = arith.constant 0 : i32
    return %c0_i32, %c0_i32_0 : i32, i32
  }
  func.func @transform_10(%arg0: i32) -> (i32, i32) {
    %c0_i32 = arith.constant 0 : i32
    %c0_i32_0 = arith.constant 0 : i32
    %c0_i32_1 = arith.constant 0 : i32
    return %c0_i32, %c0_i32_0 : i32, i32
  }
  func.func @transform_11(%arg0: i32) -> (i32, i32) {
    %c0_i32 = arith.constant 0 : i32
    %c0_i32_0 = arith.constant 0 : i32
    return %arg0, %c0_i32 : i32, i32
  }
  func.func @transform_12(%arg0: i32) -> (i32, i32) {
    %c0_i32 = arith.constant 0 : i32
    %c0_i32_0 = arith.constant 0 : i32
    return %arg0, %c0_i32 : i32, i32
  }
  func.func @transform_13(%arg0: i32) -> (i32, i32) {
    %c0_i32 = arith.constant 0 : i32
    %c0_i32_0 = arith.constant 0 : i32
    return %arg0, %c0_i32 : i32, i32
  }
}

module attributes {stable_mosaic.version = 14 : i64} {
  func.func @body(%arg0: i32, %arg1: memref<2048x32xf32, #tpu.memory_space<vmem>>, %arg2: memref<2048x32xf32, #tpu.memory_space<vmem>>, %arg3: memref<32x2048xf32, #tpu.memory_space<vmem>>, %arg4: memref<32x32xf32, #tpu.memory_space<vmem>>, %arg5: memref<1x32xf32, #tpu.memory_space<vmem>>, %arg6: memref<2048x32xf32, #tpu.memory_space<vmem>>) attributes {dimension_semantics = [#tpu.dimension_semantics<arbitrary>], iteration_bounds = array<i64: 160>, scalar_prefetch = 0 : i64, scratch_operands = 0 : i64, tpu.core_type = #tpu.core_type<tc>, window_params = [{transform_indices = @transform_0, window_bounds = array<i64: 2048, 32>}, {transform_indices = @transform_1, window_bounds = array<i64: 2048, 32>}, {transform_indices = @transform_2, window_bounds = array<i64: 32, 2048>}, {pipeline_mode = #tpu.pipeline_mode<synchronous>, transform_indices = @transform_3, window_bounds = array<i64: 32, 32>}, {pipeline_mode = #tpu.pipeline_mode<synchronous>, transform_indices = @transform_4, window_bounds = array<i64: 1, 32>}, {transform_indices = @transform_5, window_bounds = array<i64: 2048, 32>}]} {
    %get3A = arith.constant 0 : index
    %get3A_0 = arith.constant 0 : index
    %get3A_1 = vector.load %arg1[%get3A, %get3A_0] : memref<2048x32xf32, #tpu.memory_space<vmem>>, vector<2048x32xf32>
    %get3A_2 = arith.constant 0 : index
    %get3A_3 = arith.constant 0 : index
    %get3A_4 = vector.load %arg2[%get3A_2, %get3A_3] : memref<2048x32xf32, #tpu.memory_space<vmem>>, vector<2048x32xf32>
    %add3A = arith.addf %get3A_1, %get3A_4 : vector<2048x32xf32>
    %get3A_5 = arith.constant 0 : index
    %get3A_6 = arith.constant 0 : index
    %get3A_7 = vector.load %arg3[%get3A_5, %get3A_6] : memref<32x2048xf32, #tpu.memory_space<vmem>>, vector<32x2048xf32>
    %transpose3A = tpu.transpose %get3A_7, [1, 0] : vector<32x2048xf32> -> vector<2048x32xf32>
    %add3A_8 = arith.addf %add3A, %transpose3A : vector<2048x32xf32>
    %max3A = arith.constant 0.000000e+00 : f32
    %max3A_9 = vector.broadcast %max3A : f32 to vector<2048x32xf32>
    %max3A_10 = arith.maximumf %add3A_8, %max3A_9 : vector<2048x32xf32>
    %get3A_11 = arith.constant 0 : index
    %get3A_12 = arith.constant 0 : index
    %get3A_13 = vector.load %arg4[%get3A_11, %get3A_12] : memref<32x32xf32, #tpu.memory_space<vmem>>, vector<32x32xf32>
    %dot_general3A = arith.constant dense<0.000000e+00> : vector<2048x32xf32>
    %dot_general3A_14 = tpu.matmul %max3A_10, %get3A_13, %dot_general3A {dimension_numbers = #tpu.dot_dimension_numbers<[1], [0], [0], [1], [0, 0, 1, 1], [], []>, transpose_lhs_hint = false} : vector<2048x32xf32>, vector<32x32xf32>, vector<2048x32xf32> -> vector<2048x32xf32>
    %get3A_15 = arith.constant 0 : index
    %get3A_16 = arith.constant 0 : index
    %get3A_17 = vector.load %arg5[%get3A_15, %get3A_16] : memref<1x32xf32, #tpu.memory_space<vmem>>, vector<1x32xf32>
    %add3A_18 = vector.broadcast %get3A_17 : vector<1x32xf32> to vector<2048x32xf32>
    %add3A_19 = arith.addf %dot_general3A_14, %add3A_18 : vector<2048x32xf32>
    %max3A_20 = arith.constant 0.000000e+00 : f32
    %max3A_21 = vector.broadcast %max3A_20 : f32 to vector<2048x32xf32>
    %max3A_22 = arith.maximumf %add3A_19, %max3A_21 : vector<2048x32xf32>
    %swap3A = arith.constant 0 : index
    %swap3A_23 = arith.constant 0 : index
    %swap3A_24 = vector.load %arg6[%swap3A, %swap3A_23] : memref<2048x32xf32, #tpu.memory_space<vmem>>, vector<2048x32xf32>
    tpu.vector_store %arg6[%swap3A, %swap3A_23], %max3A_22 {strides = array<i32>} : memref<2048x32xf32, #tpu.memory_space<vmem>>, vector<2048x32xf32>,
    return
  }
  func.func @transform_0(%arg0: i32) -> (i32, i32) {
    %c0_i32 = arith.constant 0 : i32
    %c0_i32_0 = arith.constant 0 : i32
    return %arg0, %c0_i32 : i32, i32
  }
  func.func @transform_1(%arg0: i32) -> (i32, i32) {
    %c0_i32 = arith.constant 0 : i32
    %c0_i32_0 = arith.constant 0 : i32
    return %arg0, %c0_i32 : i32, i32
  }
  func.func @transform_2(%arg0: i32) -> (i32, i32) {
    %c0_i32 = arith.constant 0 : i32
    %c0_i32_0 = arith.constant 0 : i32
    return %c0_i32, %arg0 : i32, i32
  }
  func.func @transform_3(%arg0: i32) -> (i32, i32) {
    %c0_i32 = arith.constant 0 : i32
    %c0_i32_0 = arith.constant 0 : i32
    %c0_i32_1 = arith.constant 0 : i32
    return %c0_i32, %c0_i32_0 : i32, i32
  }
  func.func @transform_4(%arg0: i32) -> (i32, i32) {
    %c0_i32 = arith.constant 0 : i32
    %c0_i32_0 = arith.constant 0 : i32
    %c0_i32_1 = arith.constant 0 : i32
    return %c0_i32, %c0_i32_0 : i32, i32
  }
  func.func @transform_5(%arg0: i32) -> (i32, i32) {
    %c0_i32 = arith.constant 0 : i32
    %c0_i32_0 = arith.constant 0 : i32
    return %arg0, %c0_i32 : i32, i32
  }
}

module attributes {stable_mosaic.version = 14 : i64} {
  func.func @body(%arg0: i32, %arg1: memref<1000x32xf32, #tpu.memory_space<vmem>>, %arg2: memref<2x1000x32xf32, #tpu.memory_space<vmem>>, %arg3: memref<1000x12xf32, #tpu.memory_space<vmem>>, %arg4: memref<32x32xf32, #tpu.memory_space<vmem>>, %arg5: memref<1x32xf32, #tpu.memory_space<vmem>>, %arg6: memref<32x32xf32, #tpu.memory_space<vmem>>, %arg7: memref<1x32xf32, #tpu.memory_space<vmem>>, %arg8: memref<32x3xf32, #tpu.memory_space<vmem>>, %arg9: memref<1x3xf32, #tpu.memory_space<vmem>>, %arg10: memref<12x3xf32, #tpu.memory_space<vmem>>, %arg11: memref<1000x3xf32, #tpu.memory_space<vmem>>) attributes {dimension_semantics = [#tpu.dimension_semantics<arbitrary>], iteration_bounds = array<i64: 10>, scalar_prefetch = 0 : i64, scratch_operands = 0 : i64, tpu.core_type = #tpu.core_type<tc>, window_params = [{transform_indices = @transform_0, window_bounds = array<i64: 1000, 32>}, {transform_indices = @transform_1, window_bounds = array<i64: 2, 1000, 32>}, {transform_indices = @transform_2, window_bounds = array<i64: 1000, 12>}, {pipeline_mode = #tpu.pipeline_mode<synchronous>, transform_indices = @transform_3, window_bounds = array<i64: 32, 32>}, {pipeline_mode = #tpu.pipeline_mode<synchronous>, transform_indices = @transform_4, window_bounds = array<i64: 1, 32>}, {pipeline_mode = #tpu.pipeline_mode<synchronous>, transform_indices = @transform_5, window_bounds = array<i64: 32, 32>}, {pipeline_mode = #tpu.pipeline_mode<synchronous>, transform_indices = @transform_6, window_bounds = array<i64: 1, 32>}, {pipeline_mode = #tpu.pipeline_mode<synchronous>, transform_indices = @transform_7, window_bounds = array<i64: 32, 3>}, {pipeline_mode = #tpu.pipeline_mode<synchronous>, transform_indices = @transform_8, window_bounds = array<i64: 1, 3>}, {pipeline_mode = #tpu.pipeline_mode<synchronous>, transform_indices = @transform_9, window_bounds = array<i64: 12, 3>}, {transform_indices = @transform_10, window_bounds = array<i64: 1000, 3>}]} {
    %get3A = arith.constant 0 : index
    %get3A_0 = arith.constant 0 : index
    %get3A_1 = arith.constant 0 : index
    %get3A_2 = vector.load %arg2[%get3A, %get3A_0, %get3A_1] : memref<2x1000x32xf32, #tpu.memory_space<vmem>>, vector<1x1000x32xf32>
    %get3A_3 = vector.shape_cast %get3A_2 : vector<1x1000x32xf32> to vector<1000x32xf32>
    %get3A_4 = arith.constant 1 : index
    %get3A_5 = arith.constant 0 : index
    %get3A_6 = arith.constant 0 : index
    %get3A_7 = vector.load %arg2[%get3A_4, %get3A_5, %get3A_6] : memref<2x1000x32xf32, #tpu.memory_space<vmem>>, vector<1x1000x32xf32>
    %get3A_8 = vector.shape_cast %get3A_7 : vector<1x1000x32xf32> to vector<1000x32xf32>
    %add3A = arith.addf %get3A_3, %get3A_8 : vector<1000x32xf32>
    %get3A_9 = arith.constant 0 : index
    %get3A_10 = arith.constant 0 : index
    %get3A_11 = vector.load %arg1[%get3A_9, %get3A_10] : memref<1000x32xf32, #tpu.memory_space<vmem>>, vector<1000x32xf32>
    %get3A_12 = arith.constant 0 : index
    %get3A_13 = arith.constant 0 : index
    %get3A_14 = vector.load %arg4[%get3A_12, %get3A_13] : memref<32x32xf32, #tpu.memory_space<vmem>>, vector<32x32xf32>
    %dot_general3A = arith.constant dense<0.000000e+00> : vector<1000x32xf32>
    %dot_general3A_15 = tpu.matmul %add3A, %get3A_14, %dot_general3A {dimension_numbers = #tpu.dot_dimension_numbers<[1], [0], [0], [1], [0, 0, 1, 1], [], []>, transpose_lhs_hint = false} : vector<1000x32xf32>, vector<32x32xf32>, vector<1000x32xf32> -> vector<1000x32xf32>
    %add3A_16 = arith.addf %get3A_11, %dot_general3A_15 : vector<1000x32xf32>
    %get3A_17 = arith.constant 0 : index
    %get3A_18 = arith.constant 0 : index
    %get3A_19 = vector.load %arg5[%get3A_17, %get3A_18] : memref<1x32xf32, #tpu.memory_space<vmem>>, vector<1x32xf32>
    %add3A_20 = vector.broadcast %get3A_19 : vector<1x32xf32> to vector<1000x32xf32>
    %add3A_21 = arith.addf %add3A_16, %add3A_20 : vector<1000x32xf32>
    %get3A_22 = arith.constant 0 : index
    %get3A_23 = arith.constant 0 : index
    %get3A_24 = vector.load %arg6[%get3A_22, %get3A_23] : memref<32x32xf32, #tpu.memory_space<vmem>>, vector<32x32xf32>
    %get3A_25 = arith.constant 0 : index
    %get3A_26 = arith.constant 0 : index
    %get3A_27 = vector.load %arg7[%get3A_25, %get3A_26] : memref<1x32xf32, #tpu.memory_space<vmem>>, vector<1x32xf32>
    %get3A_28 = arith.constant 0 : index
    %get3A_29 = arith.constant 0 : index
    %get3A_30 = vector.load %arg8[%get3A_28, %get3A_29] : memref<32x3xf32, #tpu.memory_space<vmem>>, vector<32x3xf32>
    %get3A_31 = arith.constant 0 : index
    %get3A_32 = arith.constant 0 : index
    %get3A_33 = vector.load %arg9[%get3A_31, %get3A_32] : memref<1x3xf32, #tpu.memory_space<vmem>>, vector<1x3xf32>
    %dot_general3A_34 = arith.constant dense<0.000000e+00> : vector<1000x32xf32>
    %dot_general3A_35 = tpu.matmul %add3A_21, %get3A_24, %dot_general3A_34 {dimension_numbers = #tpu.dot_dimension_numbers<[1], [0], [0], [1], [0, 0, 1, 1], [], []>, transpose_lhs_hint = false} : vector<1000x32xf32>, vector<32x32xf32>, vector<1000x32xf32> -> vector<1000x32xf32>
    %add3A_36 = vector.broadcast %get3A_27 : vector<1x32xf32> to vector<1000x32xf32>
    %add3A_37 = arith.addf %dot_general3A_35, %add3A_36 : vector<1000x32xf32>
    %max3A = arith.constant 0.000000e+00 : f32
    %max3A_38 = vector.broadcast %max3A : f32 to vector<1000x32xf32>
    %max3A_39 = arith.maximumf %add3A_37, %max3A_38 : vector<1000x32xf32>
    %dot_general3A_40 = arith.constant dense<0.000000e+00> : vector<1000x3xf32>
    %dot_general3A_41 = tpu.matmul %max3A_39, %get3A_30, %dot_general3A_40 {dimension_numbers = #tpu.dot_dimension_numbers<[1], [0], [0], [1], [0, 0, 1, 1], [], []>, transpose_lhs_hint = false} : vector<1000x32xf32>, vector<32x3xf32>, vector<1000x3xf32> -> vector<1000x3xf32>
    %add3A_42 = vector.broadcast %get3A_33 : vector<1x3xf32> to vector<1000x3xf32>
    %add3A_43 = arith.addf %dot_general3A_41, %add3A_42 : vector<1000x3xf32>
    %max3A_44 = arith.constant 0.000000e+00 : f32
    %max3A_45 = vector.broadcast %max3A_44 : f32 to vector<1000x3xf32>
    %max3A_46 = arith.maximumf %add3A_43, %max3A_45 : vector<1000x3xf32>
    %get3A_47 = arith.constant 0 : index
    %get3A_48 = arith.constant 0 : index
    %get3A_49 = vector.load %arg3[%get3A_47, %get3A_48] : memref<1000x12xf32, #tpu.memory_space<vmem>>, vector<1000x12xf32>
    %get3A_50 = arith.constant 0 : index
    %get3A_51 = arith.constant 0 : index
    %get3A_52 = vector.load %arg10[%get3A_50, %get3A_51] : memref<12x3xf32, #tpu.memory_space<vmem>>, vector<12x3xf32>
    %dot_general3A_53 = arith.constant dense<0.000000e+00> : vector<1000x3xf32>
    %dot_general3A_54 = tpu.matmul %get3A_49, %get3A_52, %dot_general3A_53 {dimension_numbers = #tpu.dot_dimension_numbers<[1], [0], [0], [1], [0, 0, 1, 1], [], []>, transpose_lhs_hint = false} : vector<1000x12xf32>, vector<12x3xf32>, vector<1000x3xf32> -> vector<1000x3xf32>
    %add3A_55 = arith.addf %dot_general3A_54, %max3A_46 : vector<1000x3xf32>
    %max3A_56 = arith.constant 0.000000e+00 : f32
    %max3A_57 = vector.broadcast %max3A_56 : f32 to vector<1000x3xf32>
    %max3A_58 = arith.maximumf %add3A_55, %max3A_57 : vector<1000x3xf32>
    %swap3A = arith.constant 0 : index
    %swap3A_59 = arith.constant 0 : index
    %swap3A_60 = vector.load %arg11[%swap3A, %swap3A_59] : memref<1000x3xf32, #tpu.memory_space<vmem>>, vector<1000x3xf32>
    tpu.vector_store %arg11[%swap3A, %swap3A_59], %max3A_58 {strides = array<i32>} : memref<1000x3xf32, #tpu.memory_space<vmem>>, vector<1000x3xf32>,
    return
  }
  func.func @transform_0(%arg0: i32) -> (i32, i32) {
    %c0_i32 = arith.constant 0 : i32
    %c0_i32_0 = arith.constant 0 : i32
    return %arg0, %c0_i32 : i32, i32
  }
  func.func @transform_1(%arg0: i32) -> (i32, i32, i32) {
    %c0_i32 = arith.constant 0 : i32
    %c0_i32_0 = arith.constant 0 : i32
    %c0_i32_1 = arith.constant 0 : i32
    return %c0_i32, %arg0, %c0_i32_0 : i32, i32, i32
  }
  func.func @transform_2(%arg0: i32) -> (i32, i32) {
    %c0_i32 = arith.constant 0 : i32
    %c0_i32_0 = arith.constant 0 : i32
    return %arg0, %c0_i32 : i32, i32
  }
  func.func @transform_3(%arg0: i32) -> (i32, i32) {
    %c0_i32 = arith.constant 0 : i32
    %c0_i32_0 = arith.constant 0 : i32
    %c0_i32_1 = arith.constant 0 : i32
    return %c0_i32, %c0_i32_0 : i32, i32
  }
  func.func @transform_4(%arg0: i32) -> (i32, i32) {
    %c0_i32 = arith.constant 0 : i32
    %c0_i32_0 = arith.constant 0 : i32
    %c0_i32_1 = arith.constant 0 : i32
    return %c0_i32, %c0_i32_0 : i32, i32
  }
  func.func @transform_5(%arg0: i32) -> (i32, i32) {
    %c0_i32 = arith.constant 0 : i32
    %c0_i32_0 = arith.constant 0 : i32
    %c0_i32_1 = arith.constant 0 : i32
    return %c0_i32, %c0_i32_0 : i32, i32
  }
  func.func @transform_6(%arg0: i32) -> (i32, i32) {
    %c0_i32 = arith.constant 0 : i32
    %c0_i32_0 = arith.constant 0 : i32
    %c0_i32_1 = arith.constant 0 : i32
    return %c0_i32, %c0_i32_0 : i32, i32
  }
  func.func @transform_7(%arg0: i32) -> (i32, i32) {
    %c0_i32 = arith.constant 0 : i32
    %c0_i32_0 = arith.constant 0 : i32
    %c0_i32_1 = arith.constant 0 : i32
    return %c0_i32, %c0_i32_0 : i32, i32
  }
  func.func @transform_8(%arg0: i32) -> (i32, i32) {
    %c0_i32 = arith.constant 0 : i32
    %c0_i32_0 = arith.constant 0 : i32
    %c0_i32_1 = arith.constant 0 : i32
    return %c0_i32, %c0_i32_0 : i32, i32
  }
  func.func @transform_9(%arg0: i32) -> (i32, i32) {
    %c0_i32 = arith.constant 0 : i32
    %c0_i32_0 = arith.constant 0 : i32
    %c0_i32_1 = arith.constant 0 : i32
    return %c0_i32, %c0_i32_0 : i32, i32
  }
  func.func @transform_10(%arg0: i32) -> (i32, i32) {
    %c0_i32 = arith.constant 0 : i32
    %c0_i32_0 = arith.constant 0 : i32
    return %arg0, %c0_i32 : i32, i32
  }
}

</mosaic_0001>

<sc_bundles>
// kernel: kernel.13.cloned.1.call-start
scs
__scs_entry_jumppad:
0x0: {  	(pc) =	sbr.rel $0x88, $3  }
0x1: {  	(tag) =	ssettag $0x0;
	lr =	simm.s32 $0x1  }
0x2: {  	[smem:$0x3F7E] =	sst lr;
	_ =	strace $0xD0000000  }
0x3: {  	_ = 	snop  }
0x4: {  	_ = 	snop  }
0x5: {  	_ = 	snop  }
0x6: {  	_ = 	snop  }
0x7: {  	_ = 	snop  }
__scs_overlays_trampoline_lowered:
0x8: {  	[smem:$0x3F8D] =	sst s0  }
0x9: {  	[smem:$0x3F8E] =	sst s1  }
0xa: {  	[smem:$0x3F8F] =	sst s2  }
0xb: {  	[smem:$0x3F90] =	sst s3  }
0xc: {  	[smem:$0x3F91] =	sst s4  }
0xd: {  	[smem:$0x3F92] =	sst s5  }
0xe: {  	[smem:$0x3F93] =	sst s6  }
0xf: {  	[smem:$0x3F94] =	sst s7  }
0x10: {  	[smem:$0x3F95] =	sst s8  }
0x11: {  	[smem:$0x3F96] =	sst s9;
	s0 =	simm.s32 @!p0 $0x0  }
0x12: {  	s1 =	sld [smem:$0x3F7C];
	s0 =	simm.s32 @p0 $0x1  }
0x13: {  	[smem:$0x3F97] =	sst s0;
	s0 =	simm.s32 @!p1 $0x0  }
0x14: {  	s2 =	sld [smem:$0x3F7B];
	s0 =	simm.s32 @p1 $0x1  }
0x15: {  	[smem:$0x3F98] =	sst s0;
	s0 =	simm.s32 @!p2 $0x0  }
0x16: {  	s3 =	sld [smem:$0x3FDB];
	s0 =	simm.s32 @p2 $0x1  }
0x17: {  	s4 =	simm.s32 $0x1BF5;
	[smem:$0x3F9A] =	sst s0  }
0x18: {  	s0 =	sld [smem:$0x3F7D];
	_ =	swait.ge [sflag:s4], $0x0  }
0x19: {  	s7 =	sld [smem:$0x3F7E]  }
0x1a: {  	s8 =	sadd.s32 $0xFFFFE003, lr  }
0x1b: {  	s9 =	sadd.s32 $0xFFFFFEF7, lr;
	s5 =	simm.s32 $0xFFFFFFFF;
	p2 =	slt.u32 s8, $0xFFFFF086  }
0x1c: {  	p1 =	slt.u32 s9, $0xF7A;
	s5 =	simm.s32 @!p2 $0x0  }
0x1d: {  	s5 =	simm.s32 @p1 $0x1;
	p0 =	seq.s32 s7, s2  }
0x1e: {  	s7 =	smul.u32 @!p0 $0xF7A, s2;
	p2 =	seq.s32 @!p0 s5, $0x0  }
0x1f: {  	s9 =	smul.u32 $0xF7A, s1;
	s8 =	simm.s32 @!p0 $0x1BF5;
	p2 =	por !p2, p0  }
0x20: {  	[sflag:s8] =	ssyncset.s32 @!p0 $0xFFFFF086;
	s6 =	sadd.s32 @!p0 s3, s7;
	s7 =	simm.s32 @!p0 $0x108  }
0x21: {  	s3 =	sadd.s32 s3, s9;
	s6 =	sadd.s32 @!p0 $0x88, s6;
	s7 =	simm.s32 @p2 $0x1082  }
0x22: {  	[simem:s7], [sflag:s8] =	dma.local @!p0 [hbm:s6], $0xF7A  }
0x23: {  	s9 =	sor.u32 $0xD0000000, s2;
	s6 =	simm.s32 $0x108;
	_ =	swait.ge @!p0 [sflag:s8], $0x0  }
0x24: {  	s3 =	sadd.s32 $0x88, s3;
	s6 =	simm.s32 @!p1 $0x1082;
	[sflag:s4] =	ssyncset.s32 $0xFFFFF086  }
0x25: {  	[simem:s6], [sflag:s4] =	dma.local [hbm:s3], $0xF7A  }
0x26: {  	[smem:$0x3F7E] =	sst s1;
	(tag) =	ssettag s2;
	_ =	strace s9  }
0x27: {  	s1 =	sld [smem:$0x3F8E]  }
0x28: {  	s2 =	sld [smem:$0x3F8F]  }
0x29: {  	s4 =	sld [smem:$0x3F91]  }
0x2a: {  	p0 =	seq.s32 s5, $0x0;
	s5 =	sld [smem:$0x3F92]  }
0x2b: {  	s6 =	sld [smem:$0x3F93]  }
0x2c: {  	s7 =	sld [smem:$0x3F94]  }
0x2d: {  	s3 =	simm.s32 $0x108;
	s8 =	sld [smem:$0x3F95]  }
0x2e: {  	s3 =	simm.s32 @!p0 $0x1082;
	s9 =	sld [smem:$0x3F96]  }
0x2f: {  	lr =	sadd.s32 s0, s3;
	s0 =	sld [smem:$0x3F8D]  }
0x30: {  	s3 =	sld [smem:$0x3F90]  }
0x31: {  	[smem:$0x3F99] =	sst s10  }
0x32: {  	s10 =	sld [smem:$0x3F97];
	_ =	sdelay $0x3  }
0x33: {  	p0 =	seq.s32 s10, $0x1;
	s10 =	sld [smem:$0x3F99];
	_ =	sdelay $0x3  }
0x34: {  	[smem:$0x3F99] =	sst s10  }
0x35: {  	s10 =	sld [smem:$0x3F98];
	_ =	sdelay $0x3  }
0x36: {  	p1 =	seq.s32 s10, $0x1;
	s10 =	sld [smem:$0x3F99];
	_ =	sdelay $0x3  }
0x37: {  	[smem:$0x3F99] =	sst s10  }
0x38: {  	s10 =	sld [smem:$0x3F9A]  }
0x39: {  	_ = 	snop;
	(pc) =	sbr.ind lr, $3  }
0x3a: {  	_ = 	snop  }
0x3b: {  	_ = 	snop  }
0x3c: {  	p2 =	seq.s32 s10, $0x1;
	s10 =	sld [smem:$0x3F99]  }
0x3d: {  	_ =	shalt  }
0x3e: {  	_ =	shalt  }
0x3f: {  	_ =	shalt  }
0x40: {  	_ =	shalt  }
0x41: {  	_ =	shalt  }
0x42: {  	_ =	shalt  }
0x43: {  	_ =	shalt  }
0x44: {  	_ =	shalt  }
0x45: {  	_ =	shalt  }
0x46: {  	_ =	shalt  }
0x47: {  	_ =	shalt  }
0x48: {  	_ =	shalt  }
0x49: {  	_ =	shalt  }
0x4a: {  	_ =	shalt  }
0x4b: {  	_ =	shalt  }
0x4c: {  	_ =	shalt  }
0x4d: {  	_ =	shalt  }
0x4e: {  	_ =	shalt  }
0x4f: {  	_ =	shalt  }
0x50: {  	_ =	shalt  }
0x51: {  	_ =	shalt  }
0x52: {  	_ =	shalt  }
0x53: {  	_ =	shalt  }
0x54: {  	_ =	shalt  }
0x55: {  	_ =	shalt  }
0x56: {  	_ =	shalt  }
0x57: {  	_ =	shalt  }
0x58: {  	_ =	shalt  }
0x59: {  	_ =	shalt  }
0x5a: {  	_ =	shalt  }
0x5b: {  	_ =	shalt  }
0x5c: {  	_ =	shalt  }
0x5d: {  	_ =	shalt  }
0x5e: {  	_ =	shalt  }
0x5f: {  	_ =	shalt  }
0x60: {  	_ =	shalt  }
0x61: {  	_ =	shalt  }
0x62: {  	_ =	shalt  }
0x63: {  	_ =	shalt  }
0x64: {  	_ =	shalt  }
0x65: {  	_ =	shalt  }
0x66: {  	_ =	shalt  }
0x67: {  	_ =	shalt  }
0x68: {  	_ =	shalt  }
0x69: {  	_ =	shalt  }
0x6a: {  	_ =	shalt  }
0x6b: {  	_ =	shalt  }
0x6c: {  	_ =	shalt  }
0x6d: {  	_ =	shalt  }
0x6e: {  	_ =	shalt  }
0x6f: {  	_ =	shalt  }
0x70: {  	_ =	shalt  }
0x71: {  	_ =	shalt  }
0x72: {  	_ =	shalt  }
0x73: {  	_ =	shalt  }
0x74: {  	_ =	shalt  }
0x75: {  	_ =	shalt  }
0x76: {  	_ =	shalt  }
0x77: {  	_ =	shalt  }
0x78: {  	_ =	shalt  }
0x79: {  	_ =	shalt  }
0x7a: {  	_ =	shalt  }
0x7b: {  	_ =	shalt  }
0x7c: {  	_ =	shalt  }
0x7d: {  	_ =	shalt  }
0x7e: {  	_ =	shalt  }
0x7f: {  	_ =	shalt  }
0x80: {  	_ =	shalt  }
0x81: {  	_ =	shalt  }
0x82: {  	_ =	shalt  }
0x83: {  	_ =	shalt  }
0x84: {  	_ =	shalt  }
0x85: {  	_ =	shalt  }
0x86: {  	_ =	shalt  }
0x87: {  	_ =	shalt  }
.Lfunc_end0:
.L_simem_size_0:
called_computation.2_lowered:
.L_overlay_start_0:
0x88: {  	s2 =	sld [smem:$0x3FD9]  }
0x89: {  	s3 =	sld [smem:$0x3FFE];
	_ =	sdelay $0x1  }
0x8a: {  	s1 =	srdreg.scid  }
0x8b: {  	s0 =	sand.u32 $0x1, s1  }
0x8c: {  	s16 =	sshll.u32 s0, $0xA;
	s2 =	sadd.s32 s3, s2  }
0x8d: {  	s2 =	sadd.s32 s2, s16  }
0x8e: {  	[smem:$0x3FA5] =	sst s2  }
0x8f: {  	_ = 	snop  }
0x90: {  	(tm) =	ssettm $0x1  }
0x91: {  	s17 =	sld [smem:$0x3FFB];
	_ =	sdelay $0x3  }
0x92: {  	_ =	strace s17  }
0x93: {  	s2 =	sld [smem:$0x3FFC];
	_ =	sdelay $0x3  }
0x94: {  	_ =	strace s2  }
0x95: {  	s2 =	sld [smem:$0x3FFD];
	_ =	sdelay $0x3  }
0x96: {  	_ =	strace s2  }
0x97: {  	_ =	strace $0x8FFFFFFF  }
0x98: {  	s18 =	sld [smem:$0x3FDB];
	_ =	sdelay $0x1  }
0x99: {  	s19 =	simm.s32 $_scs_section_size  }
0x9a: {  	s4 =	simm.s32 $_size__tile_overlayer_lowered;
	s5 =	simm.s32 $_tile_overlayer_lowered  }
0x9b: {  	s22 =	simm.s32 $0x1BFF;
	s21 =	sshll.u32 s5, $0x1;
	s2 =	sadd.s32 s19, s18  }
0x9c: {  	s6 =	simm.s32 $0x0;
	s20 =	sshll.u32 s4, $0x1;
	s4 =	sadd.s32 s21, s2  }
0x9d: {  	[timem:s6], [sflag:s22] =	dma.local [hbm:s4], s20  }
0x9e: {  	_ =	swait.ge [sflag:s22], s20  }
0x9f: {  	s3 =	ssub.s32 $0x0, s20;
	[sflag:s22] =	ssyncset.done $0x0  }
0xa0: {  	[sflag:s22] =	ssyncadd.s32 s3;
	_ =	sdelay $0x1  }
0xa1: {  	s23 =	simm.s32 $0x1B8B  }
0xa2: {  	_ =	swait.ge [sflag:s23], $0x1  }
0xa3: {  	[sflag:s23] =	ssyncset.done $0x0  }
0xa4: {  	s25 =	simm.s32 $0x1B8E;
	s24 =	sld [smem:$0x3FFE];
	[sflag:s23] =	ssyncadd.s32 $0xFFFFFFFF  }
0xa5: {  	s26 =	simm.s32 $execute0_lowered;
	[smem:$0x3FD2] =	sst s25  }
0xa6: {  	s4 =	sshll.u32 s26, $0x1;
	_ =	strace $0x80000046;
	[dreg:$0x1] =	wrdreg $0xFFFFFFFF  }
0xa7: {  	s28 =	simm.s32 $_size_execute0_lowered;
	s2 =	sadd.s32 s2, s4;
	[dreg:$0x0] =	wrdreg $0x0  }
0xa8: {  	s4 =	sshll.u32 s28, $0x1;
	[dreg:$0x2] =	wrdreg s2  }
0xa9: {  	[dreg:$0x3] =	wrdreg s4  }
0xaa: {  	[dreg:$0x4] =	wrdreg $0xC0  }
0xab: {  	_ =	task [dreg:s6], $0x5FFFF  }
0xac: {  	[dreg:$0x1] =	wrdreg $0xFFFFFFFF  }
0xad: {  	[dreg:$0x0] =	wrdreg $0x60  }
0xae: {  	[dreg:$0x2] =	wrdreg s24  }
0xaf: {  	[dreg:$0x3] =	wrdreg $0x40800  }
0xb0: {  	[dreg:$0x4] =	wrdreg $0x94800  }
0xb1: {  	[dreg:$0x5] =	wrdreg $0x9  }
0xb2: {  	_ =	task.clear_ibuf [dreg:s6], $0x6FFFF;
	_ =	strace $0x90000046  }
0xb3: {  	s29 =	simm.s32 $0x9;
	_ =	strace $0x80000048  }
0xb4: {  	_ =	swait.ge [sflag:s29], $0x1  }
0xb5: {  	[sflag:s29] =	ssyncadd.s32 $0xFFFFFFFF  }
0xb6: {  	_ =	strace $0x90000048  }
0xb7: {  	_ =	sfence  }
0xb8: {  	s30 =	sld [smem:$0x0];
	_ =	sdelay $0x2  }
0xb9: {  	s31 =	sshll.u32 s1, $0xD;
	s1 =	sshrl.u32 s1, $0x2  }
0xba: {  	s3 =	sand.u32 $0x4000, s31;
	s1 =	sadd.s32 s1, s30  }
0xbb: {  	s0 =	sor.u32 s3, s0;
	s1 =	sshll.u32 s1, $0x11  }
0xbc: {  	s0 =	sor.u32 s1, s0  }
0xbd: {  	s0 =	sadd.s32 $0x8F2B, s0  }
0xbe: {  	[sflag:s0] =	ssyncadd.remote.s32 $0x1  }
0xbf: {  	_ =	sfence.sel $0xFFFF  }
0xc0: {  	[dreg:$0x0] =	wrdreg $0xFFFFFFFF;
	(pc) =	sbr.abs _section_cstart, $3  }
0xc1: {  	[dreg:$0x1] =	wrdreg $0xFFFFFFFF  }
0xc2: {  	_ =	task.clear_ibuf [dreg:s6], $0x2FFFF;
	_ =	strace $0x9FFFFFFF  }
0xc3: {  	(tm) =	ssettm $0x7FFFFFFF  }
tec
execute0_lowered:
.L_overlay_start_1:
0x0: {  	(tag) =	ssettag $0x1  }
0x1: {  	s20 =	rddreg [dreg:$0x0]  }
0x2: {  	s2 =	rddreg [dreg:$0x1]  }
0x3: {  	s0 =	stileid.u32;
	s3 =	rddreg [dreg:$0x2]  }
0x4: {  	s1 =	rddreg [dreg:$0x3];
	s4 =	simm.s32 $0x0;
	s21 =	smul.u32 $0x5000, s0  }
0x5: {  	[smem:$0x7FF] =	sst s4  }
0x6: {  	s6 =	sshll.u32 s0, $0x6;
	_ =	strace $0x80000047;
	s5 =	sshrl.u32 s21, $0x3  }
0x7: {  	s6 =	sor.u32 $0x1C01, s6;
	s7 =	sadd.s32 s21, s2;
	s9 =	sadd.s32 s5, s20  }
0x8: {  	s8 =	sshrl.u32 s7, $0x3;
	s7 =	simm.s32 $0x1;
	s5 =	sadd.s32 $0xC2C00, s9  }
0x9: {  	[spmem:s8], [sflag:s6] =	dma.local [hbm:s5], $0xA00  }
0xa: {  	_ =	swait.ge [sflag:s7], $0xA00  }
0xb: {  	s11 =	srdreg.scid;
	s10 =	sadd.s32 s21, s3;
	[sflag:s7] =	ssyncset.done $0x0  }
0xc: {  	s10 =	sshrl.u32 s10, $0x3;
	s9 =	sadd.s32 $0xCCC00, s9;
	[sflag:s7] =	ssyncadd.s32 $0xFFFFF600  }
0xd: {  	[spmem:s10], [sflag:s6] =	dma.local [hbm:s9], $0xA00  }
0xe: {  	s22 =	sand.u32 $0x1, s11;
	_ =	swait.ge [sflag:s7], $0xA00  }
0xf: {  	s11 =	sadd.s32 $0xD6C00, s20;
	s12 =	sshll.u32 s22, $0x4;
	[sflag:s7] =	ssyncset.done $0x0  }
0x10: {  	s14 =	sor.u32 s0, s12;
	s12 =	simm.s32 $0x5480;
	[sflag:s7] =	ssyncadd.s32 $0xFFFFF600  }
0x11: {  	[tilespmem:s12], [sflag:$0x1] =	stream.linear.gather [hbm4b:s11+s4], $0x4000, $0x38;
	[tilespmem:$0x9E80] =	vst v63  }
0x12: {  	s18 =	smul.u32 $0x180, s14;
	_ =	swait.ge [sflag:s7], $0x4000  }
0x13: {  	[sflag:s7] =	ssyncset.done $0x0  }
0x14: {  	s19 =	sadd.s32 $0x92000, s20;
	s13 =	sshrl.u32 s18, $0x3;
	[sflag:s7] =	ssyncadd.s32 $0xFFFFC000  }
0x15: {  	s13 =	sadd.s32 s19, s13;
	[bflag:$0x0] =	sbarrier.arrive $0xFFFF  }
0x16: {  	[tilespmem:s4], [sflag:$0x1] =	stream.linear.gather [hbm4b:s13+s4], $0x80, $0x38;
	[tilespmem:$0x9E80] =	vst v63  }
0x17: {  	s14 =	smul.u32 $0x1800, s14;
	_ =	swait.ge [sflag:s7], $0x80  }
0x18: {  	s23 =	sadd.s32 $0x32000, s20;
	[sflag:s7] =	ssyncset.done $0x0  }
0x19: {  	s15 =	simm.s32 $0x80;
	s14 =	sadd.s32 s23, s14;
	[sflag:s7] =	ssyncadd.s32 $0xFFFFFF80  }
0x1a: {  	[tilespmem:s15], [sflag:$0x1] =	stream.linear.gather [hbm4b:s14+s4], $0x4000, $0x38;
	[tilespmem:$0x9E80] =	vst v63  }
0x1b: {  	_ =	swait.ge [sflag:s7], $0x4000  }
0x1c: {  	[sflag:s7] =	ssyncset.done $0x0  }
0x1d: {  	[sflag:s7] =	ssyncadd.s32 $0xFFFFC000  }
0x1e: {  	[spmem:s2] =	stream.indirect.scatter.add.f32 [tilespmem:s15], [sflag:$0x1], $0x20, s4, s15, $0xb8;
	[tilespmem:$0x9E80] =	vst v63  }
0x1f: {  	_ =	swait.ge [sflag:s7], $0x1000  }
0x20: {  	[sflag:s7] =	ssyncset.done $0x0  }
0x21: {  	[sflag:s7] =	ssyncadd.s32 $0xFFFFF000  }
0x22: {  	[spmem:s3] =	stream.indirect.scatter.add.f32 [tilespmem:s12], [sflag:$0x1], $0x10, s4, s15, $0xb8;
	[tilespmem:$0x9E80] =	vst v63  }
0x23: {  	s17 =	sadd.s32 $0x80, s18;
	_ =	swait.ge [sflag:s7], $0x800  }
0x24: {  	s16 =	sshrl.u32 s17, $0x3;
	[sflag:s7] =	ssyncset.done $0x0  }
0x25: {  	s16 =	sadd.s32 s19, s16;
	[sflag:s7] =	ssyncadd.s32 $0xFFFFF800  }
0x26: {  	[tilespmem:s4], [sflag:$0x1] =	stream.linear.gather [hbm4b:s16+s4], $0x80, $0x38;
	[tilespmem:$0x9E80] =	vst v63  }
0x27: {  	_ =	swait.ge [sflag:s7], $0x80  }
0x28: {  	s17 =	sshll.u32 s17, $0x4;
	[sflag:s7] =	ssyncset.done $0x0  }
0x29: {  	s17 =	sadd.s32 s23, s17;
	[sflag:s7] =	ssyncadd.s32 $0xFFFFFF80  }
0x2a: {  	[tilespmem:s15], [sflag:$0x1] =	stream.linear.gather [hbm4b:s17+s4], $0x4000, $0x38;
	[tilespmem:$0x9E80] =	vst v63  }
0x2b: {  	_ =	swait.ge [sflag:s7], $0x4000  }
0x2c: {  	[sflag:s7] =	ssyncset.done $0x0  }
0x2d: {  	[sflag:s7] =	ssyncadd.s32 $0xFFFFC000  }
0x2e: {  	[spmem:s2] =	stream.indirect.scatter.add.f32 [tilespmem:s15], [sflag:$0x1], $0x20, s4, s15, $0xb8;
	[tilespmem:$0x9E80] =	vst v63  }
0x2f: {  	_ =	swait.ge [sflag:s7], $0x1000  }
0x30: {  	[sflag:s7] =	ssyncset.done $0x0  }
0x31: {  	[sflag:s7] =	ssyncadd.s32 $0xFFFFF000  }
0x32: {  	[spmem:s3] =	stream.indirect.scatter.add.f32 [tilespmem:s12], [sflag:$0x1], $0x10, s4, s15, $0xb8;
	[tilespmem:$0x9E80] =	vst v63  }
0x33: {  	s24 =	sadd.s32 $0x100, s18;
	_ =	swait.ge [sflag:s7], $0x800  }
0x34: {  	s18 =	sshrl.u32 s24, $0x3;
	[sflag:s7] =	ssyncset.done $0x0  }
0x35: {  	s18 =	sadd.s32 s19, s18;
	[sflag:s7] =	ssyncadd.s32 $0xFFFFF800  }
0x36: {  	[tilespmem:s4], [sflag:$0x1] =	stream.linear.gather [hbm4b:s18+s4], $0x80, $0x38;
	[tilespmem:$0x9E80] =	vst v63  }
0x37: {  	_ =	swait.ge [sflag:s7], $0x80  }
0x38: {  	s29 =	sshll.u32 s24, $0x4;
	[sflag:s7] =	ssyncset.done $0x0  }
0x39: {  	s19 =	sadd.s32 s23, s29;
	[sflag:s7] =	ssyncadd.s32 $0xFFFFFF80  }
0x3a: {  	[tilespmem:s15], [sflag:$0x1] =	stream.linear.gather [hbm4b:s19+s4], $0x4000, $0x38;
	[tilespmem:$0x9E80] =	vst v63  }
0x3b: {  	_ =	swait.ge [sflag:s7], $0x4000  }
0x3c: {  	[sflag:s7] =	ssyncset.done $0x0  }
0x3d: {  	[sflag:s7] =	ssyncadd.s32 $0xFFFFC000  }
0x3e: {  	[spmem:s2] =	stream.indirect.scatter.add.f32 [tilespmem:s15], [sflag:$0x1], $0x20, s4, s15, $0xb8;
	[tilespmem:$0x9E80] =	vst v63  }
0x3f: {  	_ =	swait.ge [sflag:s7], $0x1000  }
0x40: {  	[sflag:s7] =	ssyncset.done $0x0  }
0x41: {  	s30 =	smul.u32 $0x50000, s22;
	[sflag:s7] =	ssyncadd.s32 $0xFFFFF000  }
0x42: {  	[spmem:s3] =	stream.indirect.scatter.add.f32 [tilespmem:s12], [sflag:$0x1], $0x10, s4, s15, $0xb8;
	[tilespmem:$0x9E80] =	vst v63  }
0x43: {  	s22 =	ssub.s32 $0x2, s22;
	s21 =	sadd.s32 s21, s30;
	_ =	swait.ge [sflag:s7], $0x800  }
0x44: {  	s31 =	sshrl.u32 s22, $0x1;
	s21 =	sshrl.u32 s21, $0x3;
	[sflag:s7] =	ssyncset.done $0x0  }
0x45: {  	s22 =	ssub.s32 s22, s31;
	s21 =	sadd.s32 s21, s20;
	[sflag:s7] =	ssyncadd.s32 $0xFFFFF800  }
0x46: {  	s22 =	smax.u32 s22, $0x1;
	s20 =	sadd.s32 $0xD7400, s21;
	[bflag:$0x0] =	sbarrier.arrive $0xFFFF  }
0x47: {  	[hbm:s20], [sflag:s6] =	dma.local [spmem:s8], $0xA00  }
0x48: {  	p0 =	sne.s32 s22, $0x1;
	_ =	swait.ge [sflag:s7], $0xA00  }
.Ltmp0:
0x49: {  	[sflag:s7] =	ssyncset.done $0x0;
	(pc) =	sbr.rel @!p0 .LBB2_2-.Ltmp0, $4  }
0x4a: {  	s21 =	sadd.s32 $0xEB400, s21;
	[sflag:s7] =	ssyncadd.s32 $0xFFFFF600  }
0x4b: {  	[hbm:s21], [sflag:s6] =	dma.local [spmem:s10], $0xA00  }
0x4c: {  	_ =	swait.ge [sflag:s7], $0xA00  }
0x4d: {  	s22 =	sadd.s32 $0xFFFFFFFF, s22;
	[sflag:s7] =	ssyncset.done $0x0  }
.LBB2_1:
0x4e: {  	p0 =	sne.s32 s22, $0x1;
	s22 =	sadd.s32 $0xFFFFFFFF, s22;
	[sflag:s7] =	ssyncadd.s32 $0xFFFFF600  }
0x4f: {  	[spmem:s8], [sflag:s6] =	dma.local [hbm:s5], $0xA00  }
0x50: {  	_ =	swait.ge [sflag:s7], $0xA00  }
0x51: {  	[sflag:s7] =	ssyncset.done $0x0  }
0x52: {  	[sflag:s7] =	ssyncadd.s32 $0xFFFFF600  }
0x53: {  	[spmem:s10], [sflag:s6] =	dma.local [hbm:s9], $0xA00  }
0x54: {  	_ =	swait.ge [sflag:s7], $0xA00  }
0x55: {  	[sflag:s7] =	ssyncset.done $0x0  }
0x56: {  	[sflag:s7] =	ssyncadd.s32 $0xFFFFF600  }
0x57: {  	[tilespmem:s12], [sflag:$0x1] =	stream.linear.gather [hbm4b:s11+s4], $0x4000, $0x38;
	[tilespmem:$0x9E80] =	vst v63  }
0x58: {  	_ =	swait.ge [sflag:s7], $0x4000  }
0x59: {  	[sflag:s7] =	ssyncset.done $0x0  }
0x5a: {  	[sflag:s7] =	ssyncadd.s32 $0xFFFFC000  }
0x5b: {  	[bflag:$0x0] =	sbarrier.arrive $0xFFFF  }
0x5c: {  	[tilespmem:s4], [sflag:$0x1] =	stream.linear.gather [hbm4b:s13+s4], $0x80, $0x38;
	[tilespmem:$0x9E80] =	vst v63  }
0x5d: {  	_ =	swait.ge [sflag:s7], $0x80  }
0x5e: {  	[sflag:s7] =	ssyncset.done $0x0  }
0x5f: {  	[sflag:s7] =	ssyncadd.s32 $0xFFFFFF80  }
0x60: {  	[tilespmem:s15], [sflag:$0x1] =	stream.linear.gather [hbm4b:s14+s4], $0x4000, $0x38;
	[tilespmem:$0x9E80] =	vst v63  }
0x61: {  	_ =	swait.ge [sflag:s7], $0x4000  }
0x62: {  	[sflag:s7] =	ssyncset.done $0x0  }
0x63: {  	[sflag:s7] =	ssyncadd.s32 $0xFFFFC000  }
0x64: {  	[spmem:s2] =	stream.indirect.scatter.add.f32 [tilespmem:s15], [sflag:$0x1], $0x20, s4, s15, $0xb8;
	[tilespmem:$0x9E80] =	vst v63  }
0x65: {  	_ =	swait.ge [sflag:s7], $0x1000  }
0x66: {  	[sflag:s7] =	ssyncset.done $0x0  }
0x67: {  	[sflag:s7] =	ssyncadd.s32 $0xFFFFF000  }
0x68: {  	[spmem:s3] =	stream.indirect.scatter.add.f32 [tilespmem:s12], [sflag:$0x1], $0x10, s4, s15, $0xb8;
	[tilespmem:$0x9E80] =	vst v63  }
0x69: {  	_ =	swait.ge [sflag:s7], $0x800  }
0x6a: {  	[sflag:s7] =	ssyncset.done $0x0  }
0x6b: {  	[sflag:s7] =	ssyncadd.s32 $0xFFFFF800  }
0x6c: {  	[tilespmem:s4], [sflag:$0x1] =	stream.linear.gather [hbm4b:s16+s4], $0x80, $0x38;
	[tilespmem:$0x9E80] =	vst v63  }
0x6d: {  	_ =	swait.ge [sflag:s7], $0x80  }
0x6e: {  	[sflag:s7] =	ssyncset.done $0x0  }
0x6f: {  	[sflag:s7] =	ssyncadd.s32 $0xFFFFFF80  }
0x70: {  	[tilespmem:s15], [sflag:$0x1] =	stream.linear.gather [hbm4b:s17+s4], $0x4000, $0x38;
	[tilespmem:$0x9E80] =	vst v63  }
0x71: {  	_ =	swait.ge [sflag:s7], $0x4000  }
0x72: {  	[sflag:s7] =	ssyncset.done $0x0  }
0x73: {  	[sflag:s7] =	ssyncadd.s32 $0xFFFFC000  }
0x74: {  	[spmem:s2] =	stream.indirect.scatter.add.f32 [tilespmem:s15], [sflag:$0x1], $0x20, s4, s15, $0xb8;
	[tilespmem:$0x9E80] =	vst v63  }
0x75: {  	_ =	swait.ge [sflag:s7], $0x1000  }
0x76: {  	[sflag:s7] =	ssyncset.done $0x0  }
0x77: {  	[sflag:s7] =	ssyncadd.s32 $0xFFFFF000  }
0x78: {  	[spmem:s3] =	stream.indirect.scatter.add.f32 [tilespmem:s12], [sflag:$0x1], $0x10, s4, s15, $0xb8;
	[tilespmem:$0x9E80] =	vst v63  }
0x79: {  	_ =	swait.ge [sflag:s7], $0x800  }
0x7a: {  	[sflag:s7] =	ssyncset.done $0x0  }
0x7b: {  	[sflag:s7] =	ssyncadd.s32 $0xFFFFF800  }
0x7c: {  	[tilespmem:s4], [sflag:$0x1] =	stream.linear.gather [hbm4b:s18+s4], $0x80, $0x38;
	[tilespmem:$0x9E80] =	vst v63  }
0x7d: {  	_ =	swait.ge [sflag:s7], $0x80  }
0x7e: {  	[sflag:s7] =	ssyncset.done $0x0  }
0x7f: {  	[sflag:s7] =	ssyncadd.s32 $0xFFFFFF80  }
0x80: {  	[tilespmem:s15], [sflag:$0x1] =	stream.linear.gather [hbm4b:s19+s4], $0x4000, $0x38;
	[tilespmem:$0x9E80] =	vst v63  }
0x81: {  	_ =	swait.ge [sflag:s7], $0x4000  }
0x82: {  	[sflag:s7] =	ssyncset.done $0x0  }
0x83: {  	[sflag:s7] =	ssyncadd.s32 $0xFFFFC000  }
0x84: {  	[spmem:s2] =	stream.indirect.scatter.add.f32 [tilespmem:s15], [sflag:$0x1], $0x20, s4, s15, $0xb8;
	[tilespmem:$0x9E80] =	vst v63  }
0x85: {  	_ =	swait.ge [sflag:s7], $0x1000  }
0x86: {  	[sflag:s7] =	ssyncset.done $0x0  }
0x87: {  	[sflag:s7] =	ssyncadd.s32 $0xFFFFF000  }
0x88: {  	[spmem:s3] =	stream.indirect.scatter.add.f32 [tilespmem:s12], [sflag:$0x1], $0x10, s4, s15, $0xb8;
	[tilespmem:$0x9E80] =	vst v63  }
0x89: {  	_ =	swait.ge [sflag:s7], $0x800  }
0x8a: {  	[sflag:s7] =	ssyncset.done $0x0  }
0x8b: {  	[sflag:s7] =	ssyncadd.s32 $0xFFFFF800  }
0x8c: {  	[bflag:$0x0] =	sbarrier.arrive $0xFFFF  }
0x8d: {  	[hbm:s20], [sflag:s6] =	dma.local [spmem:s8], $0xA00  }
0x8e: {  	_ =	swait.ge [sflag:s7], $0xA00  }
.Ltmp1:
0x8f: {  	[sflag:s7] =	ssyncset.done $0x0;
	(pc) =	sbr.rel @p0 .LBB2_1-.Ltmp1, $4  }
0x90: {  	[sflag:s7] =	ssyncadd.s32 $0xFFFFF600  }
0x91: {  	[hbm:s21], [sflag:s6] =	dma.local [spmem:s10], $0xA00  }
0x92: {  	_ =	swait.ge [sflag:s7], $0xA00  }
0x93: {  	[sflag:s7] =	ssyncset.done $0x0  }
.LBB2_2:
0x94: {  	[sflag:s7] =	ssyncadd.s32 $0xFFFFF600  }
0x95: {  	_ =	sfence.sel $0x180000  }
0x96: {  	[bflag:$0x0] =	sbarrier.arrive $0xFFFF  }
0x97: {  	p0 =	sne.s32 s0, $0x0;
	_ =	strace $0x90000047  }
0x98: {  	s0 =	sadd.s32 @!p0 $0x100000, s1;
	[bflag:$0x2] =	sbarrier.arrive $0xFFFF  }
0x99: {  	[sflag:s0] =	ssyncadd.tile.s32 @!p0 $0x1;
	_ =	shalt  }
.Lfunc_end2:
_tile_overlayer_lowered:
.L_overlay_start_2:
0x9a: {  	(tag) =	ssettag $0x2  }
0x9b: {  	s0 =	rddreg [dreg:$0x0];
	s2 =	stileid.u32  }
0x9c: {  	s1 =	rddreg [dreg:$0x1];
	p0 =	sne.s32 s2, $0x0  }
0x9d: {  	s3 =	rddreg [dreg:$0x2];
	[bflag:$0x3] =	sbarrier.arrive $0xFFFF;
	s2 =	simm.s32 @!p0 $0x1C02  }
0x9e: {  	[timem:s3], [sflag:s2] =	dma.local @!p0 [hbm:s0], s1  }
0x9f: {  	s0 =	simm.s32 @!p0 $0x2  }
0xa0: {  	_ =	swait.ge @!p0 [sflag:s0], s1  }
0xa1: {  	s1 =	ssub.s32 @!p0 $0x0, s1;
	[sflag:s0] =	ssyncset.done @!p0 $0x0  }
0xa2: {  	[sflag:s0] =	ssyncadd.s32 @!p0 s1  }
0xa3: {  	[bflag:$0x3] =	sbarrier.arrive $0xFFFF  }
0xa4: {  	_ =	shalt  }

// kernel: kernel.16.cloned.1.call-start
scs
__scs_entry_jumppad:
0x0: {  	(pc) =	sbr.rel $0x88, $3  }
0x1: {  	(tag) =	ssettag $0x0;
	lr =	simm.s32 $0x1  }
0x2: {  	[smem:$0x3F7E] =	sst lr;
	_ =	strace $0xD0000000  }
0x3: {  	_ = 	snop  }
0x4: {  	_ = 	snop  }
0x5: {  	_ = 	snop  }
0x6: {  	_ = 	snop  }
0x7: {  	_ = 	snop  }
__scs_overlays_trampoline_lowered:
0x8: {  	[smem:$0x3F8D] =	sst s0  }
0x9: {  	[smem:$0x3F8E] =	sst s1  }
0xa: {  	[smem:$0x3F8F] =	sst s2  }
0xb: {  	[smem:$0x3F90] =	sst s3  }
0xc: {  	[smem:$0x3F91] =	sst s4  }
0xd: {  	[smem:$0x3F92] =	sst s5  }
0xe: {  	[smem:$0x3F93] =	sst s6  }
0xf: {  	[smem:$0x3F94] =	sst s7  }
0x10: {  	[smem:$0x3F95] =	sst s8  }
0x11: {  	[smem:$0x3F96] =	sst s9;
	s0 =	simm.s32 @!p0 $0x0  }
0x12: {  	s1 =	sld [smem:$0x3F7C];
	s0 =	simm.s32 @p0 $0x1  }
0x13: {  	[smem:$0x3F97] =	sst s0;
	s0 =	simm.s32 @!p1 $0x0  }
0x14: {  	s2 =	sld [smem:$0x3F7B];
	s0 =	simm.s32 @p1 $0x1  }
0x15: {  	[smem:$0x3F98] =	sst s0;
	s0 =	simm.s32 @!p2 $0x0  }
0x16: {  	s3 =	sld [smem:$0x3FDB];
	s0 =	simm.s32 @p2 $0x1  }
0x17: {  	s4 =	simm.s32 $0x1BF5;
	[smem:$0x3F9A] =	sst s0  }
0x18: {  	s0 =	sld [smem:$0x3F7D];
	_ =	swait.ge [sflag:s4], $0x0  }
0x19: {  	s7 =	sld [smem:$0x3F7E]  }
0x1a: {  	s8 =	sadd.s32 $0xFFFFE003, lr  }
0x1b: {  	s9 =	sadd.s32 $0xFFFFFEF7, lr;
	s5 =	simm.s32 $0xFFFFFFFF;
	p2 =	slt.u32 s8, $0xFFFFF086  }
0x1c: {  	p1 =	slt.u32 s9, $0xF7A;
	s5 =	simm.s32 @!p2 $0x0  }
0x1d: {  	s5 =	simm.s32 @p1 $0x1;
	p0 =	seq.s32 s7, s2  }
0x1e: {  	s7 =	smul.u32 @!p0 $0xF7A, s2;
	p2 =	seq.s32 @!p0 s5, $0x0  }
0x1f: {  	s9 =	smul.u32 $0xF7A, s1;
	s8 =	simm.s32 @!p0 $0x1BF5;
	p2 =	por !p2, p0  }
0x20: {  	[sflag:s8] =	ssyncset.s32 @!p0 $0xFFFFF086;
	s6 =	sadd.s32 @!p0 s3, s7;
	s7 =	simm.s32 @!p0 $0x108  }
0x21: {  	s3 =	sadd.s32 s3, s9;
	s6 =	sadd.s32 @!p0 $0x88, s6;
	s7 =	simm.s32 @p2 $0x1082  }
0x22: {  	[simem:s7], [sflag:s8] =	dma.local @!p0 [hbm:s6], $0xF7A  }
0x23: {  	s9 =	sor.u32 $0xD0000000, s2;
	s6 =	simm.s32 $0x108;
	_ =	swait.ge @!p0 [sflag:s8], $0x0  }
0x24: {  	s3 =	sadd.s32 $0x88, s3;
	s6 =	simm.s32 @!p1 $0x1082;
	[sflag:s4] =	ssyncset.s32 $0xFFFFF086  }
0x25: {  	[simem:s6], [sflag:s4] =	dma.local [hbm:s3], $0xF7A  }
0x26: {  	[smem:$0x3F7E] =	sst s1;
	(tag) =	ssettag s2;
	_ =	strace s9  }
0x27: {  	s1 =	sld [smem:$0x3F8E]  }
0x28: {  	s2 =	sld [smem:$0x3F8F]  }
0x29: {  	s4 =	sld [smem:$0x3F91]  }
0x2a: {  	p0 =	seq.s32 s5, $0x0;
	s5 =	sld [smem:$0x3F92]  }
0x2b: {  	s6 =	sld [smem:$0x3F93]  }
0x2c: {  	s7 =	sld [smem:$0x3F94]  }
0x2d: {  	s3 =	simm.s32 $0x108;
	s8 =	sld [smem:$0x3F95]  }
0x2e: {  	s3 =	simm.s32 @!p0 $0x1082;
	s9 =	sld [smem:$0x3F96]  }
0x2f: {  	lr =	sadd.s32 s0, s3;
	s0 =	sld [smem:$0x3F8D]  }
0x30: {  	s3 =	sld [smem:$0x3F90]  }
0x31: {  	[smem:$0x3F99] =	sst s10  }
0x32: {  	s10 =	sld [smem:$0x3F97];
	_ =	sdelay $0x3  }
0x33: {  	p0 =	seq.s32 s10, $0x1;
	s10 =	sld [smem:$0x3F99];
	_ =	sdelay $0x3  }
0x34: {  	[smem:$0x3F99] =	sst s10  }
0x35: {  	s10 =	sld [smem:$0x3F98];
	_ =	sdelay $0x3  }
0x36: {  	p1 =	seq.s32 s10, $0x1;
	s10 =	sld [smem:$0x3F99];
	_ =	sdelay $0x3  }
0x37: {  	[smem:$0x3F99] =	sst s10  }
0x38: {  	s10 =	sld [smem:$0x3F9A]  }
0x39: {  	_ = 	snop;
	(pc) =	sbr.ind lr, $3  }
0x3a: {  	_ = 	snop  }
0x3b: {  	_ = 	snop  }
0x3c: {  	p2 =	seq.s32 s10, $0x1;
	s10 =	sld [smem:$0x3F99]  }
0x3d: {  	_ =	shalt  }
0x3e: {  	_ =	shalt  }
0x3f: {  	_ =	shalt  }
0x40: {  	_ =	shalt  }
0x41: {  	_ =	shalt  }
0x42: {  	_ =	shalt  }
0x43: {  	_ =	shalt  }
0x44: {  	_ =	shalt  }
0x45: {  	_ =	shalt  }
0x46: {  	_ =	shalt  }
0x47: {  	_ =	shalt  }
0x48: {  	_ =	shalt  }
0x49: {  	_ =	shalt  }
0x4a: {  	_ =	shalt  }
0x4b: {  	_ =	shalt  }
0x4c: {  	_ =	shalt  }
0x4d: {  	_ =	shalt  }
0x4e: {  	_ =	shalt  }
0x4f: {  	_ =	shalt  }
0x50: {  	_ =	shalt  }
0x51: {  	_ =	shalt  }
0x52: {  	_ =	shalt  }
0x53: {  	_ =	shalt  }
0x54: {  	_ =	shalt  }
0x55: {  	_ =	shalt  }
0x56: {  	_ =	shalt  }
0x57: {  	_ =	shalt  }
0x58: {  	_ =	shalt  }
0x59: {  	_ =	shalt  }
0x5a: {  	_ =	shalt  }
0x5b: {  	_ =	shalt  }
0x5c: {  	_ =	shalt  }
0x5d: {  	_ =	shalt  }
0x5e: {  	_ =	shalt  }
0x5f: {  	_ =	shalt  }
0x60: {  	_ =	shalt  }
0x61: {  	_ =	shalt  }
0x62: {  	_ =	shalt  }
0x63: {  	_ =	shalt  }
0x64: {  	_ =	shalt  }
0x65: {  	_ =	shalt  }
0x66: {  	_ =	shalt  }
0x67: {  	_ =	shalt  }
0x68: {  	_ =	shalt  }
0x69: {  	_ =	shalt  }
0x6a: {  	_ =	shalt  }
0x6b: {  	_ =	shalt  }
0x6c: {  	_ =	shalt  }
0x6d: {  	_ =	shalt  }
0x6e: {  	_ =	shalt  }
0x6f: {  	_ =	shalt  }
0x70: {  	_ =	shalt  }
0x71: {  	_ =	shalt  }
0x72: {  	_ =	shalt  }
0x73: {  	_ =	shalt  }
0x74: {  	_ =	shalt  }
0x75: {  	_ =	shalt  }
0x76: {  	_ =	shalt  }
0x77: {  	_ =	shalt  }
0x78: {  	_ =	shalt  }
0x79: {  	_ =	shalt  }
0x7a: {  	_ =	shalt  }
0x7b: {  	_ =	shalt  }
0x7c: {  	_ =	shalt  }
0x7d: {  	_ =	shalt  }
0x7e: {  	_ =	shalt  }
0x7f: {  	_ =	shalt  }
0x80: {  	_ =	shalt  }
0x81: {  	_ =	shalt  }
0x82: {  	_ =	shalt  }
0x83: {  	_ =	shalt  }
0x84: {  	_ =	shalt  }
0x85: {  	_ =	shalt  }
0x86: {  	_ =	shalt  }
0x87: {  	_ =	shalt  }
.Lfunc_end0:
.L_simem_size_0:
called_computation.3_lowered:
.L_overlay_start_0:
0x88: {  	s2 =	sld [smem:$0x3FD9]  }
0x89: {  	s3 =	sld [smem:$0x3FFE];
	_ =	sdelay $0x1  }
0x8a: {  	s1 =	srdreg.scid  }
0x8b: {  	s0 =	sand.u32 $0x1, s1  }
0x8c: {  	s16 =	sshll.u32 s0, $0xA;
	s2 =	sadd.s32 s3, s2  }
0x8d: {  	s2 =	sadd.s32 s2, s16  }
0x8e: {  	[smem:$0x3FA5] =	sst s2  }
0x8f: {  	_ = 	snop  }
0x90: {  	(tm) =	ssettm $0x1  }
0x91: {  	s17 =	sld [smem:$0x3FFB];
	_ =	sdelay $0x3  }
0x92: {  	_ =	strace s17  }
0x93: {  	s2 =	sld [smem:$0x3FFC];
	_ =	sdelay $0x3  }
0x94: {  	_ =	strace s2  }
0x95: {  	s2 =	sld [smem:$0x3FFD];
	_ =	sdelay $0x3  }
0x96: {  	_ =	strace s2  }
0x97: {  	_ =	strace $0x8FFFFFFF  }
0x98: {  	s18 =	sld [smem:$0x3FDB];
	_ =	sdelay $0x1  }
0x99: {  	s19 =	simm.s32 $_scs_section_size  }
0x9a: {  	s4 =	simm.s32 $_size__tile_overlayer_lowered;
	s5 =	simm.s32 $_tile_overlayer_lowered  }
0x9b: {  	s22 =	simm.s32 $0x1BFF;
	s21 =	sshll.u32 s5, $0x1;
	s2 =	sadd.s32 s19, s18  }
0x9c: {  	s6 =	simm.s32 $0x0;
	s20 =	sshll.u32 s4, $0x1;
	s4 =	sadd.s32 s21, s2  }
0x9d: {  	[timem:s6], [sflag:s22] =	dma.local [hbm:s4], s20  }
0x9e: {  	_ =	swait.ge [sflag:s22], s20  }
0x9f: {  	s3 =	ssub.s32 $0x0, s20;
	[sflag:s22] =	ssyncset.done $0x0  }
0xa0: {  	[sflag:s22] =	ssyncadd.s32 s3;
	_ =	sdelay $0x1  }
0xa1: {  	s23 =	simm.s32 $0x1B8B  }
0xa2: {  	_ =	swait.ge [sflag:s23], $0x1  }
0xa3: {  	[sflag:s23] =	ssyncset.done $0x0  }
0xa4: {  	s25 =	simm.s32 $0x1B8E;
	s24 =	sld [smem:$0x3FFE];
	[sflag:s23] =	ssyncadd.s32 $0xFFFFFFFF  }
0xa5: {  	s26 =	simm.s32 $execute0_lowered;
	[smem:$0x3FD2] =	sst s25  }
0xa6: {  	s4 =	sshll.u32 s26, $0x1;
	_ =	strace $0x8000004C;
	[dreg:$0x1] =	wrdreg $0xFFFFFFFF  }
0xa7: {  	s28 =	simm.s32 $_size_execute0_lowered;
	s2 =	sadd.s32 s2, s4;
	[dreg:$0x0] =	wrdreg $0x0  }
0xa8: {  	s4 =	sshll.u32 s28, $0x1;
	[dreg:$0x2] =	wrdreg s2  }
0xa9: {  	[dreg:$0x3] =	wrdreg s4  }
0xaa: {  	[dreg:$0x4] =	wrdreg $0xC0  }
0xab: {  	_ =	task [dreg:s6], $0x5FFFF  }
0xac: {  	[dreg:$0x1] =	wrdreg $0xFFFFFFFF  }
0xad: {  	[dreg:$0x0] =	wrdreg $0x60  }
0xae: {  	[dreg:$0x2] =	wrdreg s24  }
0xaf: {  	[dreg:$0x3] =	wrdreg $0x82000  }
0xb0: {  	[dreg:$0x4] =	wrdreg $0x96000  }
0xb1: {  	[dreg:$0x5] =	wrdreg $0x9  }
0xb2: {  	_ =	task.clear_ibuf [dreg:s6], $0x6FFFF;
	_ =	strace $0x9000004C  }
0xb3: {  	s29 =	simm.s32 $0x9;
	_ =	strace $0x8000004E  }
0xb4: {  	_ =	swait.ge [sflag:s29], $0x1  }
0xb5: {  	[sflag:s29] =	ssyncadd.s32 $0xFFFFFFFF  }
0xb6: {  	_ =	strace $0x9000004E  }
0xb7: {  	_ =	sfence  }
0xb8: {  	s30 =	sld [smem:$0x0];
	_ =	sdelay $0x2  }
0xb9: {  	s31 =	sshll.u32 s1, $0xD;
	s1 =	sshrl.u32 s1, $0x2  }
0xba: {  	s3 =	sand.u32 $0x4000, s31;
	s1 =	sadd.s32 s1, s30  }
0xbb: {  	s0 =	sor.u32 s3, s0;
	s1 =	sshll.u32 s1, $0x11  }
0xbc: {  	s0 =	sor.u32 s1, s0  }
0xbd: {  	s0 =	sadd.s32 $0x8F2B, s0  }
0xbe: {  	[sflag:s0] =	ssyncadd.remote.s32 $0x1  }
0xbf: {  	_ =	sfence.sel $0xFFFF  }
0xc0: {  	[dreg:$0x0] =	wrdreg $0xFFFFFFFF;
	(pc) =	sbr.abs _section_cstart, $3  }
0xc1: {  	[dreg:$0x1] =	wrdreg $0xFFFFFFFF  }
0xc2: {  	_ =	task.clear_ibuf [dreg:s6], $0x2FFFF;
	_ =	strace $0x9FFFFFFF  }
0xc3: {  	(tm) =	ssettm $0x7FFFFFFF  }
tec
execute0_lowered:
.L_overlay_start_1:
0x0: {  	(tag) =	ssettag $0x1  }
0x1: {  	s19 =	rddreg [dreg:$0x0]  }
0x2: {  	s2 =	rddreg [dreg:$0x1]  }
0x3: {  	s3 =	rddreg [dreg:$0x2]  }
0x4: {  	s0 =	rddreg [dreg:$0x3];
	s1 =	stileid.u32  }
0x5: {  	s4 =	simm.s32 $0x0;
	s6 =	srdreg.scid;
	s5 =	smul.u32 $0xA00, s1  }
0x6: {  	[smem:$0x7FF] =	sst s4;
	s23 =	sand.u32 $0x1, s6;
	s9 =	smul.u32 $0x5000, s1  }
0x7: {  	s26 =	sshll.u32 s1, $0x6;
	_ =	strace $0x8000004D;
	s11 =	sshll.u32 s23, $0x4  }
0x8: {  	s6 =	sor.u32 $0x1C01, s26;
	s10 =	sadd.s32 s5, s19;
	s7 =	sadd.s32 s9, s2  }
0x9: {  	s5 =	sadd.s32 $0xC2C00, s10;
	s8 =	sshrl.u32 s7, $0x3;
	s7 =	simm.s32 $0x1  }
0xa: {  	[spmem:s8], [sflag:s6] =	dma.local [hbm:s5], $0xA00  }
0xb: {  	s17 =	sor.u32 s1, s11;
	_ =	swait.ge [sflag:s7], $0xA00  }
0xc: {  	s28 =	sadd.s32 s9, s3;
	s14 =	smul.u32 $0x180, s17;
	[sflag:s7] =	ssyncset.done $0x0  }
0xd: {  	s9 =	sadd.s32 $0xCCC00, s10;
	s10 =	sshrl.u32 s28, $0x3;
	[sflag:s7] =	ssyncadd.s32 $0xFFFFF600  }
0xe: {  	[spmem:s10], [sflag:s6] =	dma.local [hbm:s9], $0xA00  }
0xf: {  	_ =	swait.ge [sflag:s7], $0xA00  }
0x10: {  	s15 =	sadd.s32 $0x92600, s19;
	s29 =	sshrl.u32 s14, $0x3;
	[sflag:s7] =	ssyncset.done $0x0  }
0x11: {  	s11 =	sadd.s32 s15, s29;
	[sflag:s7] =	ssyncadd.s32 $0xFFFFF600  }
0x12: {  	[tilespmem:s4], [sflag:$0x1] =	stream.linear.gather [hbm4b:s11+s4], $0x80, $0x38;
	[tilespmem:$0xAA00] =	vst v63  }
0x13: {  	s20 =	sadd.s32 $0x80, s14;
	_ =	swait.ge [sflag:s7], $0x80  }
0x14: {  	s12 =	sshrl.u32 s20, $0x3;
	[sflag:s7] =	ssyncset.done $0x0  }
0x15: {  	s13 =	simm.s32 $0x80;
	s12 =	sadd.s32 s15, s12;
	[sflag:s7] =	ssyncadd.s32 $0xFFFFFF80  }
0x16: {  	[tilespmem:s13], [sflag:$0x1] =	stream.linear.gather [hbm4b:s12+s4], $0x80, $0x38;
	[tilespmem:$0xAA00] =	vst v63  }
0x17: {  	s22 =	sadd.s32 $0x100, s14;
	_ =	swait.ge [sflag:s7], $0x80  }
0x18: {  	s14 =	sshrl.u32 s22, $0x3;
	[sflag:s7] =	ssyncset.done $0x0  }
0x19: {  	s14 =	sadd.s32 s15, s14;
	s15 =	simm.s32 $0x100;
	[sflag:s7] =	ssyncadd.s32 $0xFFFFFF80  }
0x1a: {  	[tilespmem:s15], [sflag:$0x1] =	stream.linear.gather [hbm4b:s14+s4], $0x80, $0x38;
	[tilespmem:$0xAA00] =	vst v63  }
0x1b: {  	_ =	swait.ge [sflag:s7], $0x80  }
0x1c: {  	[sflag:s7] =	ssyncset.done $0x0  }
0x1d: {  	[sflag:s7] =	ssyncadd.s32 $0xFFFFFF80  }
0x1e: {  	s16 =	simm.s32 $0x200;
	[bflag:$0x0] =	sbarrier.arrive $0xFFFF  }
0x1f: {  	[tilespmem:s16], [sflag:$0x1] =	stream.indirect.gather [spmem:s2], $0x20, s4, s13, $0xb8;
	[tilespmem:$0xAA00] =	vst v63  }
0x20: {  	s21 =	smul.u32 $0x1800, s17;
	_ =	swait.ge [sflag:s7], $0x1000  }
0x21: {  	s24 =	sadd.s32 $0x100800, s19;
	[sflag:s7] =	ssyncset.done $0x0  }
0x22: {  	s17 =	sadd.s32 s24, s21;
	[sflag:s7] =	ssyncadd.s32 $0xFFFFF000  }
0x23: {  	[hbm4b:s17+s4] =	stream.linear.scatter [tilespmem:s16], [sflag:$0x1], $0x4000, $0x38;
	[tilespmem:$0xAA00] =	vst v63  }
0x24: {  	_ =	swait.ge [sflag:s7], $0x4000  }
0x25: {  	[sflag:s7] =	ssyncset.done $0x0  }
0x26: {  	s18 =	simm.s32 $0x4200;
	[sflag:s7] =	ssyncadd.s32 $0xFFFFC000  }
0x27: {  	[tilespmem:s18], [sflag:$0x1] =	stream.indirect.gather [spmem:s3], $0x20, s4, s13, $0xb8;
	[tilespmem:$0xAA00] =	vst v63  }
0x28: {  	_ =	swait.ge [sflag:s7], $0x1000  }
0x29: {  	s25 =	sadd.s32 $0x130800, s19;
	[sflag:s7] =	ssyncset.done $0x0  }
0x2a: {  	s19 =	sadd.s32 s25, s21;
	[sflag:s7] =	ssyncadd.s32 $0xFFFFF000  }
0x2b: {  	[hbm4b:s19+s4] =	stream.linear.scatter [tilespmem:s18], [sflag:$0x1], $0x4000, $0x38;
	[tilespmem:$0xAA00] =	vst v63  }
0x2c: {  	_ =	swait.ge [sflag:s7], $0x4000  }
0x2d: {  	[sflag:s7] =	ssyncset.done $0x0  }
0x2e: {  	[sflag:s7] =	ssyncadd.s32 $0xFFFFC000  }
0x2f: {  	[tilespmem:s16], [sflag:$0x1] =	stream.indirect.gather [spmem:s2], $0x20, s13, s13, $0xb8;
	[tilespmem:$0xAA00] =	vst v63  }
0x30: {  	_ =	swait.ge [sflag:s7], $0x1000  }
0x31: {  	s30 =	sshll.u32 s20, $0x4;
	[sflag:s7] =	ssyncset.done $0x0  }
0x32: {  	s20 =	sadd.s32 s24, s30;
	[sflag:s7] =	ssyncadd.s32 $0xFFFFF000  }
0x33: {  	[hbm4b:s20+s4] =	stream.linear.scatter [tilespmem:s16], [sflag:$0x1], $0x4000, $0x38;
	[tilespmem:$0xAA00] =	vst v63  }
0x34: {  	_ =	swait.ge [sflag:s7], $0x4000  }
0x35: {  	[sflag:s7] =	ssyncset.done $0x0  }
0x36: {  	[sflag:s7] =	ssyncadd.s32 $0xFFFFC000  }
0x37: {  	[tilespmem:s18], [sflag:$0x1] =	stream.indirect.gather [spmem:s3], $0x20, s13, s13, $0xb8;
	[tilespmem:$0xAA00] =	vst v63  }
0x38: {  	_ =	swait.ge [sflag:s7], $0x1000  }
0x39: {  	[sflag:s7] =	ssyncset.done $0x0  }
0x3a: {  	s21 =	sadd.s32 s25, s30;
	[sflag:s7] =	ssyncadd.s32 $0xFFFFF000  }
0x3b: {  	[hbm4b:s21+s4] =	stream.linear.scatter [tilespmem:s18], [sflag:$0x1], $0x4000, $0x38;
	[tilespmem:$0xAA00] =	vst v63  }
0x3c: {  	_ =	swait.ge [sflag:s7], $0x4000  }
0x3d: {  	[sflag:s7] =	ssyncset.done $0x0  }
0x3e: {  	[sflag:s7] =	ssyncadd.s32 $0xFFFFC000  }
0x3f: {  	[tilespmem:s16], [sflag:$0x1] =	stream.indirect.gather [spmem:s2], $0x20, s15, s13, $0xb8;
	[tilespmem:$0xAA00] =	vst v63  }
0x40: {  	_ =	swait.ge [sflag:s7], $0x1000  }
0x41: {  	s26 =	sshll.u32 s22, $0x4;
	[sflag:s7] =	ssyncset.done $0x0  }
0x42: {  	s23 =	ssub.s32 $0x2, s23;
	s22 =	sadd.s32 s24, s26;
	[sflag:s7] =	ssyncadd.s32 $0xFFFFF000  }
0x43: {  	[hbm4b:s22+s4] =	stream.linear.scatter [tilespmem:s16], [sflag:$0x1], $0x4000, $0x38;
	[tilespmem:$0xAA00] =	vst v63  }
0x44: {  	s31 =	sshrl.u32 s23, $0x1;
	_ =	swait.ge [sflag:s7], $0x4000  }
0x45: {  	s24 =	ssub.s32 s23, s31;
	[sflag:s7] =	ssyncset.done $0x0  }
0x46: {  	s24 =	smax.u32 s24, $0x1;
	[sflag:s7] =	ssyncadd.s32 $0xFFFFC000  }
0x47: {  	[tilespmem:s18], [sflag:$0x1] =	stream.indirect.gather [spmem:s3], $0x20, s15, s13, $0xb8;
	[tilespmem:$0xAA00] =	vst v63  }
0x48: {  	p0 =	sne.s32 s24, $0x1;
	_ =	swait.ge [sflag:s7], $0x1000  }
.Ltmp0:
0x49: {  	[sflag:s7] =	ssyncset.done $0x0;
	(pc) =	sbr.rel @!p0 .LBB2_2-.Ltmp0, $4  }
0x4a: {  	s23 =	sadd.s32 s25, s26;
	[sflag:s7] =	ssyncadd.s32 $0xFFFFF000  }
0x4b: {  	[hbm4b:s23+s4] =	stream.linear.scatter [tilespmem:s18], [sflag:$0x1], $0x4000, $0x38;
	[tilespmem:$0xAA00] =	vst v63  }
0x4c: {  	_ =	swait.ge [sflag:s7], $0x4000  }
0x4d: {  	s24 =	sadd.s32 $0xFFFFFFFF, s24;
	[sflag:s7] =	ssyncset.done $0x0  }
.LBB2_1:
0x4e: {  	p0 =	sne.s32 s24, $0x1;
	s24 =	sadd.s32 $0xFFFFFFFF, s24;
	[sflag:s7] =	ssyncadd.s32 $0xFFFFC000  }
0x4f: {  	[spmem:s8], [sflag:s6] =	dma.local [hbm:s5], $0xA00  }
0x50: {  	_ =	swait.ge [sflag:s7], $0xA00  }
0x51: {  	[sflag:s7] =	ssyncset.done $0x0  }
0x52: {  	[sflag:s7] =	ssyncadd.s32 $0xFFFFF600  }
0x53: {  	[spmem:s10], [sflag:s6] =	dma.local [hbm:s9], $0xA00  }
0x54: {  	_ =	swait.ge [sflag:s7], $0xA00  }
0x55: {  	[sflag:s7] =	ssyncset.done $0x0  }
0x56: {  	[sflag:s7] =	ssyncadd.s32 $0xFFFFF600  }
0x57: {  	[tilespmem:s4], [sflag:$0x1] =	stream.linear.gather [hbm4b:s11+s4], $0x80, $0x38;
	[tilespmem:$0xAA00] =	vst v63  }
0x58: {  	_ =	swait.ge [sflag:s7], $0x80  }
0x59: {  	[sflag:s7] =	ssyncset.done $0x0  }
0x5a: {  	[sflag:s7] =	ssyncadd.s32 $0xFFFFFF80  }
0x5b: {  	[tilespmem:s13], [sflag:$0x1] =	stream.linear.gather [hbm4b:s12+s4], $0x80, $0x38;
	[tilespmem:$0xAA00] =	vst v63  }
0x5c: {  	_ =	swait.ge [sflag:s7], $0x80  }
0x5d: {  	[sflag:s7] =	ssyncset.done $0x0  }
0x5e: {  	[sflag:s7] =	ssyncadd.s32 $0xFFFFFF80  }
0x5f: {  	[tilespmem:s15], [sflag:$0x1] =	stream.linear.gather [hbm4b:s14+s4], $0x80, $0x38;
	[tilespmem:$0xAA00] =	vst v63  }
0x60: {  	_ =	swait.ge [sflag:s7], $0x80  }
0x61: {  	[sflag:s7] =	ssyncset.done $0x0  }
0x62: {  	[sflag:s7] =	ssyncadd.s32 $0xFFFFFF80  }
0x63: {  	[bflag:$0x0] =	sbarrier.arrive $0xFFFF  }
0x64: {  	[tilespmem:s16], [sflag:$0x1] =	stream.indirect.gather [spmem:s2], $0x20, s4, s13, $0xb8;
	[tilespmem:$0xAA00] =	vst v63  }
0x65: {  	_ =	swait.ge [sflag:s7], $0x1000  }
0x66: {  	[sflag:s7] =	ssyncset.done $0x0  }
0x67: {  	[sflag:s7] =	ssyncadd.s32 $0xFFFFF000  }
0x68: {  	[hbm4b:s17+s4] =	stream.linear.scatter [tilespmem:s16], [sflag:$0x1], $0x4000, $0x38;
	[tilespmem:$0xAA00] =	vst v63  }
0x69: {  	_ =	swait.ge [sflag:s7], $0x4000  }
0x6a: {  	[sflag:s7] =	ssyncset.done $0x0  }
0x6b: {  	[sflag:s7] =	ssyncadd.s32 $0xFFFFC000  }
0x6c: {  	[tilespmem:s18], [sflag:$0x1] =	stream.indirect.gather [spmem:s3], $0x20, s4, s13, $0xb8;
	[tilespmem:$0xAA00] =	vst v63  }
0x6d: {  	_ =	swait.ge [sflag:s7], $0x1000  }
0x6e: {  	[sflag:s7] =	ssyncset.done $0x0  }
0x6f: {  	[sflag:s7] =	ssyncadd.s32 $0xFFFFF000  }
0x70: {  	[hbm4b:s19+s4] =	stream.linear.scatter [tilespmem:s18], [sflag:$0x1], $0x4000, $0x38;
	[tilespmem:$0xAA00] =	vst v63  }
0x71: {  	_ =	swait.ge [sflag:s7], $0x4000  }
0x72: {  	[sflag:s7] =	ssyncset.done $0x0  }
0x73: {  	[sflag:s7] =	ssyncadd.s32 $0xFFFFC000  }
0x74: {  	[tilespmem:s16], [sflag:$0x1] =	stream.indirect.gather [spmem:s2], $0x20, s13, s13, $0xb8;
	[tilespmem:$0xAA00] =	vst v63  }
0x75: {  	_ =	swait.ge [sflag:s7], $0x1000  }
0x76: {  	[sflag:s7] =	ssyncset.done $0x0  }
0x77: {  	[sflag:s7] =	ssyncadd.s32 $0xFFFFF000  }
0x78: {  	[hbm4b:s20+s4] =	stream.linear.scatter [tilespmem:s16], [sflag:$0x1], $0x4000, $0x38;
	[tilespmem:$0xAA00] =	vst v63  }
0x79: {  	_ =	swait.ge [sflag:s7], $0x4000  }
0x7a: {  	[sflag:s7] =	ssyncset.done $0x0  }
0x7b: {  	[sflag:s7] =	ssyncadd.s32 $0xFFFFC000  }
0x7c: {  	[tilespmem:s18], [sflag:$0x1] =	stream.indirect.gather [spmem:s3], $0x20, s13, s13, $0xb8;
	[tilespmem:$0xAA00] =	vst v63  }
0x7d: {  	_ =	swait.ge [sflag:s7], $0x1000  }
0x7e: {  	[sflag:s7] =	ssyncset.done $0x0  }
0x7f: {  	[sflag:s7] =	ssyncadd.s32 $0xFFFFF000  }
0x80: {  	[hbm4b:s21+s4] =	stream.linear.scatter [tilespmem:s18], [sflag:$0x1], $0x4000, $0x38;
	[tilespmem:$0xAA00] =	vst v63  }
0x81: {  	_ =	swait.ge [sflag:s7], $0x4000  }
0x82: {  	[sflag:s7] =	ssyncset.done $0x0  }
0x83: {  	[sflag:s7] =	ssyncadd.s32 $0xFFFFC000  }
0x84: {  	[tilespmem:s16], [sflag:$0x1] =	stream.indirect.gather [spmem:s2], $0x20, s15, s13, $0xb8;
	[tilespmem:$0xAA00] =	vst v63  }
0x85: {  	_ =	swait.ge [sflag:s7], $0x1000  }
0x86: {  	[sflag:s7] =	ssyncset.done $0x0  }
0x87: {  	[sflag:s7] =	ssyncadd.s32 $0xFFFFF000  }
0x88: {  	[hbm4b:s22+s4] =	stream.linear.scatter [tilespmem:s16], [sflag:$0x1], $0x4000, $0x38;
	[tilespmem:$0xAA00] =	vst v63  }
0x89: {  	_ =	swait.ge [sflag:s7], $0x4000  }
0x8a: {  	[sflag:s7] =	ssyncset.done $0x0  }
0x8b: {  	[sflag:s7] =	ssyncadd.s32 $0xFFFFC000  }
0x8c: {  	[tilespmem:s18], [sflag:$0x1] =	stream.indirect.gather [spmem:s3], $0x20, s15, s13, $0xb8;
	[tilespmem:$0xAA00] =	vst v63  }
0x8d: {  	_ =	swait.ge [sflag:s7], $0x1000  }
.Ltmp1:
0x8e: {  	[sflag:s7] =	ssyncset.done $0x0;
	(pc) =	sbr.rel @p0 .LBB2_1-.Ltmp1, $4  }
0x8f: {  	[sflag:s7] =	ssyncadd.s32 $0xFFFFF000  }
0x90: {  	[hbm4b:s23+s4] =	stream.linear.scatter [tilespmem:s18], [sflag:$0x1], $0x4000, $0x38;
	[tilespmem:$0xAA00] =	vst v63  }
0x91: {  	_ =	swait.ge [sflag:s7], $0x4000  }
0x92: {  	[sflag:s7] =	ssyncset.done $0x0  }
.LBB2_2:
0x93: {  	[sflag:s7] =	ssyncadd.s32 $0xFFFFC000  }
0x94: {  	_ =	sfence.sel $0x180000  }
0x95: {  	[bflag:$0x0] =	sbarrier.arrive $0xFFFF  }
0x96: {  	p0 =	sne.s32 s1, $0x0;
	_ =	strace $0x9000004D  }
0x97: {  	s0 =	sadd.s32 @!p0 $0x100000, s0;
	[bflag:$0x2] =	sbarrier.arrive $0xFFFF  }
0x98: {  	[sflag:s0] =	ssyncadd.tile.s32 @!p0 $0x1;
	_ =	shalt  }
.Lfunc_end2:
_tile_overlayer_lowered:
.L_overlay_start_2:
0x99: {  	(tag) =	ssettag $0x2  }
0x9a: {  	s0 =	rddreg [dreg:$0x0];
	s2 =	stileid.u32  }
0x9b: {  	s1 =	rddreg [dreg:$0x1];
	p0 =	sne.s32 s2, $0x0  }
0x9c: {  	s3 =	rddreg [dreg:$0x2];
	[bflag:$0x3] =	sbarrier.arrive $0xFFFF;
	s2 =	simm.s32 @!p0 $0x1C02  }
0x9d: {  	[timem:s3], [sflag:s2] =	dma.local @!p0 [hbm:s0], s1  }
0x9e: {  	s0 =	simm.s32 @!p0 $0x2  }
0x9f: {  	_ =	swait.ge @!p0 [sflag:s0], s1  }
0xa0: {  	s1 =	ssub.s32 @!p0 $0x0, s1;
	[sflag:s0] =	ssyncset.done @!p0 $0x0  }
0xa1: {  	[sflag:s0] =	ssyncadd.s32 @!p0 s1  }
0xa2: {  	[bflag:$0x3] =	sbarrier.arrive $0xFFFF  }
0xa3: {  	_ =	shalt  }

// kernel: scatter_offload_async_start.1
scs
__scs_entry_jumppad:
0x0: {  	(pc) =	sbr.rel $0x88, $3  }
0x1: {  	(tag) =	ssettag $0x0;
	lr =	simm.s32 $0x1  }
0x2: {  	[smem:$0x3F7E] =	sst lr;
	_ =	strace $0xD0000000  }
0x3: {  	_ = 	snop  }
0x4: {  	_ = 	snop  }
0x5: {  	_ = 	snop  }
0x6: {  	_ = 	snop  }
0x7: {  	_ = 	snop  }
__scs_overlays_trampoline_lowered:
0x8: {  	[smem:$0x3F8D] =	sst s0  }
0x9: {  	[smem:$0x3F8E] =	sst s1  }
0xa: {  	[smem:$0x3F8F] =	sst s2  }
0xb: {  	[smem:$0x3F90] =	sst s3  }
0xc: {  	[smem:$0x3F91] =	sst s4  }
0xd: {  	[smem:$0x3F92] =	sst s5  }
0xe: {  	[smem:$0x3F93] =	sst s6  }
0xf: {  	[smem:$0x3F94] =	sst s7  }
0x10: {  	[smem:$0x3F95] =	sst s8  }
0x11: {  	[smem:$0x3F96] =	sst s9;
	s0 =	simm.s32 @!p0 $0x0  }
0x12: {  	s1 =	sld [smem:$0x3F7C];
	s0 =	simm.s32 @p0 $0x1  }
0x13: {  	[smem:$0x3F97] =	sst s0;
	s0 =	simm.s32 @!p1 $0x0  }
0x14: {  	s2 =	sld [smem:$0x3F7B];
	s0 =	simm.s32 @p1 $0x1  }
0x15: {  	[smem:$0x3F98] =	sst s0;
	s0 =	simm.s32 @!p2 $0x0  }
0x16: {  	s3 =	sld [smem:$0x3FDB];
	s0 =	simm.s32 @p2 $0x1  }
0x17: {  	s4 =	simm.s32 $0x1BF5;
	[smem:$0x3F9A] =	sst s0  }
0x18: {  	s0 =	sld [smem:$0x3F7D];
	_ =	swait.ge [sflag:s4], $0x0  }
0x19: {  	s7 =	sld [smem:$0x3F7E]  }
0x1a: {  	s8 =	sadd.s32 $0xFFFFE003, lr  }
0x1b: {  	s9 =	sadd.s32 $0xFFFFFEF7, lr;
	s5 =	simm.s32 $0xFFFFFFFF;
	p2 =	slt.u32 s8, $0xFFFFF086  }
0x1c: {  	p1 =	slt.u32 s9, $0xF7A;
	s5 =	simm.s32 @!p2 $0x0  }
0x1d: {  	s5 =	simm.s32 @p1 $0x1;
	p0 =	seq.s32 s7, s2  }
0x1e: {  	s7 =	smul.u32 @!p0 $0xF7A, s2;
	p2 =	seq.s32 @!p0 s5, $0x0  }
0x1f: {  	s9 =	smul.u32 $0xF7A, s1;
	s8 =	simm.s32 @!p0 $0x1BF5;
	p2 =	por !p2, p0  }
0x20: {  	[sflag:s8] =	ssyncset.s32 @!p0 $0xFFFFF086;
	s6 =	sadd.s32 @!p0 s3, s7;
	s7 =	simm.s32 @!p0 $0x108  }
0x21: {  	s3 =	sadd.s32 s3, s9;
	s6 =	sadd.s32 @!p0 $0x88, s6;
	s7 =	simm.s32 @p2 $0x1082  }
0x22: {  	[simem:s7], [sflag:s8] =	dma.local @!p0 [hbm:s6], $0xF7A  }
0x23: {  	s9 =	sor.u32 $0xD0000000, s2;
	s6 =	simm.s32 $0x108;
	_ =	swait.ge @!p0 [sflag:s8], $0x0  }
0x24: {  	s3 =	sadd.s32 $0x88, s3;
	s6 =	simm.s32 @!p1 $0x1082;
	[sflag:s4] =	ssyncset.s32 $0xFFFFF086  }
0x25: {  	[simem:s6], [sflag:s4] =	dma.local [hbm:s3], $0xF7A  }
0x26: {  	[smem:$0x3F7E] =	sst s1;
	(tag) =	ssettag s2;
	_ =	strace s9  }
0x27: {  	s1 =	sld [smem:$0x3F8E]  }
0x28: {  	s2 =	sld [smem:$0x3F8F]  }
0x29: {  	s4 =	sld [smem:$0x3F91]  }
0x2a: {  	p0 =	seq.s32 s5, $0x0;
	s5 =	sld [smem:$0x3F92]  }
0x2b: {  	s6 =	sld [smem:$0x3F93]  }
0x2c: {  	s7 =	sld [smem:$0x3F94]  }
0x2d: {  	s3 =	simm.s32 $0x108;
	s8 =	sld [smem:$0x3F95]  }
0x2e: {  	s3 =	simm.s32 @!p0 $0x1082;
	s9 =	sld [smem:$0x3F96]  }
0x2f: {  	lr =	sadd.s32 s0, s3;
	s0 =	sld [smem:$0x3F8D]  }
0x30: {  	s3 =	sld [smem:$0x3F90]  }
0x31: {  	[smem:$0x3F99] =	sst s10  }
0x32: {  	s10 =	sld [smem:$0x3F97];
	_ =	sdelay $0x3  }
0x33: {  	p0 =	seq.s32 s10, $0x1;
	s10 =	sld [smem:$0x3F99];
	_ =	sdelay $0x3  }
0x34: {  	[smem:$0x3F99] =	sst s10  }
0x35: {  	s10 =	sld [smem:$0x3F98];
	_ =	sdelay $0x3  }
0x36: {  	p1 =	seq.s32 s10, $0x1;
	s10 =	sld [smem:$0x3F99];
	_ =	sdelay $0x3  }
0x37: {  	[smem:$0x3F99] =	sst s10  }
0x38: {  	s10 =	sld [smem:$0x3F9A]  }
0x39: {  	_ = 	snop;
	(pc) =	sbr.ind lr, $3  }
0x3a: {  	_ = 	snop  }
0x3b: {  	_ = 	snop  }
0x3c: {  	p2 =	seq.s32 s10, $0x1;
	s10 =	sld [smem:$0x3F99]  }
0x3d: {  	_ =	shalt  }
0x3e: {  	_ =	shalt  }
0x3f: {  	_ =	shalt  }
0x40: {  	_ =	shalt  }
0x41: {  	_ =	shalt  }
0x42: {  	_ =	shalt  }
0x43: {  	_ =	shalt  }
0x44: {  	_ =	shalt  }
0x45: {  	_ =	shalt  }
0x46: {  	_ =	shalt  }
0x47: {  	_ =	shalt  }
0x48: {  	_ =	shalt  }
0x49: {  	_ =	shalt  }
0x4a: {  	_ =	shalt  }
0x4b: {  	_ =	shalt  }
0x4c: {  	_ =	shalt  }
0x4d: {  	_ =	shalt  }
0x4e: {  	_ =	shalt  }
0x4f: {  	_ =	shalt  }
0x50: {  	_ =	shalt  }
0x51: {  	_ =	shalt  }
0x52: {  	_ =	shalt  }
0x53: {  	_ =	shalt  }
0x54: {  	_ =	shalt  }
0x55: {  	_ =	shalt  }
0x56: {  	_ =	shalt  }
0x57: {  	_ =	shalt  }
0x58: {  	_ =	shalt  }
0x59: {  	_ =	shalt  }
0x5a: {  	_ =	shalt  }
0x5b: {  	_ =	shalt  }
0x5c: {  	_ =	shalt  }
0x5d: {  	_ =	shalt  }
0x5e: {  	_ =	shalt  }
0x5f: {  	_ =	shalt  }
0x60: {  	_ =	shalt  }
0x61: {  	_ =	shalt  }
0x62: {  	_ =	shalt  }
0x63: {  	_ =	shalt  }
0x64: {  	_ =	shalt  }
0x65: {  	_ =	shalt  }
0x66: {  	_ =	shalt  }
0x67: {  	_ =	shalt  }
0x68: {  	_ =	shalt  }
0x69: {  	_ =	shalt  }
0x6a: {  	_ =	shalt  }
0x6b: {  	_ =	shalt  }
0x6c: {  	_ =	shalt  }
0x6d: {  	_ =	shalt  }
0x6e: {  	_ =	shalt  }
0x6f: {  	_ =	shalt  }
0x70: {  	_ =	shalt  }
0x71: {  	_ =	shalt  }
0x72: {  	_ =	shalt  }
0x73: {  	_ =	shalt  }
0x74: {  	_ =	shalt  }
0x75: {  	_ =	shalt  }
0x76: {  	_ =	shalt  }
0x77: {  	_ =	shalt  }
0x78: {  	_ =	shalt  }
0x79: {  	_ =	shalt  }
0x7a: {  	_ =	shalt  }
0x7b: {  	_ =	shalt  }
0x7c: {  	_ =	shalt  }
0x7d: {  	_ =	shalt  }
0x7e: {  	_ =	shalt  }
0x7f: {  	_ =	shalt  }
0x80: {  	_ =	shalt  }
0x81: {  	_ =	shalt  }
0x82: {  	_ =	shalt  }
0x83: {  	_ =	shalt  }
0x84: {  	_ =	shalt  }
0x85: {  	_ =	shalt  }
0x86: {  	_ =	shalt  }
0x87: {  	_ =	shalt  }
.Lfunc_end0:
.L_simem_size_0:
called_computation.1_lowered:
.L_overlay_start_0:
0x88: {  	s2 =	sld [smem:$0x3FD9]  }
0x89: {  	s3 =	sld [smem:$0x3FFE];
	_ =	sdelay $0x1  }
0x8a: {  	s1 =	srdreg.scid  }
0x8b: {  	s0 =	sand.u32 $0x1, s1  }
0x8c: {  	s15 =	sshll.u32 s0, $0xA;
	s2 =	sadd.s32 s3, s2  }
0x8d: {  	s2 =	sadd.s32 s2, s15  }
0x8e: {  	[smem:$0x3FA5] =	sst s2  }
0x8f: {  	_ = 	snop  }
0x90: {  	(tm) =	ssettm $0x1  }
0x91: {  	s16 =	sld [smem:$0x3FFB];
	_ =	sdelay $0x3  }
0x92: {  	_ =	strace s16  }
0x93: {  	s2 =	sld [smem:$0x3FFC];
	_ =	sdelay $0x3  }
0x94: {  	_ =	strace s2  }
0x95: {  	s2 =	sld [smem:$0x3FFD];
	_ =	sdelay $0x3  }
0x96: {  	_ =	strace s2  }
0x97: {  	_ =	strace $0x8FFFFFFF  }
0x98: {  	s17 =	sld [smem:$0x3FDB];
	_ =	sdelay $0x1  }
0x99: {  	s18 =	simm.s32 $_scs_section_size  }
0x9a: {  	s4 =	simm.s32 $_size__tile_overlayer_lowered;
	s5 =	simm.s32 $_tile_overlayer_lowered  }
0x9b: {  	s21 =	simm.s32 $0x1BFF;
	s20 =	sshll.u32 s5, $0x1;
	s2 =	sadd.s32 s18, s17  }
0x9c: {  	s6 =	simm.s32 $0x0;
	s19 =	sshll.u32 s4, $0x1;
	s4 =	sadd.s32 s20, s2  }
0x9d: {  	[timem:s6], [sflag:s21] =	dma.local [hbm:s4], s19  }
0x9e: {  	_ =	swait.ge [sflag:s21], s19  }
0x9f: {  	s3 =	ssub.s32 $0x0, s19;
	[sflag:s21] =	ssyncset.done $0x0  }
0xa0: {  	[sflag:s21] =	ssyncadd.s32 s3;
	_ =	sdelay $0x1  }
0xa1: {  	s22 =	simm.s32 $0x1B8B  }
0xa2: {  	_ =	swait.ge [sflag:s22], $0x1  }
0xa3: {  	[sflag:s22] =	ssyncset.done $0x0  }
0xa4: {  	s23 =	sld [smem:$0x3FFE];
	[sflag:s22] =	ssyncadd.s32 $0xFFFFFFFF  }
0xa5: {  	s25 =	simm.s32 $0x1B8E;
	s24 =	sld [smem:$0x0]  }
0xa6: {  	s26 =	simm.s32 $execute0_lowered;
	[smem:$0x3FD2] =	sst s25  }
0xa7: {  	s5 =	sshll.u32 s26, $0x1;
	_ =	strace $0x8000004F;
	[dreg:$0x1] =	wrdreg $0xFFFFFFFF  }
0xa8: {  	s28 =	simm.s32 $_size_execute0_lowered;
	s2 =	sadd.s32 s2, s5;
	[dreg:$0x0] =	wrdreg $0x0  }
0xa9: {  	s5 =	sshll.u32 s28, $0x1;
	[dreg:$0x2] =	wrdreg s2  }
0xaa: {  	[dreg:$0x3] =	wrdreg s5  }
0xab: {  	[dreg:$0x4] =	wrdreg $0xC0  }
0xac: {  	_ =	task [dreg:s6], $0x5FFFF  }
0xad: {  	[dreg:$0x1] =	wrdreg $0xFFFFFFFF  }
0xae: {  	[dreg:$0x0] =	wrdreg $0x60  }
0xaf: {  	[dreg:$0x2] =	wrdreg s23  }
0xb0: {  	[dreg:$0x3] =	wrdreg s1  }
0xb1: {  	[dreg:$0x4] =	wrdreg s24  }
0xb2: {  	[dreg:$0x5] =	wrdreg $0x9  }
0xb3: {  	_ =	task.clear_ibuf [dreg:s6], $0x6FFFF;
	_ =	strace $0x9000004F  }
0xb4: {  	s29 =	simm.s32 $0x9;
	_ =	strace $0x80000051  }
0xb5: {  	_ =	swait.ge [sflag:s29], $0x1  }
0xb6: {  	[sflag:s29] =	ssyncadd.s32 $0xFFFFFFFF  }
0xb7: {  	_ =	strace $0x90000051  }
0xb8: {  	_ =	sfence  }
0xb9: {  	s30 =	sld [smem:$0x0];
	_ =	sdelay $0x2  }
0xba: {  	s31 =	sshll.u32 s1, $0xD;
	s1 =	sshrl.u32 s1, $0x2  }
0xbb: {  	s3 =	sand.u32 $0x4000, s31;
	s1 =	sadd.s32 s1, s30  }
0xbc: {  	s0 =	sor.u32 s3, s0;
	s1 =	sshll.u32 s1, $0x11  }
0xbd: {  	s0 =	sor.u32 s1, s0  }
0xbe: {  	s0 =	sadd.s32 $0x8F2B, s0  }
0xbf: {  	[sflag:s0] =	ssyncadd.remote.s32 $0x1  }
0xc0: {  	_ =	sfence.sel $0xFFFF  }
0xc1: {  	[dreg:$0x0] =	wrdreg $0xFFFFFFFF;
	(pc) =	sbr.abs _section_cstart, $3  }
0xc2: {  	[dreg:$0x1] =	wrdreg $0xFFFFFFFF  }
0xc3: {  	_ =	task.clear_ibuf [dreg:s6], $0x2FFFF;
	_ =	strace $0x9FFFFFFF  }
0xc4: {  	(tm) =	ssettm $0x7FFFFFFF  }
0xc5: {  	_ =	shalt  }
tec
execute0_lowered:
.L_overlay_start_1:
0x0: {  	(tag) =	ssettag $0x1  }
0x1: {  	s7 =	rddreg [dreg:$0x0]  }
0x2: {  	s2 =	rddreg [dreg:$0x1];
	_ =	strace $0x80000050;
	s3 =	simm.s32 $0x1  }
0x3: {  	v0 =	vimm.s32 $0x0;
	[sflag:s3] =	ssyncpa.u1 $0x0  }
0x4: {  	[tilespmem:$0x48] =	vst v0  }
0x5: {  	[tilespmem:$0x58] =	vst v0  }
0x6: {  	[tilespmem:$0x68] =	vst v0  }
0x7: {  	[tilespmem:$0x78] =	vst v0  }
0x8: {  	[tilespmem:$0x88] =	vst v0  }
0x9: {  	[tilespmem:$0x98] =	vst v0  }
0xa: {  	[tilespmem:$0xA8] =	vst v0  }
0xb: {  	[tilespmem:$0xB8] =	vst v0  }
0xc: {  	[tilespmem:$0xC8] =	vst v0  }
0xd: {  	[tilespmem:$0xD8] =	vst v0  }
0xe: {  	[tilespmem:$0xE8] =	vst v0  }
0xf: {  	[tilespmem:$0xF8] =	vst v0  }
0x10: {  	[tilespmem:$0x108] =	vst v0  }
0x11: {  	[tilespmem:$0x118] =	vst v0  }
0x12: {  	[tilespmem:$0x128] =	vst v0  }
0x13: {  	[tilespmem:$0x138] =	vst v0  }
0x14: {  	[tilespmem:$0x148] =	vst v0  }
0x15: {  	[tilespmem:$0x158] =	vst v0  }
0x16: {  	[tilespmem:$0x168] =	vst v0  }
0x17: {  	[tilespmem:$0x178] =	vst v0  }
0x18: {  	[tilespmem:$0x188] =	vst v0  }
0x19: {  	[tilespmem:$0x198] =	vst v0  }
0x1a: {  	[tilespmem:$0x1A8] =	vst v0  }
0x1b: {  	[tilespmem:$0x1B8] =	vst v0  }
0x1c: {  	[tilespmem:$0x1C8] =	vst v0  }
0x1d: {  	[tilespmem:$0x1D8] =	vst v0  }
0x1e: {  	[tilespmem:$0x1E8] =	vst v0  }
0x1f: {  	[tilespmem:$0x1F8] =	vst v0  }
0x20: {  	[tilespmem:$0x208] =	vst v0  }
0x21: {  	[tilespmem:$0x218] =	vst v0  }
0x22: {  	[tilespmem:$0x228] =	vst v0  }
0x23: {  	[tilespmem:$0x238] =	vst v0  }
0x24: {  	[tilespmem:$0x248] =	vst v0  }
0x25: {  	[tilespmem:$0x258] =	vst v0  }
0x26: {  	[tilespmem:$0x268] =	vst v0  }
0x27: {  	[tilespmem:$0x278] =	vst v0  }
0x28: {  	[tilespmem:$0x288] =	vst v0  }
0x29: {  	[tilespmem:$0x298] =	vst v0  }
0x2a: {  	[tilespmem:$0x2A8] =	vst v0  }
0x2b: {  	[tilespmem:$0x2B8] =	vst v0  }
0x2c: {  	[tilespmem:$0x2C8] =	vst v0  }
0x2d: {  	[tilespmem:$0x2D8] =	vst v0  }
0x2e: {  	[tilespmem:$0x2E8] =	vst v0  }
0x2f: {  	[tilespmem:$0x2F8] =	vst v0  }
0x30: {  	[tilespmem:$0x308] =	vst v0  }
0x31: {  	[tilespmem:$0x318] =	vst v0  }
0x32: {  	[tilespmem:$0x328] =	vst v0  }
0x33: {  	[tilespmem:$0x338] =	vst v0  }
0x34: {  	[tilespmem:$0x348] =	vst v0  }
0x35: {  	[tilespmem:$0x358] =	vst v0  }
0x36: {  	[tilespmem:$0x368] =	vst v0  }
0x37: {  	[tilespmem:$0x378] =	vst v0  }
0x38: {  	[tilespmem:$0x388] =	vst v0  }
0x39: {  	[tilespmem:$0x398] =	vst v0  }
0x3a: {  	[tilespmem:$0x3A8] =	vst v0  }
0x3b: {  	[tilespmem:$0x3B8] =	vst v0  }
0x3c: {  	[tilespmem:$0x3C8] =	vst v0  }
0x3d: {  	[tilespmem:$0x3D8] =	vst v0  }
0x3e: {  	[tilespmem:$0x3E8] =	vst v0  }
0x3f: {  	[tilespmem:$0x3F8] =	vst v0  }
0x40: {  	[tilespmem:$0x408] =	vst v0  }
0x41: {  	[tilespmem:$0x418] =	vst v0  }
0x42: {  	[tilespmem:$0x428] =	vst v0  }
0x43: {  	[tilespmem:$0x438] =	vst v0  }
0x44: {  	[tilespmem:$0x448] =	vst v0  }
0x45: {  	[tilespmem:$0x458] =	vst v0  }
0x46: {  	[tilespmem:$0x468] =	vst v0  }
0x47: {  	[tilespmem:$0x478] =	vst v0  }
0x48: {  	[tilespmem:$0x488] =	vst v0  }
0x49: {  	[tilespmem:$0x498] =	vst v0  }
0x4a: {  	[tilespmem:$0x4A8] =	vst v0  }
0x4b: {  	[tilespmem:$0x4B8] =	vst v0  }
0x4c: {  	[tilespmem:$0x4C8] =	vst v0  }
0x4d: {  	[tilespmem:$0x4D8] =	vst v0  }
0x4e: {  	[tilespmem:$0x4E8] =	vst v0  }
0x4f: {  	[tilespmem:$0x4F8] =	vst v0  }
0x50: {  	[tilespmem:$0x508] =	vst v0  }
0x51: {  	[tilespmem:$0x518] =	vst v0  }
0x52: {  	[tilespmem:$0x528] =	vst v0  }
0x53: {  	[tilespmem:$0x538] =	vst v0  }
0x54: {  	[tilespmem:$0x548] =	vst v0  }
0x55: {  	[tilespmem:$0x558] =	vst v0  }
0x56: {  	[tilespmem:$0x568] =	vst v0  }
0x57: {  	[tilespmem:$0x578] =	vst v0  }
0x58: {  	[tilespmem:$0x588] =	vst v0  }
0x59: {  	[tilespmem:$0x598] =	vst v0  }
0x5a: {  	[tilespmem:$0x5A8] =	vst v0  }
0x5b: {  	[tilespmem:$0x5B8] =	vst v0  }
0x5c: {  	[tilespmem:$0x5C8] =	vst v0  }
0x5d: {  	[tilespmem:$0x5D8] =	vst v0  }
0x5e: {  	[tilespmem:$0x5E8] =	vst v0  }
0x5f: {  	[tilespmem:$0x5F8] =	vst v0  }
0x60: {  	[tilespmem:$0x608] =	vst v0  }
0x61: {  	[tilespmem:$0x618] =	vst v0  }
0x62: {  	[tilespmem:$0x628] =	vst v0  }
0x63: {  	[tilespmem:$0x638] =	vst v0  }
0x64: {  	[tilespmem:$0x648] =	vst v0  }
0x65: {  	[tilespmem:$0x658] =	vst v0  }
0x66: {  	[tilespmem:$0x668] =	vst v0  }
0x67: {  	[tilespmem:$0x678] =	vst v0  }
0x68: {  	[tilespmem:$0x688] =	vst v0  }
0x69: {  	[tilespmem:$0x698] =	vst v0  }
0x6a: {  	[tilespmem:$0x6A8] =	vst v0  }
0x6b: {  	[tilespmem:$0x6B8] =	vst v0  }
0x6c: {  	[tilespmem:$0x6C8] =	vst v0  }
0x6d: {  	[tilespmem:$0x6D8] =	vst v0  }
0x6e: {  	[tilespmem:$0x6E8] =	vst v0  }
0x6f: {  	[tilespmem:$0x6F8] =	vst v0  }
0x70: {  	[tilespmem:$0x708] =	vst v0  }
0x71: {  	[tilespmem:$0x718] =	vst v0  }
0x72: {  	[tilespmem:$0x728] =	vst v0  }
0x73: {  	[tilespmem:$0x738] =	vst v0  }
0x74: {  	[tilespmem:$0x748] =	vst v0  }
0x75: {  	[tilespmem:$0x758] =	vst v0  }
0x76: {  	[tilespmem:$0x768] =	vst v0  }
0x77: {  	[tilespmem:$0x778] =	vst v0  }
0x78: {  	[tilespmem:$0x788] =	vst v0  }
0x79: {  	[tilespmem:$0x798] =	vst v0  }
0x7a: {  	[tilespmem:$0x7A8] =	vst v0  }
0x7b: {  	[tilespmem:$0x7B8] =	vst v0  }
0x7c: {  	[tilespmem:$0x7C8] =	vst v0  }
0x7d: {  	[tilespmem:$0x7D8] =	vst v0  }
0x7e: {  	[tilespmem:$0x7E8] =	vst v0  }
0x7f: {  	[tilespmem:$0x7F8] =	vst v0  }
0x80: {  	[tilespmem:$0x808] =	vst v0  }
0x81: {  	[tilespmem:$0x818] =	vst v0  }
0x82: {  	[tilespmem:$0x828] =	vst v0  }
0x83: {  	[tilespmem:$0x838] =	vst v0  }
0x84: {  	[tilespmem:$0x848] =	vst v0  }
0x85: {  	[tilespmem:$0x858] =	vst v0  }
0x86: {  	[tilespmem:$0x868] =	vst v0  }
0x87: {  	[tilespmem:$0x878] =	vst v0  }
0x88: {  	[tilespmem:$0x888] =	vst v0  }
0x89: {  	[tilespmem:$0x898] =	vst v0  }
0x8a: {  	[tilespmem:$0x8A8] =	vst v0  }
0x8b: {  	[tilespmem:$0x8B8] =	vst v0  }
0x8c: {  	[tilespmem:$0x8C8] =	vst v0  }
0x8d: {  	[tilespmem:$0x8D8] =	vst v0  }
0x8e: {  	[tilespmem:$0x8E8] =	vst v0  }
0x8f: {  	[tilespmem:$0x8F8] =	vst v0  }
0x90: {  	[tilespmem:$0x908] =	vst v0  }
0x91: {  	[tilespmem:$0x918] =	vst v0  }
0x92: {  	[tilespmem:$0x928] =	vst v0  }
0x93: {  	[tilespmem:$0x938] =	vst v0  }
0x94: {  	[tilespmem:$0x948] =	vst v0  }
0x95: {  	[tilespmem:$0x958] =	vst v0  }
0x96: {  	[tilespmem:$0x968] =	vst v0  }
0x97: {  	[tilespmem:$0x978] =	vst v0  }
0x98: {  	[tilespmem:$0x988] =	vst v0  }
0x99: {  	[tilespmem:$0x998] =	vst v0  }
0x9a: {  	[tilespmem:$0x9A8] =	vst v0  }
0x9b: {  	[tilespmem:$0x9B8] =	vst v0  }
0x9c: {  	[tilespmem:$0x9C8] =	vst v0  }
0x9d: {  	[tilespmem:$0x9D8] =	vst v0  }
0x9e: {  	[tilespmem:$0x9E8] =	vst v0  }
0x9f: {  	[tilespmem:$0x9F8] =	vst v0  }
0xa0: {  	[tilespmem:$0xA08] =	vst v0  }
0xa1: {  	[tilespmem:$0xA18] =	vst v0  }
0xa2: {  	[tilespmem:$0xA28] =	vst v0  }
0xa3: {  	[tilespmem:$0xA38] =	vst v0  }
0xa4: {  	[tilespmem:$0xA48] =	vst v0  }
0xa5: {  	[tilespmem:$0xA58] =	vst v0  }
0xa6: {  	[tilespmem:$0xA68] =	vst v0  }
0xa7: {  	[tilespmem:$0xA78] =	vst v0  }
0xa8: {  	[tilespmem:$0xA88] =	vst v0  }
0xa9: {  	[tilespmem:$0xA98] =	vst v0  }
0xaa: {  	[tilespmem:$0xAA8] =	vst v0  }
0xab: {  	[tilespmem:$0xAB8] =	vst v0  }
0xac: {  	[tilespmem:$0xAC8] =	vst v0  }
0xad: {  	[tilespmem:$0xAD8] =	vst v0  }
0xae: {  	[tilespmem:$0xAE8] =	vst v0  }
0xaf: {  	[tilespmem:$0xAF8] =	vst v0  }
0xb0: {  	[tilespmem:$0xB08] =	vst v0  }
0xb1: {  	[tilespmem:$0xB18] =	vst v0  }
0xb2: {  	[tilespmem:$0xB28] =	vst v0  }
0xb3: {  	[tilespmem:$0xB38] =	vst v0  }
0xb4: {  	[tilespmem:$0xB48] =	vst v0  }
0xb5: {  	[tilespmem:$0xB58] =	vst v0  }
0xb6: {  	[tilespmem:$0xB68] =	vst v0  }
0xb7: {  	[tilespmem:$0xB78] =	vst v0  }
0xb8: {  	[tilespmem:$0xB88] =	vst v0  }
0xb9: {  	[tilespmem:$0xB98] =	vst v0  }
0xba: {  	[tilespmem:$0xBA8] =	vst v0  }
0xbb: {  	[tilespmem:$0xBB8] =	vst v0  }
0xbc: {  	[tilespmem:$0xBC8] =	vst v0  }
0xbd: {  	[tilespmem:$0xBD8] =	vst v0  }
0xbe: {  	[tilespmem:$0xBE8] =	vst v0  }
0xbf: {  	[tilespmem:$0xBF8] =	vst v0  }
0xc0: {  	[tilespmem:$0xC08] =	vst v0  }
0xc1: {  	[tilespmem:$0xC18] =	vst v0  }
0xc2: {  	[tilespmem:$0xC28] =	vst v0  }
0xc3: {  	[tilespmem:$0xC38] =	vst v0  }
0xc4: {  	[tilespmem:$0xC48] =	vst v0  }
0xc5: {  	[tilespmem:$0xC58] =	vst v0  }
0xc6: {  	[tilespmem:$0xC68] =	vst v0  }
0xc7: {  	[tilespmem:$0xC78] =	vst v0  }
0xc8: {  	[tilespmem:$0xC88] =	vst v0  }
0xc9: {  	[tilespmem:$0xC98] =	vst v0  }
0xca: {  	[tilespmem:$0xCA8] =	vst v0  }
0xcb: {  	[tilespmem:$0xCB8] =	vst v0  }
0xcc: {  	[tilespmem:$0xCC8] =	vst v0  }
0xcd: {  	[tilespmem:$0xCD8] =	vst v0  }
0xce: {  	[tilespmem:$0xCE8] =	vst v0  }
0xcf: {  	[tilespmem:$0xCF8] =	vst v0  }
0xd0: {  	[tilespmem:$0xD08] =	vst v0  }
0xd1: {  	[tilespmem:$0xD18] =	vst v0  }
0xd2: {  	[tilespmem:$0xD28] =	vst v0  }
0xd3: {  	[tilespmem:$0xD38] =	vst v0  }
0xd4: {  	[tilespmem:$0xD48] =	vst v0  }
0xd5: {  	[tilespmem:$0xD58] =	vst v0  }
0xd6: {  	[tilespmem:$0xD68] =	vst v0  }
0xd7: {  	[tilespmem:$0xD78] =	vst v0  }
0xd8: {  	[tilespmem:$0xD88] =	vst v0  }
0xd9: {  	[tilespmem:$0xD98] =	vst v0  }
0xda: {  	[tilespmem:$0xDA8] =	vst v0  }
0xdb: {  	[tilespmem:$0xDB8] =	vst v0  }
0xdc: {  	[tilespmem:$0xDC8] =	vst v0  }
0xdd: {  	[tilespmem:$0xDD8] =	vst v0  }
0xde: {  	[tilespmem:$0xDE8] =	vst v0  }
0xdf: {  	[tilespmem:$0xDF8] =	vst v0  }
0xe0: {  	[tilespmem:$0xE08] =	vst v0  }
0xe1: {  	[tilespmem:$0xE18] =	vst v0  }
0xe2: {  	[tilespmem:$0xE28] =	vst v0  }
0xe3: {  	[tilespmem:$0xE38] =	vst v0  }
0xe4: {  	[tilespmem:$0xE48] =	vst v0  }
0xe5: {  	[tilespmem:$0xE58] =	vst v0  }
0xe6: {  	[tilespmem:$0xE68] =	vst v0  }
0xe7: {  	[tilespmem:$0xE78] =	vst v0  }
0xe8: {  	[tilespmem:$0xE88] =	vst v0  }
0xe9: {  	[tilespmem:$0xE98] =	vst v0  }
0xea: {  	[tilespmem:$0xEA8] =	vst v0  }
0xeb: {  	[tilespmem:$0xEB8] =	vst v0  }
0xec: {  	[tilespmem:$0xEC8] =	vst v0  }
0xed: {  	[tilespmem:$0xED8] =	vst v0  }
0xee: {  	[tilespmem:$0xEE8] =	vst v0  }
0xef: {  	[tilespmem:$0xEF8] =	vst v0  }
0xf0: {  	[tilespmem:$0xF08] =	vst v0  }
0xf1: {  	[tilespmem:$0xF18] =	vst v0  }
0xf2: {  	[tilespmem:$0xF28] =	vst v0  }
0xf3: {  	[tilespmem:$0xF38] =	vst v0  }
0xf4: {  	[tilespmem:$0xF48] =	vst v0  }
0xf5: {  	[tilespmem:$0xF58] =	vst v0  }
0xf6: {  	[tilespmem:$0xF68] =	vst v0  }
0xf7: {  	[tilespmem:$0xF78] =	vst v0  }
0xf8: {  	[tilespmem:$0xF88] =	vst v0  }
0xf9: {  	[tilespmem:$0xF98] =	vst v0  }
0xfa: {  	[tilespmem:$0xFA8] =	vst v0  }
0xfb: {  	[tilespmem:$0xFB8] =	vst v0  }
0xfc: {  	[tilespmem:$0xFC8] =	vst v0  }
0xfd: {  	[tilespmem:$0xFD8] =	vst v0  }
0xfe: {  	[tilespmem:$0xFE8] =	vst v0  }
0xff: {  	[tilespmem:$0xFF8] =	vst v0  }
0x100: {  	[tilespmem:$0x1008] =	vst v0  }
0x101: {  	[tilespmem:$0x1018] =	vst v0  }
0x102: {  	[tilespmem:$0x1028] =	vst v0  }
0x103: {  	[tilespmem:$0x1168] =	vst v0  }
0x104: {  	[tilespmem:$0x1038] =	vst v0  }
0x105: {  	[tilespmem:$0x1048] =	vst v0  }
0x106: {  	[tilespmem:$0x1058] =	vst v0  }
0x107: {  	[tilespmem:$0x1068] =	vst v0  }
0x108: {  	[tilespmem:$0x1078] =	vst v0  }
0x109: {  	[tilespmem:$0x1088] =	vst v0  }
0x10a: {  	[tilespmem:$0x1098] =	vst v0  }
0x10b: {  	[tilespmem:$0x10A8] =	vst v0  }
0x10c: {  	[tilespmem:$0x10B8] =	vst v0  }
0x10d: {  	[tilespmem:$0x10C8] =	vst v0  }
0x10e: {  	[tilespmem:$0x10D8] =	vst v0  }
0x10f: {  	[tilespmem:$0x10E8] =	vst v0  }
0x110: {  	[tilespmem:$0x10F8] =	vst v0  }
0x111: {  	[tilespmem:$0x1108] =	vst v0  }
0x112: {  	[tilespmem:$0x1118] =	vst v0  }
0x113: {  	[tilespmem:$0x1128] =	vst v0  }
0x114: {  	[tilespmem:$0x1138] =	vst v0  }
0x115: {  	[tilespmem:$0x1148] =	vst v0  }
0x116: {  	[tilespmem:$0x1158] =	vst v0  }
0x117: {  	[tilespmem:$0x1178] =	vst v0  }
0x118: {  	[tilespmem:$0x1188] =	vst v0  }
0x119: {  	[tilespmem:$0x1198] =	vst v0  }
0x11a: {  	[tilespmem:$0x11A8] =	vst v0  }
0x11b: {  	[tilespmem:$0x11B8] =	vst v0  }
0x11c: {  	[tilespmem:$0x11C8] =	vst v0  }
0x11d: {  	[tilespmem:$0x11D8] =	vst v0  }
0x11e: {  	[tilespmem:$0x11E8] =	vst v0  }
0x11f: {  	[tilespmem:$0x11F8] =	vst v0  }
0x120: {  	[tilespmem:$0x1208] =	vst v0  }
0x121: {  	[tilespmem:$0x1218] =	vst v0  }
0x122: {  	[tilespmem:$0x1228] =	vst v0  }
0x123: {  	[tilespmem:$0x1238] =	vst v0  }
0x124: {  	[tilespmem:$0x1248] =	vst v0  }
0x125: {  	[tilespmem:$0x1258] =	vst v0  }
0x126: {  	[tilespmem:$0x1268] =	vst v0  }
0x127: {  	[tilespmem:$0x1278] =	vst v0  }
0x128: {  	[tilespmem:$0x1288] =	vst v0  }
0x129: {  	[tilespmem:$0x1298] =	vst v0  }
0x12a: {  	[tilespmem:$0x12A8] =	vst v0  }
0x12b: {  	[tilespmem:$0x12B8] =	vst v0  }
0x12c: {  	[tilespmem:$0x12C8] =	vst v0  }
0x12d: {  	[tilespmem:$0x12D8] =	vst v0  }
0x12e: {  	[tilespmem:$0x12E8] =	vst v0  }
0x12f: {  	[tilespmem:$0x12F8] =	vst v0  }
0x130: {  	[tilespmem:$0x1308] =	vst v0  }
0x131: {  	[tilespmem:$0x1318] =	vst v0  }
0x132: {  	[tilespmem:$0x1328] =	vst v0  }
0x133: {  	[tilespmem:$0x1338] =	vst v0  }
0x134: {  	[tilespmem:$0x1348] =	vst v0  }
0x135: {  	[tilespmem:$0x1358] =	vst v0  }
0x136: {  	[tilespmem:$0x1368] =	vst v0  }
0x137: {  	[tilespmem:$0x1378] =	vst v0  }
0x138: {  	[tilespmem:$0x1388] =	vst v0  }
0x139: {  	[tilespmem:$0x1398] =	vst v0  }
0x13a: {  	[tilespmem:$0x13A8] =	vst v0  }
0x13b: {  	[tilespmem:$0x13B8] =	vst v0  }
0x13c: {  	[tilespmem:$0x13C8] =	vst v0  }
0x13d: {  	[tilespmem:$0x13D8] =	vst v0  }
0x13e: {  	[tilespmem:$0x13E8] =	vst v0  }
0x13f: {  	[tilespmem:$0x13F8] =	vst v0  }
0x140: {  	[tilespmem:$0x1408] =	vst v0  }
0x141: {  	[tilespmem:$0x1418] =	vst v0  }
0x142: {  	[tilespmem:$0x1428] =	vst v0  }
0x143: {  	[tilespmem:$0x1438] =	vst v0  }
0x144: {  	[tilespmem:$0x1448] =	vst v0  }
0x145: {  	[tilespmem:$0x1458] =	vst v0  }
0x146: {  	[tilespmem:$0x1468] =	vst v0  }
0x147: {  	[tilespmem:$0x1478] =	vst v0  }
0x148: {  	[tilespmem:$0x1488] =	vst v0  }
0x149: {  	[tilespmem:$0x1498] =	vst v0  }
0x14a: {  	[tilespmem:$0x14A8] =	vst v0  }
0x14b: {  	[tilespmem:$0x14B8] =	vst v0  }
0x14c: {  	[tilespmem:$0x14C8] =	vst v0  }
0x14d: {  	[tilespmem:$0x14D8] =	vst v0  }
0x14e: {  	[tilespmem:$0x14E8] =	vst v0  }
0x14f: {  	[tilespmem:$0x14F8] =	vst v0  }
0x150: {  	[tilespmem:$0x1508] =	vst v0  }
0x151: {  	[tilespmem:$0x1518] =	vst v0  }
0x152: {  	[tilespmem:$0x1528] =	vst v0  }
0x153: {  	[tilespmem:$0x1538] =	vst v0  }
0x154: {  	[tilespmem:$0x1548] =	vst v0  }
0x155: {  	[tilespmem:$0x1558] =	vst v0  }
0x156: {  	[tilespmem:$0x1568] =	vst v0  }
0x157: {  	[tilespmem:$0x1578] =	vst v0  }
0x158: {  	[tilespmem:$0x1588] =	vst v0  }
0x159: {  	[tilespmem:$0x1598] =	vst v0  }
0x15a: {  	[tilespmem:$0x15A8] =	vst v0  }
0x15b: {  	[tilespmem:$0x15B8] =	vst v0  }
0x15c: {  	[tilespmem:$0x15C8] =	vst v0  }
0x15d: {  	[tilespmem:$0x15D8] =	vst v0  }
0x15e: {  	[tilespmem:$0x15E8] =	vst v0  }
0x15f: {  	[tilespmem:$0x15F8] =	vst v0  }
0x160: {  	[tilespmem:$0x1608] =	vst v0  }
0x161: {  	[tilespmem:$0x1618] =	vst v0  }
0x162: {  	[tilespmem:$0x1628] =	vst v0  }
0x163: {  	[tilespmem:$0x1638] =	vst v0  }
0x164: {  	[tilespmem:$0x1648] =	vst v0  }
0x165: {  	[tilespmem:$0x1658] =	vst v0  }
0x166: {  	[tilespmem:$0x1668] =	vst v0  }
0x167: {  	[tilespmem:$0x1678] =	vst v0  }
0x168: {  	[tilespmem:$0x1688] =	vst v0  }
0x169: {  	[tilespmem:$0x1698] =	vst v0  }
0x16a: {  	[tilespmem:$0x16A8] =	vst v0  }
0x16b: {  	[tilespmem:$0x16B8] =	vst v0  }
0x16c: {  	[tilespmem:$0x16C8] =	vst v0  }
0x16d: {  	[tilespmem:$0x16D8] =	vst v0  }
0x16e: {  	[tilespmem:$0x16E8] =	vst v0  }
0x16f: {  	[tilespmem:$0x16F8] =	vst v0  }
0x170: {  	[tilespmem:$0x1708] =	vst v0  }
0x171: {  	[tilespmem:$0x1718] =	vst v0  }
0x172: {  	[tilespmem:$0x1728] =	vst v0  }
0x173: {  	[tilespmem:$0x1738] =	vst v0  }
0x174: {  	[tilespmem:$0x1748] =	vst v0  }
0x175: {  	[tilespmem:$0x1758] =	vst v0  }
0x176: {  	[tilespmem:$0x1768] =	vst v0  }
0x177: {  	[tilespmem:$0x1778] =	vst v0  }
0x178: {  	[tilespmem:$0x1788] =	vst v0  }
0x179: {  	[tilespmem:$0x1798] =	vst v0  }
0x17a: {  	[tilespmem:$0x17A8] =	vst v0  }
0x17b: {  	[tilespmem:$0x17B8] =	vst v0  }
0x17c: {  	[tilespmem:$0x17C8] =	vst v0  }
0x17d: {  	[tilespmem:$0x17D8] =	vst v0  }
0x17e: {  	[tilespmem:$0x17E8] =	vst v0  }
0x17f: {  	[tilespmem:$0x17F8] =	vst v0  }
0x180: {  	[tilespmem:$0x1808] =	vst v0  }
0x181: {  	[tilespmem:$0x1818] =	vst v0  }
0x182: {  	[tilespmem:$0x1828] =	vst v0  }
0x183: {  	[tilespmem:$0x1838] =	vst v0  }
0x184: {  	[tilespmem:$0x1848] =	vst v0  }
0x185: {  	[tilespmem:$0x1858] =	vst v0  }
0x186: {  	[tilespmem:$0x1868] =	vst v0  }
0x187: {  	[tilespmem:$0x1878] =	vst v0  }
0x188: {  	[tilespmem:$0x1888] =	vst v0  }
0x189: {  	[tilespmem:$0x1898] =	vst v0  }
0x18a: {  	[tilespmem:$0x18A8] =	vst v0  }
0x18b: {  	[tilespmem:$0x18B8] =	vst v0  }
0x18c: {  	[tilespmem:$0x18C8] =	vst v0  }
0x18d: {  	[tilespmem:$0x18D8] =	vst v0  }
0x18e: {  	[tilespmem:$0x18E8] =	vst v0  }
0x18f: {  	[tilespmem:$0x18F8] =	vst v0  }
0x190: {  	[tilespmem:$0x1908] =	vst v0  }
0x191: {  	[tilespmem:$0x1918] =	vst v0  }
0x192: {  	[tilespmem:$0x1928] =	vst v0  }
0x193: {  	[tilespmem:$0x1938] =	vst v0  }
0x194: {  	[tilespmem:$0x1948] =	vst v0  }
0x195: {  	[tilespmem:$0x1958] =	vst v0  }
0x196: {  	[tilespmem:$0x1968] =	vst v0  }
0x197: {  	[tilespmem:$0x1978] =	vst v0  }
0x198: {  	[tilespmem:$0x1988] =	vst v0  }
0x199: {  	[tilespmem:$0x1998] =	vst v0  }
0x19a: {  	[tilespmem:$0x19A8] =	vst v0  }
0x19b: {  	[tilespmem:$0x19B8] =	vst v0  }
0x19c: {  	[tilespmem:$0x19C8] =	vst v0  }
0x19d: {  	[tilespmem:$0x19D8] =	vst v0  }
0x19e: {  	[tilespmem:$0x19E8] =	vst v0  }
0x19f: {  	[tilespmem:$0x19F8] =	vst v0  }
0x1a0: {  	[tilespmem:$0x1A08] =	vst v0  }
0x1a1: {  	[tilespmem:$0x1A18] =	vst v0  }
0x1a2: {  	[tilespmem:$0x1A28] =	vst v0  }
0x1a3: {  	[tilespmem:$0x1A38] =	vst v0  }
0x1a4: {  	[tilespmem:$0x1A48] =	vst v0  }
0x1a5: {  	[tilespmem:$0x1A58] =	vst v0  }
0x1a6: {  	[tilespmem:$0x1A68] =	vst v0  }
0x1a7: {  	[tilespmem:$0x1A78] =	vst v0  }
0x1a8: {  	[tilespmem:$0x1A88] =	vst v0  }
0x1a9: {  	[tilespmem:$0x1A98] =	vst v0  }
0x1aa: {  	[tilespmem:$0x1AA8] =	vst v0  }
0x1ab: {  	[tilespmem:$0x1AB8] =	vst v0  }
0x1ac: {  	[tilespmem:$0x1AC8] =	vst v0  }
0x1ad: {  	[tilespmem:$0x1AD8] =	vst v0  }
0x1ae: {  	[tilespmem:$0x1AE8] =	vst v0  }
0x1af: {  	[tilespmem:$0x1AF8] =	vst v0  }
0x1b0: {  	[tilespmem:$0x1B08] =	vst v0  }
0x1b1: {  	[tilespmem:$0x1B18] =	vst v0  }
0x1b2: {  	[tilespmem:$0x1B28] =	vst v0  }
0x1b3: {  	[tilespmem:$0x1B38] =	vst v0  }
0x1b4: {  	[tilespmem:$0x1B48] =	vst v0  }
0x1b5: {  	[tilespmem:$0x1B58] =	vst v0  }
0x1b6: {  	[tilespmem:$0x1B68] =	vst v0  }
0x1b7: {  	[tilespmem:$0x1B78] =	vst v0  }
0x1b8: {  	[tilespmem:$0x1B88] =	vst v0  }
0x1b9: {  	[tilespmem:$0x1B98] =	vst v0  }
0x1ba: {  	[tilespmem:$0x1BA8] =	vst v0  }
0x1bb: {  	[tilespmem:$0x1BB8] =	vst v0  }
0x1bc: {  	[tilespmem:$0x1BC8] =	vst v0  }
0x1bd: {  	[tilespmem:$0x1BD8] =	vst v0  }
0x1be: {  	[tilespmem:$0x1BE8] =	vst v0  }
0x1bf: {  	[tilespmem:$0x1BF8] =	vst v0  }
0x1c0: {  	[tilespmem:$0x1C08] =	vst v0  }
0x1c1: {  	[tilespmem:$0x1C18] =	vst v0  }
0x1c2: {  	[tilespmem:$0x1C28] =	vst v0  }
0x1c3: {  	[tilespmem:$0x1C38] =	vst v0  }
0x1c4: {  	[tilespmem:$0x1C48] =	vst v0  }
0x1c5: {  	[tilespmem:$0x1C58] =	vst v0  }
0x1c6: {  	[tilespmem:$0x1C68] =	vst v0  }
0x1c7: {  	[tilespmem:$0x1C78] =	vst v0  }
0x1c8: {  	[tilespmem:$0x1C88] =	vst v0  }
0x1c9: {  	[tilespmem:$0x1C98] =	vst v0  }
0x1ca: {  	[tilespmem:$0x1CA8] =	vst v0  }
0x1cb: {  	[tilespmem:$0x1CB8] =	vst v0  }
0x1cc: {  	[tilespmem:$0x1CC8] =	vst v0  }
0x1cd: {  	[tilespmem:$0x1CD8] =	vst v0  }
0x1ce: {  	[tilespmem:$0x1CE8] =	vst v0  }
0x1cf: {  	[tilespmem:$0x1CF8] =	vst v0  }
0x1d0: {  	[tilespmem:$0x1D08] =	vst v0  }
0x1d1: {  	[tilespmem:$0x1D18] =	vst v0  }
0x1d2: {  	[tilespmem:$0x1D28] =	vst v0  }
0x1d3: {  	[tilespmem:$0x1D38] =	vst v0  }
0x1d4: {  	[tilespmem:$0x1D48] =	vst v0  }
0x1d5: {  	[tilespmem:$0x1D58] =	vst v0  }
0x1d6: {  	[tilespmem:$0x1D68] =	vst v0  }
0x1d7: {  	[tilespmem:$0x1D78] =	vst v0  }
0x1d8: {  	[tilespmem:$0x1D88] =	vst v0  }
0x1d9: {  	[tilespmem:$0x1D98] =	vst v0  }
0x1da: {  	[tilespmem:$0x1DA8] =	vst v0  }
0x1db: {  	[tilespmem:$0x1DB8] =	vst v0  }
0x1dc: {  	[tilespmem:$0x1DC8] =	vst v0  }
0x1dd: {  	[tilespmem:$0x1DD8] =	vst v0  }
0x1de: {  	[tilespmem:$0x1DE8] =	vst v0  }
0x1df: {  	[tilespmem:$0x1DF8] =	vst v0  }
0x1e0: {  	[tilespmem:$0x1E08] =	vst v0  }
0x1e1: {  	[tilespmem:$0x1E18] =	vst v0  }
0x1e2: {  	[tilespmem:$0x1E28] =	vst v0  }
0x1e3: {  	[tilespmem:$0x1E38] =	vst v0  }
0x1e4: {  	[tilespmem:$0x1E48] =	vst v0  }
0x1e5: {  	[tilespmem:$0x1E58] =	vst v0  }
0x1e6: {  	[tilespmem:$0x1E68] =	vst v0  }
0x1e7: {  	[tilespmem:$0x1E78] =	vst v0  }
0x1e8: {  	[tilespmem:$0x1E88] =	vst v0  }
0x1e9: {  	[tilespmem:$0x1E98] =	vst v0  }
0x1ea: {  	[tilespmem:$0x1EA8] =	vst v0  }
0x1eb: {  	[tilespmem:$0x1EB8] =	vst v0  }
0x1ec: {  	[tilespmem:$0x1EC8] =	vst v0  }
0x1ed: {  	[tilespmem:$0x1ED8] =	vst v0  }
0x1ee: {  	[tilespmem:$0x1EE8] =	vst v0  }
0x1ef: {  	[tilespmem:$0x1EF8] =	vst v0  }
0x1f0: {  	[tilespmem:$0x1F08] =	vst v0  }
0x1f1: {  	[tilespmem:$0x1F18] =	vst v0  }
0x1f2: {  	[tilespmem:$0x1F28] =	vst v0  }
0x1f3: {  	[tilespmem:$0x1F38] =	vst v0  }
0x1f4: {  	[tilespmem:$0x1F48] =	vst v0  }
0x1f5: {  	[tilespmem:$0x1F58] =	vst v0  }
0x1f6: {  	[tilespmem:$0x1F68] =	vst v0  }
0x1f7: {  	[tilespmem:$0x1F78] =	vst v0  }
0x1f8: {  	[tilespmem:$0x1F88] =	vst v0  }
0x1f9: {  	[tilespmem:$0x1F98] =	vst v0  }
0x1fa: {  	[tilespmem:$0x1FA8] =	vst v0  }
0x1fb: {  	[tilespmem:$0x1FB8] =	vst v0  }
0x1fc: {  	[tilespmem:$0x1FC8] =	vst v0  }
0x1fd: {  	[tilespmem:$0x1FD8] =	vst v0  }
0x1fe: {  	[tilespmem:$0x1FE8] =	vst v0  }
0x1ff: {  	[tilespmem:$0x1FF8] =	vst v0  }
0x200: {  	[tilespmem:$0x2008] =	vst v0  }
0x201: {  	[tilespmem:$0x2018] =	vst v0  }
0x202: {  	[tilespmem:$0x2028] =	vst v0  }
0x203: {  	[tilespmem:$0x2038] =	vst v0  }
0x204: {  	[tilespmem:$0x2048] =	vst v0  }
0x205: {  	[tilespmem:$0x2058] =	vst v0  }
0x206: {  	[tilespmem:$0x2068] =	vst v0  }
0x207: {  	[tilespmem:$0x2078] =	vst v0  }
0x208: {  	[tilespmem:$0x2088] =	vst v0  }
0x209: {  	[tilespmem:$0x2098] =	vst v0  }
0x20a: {  	[tilespmem:$0x20A8] =	vst v0  }
0x20b: {  	[tilespmem:$0x20B8] =	vst v0  }
0x20c: {  	[tilespmem:$0x20C8] =	vst v0  }
0x20d: {  	[tilespmem:$0x20D8] =	vst v0  }
0x20e: {  	[tilespmem:$0x20E8] =	vst v0  }
0x20f: {  	[tilespmem:$0x20F8] =	vst v0  }
0x210: {  	[tilespmem:$0x2108] =	vst v0  }
0x211: {  	[tilespmem:$0x2118] =	vst v0  }
0x212: {  	[tilespmem:$0x2128] =	vst v0  }
0x213: {  	[tilespmem:$0x2138] =	vst v0  }
0x214: {  	[tilespmem:$0x2148] =	vst v0  }
0x215: {  	[tilespmem:$0x2158] =	vst v0  }
0x216: {  	[tilespmem:$0x2168] =	vst v0  }
0x217: {  	[tilespmem:$0x2218] =	vst v0  }
0x218: {  	[tilespmem:$0x3058] =	vst v0  }
0x219: {  	[tilespmem:$0x3048] =	vst v0  }
0x21a: {  	[tilespmem:$0x3038] =	vst v0  }
0x21b: {  	[tilespmem:$0x3028] =	vst v0  }
0x21c: {  	[tilespmem:$0x3018] =	vst v0  }
0x21d: {  	[tilespmem:$0x3008] =	vst v0  }
0x21e: {  	[tilespmem:$0x2FF8] =	vst v0  }
0x21f: {  	[tilespmem:$0x2FE8] =	vst v0  }
0x220: {  	[tilespmem:$0x2FD8] =	vst v0  }
0x221: {  	[tilespmem:$0x2FC8] =	vst v0  }
0x222: {  	[tilespmem:$0x2FB8] =	vst v0  }
0x223: {  	[tilespmem:$0x2FA8] =	vst v0  }
0x224: {  	[tilespmem:$0x2F98] =	vst v0  }
0x225: {  	[tilespmem:$0x2F88] =	vst v0  }
0x226: {  	[tilespmem:$0x2F78] =	vst v0  }
0x227: {  	[tilespmem:$0x2F68] =	vst v0  }
0x228: {  	[tilespmem:$0x2F58] =	vst v0  }
0x229: {  	[tilespmem:$0x2F48] =	vst v0  }
0x22a: {  	[tilespmem:$0x2F38] =	vst v0  }
0x22b: {  	[tilespmem:$0x2F28] =	vst v0  }
0x22c: {  	[tilespmem:$0x2F18] =	vst v0  }
0x22d: {  	[tilespmem:$0x2F08] =	vst v0  }
0x22e: {  	[tilespmem:$0x2EF8] =	vst v0  }
0x22f: {  	[tilespmem:$0x2EE8] =	vst v0  }
0x230: {  	[tilespmem:$0x2ED8] =	vst v0  }
0x231: {  	[tilespmem:$0x2EC8] =	vst v0  }
0x232: {  	[tilespmem:$0x2EB8] =	vst v0  }
0x233: {  	[tilespmem:$0x2EA8] =	vst v0  }
0x234: {  	[tilespmem:$0x2E98] =	vst v0  }
0x235: {  	[tilespmem:$0x2E88] =	vst v0  }
0x236: {  	[tilespmem:$0x2E78] =	vst v0  }
0x237: {  	[tilespmem:$0x2E68] =	vst v0  }
0x238: {  	[tilespmem:$0x2E58] =	vst v0  }
0x239: {  	[tilespmem:$0x2E48] =	vst v0  }
0x23a: {  	[tilespmem:$0x2E38] =	vst v0  }
0x23b: {  	[tilespmem:$0x2E28] =	vst v0  }
0x23c: {  	[tilespmem:$0x2E18] =	vst v0  }
0x23d: {  	[tilespmem:$0x2E08] =	vst v0  }
0x23e: {  	[tilespmem:$0x2DF8] =	vst v0  }
0x23f: {  	[tilespmem:$0x2DE8] =	vst v0  }
0x240: {  	[tilespmem:$0x2DD8] =	vst v0  }
0x241: {  	[tilespmem:$0x2DC8] =	vst v0  }
0x242: {  	[tilespmem:$0x2DB8] =	vst v0  }
0x243: {  	[tilespmem:$0x2DA8] =	vst v0  }
0x244: {  	[tilespmem:$0x2D98] =	vst v0  }
0x245: {  	[tilespmem:$0x2D88] =	vst v0  }
0x246: {  	[tilespmem:$0x2D78] =	vst v0  }
0x247: {  	[tilespmem:$0x2D68] =	vst v0  }
0x248: {  	[tilespmem:$0x2D58] =	vst v0  }
0x249: {  	[tilespmem:$0x2D48] =	vst v0  }
0x24a: {  	[tilespmem:$0x2D38] =	vst v0  }
0x24b: {  	[tilespmem:$0x2D28] =	vst v0  }
0x24c: {  	[tilespmem:$0x2D18] =	vst v0  }
0x24d: {  	[tilespmem:$0x2D08] =	vst v0  }
0x24e: {  	[tilespmem:$0x2CF8] =	vst v0  }
0x24f: {  	[tilespmem:$0x2CE8] =	vst v0  }
0x250: {  	[tilespmem:$0x2CD8] =	vst v0  }
0x251: {  	[tilespmem:$0x2CC8] =	vst v0  }
0x252: {  	[tilespmem:$0x2CB8] =	vst v0  }
0x253: {  	[tilespmem:$0x2CA8] =	vst v0  }
0x254: {  	[tilespmem:$0x2C98] =	vst v0  }
0x255: {  	[tilespmem:$0x2C88] =	vst v0  }
0x256: {  	[tilespmem:$0x2C78] =	vst v0  }
0x257: {  	[tilespmem:$0x2C68] =	vst v0  }
0x258: {  	[tilespmem:$0x2C58] =	vst v0  }
0x259: {  	[tilespmem:$0x2C48] =	vst v0  }
0x25a: {  	[tilespmem:$0x2C38] =	vst v0  }
0x25b: {  	[tilespmem:$0x2C28] =	vst v0  }
0x25c: {  	[tilespmem:$0x2C18] =	vst v0  }
0x25d: {  	[tilespmem:$0x2C08] =	vst v0  }
0x25e: {  	[tilespmem:$0x2BF8] =	vst v0  }
0x25f: {  	[tilespmem:$0x2BE8] =	vst v0  }
0x260: {  	[tilespmem:$0x2BD8] =	vst v0  }
0x261: {  	[tilespmem:$0x2BC8] =	vst v0  }
0x262: {  	[tilespmem:$0x2BB8] =	vst v0  }
0x263: {  	[tilespmem:$0x2BA8] =	vst v0  }
0x264: {  	[tilespmem:$0x2B98] =	vst v0  }
0x265: {  	[tilespmem:$0x2B88] =	vst v0  }
0x266: {  	[tilespmem:$0x2B78] =	vst v0  }
0x267: {  	[tilespmem:$0x2B68] =	vst v0  }
0x268: {  	[tilespmem:$0x2B58] =	vst v0  }
0x269: {  	[tilespmem:$0x2B48] =	vst v0  }
0x26a: {  	[tilespmem:$0x2B38] =	vst v0  }
0x26b: {  	[tilespmem:$0x2B28] =	vst v0  }
0x26c: {  	[tilespmem:$0x2B18] =	vst v0  }
0x26d: {  	[tilespmem:$0x2B08] =	vst v0  }
0x26e: {  	[tilespmem:$0x2AF8] =	vst v0  }
0x26f: {  	[tilespmem:$0x2AE8] =	vst v0  }
0x270: {  	[tilespmem:$0x2AD8] =	vst v0  }
0x271: {  	[tilespmem:$0x2AC8] =	vst v0  }
0x272: {  	[tilespmem:$0x2AB8] =	vst v0  }
0x273: {  	[tilespmem:$0x2AA8] =	vst v0  }
0x274: {  	[tilespmem:$0x2A98] =	vst v0  }
0x275: {  	[tilespmem:$0x2A88] =	vst v0  }
0x276: {  	[tilespmem:$0x2A78] =	vst v0  }
0x277: {  	[tilespmem:$0x2A68] =	vst v0  }
0x278: {  	[tilespmem:$0x2A58] =	vst v0  }
0x279: {  	[tilespmem:$0x2A48] =	vst v0  }
0x27a: {  	[tilespmem:$0x2A38] =	vst v0  }
0x27b: {  	[tilespmem:$0x2A28] =	vst v0  }
0x27c: {  	[tilespmem:$0x2A18] =	vst v0  }
0x27d: {  	[tilespmem:$0x2A08] =	vst v0  }
0x27e: {  	[tilespmem:$0x29F8] =	vst v0  }
0x27f: {  	[tilespmem:$0x29E8] =	vst v0  }
0x280: {  	[tilespmem:$0x29D8] =	vst v0  }
0x281: {  	[tilespmem:$0x29C8] =	vst v0  }
0x282: {  	[tilespmem:$0x29B8] =	vst v0  }
0x283: {  	[tilespmem:$0x29A8] =	vst v0  }
0x284: {  	[tilespmem:$0x2998] =	vst v0  }
0x285: {  	[tilespmem:$0x2988] =	vst v0  }
0x286: {  	[tilespmem:$0x2978] =	vst v0  }
0x287: {  	[tilespmem:$0x2968] =	vst v0  }
0x288: {  	[tilespmem:$0x2958] =	vst v0  }
0x289: {  	[tilespmem:$0x2948] =	vst v0  }
0x28a: {  	[tilespmem:$0x2938] =	vst v0  }
0x28b: {  	[tilespmem:$0x2928] =	vst v0  }
0x28c: {  	[tilespmem:$0x2918] =	vst v0  }
0x28d: {  	[tilespmem:$0x2908] =	vst v0  }
0x28e: {  	[tilespmem:$0x28F8] =	vst v0  }
0x28f: {  	[tilespmem:$0x28E8] =	vst v0  }
0x290: {  	[tilespmem:$0x28D8] =	vst v0  }
0x291: {  	[tilespmem:$0x28C8] =	vst v0  }
0x292: {  	[tilespmem:$0x28B8] =	vst v0  }
0x293: {  	[tilespmem:$0x28A8] =	vst v0  }
0x294: {  	[tilespmem:$0x2898] =	vst v0  }
0x295: {  	[tilespmem:$0x2888] =	vst v0  }
0x296: {  	[tilespmem:$0x2878] =	vst v0  }
0x297: {  	[tilespmem:$0x2868] =	vst v0  }
0x298: {  	[tilespmem:$0x2858] =	vst v0  }
0x299: {  	[tilespmem:$0x2848] =	vst v0  }
0x29a: {  	[tilespmem:$0x2838] =	vst v0  }
0x29b: {  	[tilespmem:$0x2828] =	vst v0  }
0x29c: {  	[tilespmem:$0x2818] =	vst v0  }
0x29d: {  	[tilespmem:$0x2808] =	vst v0  }
0x29e: {  	[tilespmem:$0x27F8] =	vst v0  }
0x29f: {  	[tilespmem:$0x27E8] =	vst v0  }
0x2a0: {  	[tilespmem:$0x27D8] =	vst v0  }
0x2a1: {  	[tilespmem:$0x27C8] =	vst v0  }
0x2a2: {  	[tilespmem:$0x27B8] =	vst v0  }
0x2a3: {  	[tilespmem:$0x27A8] =	vst v0  }
0x2a4: {  	[tilespmem:$0x2798] =	vst v0  }
0x2a5: {  	[tilespmem:$0x2788] =	vst v0  }
0x2a6: {  	[tilespmem:$0x2778] =	vst v0  }
0x2a7: {  	[tilespmem:$0x2768] =	vst v0  }
0x2a8: {  	[tilespmem:$0x2758] =	vst v0  }
0x2a9: {  	[tilespmem:$0x2748] =	vst v0  }
0x2aa: {  	[tilespmem:$0x2738] =	vst v0  }
0x2ab: {  	[tilespmem:$0x2728] =	vst v0  }
0x2ac: {  	[tilespmem:$0x2718] =	vst v0  }
0x2ad: {  	[tilespmem:$0x2708] =	vst v0  }
0x2ae: {  	[tilespmem:$0x26F8] =	vst v0  }
0x2af: {  	[tilespmem:$0x26E8] =	vst v0  }
0x2b0: {  	[tilespmem:$0x26D8] =	vst v0  }
0x2b1: {  	[tilespmem:$0x26C8] =	vst v0  }
0x2b2: {  	[tilespmem:$0x26B8] =	vst v0  }
0x2b3: {  	[tilespmem:$0x26A8] =	vst v0  }
0x2b4: {  	[tilespmem:$0x2698] =	vst v0  }
0x2b5: {  	[tilespmem:$0x2688] =	vst v0  }
0x2b6: {  	[tilespmem:$0x2678] =	vst v0  }
0x2b7: {  	[tilespmem:$0x2668] =	vst v0  }
0x2b8: {  	[tilespmem:$0x2658] =	vst v0  }
0x2b9: {  	[tilespmem:$0x2648] =	vst v0  }
0x2ba: {  	[tilespmem:$0x2638] =	vst v0  }
0x2bb: {  	[tilespmem:$0x2628] =	vst v0  }
0x2bc: {  	[tilespmem:$0x2618] =	vst v0  }
0x2bd: {  	[tilespmem:$0x2608] =	vst v0  }
0x2be: {  	[tilespmem:$0x25F8] =	vst v0  }
0x2bf: {  	[tilespmem:$0x25E8] =	vst v0  }
0x2c0: {  	[tilespmem:$0x25D8] =	vst v0  }
0x2c1: {  	[tilespmem:$0x25C8] =	vst v0  }
0x2c2: {  	[tilespmem:$0x25B8] =	vst v0  }
0x2c3: {  	[tilespmem:$0x25A8] =	vst v0  }
0x2c4: {  	[tilespmem:$0x2598] =	vst v0  }
0x2c5: {  	[tilespmem:$0x2588] =	vst v0  }
0x2c6: {  	[tilespmem:$0x2578] =	vst v0  }
0x2c7: {  	[tilespmem:$0x2568] =	vst v0  }
0x2c8: {  	[tilespmem:$0x2558] =	vst v0  }
0x2c9: {  	[tilespmem:$0x2548] =	vst v0  }
0x2ca: {  	[tilespmem:$0x2538] =	vst v0  }
0x2cb: {  	[tilespmem:$0x2528] =	vst v0  }
0x2cc: {  	[tilespmem:$0x2518] =	vst v0  }
0x2cd: {  	[tilespmem:$0x2508] =	vst v0  }
0x2ce: {  	[tilespmem:$0x24F8] =	vst v0  }
0x2cf: {  	[tilespmem:$0x24E8] =	vst v0  }
0x2d0: {  	[tilespmem:$0x24D8] =	vst v0  }
0x2d1: {  	[tilespmem:$0x24C8] =	vst v0  }
0x2d2: {  	[tilespmem:$0x24B8] =	vst v0  }
0x2d3: {  	[tilespmem:$0x24A8] =	vst v0  }
0x2d4: {  	[tilespmem:$0x2498] =	vst v0  }
0x2d5: {  	[tilespmem:$0x2488] =	vst v0  }
0x2d6: {  	[tilespmem:$0x2478] =	vst v0  }
0x2d7: {  	[tilespmem:$0x2468] =	vst v0  }
0x2d8: {  	[tilespmem:$0x2458] =	vst v0  }
0x2d9: {  	[tilespmem:$0x2448] =	vst v0  }
0x2da: {  	[tilespmem:$0x2438] =	vst v0  }
0x2db: {  	[tilespmem:$0x2428] =	vst v0  }
0x2dc: {  	[tilespmem:$0x2418] =	vst v0  }
0x2dd: {  	[tilespmem:$0x2408] =	vst v0  }
0x2de: {  	[tilespmem:$0x23F8] =	vst v0  }
0x2df: {  	[tilespmem:$0x23E8] =	vst v0  }
0x2e0: {  	[tilespmem:$0x23D8] =	vst v0  }
0x2e1: {  	[tilespmem:$0x23C8] =	vst v0  }
0x2e2: {  	[tilespmem:$0x23B8] =	vst v0  }
0x2e3: {  	[tilespmem:$0x23A8] =	vst v0  }
0x2e4: {  	[tilespmem:$0x2398] =	vst v0  }
0x2e5: {  	[tilespmem:$0x2388] =	vst v0  }
0x2e6: {  	[tilespmem:$0x2378] =	vst v0  }
0x2e7: {  	[tilespmem:$0x2368] =	vst v0  }
0x2e8: {  	[tilespmem:$0x2358] =	vst v0  }
0x2e9: {  	[tilespmem:$0x2348] =	vst v0  }
0x2ea: {  	[tilespmem:$0x2338] =	vst v0  }
0x2eb: {  	[tilespmem:$0x2328] =	vst v0  }
0x2ec: {  	[tilespmem:$0x2318] =	vst v0  }
0x2ed: {  	[tilespmem:$0x2308] =	vst v0  }
0x2ee: {  	[tilespmem:$0x22F8] =	vst v0  }
0x2ef: {  	[tilespmem:$0x22E8] =	vst v0  }
0x2f0: {  	[tilespmem:$0x22D8] =	vst v0  }
0x2f1: {  	[tilespmem:$0x22C8] =	vst v0  }
0x2f2: {  	[tilespmem:$0x22B8] =	vst v0  }
0x2f3: {  	[tilespmem:$0x22A8] =	vst v0  }
0x2f4: {  	[tilespmem:$0x2298] =	vst v0  }
0x2f5: {  	[tilespmem:$0x2288] =	vst v0  }
0x2f6: {  	[tilespmem:$0x2278] =	vst v0  }
0x2f7: {  	s10 =	stileid.u32;
	[tilespmem:$0x2268] =	vst v0  }
0x2f8: {  	s0 =	smul.u32 $0x1A, s10;
	[tilespmem:$0x2258] =	vst v0  }
0x2f9: {  	s1 =	smin.u32 s10, $0xB;
	[tilespmem:$0x2248] =	vst v0  }
0x2fa: {  	[tilespmem:$0x2238] =	vst v0;
	s0 =	sadd.s32 s1, s0  }
0x2fb: {  	p0 =	slt.u32 s10, $0xB;
	[tilespmem:$0x2228] =	vst v0;
	s1 =	simm.s32 $0x2880;
	s8 =	smul.u32 $0x180, s0  }
0x2fc: {  	s1 =	simm.s32 @!p0 $0x2700;
	[tilespmem:$0x21F8] =	vst v0  }
0x2fd: {  	[tilespmem:$0x2208] =	vst v0;
	s0 =	sadd.s32 s1, s8  }
0x2fe: {  	s4 =	simm.s32 $0x2;
	[tilespmem:$0x21E8] =	vst v0;
	s9 =	smin.u32 s0, $0x28000  }
0x2ff: {  	s31 =	simm.s32 $0x9;
	s5 =	simm.s32 $0xA;
	[tilespmem:$0x2188] =	vst v0;
	s0 =	ssub.s32 s9, s8  }
0x300: {  	s12 =	simm.s32 $0xB;
	s18 =	simm.s32 $0x0;
	[tilespmem:$0x21D8] =	vst v0;
	p0 =	sgt.s32 s0, $0x0  }
0x301: {  	p1 =	por $0x0, $0x0;
	s19 =	simm.s32 $0xC;
	[tilespmem:$0x21C8] =	vst v0;
	s0 =	simm.s32 @!p0 $0x0  }
0x302: {  	s23 =	simm.s32 $0x0;
	s20 =	simm.s32 $0x0;
	[tilespmem:$0x21B8] =	vst v0;
	s30 =	smulhi.u32 $0x2AAAAAAB, s0  }
0x303: {  	s22 =	simm.s32 $0x0;
	s2 =	sand.u32 $0x1, s2;
	s16 =	sshll.u32 s10, $0x6;
	[tilespmem:$0x21A8] =	vst v0  }
0x304: {  	s1 =	sshrl.u32 s30, $0x6;
	[tilespmem:$0x2198] =	vst v0;
	[dreg:$0x4] =	wrdreg s2;
	s2 =	smul.u32 $0x5000, s2  }
0x305: {  	[tilespmem:$0x2178] =	vst v0;
	[sflag:s4] =	ssyncpa.u1 $0x0;
	v0 =	vimm.s32 $0xFFFFFFFF;
	s4 =	sadd.s32 $0xF4C00, s7;
	s6 =	smul.u32 $0x180, s1  }
.Ltmp0:
0x306: {  	[tilespmem:$0x6088] =	vst v0;
	[sflag:s31] =	ssyncpa.u1 $0x0;
	s2 =	sadd.s32 s2, s7;
	(pc) =	sbr.rel .LBB2_1-.Ltmp0, $4  }
0x307: {  	[sflag:s5] =	ssyncpa.u1 $0x0;
	p0 =	sne.s32 s0, s6;
	s0 =	simm.s32 $0x1  }
0x308: {  	s7 =	sadd.s32 $0xCA0800, s7;
	[sflag:s12] =	ssyncpa.u1 $0x0;
	s0 =	simm.s32 @!p0 $0x0  }
0x309: {  	s14 =	sadd.s32 $0xEAC00, s2;
	s15 =	sadd.s32 $0xE0C00, s2;
	s13 =	sadd.s32 s0, s1  }
0x30a: {  	v0 =	vlaneseq.u32;
	s21 =	smov.u32 s8;
	p0 =	por $0x1, $0x1;
	s17 =	sadd.s32 $0x1, s13  }
.LBB2_22:
0x30b: {  	s0 =	sshrl.u32 s0, $0x2  }
.LBB2_24:
0x30c: {  	_ =	swait.ge [sflag:s19], s0  }
0x30d: {  	s30 =	ssub.s32 $0x0, s0;
	v1 =	vmov s25;
	vm0 =	veq.s32 v0, $0x0;
	[sflag:s19] =	ssyncset.done $0x0  }
0x30e: {  	vm15 =	veq.s32 v0, $0x2;
	v1 =	vsel vm0, s31, v1;
	[sflag:s19] =	ssyncadd.s32 s30  }
0x30f: {  	v1 =	vsel vm15, s23, v1;
	[sflag:s19] =	ssyncpa.u1 $0x1  }
0x310: {  	[tilespmem:$0x6088] =	vst v1  }
.LBB2_25:
0x311: {  	s0 =	sadd.s32 $0x180, s21  }
0x312: {  	s1 =	smov.u32 s8;
	p2 =	slt.s32 s0, s9  }
0x313: {  	s1 =	smov.u32 @p2 s0;
	p2 =	sne.s32 s22, s17  }
.Ltmp1:
0x314: {  	_ = 	snop;
	(pc) =	sbr.rel @!p2 .LBB2_26-.Ltmp1, $4  }
0x315: {  	_ = 	snop  }
0x316: {  	s23 =	smov.u32 s20  }
0x317: {  	s31 =	sadd.s32 $0x1, s22;
	s20 =	smov.u32 s21;
	p0 =	por !p0, !p0  }
0x318: {  	p1 =	por !p1, !p1;
	s22 =	smov.u32 s31;
	s21 =	smov.u32 s1  }
.LBB2_1:
0x319: {  	p2 =	sge.u32 s22, s13  }
0x31a: {  	s0 =	smulhi.u32 @!p2 $0xAAAAAAAB, s22  }
0x31b: {  	s1 =	smov.u32 s21;
	p3 =	sgt.s32 @!p2 s21, $0x27E80  }
0x31c: {  	s2 =	sshra.s32 @!p2 s21, $0x1F;
	p3 =	por !p3, p2;
	s0 =	sshrl.u32 @!p2 s0, $0x1  }
0x31d: {  	s2 =	sand.u32 @!p2 s2, s21;
	s1 =	simm.s32 @p3 $0x27E80;
	s0 =	smul.u32 @!p2 $0x3, s0  }
0x31e: {  	s1 =	ssub.s32 @!p2 s1, s2  }
0x31f: {  	s1 =	sadd.s32 @!p2 $0xFFFD8180, s1;
	s0 =	ssub.s32 @!p2 s22, s0  }
0x320: {  	s2 =	sshll.u32 @!p2 s1, $0x2;
	p3 =	sgt.s32 @!p2 s1, $0x17F;
	s0 =	smul.u32 @!p2 $0x600, s0  }
0x321: {  	s5 =	sand.u32 @!p2 $0x7, s21;
	s1 =	ssub.s32 @!p2 $0x600, s2;
	p3 =	por !p3, p2  }
0x322: {  	s2 =	sshrl.u32 @!p2 s21, $0x3;
	s1 =	sshrl.u32 @!p2 s1, $0x2;
	s0 =	sshrl.u32 @!p2 s0, $0x2  }
0x323: {  	s2 =	sadd.s32 @!p2 s2, s14;
	s1 =	simm.s32 @!p3 $0x0;
	s0 =	sadd.s32 @!p2 $0x64C8, s0  }
0x324: {  	[tilespmem:s0], [sflag:$0xA] =	stream.linear.gather @!p2 [hbm4b:s2+s5], s1, $0x38;
	[tilespmem:$0x1EC48] =	vst v63  }
0x325: {  	s1 =	sadd.s32 $0xFFFFFFFF, s22  }
0x326: {  	p2 =	sge.u32 s1, s13  }
0x327: {  	p3 =	sgt.s32 @!p2 s20, $0x27E80  }
0x328: {  	s0 =	smov.u32 s20;
	s2 =	sshra.s32 @!p2 s20, $0x1F;
	p3 =	por !p3, p2  }
0x329: {  	s2 =	sand.u32 @!p2 s2, s20;
	s0 =	simm.s32 @p3 $0x27E80  }
0x32a: {  	s0 =	ssub.s32 @!p2 s0, s2  }
0x32b: {  	s0 =	sadd.s32 @!p2 $0xFFFD8180, s0  }
0x32c: {  	s2 =	sshll.u32 @!p2 s0, $0x2  }
0x32d: {  	p3 =	sgt.s32 @!p2 s0, $0x17F;
	s0 =	ssub.s32 @!p2 $0x600, s2  }
0x32e: {  	p3 =	por !p3, p2;
	s0 =	sshrl.u32 @!p2 s0, $0x2  }
0x32f: {  	s5 =	simm.s32 @!p2 $0xA;
	s2 =	sand.u32 @!p2 $0x1, s1;
	s0 =	simm.s32 @!p3 $0x0  }
0x330: {  	s2 =	smul.u32 @!p2 $0x600, s2;
	_ =	swait.ge @!p2 [sflag:s5], s0  }
0x331: {  	s6 =	ssub.s32 @!p2 $0x0, s0;
	[sflag:s5] =	ssyncset.done @!p2 $0x0  }
0x332: {  	s2 =	sshrl.u32 @!p2 s2, $0x2;
	[sflag:s5] =	ssyncadd.s32 @!p2 s6;
	s5 =	sshrl.u32 @!p2 s20, $0x3  }
0x333: {  	s2 =	sadd.s32 @!p2 $0x6948, s2;
	s6 =	sand.u32 @!p2 $0x7, s20;
	s5 =	sadd.s32 @!p2 s5, s15  }
0x334: {  	[tilespmem:s2], [sflag:$0xB] =	stream.linear.gather @!p2 [hbm4b:s5+s6], s0, $0x38;
	[tilespmem:$0x1EC48] =	vst v63  }
0x335: {  	s0 =	ssub.s32 @!p2 $0x28000, s20  }
0x336: {  	p3 =	slt.s32 @!p2 s0, $0x1  }
0x337: {  	p3 =	por p2, p3  }
.Ltmp2:
0x338: {  	_ = 	snop;
	(pc) =	sbr.rel @p3 .LBB2_7-.Ltmp2, $1  }
0x339: {  	_ =	sdelay $0x3  }
0x33a: {  	s2 =	smulhi.u32 $0xAAAAAAAB, s1;
	_ =	sdelay $0x1  }
0x33b: {  	s2 =	sshrl.u32 s2, $0x1  }
0x33c: {  	s2 =	smul.u32 $0x3, s2;
	_ =	sdelay $0x1  }
0x33d: {  	s29 =	ssub.s32 s1, s2  }
0x33e: {  	s5 =	simm.s32 $0x1;
	s1 =	smul.u32 $0x600, s29  }
.Ltmp3:
0x33f: {  	s5 =	simm.s32 @!p0 $0x0;
	(pc) =	sbr.rel .LBB2_4-.Ltmp3, $4  }
0x340: {  	s30 =	smul.u32 $0x30000, s5  }
0x341: {  	p3 =	slt.s32 @!p2 s0, $0x180;
	s1 =	sshrl.u32 s1, $0x2  }
0x342: {  	p2 =	por !p3, p2;
	s2 =	sshrl.u32 s30, $0x2;
	s31 =	sadd.s32 $0x64C8, s1  }
0x343: {  	s24 =	simm.s32 $0x0;
	s0 =	simm.s32 @p2 $0x180;
	s1 =	sadd.s32 $0x6C48, s2;
	v1 =	vmov s31  }
.LBB2_3:
0x344: {  	p2 =	sge.s32 s24, s0  }
.Ltmp4:
0x345: {  	_ = 	snop;
	(pc) =	sbr.rel @p2 .LBB2_7-.Ltmp4, $2  }
0x346: {  	_ =	sdelay $0x2  }
0x347: {  	s1 =	sadd.s32 $0x800, s1  }
.LBB2_4:
0x348: {  	p2 =	sle.s32 s0, s24  }
.Ltmp5:
0x349: {  	_ = 	snop;
	(pc) =	sbr.rel @p2 .LBB2_3-.Ltmp5, $2  }
0x34a: {  	_ =	sdelay $0x2  }
0x34b: {  	s2 =	smov.u32 s24;
	s24 =	sadd.s32 $0x10, s24  }
0x34c: {  	s5 =	ssub.s32 s0, s2  }
0x34d: {  	p2 =	slt.s32 s5, $0x10  }
0x34e: {  	s5 =	simm.s32 @!p2 $0x10  }
0x34f: {  	v2 =	vmov s5  }
0x350: {  	vm0 =	vgt.s32 v2, v0;
	_ =	sdelay $0x5  }
0x351: {  	v2 =	vld.idx.msk [tilespmem:v1+s2+$0x0 ss:$0x1], vm0;
	_ =	sdelay $0x2  }
0x352: {  	s6 =	smov.u32 s0;
	p2 =	slt.s32 s24, s0  }
0x353: {  	s25 =	simm.s32 $0x0;
	s6 =	smov.u32 @p2 s24;
	s5 =	smov.u32 s1  }
.LBB2_6:
0x354: {  	(v2sf) =	vpush v2, s25;
	_ =	sdelay $0xc  }
0x355: {  	s25 =	sadd.s32 $0x1, s25  }
0x356: {  	s31 =	sadd.s32 s25, s2  }
0x357: {  	p2 =	slt.s32 s31, s6;
	s10 =	spop (v2sf)  }
.Ltmp6:
0x358: {  	s10 =	sshll.u32 s10, $0x4;
	(pc) =	sbr.rel @p2 .LBB2_6-.Ltmp6, $4  }
0x359: {  	s10 =	sand.u32 $0x1FFFFFF0, s10  }
0x35a: {  	s10 =	sadd.s32 s7, s10  }
0x35b: {  	[tilespmem:s5], [sflag:$0x9] =	stream.linear.gather [hbm4b:s10+s18], $0x20, $0x38;
	[tilespmem:$0x1EC48] =	vst v63  }
0x35c: {  	s5 =	sadd.s32 $0x80, s5  }
.Ltmp7:
0x35d: {  	_ = 	snop;
	(pc) =	sbr.rel .LBB2_3-.Ltmp7, $1  }
0x35e: {  	_ =	sdelay $0x3  }
.LBB2_7:
0x35f: {  	p2 =	slt.u32 s22, $0x2  }
.Ltmp8:
0x360: {  	_ = 	snop;
	(pc) =	sbr.rel @p2 .LBB2_25-.Ltmp8, $1  }
0x361: {  	_ =	sdelay $0x3  }
0x362: {  	p2 =	sgt.s32 s23, $0x27E80  }
0x363: {  	s0 =	smov.u32 s23;
	s1 =	sshra.s32 s23, $0x1F;
	s2 =	ssub.s32 $0x28000, s23  }
0x364: {  	s0 =	simm.s32 @!p2 $0x27E80;
	s1 =	sand.u32 s1, s23;
	p2 =	slt.s32 s2, $0x180  }
0x365: {  	s0 =	ssub.s32 s0, s1;
	s2 =	simm.s32 @!p2 $0x180  }
0x366: {  	s0 =	sadd.s32 $0xFFFD8180, s0;
	s11 =	sshll.u32 s2, $0x5  }
0x367: {  	s26 =	simm.s32 $0x9;
	s24 =	sshll.u32 s0, $0x2;
	s1 =	sand.u32 $0x3FFFFFE0, s11  }
0x368: {  	p2 =	sgt.s32 s0, $0x17F;
	s25 =	ssub.s32 $0x600, s24;
	_ =	swait.ge [sflag:s26], s1  }
0x369: {  	s1 =	ssub.s32 $0x0, s1;
	[sflag:s26] =	ssyncset.done $0x0;
	s0 =	sshrl.u32 s25, $0x2  }
0x36a: {  	[sflag:s26] =	ssyncadd.s32 s1;
	s0 =	simm.s32 @p2 $0x0  }
0x36b: {  	_ =	swait.ge [sflag:s12], s0  }
0x36c: {  	s0 =	ssub.s32 $0x0, s0;
	[sflag:s12] =	ssyncset.done $0x0  }
0x36d: {  	[sflag:s12] =	ssyncadd.s32 s0  }
0x36e: {  	v1 =	vld [tilespmem:$0x6088];
	_ =	sdelay $0x4  }
0x36f: {  	(v2sf) =	vpush v1, $0x0  }
0x370: {  	(v2sf) =	vpush v1, $0x1  }
0x371: {  	(v2sf) =	vpush v1, $0x2;
	_ =	sdelay $0x3  }
0x372: {  	s0 =	sadd.s32 $0x180, s23  }
0x373: {  	s1 =	ssub.s32 $0x50000, s23;
	p2 =	slt.s32 s9, s0  }
0x374: {  	s0 =	smov.u32 @p2 s9;
	p2 =	sgt.s32 s1, $0x0  }
0x375: {  	s28 =	ssub.s32 s0, s23;
	s1 =	simm.s32 @!p2 $0x0  }
0x376: {  	p2 =	slt.s32 s1, s28  }
0x377: {  	s28 =	smov.u32 @p2 s1  }
0x378: {  	s26 =	simm.s32 $0x1;
	p2 =	slt.s32 s28, $0x1  }
.Ltmp9:
0x379: {  	s26 =	simm.s32 @!p1 $0x0;
	(pc) =	sbr.rel @p2 .LBB2_12-.Ltmp9, $4  }
0x37a: {  	s30 =	smul.u32 $0x600, s26  }
0x37b: {  	s0 =	spop (v2sf)  }
0x37c: {  	s31 =	sshrl.u32 s30, $0x2;
	s29 =	spop (v2sf)  }
0x37d: {  	s24 =	sadd.s32 $0x6948, s31;
	s23 =	spop (v2sf)  }
0x37e: {  	s1 =	smin.u32 s28, $0x10  }
0x37f: {  	v1 =	vmov s1  }
0x380: {  	p3 =	sgt.s32 s28, $0x10;
	vm1 =	vgt.u32 v1, v0  }
.Ltmp10:
0x381: {  	_ = 	snop;
	(pc) =	sbr.rel @!p3 .LBB2_11-.Ltmp10, $2  }
0x382: {  	_ =	sdelay $0x2  }
0x383: {  	s2 =	simm.s32 $0x10;
	s25 =	sadd.s32 $0xFFFFFFF0, s28;
	s1 =	smov.u32 s24;
	vm0 =	vmmov vm1  }
.LBB2_10:
0x384: {  	s5 =	smin.u32 s25, $0x10;
	s2 =	sadd.s32 $0x10, s2;
	v1 =	vld.msk [tilespmem:s1+$0x0 ss:$0x1], vm1  }
0x385: {  	v2 =	vmov s5;
	p3 =	slt.s32 s2, s28  }
0x386: {  	vm1 =	vgt.u32 v2, v0  }
.Ltmp11:
0x387: {  	(pc) =	sbr.rel @p3 .LBB2_10-.Ltmp11, $3  }
0x388: {  	_ =	sdelay $0x1  }
0x389: {  	v1 =	vshll.u32 v1, $0x4  }
0x38a: {  	s25 =	sadd.s32 $0xFFFFFFF0, s25;
	[tilespmem:s1+$0x0] =	vst.msk vm0, v1;
	s1 =	sadd.s32 $0x10, s1;
	vm0 =	vmmov vm1  }
.LBB2_11:
0x38b: {  	_ =	sdelay $0x4  }
0x38c: {  	v1 =	vld.msk [tilespmem:s1+$0x0 ss:$0x1], vm1;
	_ =	sdelay $0x4  }
0x38d: {  	v1 =	vshll.u32 v1, $0x4  }
0x38e: {  	[tilespmem:s1+$0x0] =	vst.msk vm0, v1  }
.LBB2_12:
0x38f: {  	s1 =	sand.u32 $0x1, s22  }
0x390: {  	s1 =	smul.u32 $0x180, s1  }
0x391: {  	p3 =	sne.s32 s29, $0xFFFFFFFF  }
0x392: {  	v1 =	vld.msk @!p3 [tilespmem:s1+$0x6948], $0x1;
	_ =	sdelay $0x4  }
0x393: {  	(v2sf) =	vpush @!p3 v1, $0x0;
	_ =	sdelay $0xc  }
.Ltmp12:
0x394: {  	_ = 	snop;
	(pc) =	sbr.rel @p2 .LBB2_23-.Ltmp12, $4  }
0x395: {  	_ = 	snop  }
0x396: {  	s30 =	spop @!p3 (v2sf)  }
0x397: {  	s23 =	simm.s32 @!p3 $0x0;
	s25 =	smov.u32 s30  }
0x398: {  	[sflag:s19] =	ssyncpa.u1 $0x0;
	s30 =	smov.u32 @p3 s0;
	s25 =	smov.u32 @p3 s29  }
0x399: {  	v1 =	vld.msk [tilespmem:s24+$0x0], $0x1;
	_ =	sdelay $0x4  }
0x39a: {  	(v2sf) =	vpush v1, $0x0;
	_ =	sdelay $0xe  }
0x39b: {  	s0 =	smul.u32 $0x30000, s26;
	s1 =	spop (v2sf)  }
0x39c: {  	s28 =	ssub.s32 $0x0, s28;
	p2 =	seq.s32 s30, s1  }
0x39d: {  	s31 =	sadd.s32 $0x1, s28;
	s0 =	sshrl.u32 s0, $0x2;
	p3 =	sgt.s32 @!p2 s30, $0x0  }
0x39e: {  	s26 =	sadd.s32 $0x6C58, s0;
	s0 =	smov.u32 s30;
	p3 =	por !p3, p2  }
0x39f: {  	s0 =	simm.s32 @p3 $0x0;
	p3 =	seq.s32 s31, $0x0  }
.Ltmp13:
0x3a0: {  	_ = 	snop;
	(pc) =	sbr.rel @p3 .LBB2_15-.Ltmp13, $4  }
0x3a1: {  	_ = 	snop  }
0x3a2: {  	s29 =	simm.s32 $0x0;
	s2 =	simm.s32 @!p2 $0x1;
	s0 =	smin.u32 @!p2 s0, $0x277FC  }
0x3a3: {  	s6 =	simm.s32 @!p2 $0x3068;
	s2 =	smov.u32 @p2 s29;
	s10 =	sand.u32 @!p2 $0x3FFF8, s0  }
0x3a4: {  	s5 =	sand.u32 @!p2 $0x7, s0;
	s0 =	sadd.s32 $0x1, s24;
	s10 =	sadd.s32 @!p2 s4, s10  }
.LBB2_14:
0x3a5: {  	s11 =	smov.u32 s2  }
0x3a6: {  	[tilespmem:s6], [sflag:$0x2] =	stream.linear.gather @!p2 [hbm4b:s10+s5], $0x20, $0x38;
	[tilespmem:$0x1EC48] =	vst v63  }
0x3a7: {  	s31 =	sadd.s32 $0x1, s31;
	s5 =	smov.u32 s1;
	v1 =	vld.msk [tilespmem:s0+$0x0], $0x1  }
0x3a8: {  	p3 =	seq.s32 s31, $0x0;
	_ =	sdelay $0x3  }
0x3a9: {  	(v2sf) =	vpush v1, $0x0;
	_ =	sdelay $0xe  }
0x3aa: {  	s1 =	spop (v2sf)  }
0x3ab: {  	p2 =	seq.s32 s5, s1  }
0x3ac: {  	p4 =	sgt.s32 @!p2 s5, $0x0;
	s6 =	sshll.u32 @!p2 s2, $0x7;
	s2 =	sadd.s32 @!p2 $0x1, s2  }
.Ltmp14:
0x3ad: {  	p4 =	por !p4, p2;
	s6 =	sshra.s32 @!p2 s6, $0x2;
	(pc) =	sbr.rel @!p3 .LBB2_14-.Ltmp14, $4  }
0x3ae: {  	s2 =	smov.u32 @p2 s11;
	s5 =	simm.s32 @p4 $0x0;
	s6 =	sadd.s32 @!p2 $0x3068, s6  }
0x3af: {  	s5 =	smin.u32 @!p2 s5, $0x277FC  }
0x3b0: {  	s10 =	sand.u32 @!p2 $0x3FFF8, s5;
	s5 =	sand.u32 @!p2 $0x7, s5  }
0x3b1: {  	s0 =	sadd.s32 $0x1, s0;
	s10 =	sadd.s32 @!p2 s4, s10  }
.LBB2_15:
0x3b2: {  	[tilespmem:s6], [sflag:$0x2] =	stream.linear.gather @!p2 [hbm4b:s10+s5], $0x20, $0x38;
	[tilespmem:$0x1EC48] =	vst v63  }
.Ltmp15:
0x3b3: {  	s0 =	sshll.u32 s2, $0x5;
	(pc) =	sbr.rel .LBB2_16-.Ltmp15, $4  }
0x3b4: {  	s1 =	simm.s32 $0x2;
	s0 =	sand.u32 $0x3FFFFFE0, s0  }
0x3b5: {  	_ =	swait.ge [sflag:s1], s0  }
0x3b6: {  	s0 =	ssub.s32 $0x0, s0;
	[sflag:s1] =	ssyncset.done $0x0  }
0x3b7: {  	[sflag:s1] =	ssyncadd.s32 s0;
	s0 =	simm.s32 $0x0  }
.LBB2_17:
0x3b8: {  	v1 =	vld [tilespmem:s26+$0xFFFFFFF0];
	_ =	sdelay $0x4  }
0x3b9: {  	[tilespmem:s1+$0x48] =	vst.add.f32.msk $0xffff, v1  }
0x3ba: {  	v1 =	vld [tilespmem:s26+$0x0];
	_ =	sdelay $0x4  }
0x3bb: {  	[tilespmem:s1+$0x58] =	vst.add.f32.msk $0xffff, v1  }
.LBB2_21:
0x3bc: {  	s28 =	sadd.s32 $0x1, s28  }
0x3bd: {  	p2 =	seq.s32 s28, $0x0  }
.Ltmp16:
0x3be: {  	_ = 	snop;
	(pc) =	sbr.rel @p2 .LBB2_22-.Ltmp16, $2  }
0x3bf: {  	_ =	sdelay $0x2  }
0x3c0: {  	s26 =	sadd.s32 $0x80, s26;
	s24 =	sadd.s32 $0x1, s24;
	s30 =	smov.u32 s31  }
.LBB2_16:
0x3c1: {  	v1 =	vld.msk [tilespmem:s24+$0x0], $0x1;
	_ =	sdelay $0x4  }
0x3c2: {  	(v2sf) =	vpush v1, $0x0;
	_ =	sdelay $0xe  }
0x3c3: {  	s31 =	spop (v2sf)  }
0x3c4: {  	p2 =	sne.s32 s30, s31  }
.Ltmp17:
0x3c5: {  	_ = 	snop;
	(pc) =	sbr.rel @!p2 .LBB2_17-.Ltmp17, $3  }
0x3c6: {  	_ =	sdelay $0x1  }
0x3c7: {  	s1 =	sshll.u32 s23, $0x7  }
0x3c8: {  	s1 =	sshra.s32 s1, $0x2  }
0x3c9: {  	p2 =	seq.s32 s30, s25  }
.Ltmp18:
0x3ca: {  	_ = 	snop;
	(pc) =	sbr.rel @!p2 .LBB2_19-.Ltmp18, $1  }
0x3cb: {  	_ =	sdelay $0x3  }
.Ltmp19:
0x3cc: {  	s1 =	sadd.s32 $0x48, s1;
	(pc) =	sbr.rel .LBB2_20-.Ltmp19, $4  }
0x3cd: {  	[spmem:s16] =	stream.linear.scatter [tilespmem:s1], [sflag:$0x1], $0x20, $0x38;
	[tilespmem:$0x1EC48] =	vst v63  }
0x3ce: {  	_ =	swait.ge [sflag:s3], $0x20  }
0x3cf: {  	[sflag:s3] =	ssyncset.done $0x0  }
0x3d0: {  	[sflag:s3] =	ssyncadd.s32 $0xFFFFFFE0  }
.LBB2_19:
0x3d1: {  	s2 =	sshll.u32 s29, $0x7  }
0x3d2: {  	s2 =	sshra.s32 s2, $0x2  }
0x3d3: {  	v1 =	vld [tilespmem:s2+$0x3068];
	_ =	sdelay $0x4  }
0x3d4: {  	[tilespmem:s1+$0x48] =	vst.add.f32.msk $0xffff, v1  }
0x3d5: {  	v1 =	vld [tilespmem:s2+$0x3078];
	_ =	sdelay $0x2  }
0x3d6: {  	p2 =	sgt.u32 s30, $0x277FC  }
0x3d7: {  	s2 =	sand.u32 @!p2 $0x3FFF8, s30  }
0x3d8: {  	s5 =	sadd.s32 $0x48, s1;
	[tilespmem:s1+$0x58] =	vst.add.f32.msk $0xffff, v1;
	s1 =	sadd.s32 @!p2 s4, s2;
	s2 =	sand.u32 @!p2 $0x7, s30  }
0x3d9: {  	[hbm4b:s1+s2] =	stream.linear.scatter @!p2 [tilespmem:s5], [sflag:$0xC], $0x20, $0x38;
	[tilespmem:$0x1EC48] =	vst v63  }
0x3da: {  	s1 =	simm.s32 $0x0  }
0x3db: {  	s1 =	simm.s32 @!p2 $0x80  }
0x3dc: {  	s0 =	sadd.s32 s1, s0  }
.LBB2_20:
0x3dd: {  	s1 =	sadd.s32 $0x1, s23  }
0x3de: {  	s2 =	smulhi.u32 $0xAAAAAAAB, s1;
	_ =	sdelay $0x1  }
0x3df: {  	v1 =	vld [tilespmem:s26+$0xFFFFFFF0];
	s2 =	sshrl.u32 s2, $0x8  }
0x3e0: {  	s2 =	smul.u32 $0x180, s2;
	_ =	sdelay $0x1  }
0x3e1: {  	s23 =	ssub.s32 s1, s2  }
0x3e2: {  	s1 =	sshll.u32 s23, $0x5  }
0x3e3: {  	[tilespmem:s1+$0x48] =	vst v1  }
0x3e4: {  	v1 =	vld [tilespmem:s26+$0x0]  }
.Ltmp20:
0x3e5: {  	_ = 	snop;
	(pc) =	sbr.rel .LBB2_21-.Ltmp20, $2  }
0x3e6: {  	_ =	sdelay $0x2  }
0x3e7: {  	s29 =	sadd.s32 $0x1, s29;
	[tilespmem:s1+$0x58] =	vst v1  }
.LBB2_23:
.Ltmp21:
0x3e8: {  	(pc) =	sbr.rel .LBB2_24-.Ltmp21, $4  }
0x3e9: {  	_ = 	snop  }
0x3ea: {  	s0 =	simm.s32 $0x2  }
0x3eb: {  	_ =	swait.ge [sflag:s0], $0x0  }
0x3ec: {  	s31 =	smov.u32 s30;
	[sflag:s0] =	ssyncset.done $0x0;
	s0 =	simm.s32 $0x0  }
.LBB2_26:
0x3ed: {  	_ =	sfence.sel $0x180000  }
0x3ee: {  	s0 =	simm.s32 $0x9;
	[bflag:$0x0] =	sbarrier.arrive $0xFFFF  }
0x3ef: {  	s24 =	simm.s32 $0xA;
	[sflag:s0] =	ssyncpa.u1 $0x1  }
0x3f0: {  	s25 =	simm.s32 $0xB;
	[sflag:s24] =	ssyncpa.u1 $0x1  }
0x3f1: {  	s26 =	simm.s32 $0x2;
	[sflag:s25] =	ssyncpa.u1 $0x1  }
0x3f2: {  	[sflag:s26] =	ssyncpa.u1 $0x1  }
0x3f3: {  	v0 =	vld [tilespmem:$0x6088];
	_ =	sdelay $0x4  }
0x3f4: {  	(v2sf) =	vpush v0, $0x0  }
0x3f5: {  	(v2sf) =	vpush v0, $0x1;
	_ =	sdelay $0x1  }
0x3f6: {  	(v2sf) =	vpush v0, $0x2;
	_ =	sdelay $0xb  }
0x3f7: {  	s0 =	spop (v2sf)  }
0x3f8: {  	s1 =	spop (v2sf)  }
0x3f9: {  	s2 =	smov.u32 s0;
	p0 =	sne.s32 s0, s1  }
0x3fa: {  	s3 =	spop (v2sf);
	s2 =	simm.s32 @!p0 $0xFFFFFFFF  }
0x3fb: {  	v2 =	vimm.s32 $0x1;
	v3 =	vlaneseq.u32;
	p0 =	seq.s32 s3, $0xFFFFFFFF;
	v1 =	vmov s2  }
0x3fc: {  	s14 =	stileid.u32;
	v0 =	vperm.xlane v0, v2;
	p1 =	sne.s32 @!p0 s0, s1;
	v1 =	vperm.xlane v1, v3  }
0x3fd: {  	vm0 =	vcmask $0x3F04;
	s6 =	simm.s32 $0x6088;
	s0 =	simm.s32 @!p0 $0x1;
	p1 =	por !p1, p0  }
0x3fe: {  	s2 =	sshll.u32 s14, $0x1;
	s1 =	sshll.u32 @!p0 s3, $0x7;
	s0 =	simm.s32 @p1 $0x0;
	v0 =	vsel vm0, v1, v0  }
0x3ff: {  	s5 =	sor.u32 $0x400, s2;
	s1 =	sshra.s32 @!p0 s1, $0x2;
	s0 =	sor.u32 @!p0 s0, s2;
	[tilespmem:$0x6088] =	vst v0  }
0x400: {  	[spmem:s5] =	stream.linear.scatter [tilespmem:s6], [sflag:$0x1], $0x2, $0x38;
	[tilespmem:$0x1EC48] =	vst v63  }
0x401: {  	s1 =	sadd.s32 @!p0 $0x48, s1;
	s0 =	sshll.u32 @!p0 s0, $0x5  }
0x402: {  	[spmem:s0] =	stream.linear.scatter @!p0 [tilespmem:s1], [sflag:$0x1], $0x20, $0x38;
	[tilespmem:$0x1EC48] =	vst v63  }
0x403: {  	s0 =	simm.s32 @!p0 $0x22  }
0x404: {  	s28 =	simm.s32 $0x1;
	s0 =	simm.s32 @p0 $0x2  }
0x405: {  	_ =	swait.ge [sflag:s28], s0  }
0x406: {  	s0 =	ssub.s32 $0x0, s0;
	[sflag:s28] =	ssyncset.done $0x0  }
0x407: {  	p0 =	sne.s32 s14, $0x0;
	[sflag:s28] =	ssyncadd.s32 s0  }
.Ltmp22:
0x408: {  	_ =	sfence.stream.spmem;
	(pc) =	sbr.rel @p0 .LBB2_43-.Ltmp22, $4  }
0x409: {  	s29 =	simm.s32 $0x3;
	[bflag:$0x0] =	sbarrier.arrive $0xFFFF  }
0x40a: {  	s30 =	simm.s32 $0x4;
	[sflag:s29] =	ssyncpa.u1 $0x1  }
0x40b: {  	s31 =	simm.s32 $0x3C;
	[sflag:s30] =	ssyncpa.u1 $0x1  }
0x40c: {  	s15 =	rddreg [dreg:$0x4];
	[sflag:s31] =	ssyncpa.u1 $0x1  }
0x40d: {  	_ =	sfence.stream.spmem;
	s0 =	simm.s32 $0x5  }
0x40e: {  	s1 =	simm.s32 $0x400;
	s2 =	simm.s32 $0x6098;
	[sflag:s0] =	ssyncpa.u1 $0x0  }
0x40f: {  	[tilespmem:s2], [sflag:$0x5] =	stream.linear.gather [spmem:s1], $0x20, $0x38;
	[tilespmem:$0x1EC48] =	vst v63  }
0x410: {  	s26 =	simm.s32 $0x0;
	s28 =	simm.s32 $0x60B8  }
0x411: {  	[tilespmem:s28], [sflag:$0x5] =	stream.linear.gather [spmem:s26], $0x400, $0x38;
	[tilespmem:$0x1EC48] =	vst v63  }
0x412: {  	_ =	swait.ge [sflag:s0], $0x420  }
0x413: {  	[sflag:s0] =	ssyncset.done $0x0  }
0x414: {  	s29 =	simm.s32 $0x0;
	[sflag:s0] =	ssyncadd.s32 $0xFFFFFBE0  }
0x415: {  	v0 =	vld.msk [tilespmem:s29+$0x6098], $0x1;
	_ =	sdelay $0x1  }
0x416: {  	s30 =	simm.s32 $0x1  }
0x417: {  	v1 =	vld.msk [tilespmem:s30+$0x6098], $0x1;
	_ =	sdelay $0x1  }
0x418: {  	(v2sf) =	vpush v0, $0x0;
	_ =	sdelay $0x2  }
0x419: {  	(v2sf) =	vpush v1, $0x0;
	_ =	sdelay $0x2  }
0x41a: {  	s31 =	simm.s32 $0x2  }
0x41b: {  	v0 =	vld.msk [tilespmem:s31+$0x6098], $0x1;
	_ =	sdelay $0x2  }
0x41c: {  	s1 =	simm.s32 $0xFFFFFFFF;
	s2 =	simm.s32 $0xFFFFFFFF;
	s0 =	simm.s32 $0xC  }
.LBB2_28:
0x41d: {  	s3 =	smov.u32 s2;
	s5 =	smov.u32 s1  }
0x41e: {  	s1 =	sshra.s32 s0, $0x2;
	p1 =	sne.s32 s0, $0x7C;
	s0 =	sadd.s32 $0x4, s0;
	(v2sf) =	vpush v0, $0x0  }
0x41f: {  	v0 =	vld.msk [tilespmem:s1+$0x6098], $0x1  }
.Ltmp23:
0x420: {  	(pc) =	sbr.rel @p1 .LBB2_28-.Ltmp23, $4  }
0x421: {  	s2 =	spop (v2sf)  }
0x422: {  	p2 =	sne.s32 s5, $0xFFFFFFFF;
	s1 =	smov.u32 s2  }
0x423: {  	p3 =	seq.s32 s2, $0xFFFFFFFF;
	s1 =	smov.u32 @p2 s5  }
0x424: {  	s2 =	smov.u32 @p3 s3;
	s1 =	smov.u32 @p3 s5  }
0x425: {  	(v2sf) =	vpush v0, $0x0;
	_ =	sdelay $0x8  }
0x426: {  	s0 =	spop (v2sf)  }
0x427: {  	p1 =	sne.s32 s1, $0xFFFFFFFF;
	s3 =	smov.u32 s0  }
0x428: {  	s9 =	simm.s32 $0x6;
	p2 =	seq.s32 s0, $0xFFFFFFFF;
	s3 =	smov.u32 @p1 s1  }
0x429: {  	s10 =	simm.s32 $0x6068;
	s3 =	smov.u32 @p2 s1;
	s1 =	spop (v2sf)  }
0x42a: {  	s0 =	smov.u32 @p2 s2;
	p1 =	sne.s32 s3, $0xFFFFFFFF;
	s5 =	smov.u32 s1  }
.Ltmp24:
0x42b: {  	p2 =	seq.s32 s1, $0xFFFFFFFF;
	s5 =	smov.u32 @p1 s3;
	(pc) =	sbr.rel .LBB2_30-.Ltmp24, $4  }
0x42c: {  	s11 =	simm.s32 $0x0;
	s5 =	smov.u32 @p2 s3;
	s7 =	spop (v2sf)  }
0x42d: {  	[sflag:s9] =	ssyncpa.u1 $0x0;
	p1 =	sne.s32 s5, $0xFFFFFFFF;
	s8 =	smov.u32 s7  }
0x42e: {  	s1 =	smov.u32 @p2 s0;
	p2 =	seq.s32 s7, $0xFFFFFFFF;
	s8 =	smov.u32 @p1 s5  }
0x42f: {  	s3 =	simm.s32 $0x0;
	s7 =	smov.u32 @p2 s1;
	s8 =	smov.u32 @p2 s5  }
.LBB2_36:
0x430: {  	p1 =	sgt.u32 s12, $0x277FC  }
0x431: {  	p2 =	seq.s32 @!p1 s12, s8  }
0x432: {  	p1 =	por p1, p2  }
0x433: {  	p2 =	sne.s32 @!p1 s12, s7  }
0x434: {  	p1 =	por p1, !p2  }
0x435: {  	s0 =	sshll.u32 @p1 s11, $0x7  }
0x436: {  	s0 =	sand.u32 @!p1 $0x3FFF8, s12  }
0x437: {  	s1 =	sand.u32 @!p1 $0x7, s12;
	s0 =	sadd.s32 @!p1 s4, s0  }
0x438: {  	[tilespmem:s10], [sflag:$0x6] =	stream.linear.gather @!p1 [hbm4b:s0+s1], $0x20, $0x38;
	[tilespmem:$0x1EC48] =	vst v63  }
0x439: {  	_ =	swait.ge @!p1 [sflag:s9], $0x20  }
0x43a: {  	[sflag:s9] =	ssyncset.done @!p1 $0x0  }
0x43b: {  	[sflag:s9] =	ssyncadd.s32 @!p1 $0xFFFFFFE0  }
0x43c: {  	v1 =	vld @!p1 [tilespmem:$0x6068];
	_ =	sdelay $0x2  }
0x43d: {  	s0 =	sshll.u32 @!p1 s11, $0x7  }
0x43e: {  	s1 =	sshrl.u32 @!p1 s0, $0x2  }
0x43f: {  	[tilespmem:s1+$0x60B8] =	vst.add.f32.msk @!p1 $0xffff, v1  }
0x440: {  	v1 =	vld @!p1 [tilespmem:$0x6078];
	_ =	sdelay $0x4  }
0x441: {  	[tilespmem:s1+$0x60C8] =	vst.add.f32.msk @!p1 $0xffff, v1  }
0x442: {  	s0 =	sshrl.u32 s0, $0x2;
	[tilespmem:s3+$0x6098] =	vst.msk $0x1, v0  }
0x443: {  	v0 =	vld [tilespmem:s0+$0x60B8];
	_ =	sdelay $0x2  }
0x444: {  	s31 =	sshll.u32 s3, $0x7  }
0x445: {  	s1 =	sshra.s32 s31, $0x2  }
0x446: {  	[tilespmem:s1+$0x60B8] =	vst v0  }
0x447: {  	v0 =	vld [tilespmem:s0+$0x60C8];
	_ =	sdelay $0x4  }
0x448: {  	s3 =	sadd.s32 $0x1, s3;
	[tilespmem:s1+$0x60C8] =	vst v0  }
.LBB2_37:
0x449: {  	s11 =	sadd.s32 $0x1, s11  }
0x44a: {  	p1 =	sne.s32 s11, $0x20  }
.Ltmp25:
0x44b: {  	_ = 	snop;
	(pc) =	sbr.rel @!p1 .LBB2_38-.Ltmp25, $1  }
0x44c: {  	_ =	sdelay $0x3  }
.LBB2_30:
0x44d: {  	v0 =	vld.msk [tilespmem:s11+$0x6098], $0x1;
	_ =	sdelay $0x4  }
0x44e: {  	(v2sf) =	vpush v0, $0x0;
	_ =	sdelay $0xe  }
0x44f: {  	s12 =	spop (v2sf)  }
0x450: {  	p1 =	seq.s32 s12, $0xFFFFFFFF  }
.Ltmp26:
0x451: {  	_ = 	snop;
	(pc) =	sbr.rel @p1 .LBB2_37-.Ltmp26, $1  }
0x452: {  	_ =	sdelay $0x3  }
0x453: {  	p1 =	slt.s32 s3, $0x1  }
.Ltmp27:
0x454: {  	_ = 	snop;
	(pc) =	sbr.rel @p1 .LBB2_36-.Ltmp27, $1  }
0x455: {  	_ =	sdelay $0x3  }
0x456: {  	s0 =	simm.s32 $0x6098;
	p1 =	por $0x0, $0x0  }
0x457: {  	v1 =	vld.msk @!p1 [tilespmem:s0+$0x0], $0x1;
	_ =	sdelay $0x4  }
0x458: {  	(v2sf) =	vpush @!p1 v1, $0x0;
	_ =	sdelay $0xd  }
0x459: {  	p3 =	sne.s32 s3, $0x1  }
.Ltmp28:
0x45a: {  	s1 =	spop @!p1 (v2sf);
	(pc) =	sbr.rel @!p3 .LBB2_34-.Ltmp28, $4  }
0x45b: {  	p2 =	seq.s32 @!p1 s12, s1  }
0x45c: {  	s13 =	simm.s32 $0x0;
	p2 =	por !p2, p1  }
0x45d: {  	s2 =	simm.s32 $0xFFFFFFFF;
	s13 =	simm.s32 @p2 $0xFFFFFFFF  }
0x45e: {  	s1 =	simm.s32 $0x1;
	s13 =	smov.u32 @p1 s2  }
.LBB2_33:
0x45f: {  	s2 =	smov.u32 s13;
	p1 =	sne.s32 s13, $0xFFFFFFFF  }
0x460: {  	s0 =	sadd.s32 $0x1, s0;
	s13 =	smov.u32 s1;
	s1 =	sadd.s32 $0x1, s1  }
0x461: {  	p2 =	sne.s32 s3, s1;
	v1 =	vld.msk @!p1 [tilespmem:s0+$0x0], $0x1;
	_ =	sdelay $0x4  }
0x462: {  	(v2sf) =	vpush @!p1 v1, $0x0;
	_ =	sdelay $0xe  }
.Ltmp29:
0x463: {  	s5 =	spop @!p1 (v2sf);
	(pc) =	sbr.rel @p2 .LBB2_33-.Ltmp29, $4  }
0x464: {  	p3 =	seq.s32 @!p1 s12, s5  }
0x465: {  	p3 =	por !p3, p1  }
0x466: {  	s13 =	simm.s32 @p3 $0xFFFFFFFF  }
0x467: {  	s13 =	smov.u32 @p1 s2  }
.LBB2_34:
0x468: {  	p1 =	seq.s32 s13, $0xFFFFFFFF  }
.Ltmp30:
0x469: {  	_ = 	snop;
	(pc) =	sbr.rel @p1 .LBB2_36-.Ltmp30, $1  }
0x46a: {  	_ =	sdelay $0x3  }
0x46b: {  	s0 =	sshll.u32 s11, $0x5  }
0x46c: {  	s0 =	sand.u32 $0x3FFFFFE0, s0  }
0x46d: {  	v0 =	vld [tilespmem:s0+$0x60B8];
	_ =	sdelay $0x2  }
0x46e: {  	s1 =	sshll.u32 s13, $0x7  }
0x46f: {  	s1 =	sshra.s32 s1, $0x2  }
0x470: {  	[tilespmem:s1+$0x60B8] =	vst.add.f32.msk $0xffff, v0  }
0x471: {  	v0 =	vld [tilespmem:s0+$0x60C8]  }
.Ltmp31:
0x472: {  	_ = 	snop;
	(pc) =	sbr.rel .LBB2_37-.Ltmp31, $2  }
0x473: {  	_ =	sdelay $0x2  }
0x474: {  	[tilespmem:s1+$0x60C8] =	vst.add.f32.msk $0xffff, v0  }
.LBB2_38:
0x475: {  	s0 =	simm.s32 $0x6;
	p1 =	seq.s32 s3, $0x0  }
0x476: {  	[sflag:s0] =	ssyncpa.u1 $0x1;
	v0 =	vimm.s32 @p1 $0xFFFFFFFF  }
0x477: {  	s9 =	sadd.s32 $0xFFFFFFFF, s3;
	[tilespmem:$0x64B8] =	vst @p1 v0  }
0x478: {  	v0 =	vld.msk @!p1 [tilespmem:s9+$0x6098], $0x1;
	_ =	sdelay $0x1  }
0x479: {  	v1 =	vld.msk @!p1 [tilespmem:$0x6098], $0x1;
	_ =	sdelay $0x2  }
0x47a: {  	p2 =	seq.s32 @!p1 s9, $0x0;
	v0 =	vbroadcast @!p1 v0, $0x0  }
0x47b: {  	vm0 =	vmmov @!p1 $0x1;
	p2 =	por !p2, p1  }
0x47c: {  	v1 =	vnsel @!p1 vm0, $0xFFFFFFFF, v1;
	vm0 =	vcmask @!p1 $0x308;
	v0 =	vpsel !p2, $0xFFFFFFFF, v0  }
0x47d: {  	p2 =	sne.s32 @!p1 s8, s7;
	v0 =	vsel @!p1 vm0, v1, v0  }
0x47e: {  	s0 =	simm.s32 @!p1 $0x60B8;
	s1 =	simm.s32 @!p1 $0x0;
	p3 =	por !p2, p1;
	[tilespmem:$0x64B8] =	vst @!p1 v0  }
0x47f: {  	[spmem:s1] =	stream.linear.scatter @!p1 [tilespmem:s0], [sflag:$0x1], $0x20, $0x38;
	[tilespmem:$0x1EC48] =	vst v63  }
0x480: {  	s0 =	sshll.u32 @!p3 s9, $0x7  }
0x481: {  	s0 =	sshra.s32 @!p3 s0, $0x2  }
0x482: {  	s1 =	simm.s32 @!p3 $0x20;
	s0 =	sadd.s32 @!p3 $0x60B8, s0  }
0x483: {  	[spmem:s1] =	stream.linear.scatter @!p3 [tilespmem:s0], [sflag:$0x1], $0x20, $0x38;
	[tilespmem:$0x1EC48] =	vst v63  }
0x484: {  	s0 =	simm.s32 @!p3 $0x1  }
0x485: {  	_ =	swait.ge @!p3 [sflag:s0], $0x40  }
0x486: {  	p1 =	por p2, p1;
	[sflag:s0] =	ssyncset.done @!p3 $0x0  }
0x487: {  	[sflag:s0] =	ssyncadd.s32 @!p3 $0xFFFFFFC0;
	s0 =	simm.s32 @!p1 $0x1  }
0x488: {  	_ =	swait.ge @!p1 [sflag:s0], $0x20  }
0x489: {  	s29 =	simm.s32 $0x64B8;
	[sflag:s0] =	ssyncset.done @!p1 $0x0  }
0x48a: {  	s30 =	simm.s32 $0x400;
	s31 =	simm.s32 $0x1;
	[sflag:s0] =	ssyncadd.s32 @!p1 $0xFFFFFFE0  }
0x48b: {  	[spmem:s30] =	stream.linear.scatter [tilespmem:s29], [sflag:$0x1], $0x10, $0x38;
	[tilespmem:$0x1EC48] =	vst v63  }
0x48c: {  	_ =	swait.ge [sflag:s31], $0x10  }
0x48d: {  	[sflag:s31] =	ssyncset.done $0x0  }
0x48e: {  	p1 =	seq.s32 s15, $0x0;
	s8 =	rddreg [dreg:$0x1];
	[sflag:s31] =	ssyncadd.s32 $0xFFFFFFF0  }
0x48f: {  	s1 =	sshll.u32 @p1 s8, $0xE;
	s7 =	rddreg [dreg:$0x2]  }
0x490: {  	s0 =	sadd.s32 @p1 $0x15C3C, s1;
	s1 =	sshll.u32 @p1 s7, $0x11  }
0x491: {  	_ =	sfence.stream.spmem;
	s0 =	sor.u32 @p1 s1, s0  }
0x492: {  	[sflag:s0] =	ssyncadd.remote.s32 @p1 $0x1;
	s0 =	simm.s32 @p1 $0x4  }
0x493: {  	s2 =	simm.s32 @!p1 $0x3C;
	s1 =	sand.u32 $0xFFFFFFFE, s8;
	_ =	swait.ge @p1 [sflag:s0], $0xA  }
0x494: {  	s5 =	simm.s32 @!p1 $0x0;
	s1 =	sadd.s32 @!p1 $0x4, s1;
	[sflag:s0] =	ssyncset.done @p1 $0x0  }
0x495: {  	s6 =	simm.s32 @!p1 $0x40;
	[sflag:s0] =	ssyncadd.s32 @p1 $0xFFFFFFF6;
	s0 =	sshll.u32 @!p1 s1, $0x1A  }
0x496: {  	s1 =	sshll.u32 @!p1 s1, $0xD;
	s0 =	sor.u32 @!p1 s0, s7;
	_ =	swait.eq @!p1 [sflag:s2], $0x1  }
0x497: {  	s1 =	sor.u32 @!p1 $0x1C04, s1;
	s2 =	simm.s32 @!p1 $0x1C03;
	s0 =	sor.u32 @!p1 $0x80004000, s0  }
0x498: {  	[spmem:s6], [sflag:s1] =	dma.general @!p1 [spmem:s5], [sflag:s2], length:$0x8, [dreg:$0x0], stride_count:$0x0, ici_dest:s0, dma_misc:DstOpCode:WRITE  }
0x499: {  	p2 =	slt.s32 s9, $0x2;
	s5 =	simm.s32 @!p1 $0x80;
	s6 =	simm.s32 @!p1 $0x82  }
0x49a: {  	[spmem:s6], [sflag:s1] =	dma.general @!p1 [spmem:s5], [sflag:s2], length:$0x2, [dreg:$0x0], stride_count:$0x0, ici_dest:s0, dma_misc:DstOpCode:WRITE  }
.Ltmp32:
0x49b: {  	s0 =	simm.s32 @!p1 $0x3;
	(pc) =	sbr.rel @p2 .LBB2_42-.Ltmp32, $4  }
0x49c: {  	s1 =	sshll.u32 @!p1 s8, $0xE;
	_ =	swait.ge @!p1 [sflag:s0], $0xA  }
0x49d: {  	s2 =	sshll.u32 @!p1 s7, $0x11;
	s1 =	sadd.s32 @!p1 $0x11C3C, s1;
	[sflag:s0] =	ssyncset.done @!p1 $0x0  }
0x49e: {  	[sflag:s0] =	ssyncadd.s32 @!p1 $0xFFFFFFF6;
	s0 =	sor.u32 @!p1 s2, s1  }
0x49f: {  	[sflag:s0] =	ssyncadd.remote.s32 @!p1 $0xFFFFFFFF;
	s0 =	simm.s32 $0x0  }
0x4a0: {  	s0 =	simm.s32 $0x6099  }
0x4a1: {  	v0 =	vld.msk [tilespmem:s0+$0x0], $0x1;
	_ =	sdelay $0x4  }
0x4a2: {  	(v2sf) =	vpush v0, $0x0;
	_ =	sdelay $0xc  }
0x4a3: {  	s1 =	sadd.s32 $0xFFFFFFFE, s3  }
0x4a4: {  	s1 =	sadd.s32 $0xFFFFFFFF, s1  }
0x4a5: {  	p2 =	sne.s32 s1, $0x0;
	s2 =	spop (v2sf)  }
.Ltmp33:
0x4a6: {  	p1 =	sgt.u32 s2, $0x277FC;
	(pc) =	sbr.rel @!p2 .LBB2_41-.Ltmp33, $4  }
0x4a7: {  	s6 =	simm.s32 $0x0;
	s3 =	sand.u32 @!p1 $0x3FFF8, s2  }
0x4a8: {  	s0 =	simm.s32 $0x60D8;
	s2 =	sand.u32 @!p1 $0x7, s2;
	s3 =	sadd.s32 @!p1 s4, s3  }
0x4a9: {  	[hbm4b:s3+s2] =	stream.linear.scatter @!p1 [tilespmem:s0], [sflag:$0x5], $0x20, $0x38;
	[tilespmem:$0x1EC48] =	vst v63  }
0x4aa: {  	s6 =	simm.s32 @!p1 $0x80;
	s2 =	simm.s32 $0x0;
	s3 =	simm.s32 $0x609A  }
.LBB2_40:
0x4ab: {  	v0 =	vld.msk [tilespmem:s3+$0x0], $0x1;
	s1 =	sadd.s32 $0xFFFFFFFF, s1;
	s2 =	sadd.s32 s2, s6  }
0x4ac: {  	p1 =	sne.s32 s1, $0x0;
	_ =	sdelay $0x3  }
0x4ad: {  	(v2sf) =	vpush v0, $0x0;
	_ =	sdelay $0xe  }
.Ltmp34:
0x4ae: {  	s5 =	spop (v2sf);
	(pc) =	sbr.rel @p1 .LBB2_40-.Ltmp34, $4  }
0x4af: {  	s6 =	simm.s32 $0x0;
	p2 =	sgt.u32 s5, $0x277FC  }
0x4b0: {  	s0 =	sadd.s32 $0x20, s0;
	s6 =	simm.s32 @!p2 $0x80;
	s7 =	sand.u32 @!p2 $0x3FFF8, s5  }
0x4b1: {  	s3 =	sadd.s32 $0x1, s3;
	s5 =	sand.u32 @!p2 $0x7, s5;
	s7 =	sadd.s32 @!p2 s4, s7  }
0x4b2: {  	[hbm4b:s7+s5] =	stream.linear.scatter @!p2 [tilespmem:s0], [sflag:$0x5], $0x20, $0x38;
	[tilespmem:$0x1EC48] =	vst v63  }
.LBB2_41:
0x4b3: {  	s0 =	sadd.s32 s2, s6  }
0x4b4: {  	s0 =	sshrl.u32 s0, $0x2  }
.LBB2_42:
0x4b5: {  	s1 =	simm.s32 $0x5  }
0x4b6: {  	_ =	swait.ge [sflag:s1], s0  }
0x4b7: {  	s31 =	ssub.s32 $0x0, s0;
	[sflag:s1] =	ssyncset.done $0x0  }
0x4b8: {  	[sflag:s1] =	ssyncadd.s32 s31  }
0x4b9: {  	[sflag:s1] =	ssyncpa.u1 $0x1  }
.LBB2_43:
0x4ba: {  	s0 =	sor.u32 s15, s14  }
0x4bb: {  	p1 =	sne.s32 s0, $0x0  }
.Ltmp35:
0x4bc: {  	_ = 	snop;
	(pc) =	sbr.rel @p1 .LBB2_58-.Ltmp35, $3  }
0x4bd: {  	_ =	sdelay $0x1  }
0x4be: {  	[bflag:$0x0] =	sbarrier.arrive $0xFFFF  }
0x4bf: {  	_ =	sfence  }
0x4c0: {  	s0 =	simm.s32 $0x7  }
0x4c1: {  	s1 =	simm.s32 $0x400;
	s2 =	simm.s32 $0x6098;
	[sflag:s0] =	ssyncpa.u1 $0x0  }
0x4c2: {  	[tilespmem:s2], [sflag:$0x7] =	stream.linear.gather [spmem:s1], $0x20, $0x38;
	[tilespmem:$0x1EC48] =	vst v63  }
0x4c3: {  	s30 =	simm.s32 $0x60B8;
	s1 =	simm.s32 $0x0  }
0x4c4: {  	[tilespmem:s30], [sflag:$0x7] =	stream.linear.gather [spmem:s1], $0x400, $0x38;
	[tilespmem:$0x1EC48] =	vst v63  }
.Ltmp36:
0x4c5: {  	_ = 	snop;
	(pc) =	sbr.rel .LBB2_45-.Ltmp36, $4  }
0x4c6: {  	_ =	swait.ge [sflag:s0], $0x420  }
0x4c7: {  	[sflag:s0] =	ssyncset.done $0x0  }
0x4c8: {  	s31 =	simm.s32 $0x8;
	[sflag:s0] =	ssyncadd.s32 $0xFFFFFBE0  }
0x4c9: {  	s2 =	simm.s32 $0x0;
	[sflag:s31] =	ssyncpa.u1 $0x0  }
.LBB2_51:
0x4ca: {  	p1 =	slt.u32 s3, $0x277FD  }
0x4cb: {  	s0 =	sand.u32 @p1 $0x3FFF8, s3  }
0x4cc: {  	s3 =	sand.u32 @p1 $0x7, s3;
	s5 =	simm.s32 @p1 $0x6068;
	s0 =	sadd.s32 @p1 s4, s0  }
0x4cd: {  	[tilespmem:s5], [sflag:$0x8] =	stream.linear.gather @p1 [hbm4b:s0+s3], $0x20, $0x38;
	[tilespmem:$0x1EC48] =	vst v63  }
0x4ce: {  	s0 =	simm.s32 @p1 $0x8  }
0x4cf: {  	_ =	swait.ge @p1 [sflag:s0], $0x20  }
0x4d0: {  	[sflag:s0] =	ssyncset.done @p1 $0x0  }
0x4d1: {  	[sflag:s0] =	ssyncadd.s32 @p1 $0xFFFFFFE0  }
0x4d2: {  	v1 =	vld @p1 [tilespmem:$0x6068];
	_ =	sdelay $0x2  }
0x4d3: {  	s0 =	sshll.u32 @p1 s2, $0x7  }
0x4d4: {  	s3 =	sshrl.u32 @p1 s0, $0x2  }
0x4d5: {  	[tilespmem:s3+$0x60B8] =	vst.add.f32.msk @p1 $0xffff, v1  }
0x4d6: {  	v1 =	vld @p1 [tilespmem:$0x6078];
	_ =	sdelay $0x3  }
0x4d7: {  	s5 =	sshll.u32 @!p1 s2, $0x7  }
0x4d8: {  	s5 =	smov.u32 @p1 s0;
	[tilespmem:s3+$0x60C8] =	vst.add.f32.msk @p1 $0xffff, v1  }
0x4d9: {  	s0 =	sshrl.u32 s5, $0x2;
	[tilespmem:s1+$0x6098] =	vst.msk $0x1, v0  }
0x4da: {  	v0 =	vld [tilespmem:s0+$0x60B8];
	_ =	sdelay $0x2  }
0x4db: {  	s31 =	sshll.u32 s1, $0x7  }
0x4dc: {  	s3 =	sshra.s32 s31, $0x2  }
0x4dd: {  	[tilespmem:s3+$0x60B8] =	vst v0  }
0x4de: {  	v0 =	vld [tilespmem:s0+$0x60C8];
	_ =	sdelay $0x4  }
0x4df: {  	s1 =	sadd.s32 $0x1, s1;
	[tilespmem:s3+$0x60C8] =	vst v0  }
.LBB2_52:
0x4e0: {  	s2 =	sadd.s32 $0x1, s2  }
0x4e1: {  	p1 =	sne.s32 s2, $0x20  }
.Ltmp37:
0x4e2: {  	_ = 	snop;
	(pc) =	sbr.rel @!p1 .LBB2_53-.Ltmp37, $1  }
0x4e3: {  	_ =	sdelay $0x3  }
.LBB2_45:
0x4e4: {  	v0 =	vld.msk [tilespmem:s2+$0x6098], $0x1;
	_ =	sdelay $0x4  }
0x4e5: {  	(v2sf) =	vpush v0, $0x0;
	_ =	sdelay $0xe  }
0x4e6: {  	s3 =	spop (v2sf)  }
0x4e7: {  	p1 =	seq.s32 s3, $0xFFFFFFFF  }
.Ltmp38:
0x4e8: {  	_ = 	snop;
	(pc) =	sbr.rel @p1 .LBB2_52-.Ltmp38, $1  }
0x4e9: {  	_ =	sdelay $0x3  }
0x4ea: {  	p1 =	slt.s32 s1, $0x1  }
.Ltmp39:
0x4eb: {  	_ = 	snop;
	(pc) =	sbr.rel @p1 .LBB2_51-.Ltmp39, $1  }
0x4ec: {  	_ =	sdelay $0x3  }
0x4ed: {  	s0 =	simm.s32 $0x6098;
	p1 =	por $0x0, $0x0  }
0x4ee: {  	v1 =	vld.msk @!p1 [tilespmem:s0+$0x0], $0x1;
	_ =	sdelay $0x4  }
0x4ef: {  	(v2sf) =	vpush @!p1 v1, $0x0;
	_ =	sdelay $0xd  }
0x4f0: {  	p3 =	sne.s32 s1, $0x1  }
.Ltmp40:
0x4f1: {  	s5 =	spop @!p1 (v2sf);
	(pc) =	sbr.rel @!p3 .LBB2_49-.Ltmp40, $4  }
0x4f2: {  	p2 =	seq.s32 @!p1 s3, s5  }
0x4f3: {  	s5 =	simm.s32 $0x0;
	p2 =	por !p2, p1  }
0x4f4: {  	s7 =	simm.s32 $0xFFFFFFFF;
	s5 =	simm.s32 @p2 $0xFFFFFFFF  }
0x4f5: {  	s6 =	simm.s32 $0x1;
	s5 =	smov.u32 @p1 s7  }
.LBB2_48:
0x4f6: {  	s7 =	smov.u32 s5;
	p1 =	sne.s32 s5, $0xFFFFFFFF  }
0x4f7: {  	s0 =	sadd.s32 $0x1, s0;
	s5 =	smov.u32 s6;
	s6 =	sadd.s32 $0x1, s6  }
0x4f8: {  	p2 =	sne.s32 s1, s6;
	v1 =	vld.msk @!p1 [tilespmem:s0+$0x0], $0x1;
	_ =	sdelay $0x4  }
0x4f9: {  	(v2sf) =	vpush @!p1 v1, $0x0;
	_ =	sdelay $0xe  }
.Ltmp41:
0x4fa: {  	s8 =	spop @!p1 (v2sf);
	(pc) =	sbr.rel @p2 .LBB2_48-.Ltmp41, $4  }
0x4fb: {  	p3 =	seq.s32 @!p1 s3, s8  }
0x4fc: {  	p3 =	por !p3, p1  }
0x4fd: {  	s5 =	simm.s32 @p3 $0xFFFFFFFF  }
0x4fe: {  	s5 =	smov.u32 @p1 s7  }
.LBB2_49:
0x4ff: {  	p1 =	seq.s32 s5, $0xFFFFFFFF  }
.Ltmp42:
0x500: {  	_ = 	snop;
	(pc) =	sbr.rel @p1 .LBB2_51-.Ltmp42, $1  }
0x501: {  	_ =	sdelay $0x3  }
0x502: {  	s0 =	sshll.u32 s2, $0x5  }
0x503: {  	s0 =	sand.u32 $0x3FFFFFE0, s0  }
0x504: {  	v0 =	vld [tilespmem:s0+$0x60B8];
	_ =	sdelay $0x2  }
0x505: {  	s3 =	sshll.u32 s5, $0x7  }
0x506: {  	s3 =	sshra.s32 s3, $0x2  }
0x507: {  	[tilespmem:s3+$0x60B8] =	vst.add.f32.msk $0xffff, v0  }
0x508: {  	v0 =	vld [tilespmem:s0+$0x60C8]  }
.Ltmp43:
0x509: {  	_ = 	snop;
	(pc) =	sbr.rel .LBB2_52-.Ltmp43, $2  }
0x50a: {  	_ =	sdelay $0x2  }
0x50b: {  	[tilespmem:s3+$0x60C8] =	vst.add.f32.msk $0xffff, v0  }
.LBB2_53:
0x50c: {  	p1 =	slt.s32 s1, $0x1  }
.Ltmp44:
0x50d: {  	_ = 	snop;
	(pc) =	sbr.rel @p1 .LBB2_57-.Ltmp44, $3  }
0x50e: {  	_ =	sdelay $0x1  }
0x50f: {  	s0 =	simm.s32 $0x8  }
0x510: {  	s2 =	simm.s32 $0x0;
	[sflag:s0] =	ssyncpa.u1 $0x1  }
0x511: {  	s0 =	simm.s32 $0x6098  }
0x512: {  	v0 =	vld.msk [tilespmem:s0+$0x0], $0x1;
	_ =	sdelay $0x4  }
0x513: {  	(v2sf) =	vpush v0, $0x0;
	_ =	sdelay $0xe  }
0x514: {  	s1 =	sadd.s32 $0xFFFFFFFF, s1;
	s3 =	spop (v2sf)  }
0x515: {  	p2 =	sne.s32 s1, $0x0;
	p1 =	sgt.u32 s3, $0x277FC  }
.Ltmp45:
0x516: {  	s5 =	sand.u32 @!p1 $0x3FFF8, s3;
	(pc) =	sbr.rel @!p2 .LBB2_56-.Ltmp45, $4  }
0x517: {  	s0 =	simm.s32 $0x60B8;
	s3 =	sand.u32 @!p1 $0x7, s3;
	s5 =	sadd.s32 @!p1 s4, s5  }
0x518: {  	[hbm4b:s5+s3] =	stream.linear.scatter @!p1 [tilespmem:s0], [sflag:$0x7], $0x20, $0x38;
	[tilespmem:$0x1EC48] =	vst v63  }
0x519: {  	s5 =	simm.s32 $0x0  }
0x51a: {  	s3 =	simm.s32 $0x6099;
	s5 =	simm.s32 @!p1 $0x80  }
.LBB2_55:
0x51b: {  	v0 =	vld.msk [tilespmem:s3+$0x0], $0x1;
	s1 =	sadd.s32 $0xFFFFFFFF, s1;
	s2 =	sadd.s32 s2, s5  }
0x51c: {  	p1 =	sne.s32 s1, $0x0;
	_ =	sdelay $0x3  }
0x51d: {  	(v2sf) =	vpush v0, $0x0;
	_ =	sdelay $0xe  }
.Ltmp46:
0x51e: {  	s6 =	spop (v2sf);
	(pc) =	sbr.rel @p1 .LBB2_55-.Ltmp46, $4  }
0x51f: {  	s5 =	simm.s32 $0x0;
	p2 =	sgt.u32 s6, $0x277FC  }
0x520: {  	s0 =	sadd.s32 $0x20, s0;
	s5 =	simm.s32 @!p2 $0x80;
	s7 =	sand.u32 @!p2 $0x3FFF8, s6  }
0x521: {  	s3 =	sadd.s32 $0x1, s3;
	s6 =	sand.u32 @!p2 $0x7, s6;
	s7 =	sadd.s32 @!p2 s4, s7  }
0x522: {  	[hbm4b:s7+s6] =	stream.linear.scatter @!p2 [tilespmem:s0], [sflag:$0x7], $0x20, $0x38;
	[tilespmem:$0x1EC48] =	vst v63  }
.LBB2_56:
0x523: {  	s0 =	sadd.s32 s2, s5  }
0x524: {  	s2 =	sshrl.u32 s0, $0x2  }
.LBB2_57:
0x525: {  	s0 =	simm.s32 $0x7  }
0x526: {  	_ =	swait.ge [sflag:s0], s2  }
0x527: {  	s1 =	ssub.s32 $0x0, s2;
	[sflag:s0] =	ssyncset.done $0x0  }
0x528: {  	[sflag:s0] =	ssyncadd.s32 s1  }
0x529: {  	[sflag:s0] =	ssyncpa.u1 $0x1  }
.LBB2_58:
0x52a: {  	_ =	sfence;
	s0 =	simm.s32 $0x1  }
0x52b: {  	[sflag:s0] =	ssyncpa.u1 $0x1  }
0x52c: {  	_ =	strace $0x90000050  }
0x52d: {  	[bflag:$0x2] =	sbarrier.arrive $0xFFFF  }
0x52e: {  	s0 =	rddreg [dreg:$0x3]  }
0x52f: {  	s0 =	sadd.s32 @!p0 $0x100000, s0  }
0x530: {  	[sflag:s0] =	ssyncadd.tile.s32 @!p0 $0x1;
	_ =	shalt  }
.Lfunc_end2:
_tile_overlayer_lowered:
.L_overlay_start_2:
0x531: {  	(tag) =	ssettag $0x2  }
0x532: {  	s0 =	rddreg [dreg:$0x0];
	s2 =	stileid.u32  }
0x533: {  	s1 =	rddreg [dreg:$0x1];
	p0 =	sne.s32 s2, $0x0  }
0x534: {  	s3 =	rddreg [dreg:$0x2];
	[bflag:$0x3] =	sbarrier.arrive $0xFFFF;
	s2 =	simm.s32 @!p0 $0x1C01  }
0x535: {  	[timem:s3], [sflag:s2] =	dma.local @!p0 [hbm:s0], s1  }
0x536: {  	s0 =	simm.s32 @!p0 $0x1  }
0x537: {  	_ =	swait.ge @!p0 [sflag:s0], s1  }
0x538: {  	s1 =	ssub.s32 @!p0 $0x0, s1;
	[sflag:s0] =	ssyncset.done @!p0 $0x0  }
0x539: {  	[sflag:s0] =	ssyncadd.s32 @!p0 s1  }
0x53a: {  	[bflag:$0x3] =	sbarrier.arrive $0xFFFF  }
0x53b: {  	_ =	shalt  }

// kernel: scatter_offload_async_start
scs
__scs_entry_jumppad:
0x0: {  	(pc) =	sbr.rel $0x88, $3  }
0x1: {  	(tag) =	ssettag $0x0;
	lr =	simm.s32 $0x1  }
0x2: {  	[smem:$0x3F7E] =	sst lr;
	_ =	strace $0xD0000000  }
0x3: {  	_ = 	snop  }
0x4: {  	_ = 	snop  }
0x5: {  	_ = 	snop  }
0x6: {  	_ = 	snop  }
0x7: {  	_ = 	snop  }
__scs_overlays_trampoline_lowered:
0x8: {  	[smem:$0x3F8D] =	sst s0  }
0x9: {  	[smem:$0x3F8E] =	sst s1  }
0xa: {  	[smem:$0x3F8F] =	sst s2  }
0xb: {  	[smem:$0x3F90] =	sst s3  }
0xc: {  	[smem:$0x3F91] =	sst s4  }
0xd: {  	[smem:$0x3F92] =	sst s5  }
0xe: {  	[smem:$0x3F93] =	sst s6  }
0xf: {  	[smem:$0x3F94] =	sst s7  }
0x10: {  	[smem:$0x3F95] =	sst s8  }
0x11: {  	[smem:$0x3F96] =	sst s9;
	s0 =	simm.s32 @!p0 $0x0  }
0x12: {  	s1 =	sld [smem:$0x3F7C];
	s0 =	simm.s32 @p0 $0x1  }
0x13: {  	[smem:$0x3F97] =	sst s0;
	s0 =	simm.s32 @!p1 $0x0  }
0x14: {  	s2 =	sld [smem:$0x3F7B];
	s0 =	simm.s32 @p1 $0x1  }
0x15: {  	[smem:$0x3F98] =	sst s0;
	s0 =	simm.s32 @!p2 $0x0  }
0x16: {  	s3 =	sld [smem:$0x3FDB];
	s0 =	simm.s32 @p2 $0x1  }
0x17: {  	s4 =	simm.s32 $0x1BF5;
	[smem:$0x3F9A] =	sst s0  }
0x18: {  	s0 =	sld [smem:$0x3F7D];
	_ =	swait.ge [sflag:s4], $0x0  }
0x19: {  	s7 =	sld [smem:$0x3F7E]  }
0x1a: {  	s8 =	sadd.s32 $0xFFFFE003, lr  }
0x1b: {  	s9 =	sadd.s32 $0xFFFFFEF7, lr;
	s5 =	simm.s32 $0xFFFFFFFF;
	p2 =	slt.u32 s8, $0xFFFFF086  }
0x1c: {  	p1 =	slt.u32 s9, $0xF7A;
	s5 =	simm.s32 @!p2 $0x0  }
0x1d: {  	s5 =	simm.s32 @p1 $0x1;
	p0 =	seq.s32 s7, s2  }
0x1e: {  	s7 =	smul.u32 @!p0 $0xF7A, s2;
	p2 =	seq.s32 @!p0 s5, $0x0  }
0x1f: {  	s9 =	smul.u32 $0xF7A, s1;
	s8 =	simm.s32 @!p0 $0x1BF5;
	p2 =	por !p2, p0  }
0x20: {  	[sflag:s8] =	ssyncset.s32 @!p0 $0xFFFFF086;
	s6 =	sadd.s32 @!p0 s3, s7;
	s7 =	simm.s32 @!p0 $0x108  }
0x21: {  	s3 =	sadd.s32 s3, s9;
	s6 =	sadd.s32 @!p0 $0x88, s6;
	s7 =	simm.s32 @p2 $0x1082  }
0x22: {  	[simem:s7], [sflag:s8] =	dma.local @!p0 [hbm:s6], $0xF7A  }
0x23: {  	s9 =	sor.u32 $0xD0000000, s2;
	s6 =	simm.s32 $0x108;
	_ =	swait.ge @!p0 [sflag:s8], $0x0  }
0x24: {  	s3 =	sadd.s32 $0x88, s3;
	s6 =	simm.s32 @!p1 $0x1082;
	[sflag:s4] =	ssyncset.s32 $0xFFFFF086  }
0x25: {  	[simem:s6], [sflag:s4] =	dma.local [hbm:s3], $0xF7A  }
0x26: {  	[smem:$0x3F7E] =	sst s1;
	(tag) =	ssettag s2;
	_ =	strace s9  }
0x27: {  	s1 =	sld [smem:$0x3F8E]  }
0x28: {  	s2 =	sld [smem:$0x3F8F]  }
0x29: {  	s4 =	sld [smem:$0x3F91]  }
0x2a: {  	p0 =	seq.s32 s5, $0x0;
	s5 =	sld [smem:$0x3F92]  }
0x2b: {  	s6 =	sld [smem:$0x3F93]  }
0x2c: {  	s7 =	sld [smem:$0x3F94]  }
0x2d: {  	s3 =	simm.s32 $0x108;
	s8 =	sld [smem:$0x3F95]  }
0x2e: {  	s3 =	simm.s32 @!p0 $0x1082;
	s9 =	sld [smem:$0x3F96]  }
0x2f: {  	lr =	sadd.s32 s0, s3;
	s0 =	sld [smem:$0x3F8D]  }
0x30: {  	s3 =	sld [smem:$0x3F90]  }
0x31: {  	[smem:$0x3F99] =	sst s10  }
0x32: {  	s10 =	sld [smem:$0x3F97];
	_ =	sdelay $0x3  }
0x33: {  	p0 =	seq.s32 s10, $0x1;
	s10 =	sld [smem:$0x3F99];
	_ =	sdelay $0x3  }
0x34: {  	[smem:$0x3F99] =	sst s10  }
0x35: {  	s10 =	sld [smem:$0x3F98];
	_ =	sdelay $0x3  }
0x36: {  	p1 =	seq.s32 s10, $0x1;
	s10 =	sld [smem:$0x3F99];
	_ =	sdelay $0x3  }
0x37: {  	[smem:$0x3F99] =	sst s10  }
0x38: {  	s10 =	sld [smem:$0x3F9A]  }
0x39: {  	_ = 	snop;
	(pc) =	sbr.ind lr, $3  }
0x3a: {  	_ = 	snop  }
0x3b: {  	_ = 	snop  }
0x3c: {  	p2 =	seq.s32 s10, $0x1;
	s10 =	sld [smem:$0x3F99]  }
0x3d: {  	_ =	shalt  }
0x3e: {  	_ =	shalt  }
0x3f: {  	_ =	shalt  }
0x40: {  	_ =	shalt  }
0x41: {  	_ =	shalt  }
0x42: {  	_ =	shalt  }
0x43: {  	_ =	shalt  }
0x44: {  	_ =	shalt  }
0x45: {  	_ =	shalt  }
0x46: {  	_ =	shalt  }
0x47: {  	_ =	shalt  }
0x48: {  	_ =	shalt  }
0x49: {  	_ =	shalt  }
0x4a: {  	_ =	shalt  }
0x4b: {  	_ =	shalt  }
0x4c: {  	_ =	shalt  }
0x4d: {  	_ =	shalt  }
0x4e: {  	_ =	shalt  }
0x4f: {  	_ =	shalt  }
0x50: {  	_ =	shalt  }
0x51: {  	_ =	shalt  }
0x52: {  	_ =	shalt  }
0x53: {  	_ =	shalt  }
0x54: {  	_ =	shalt  }
0x55: {  	_ =	shalt  }
0x56: {  	_ =	shalt  }
0x57: {  	_ =	shalt  }
0x58: {  	_ =	shalt  }
0x59: {  	_ =	shalt  }
0x5a: {  	_ =	shalt  }
0x5b: {  	_ =	shalt  }
0x5c: {  	_ =	shalt  }
0x5d: {  	_ =	shalt  }
0x5e: {  	_ =	shalt  }
0x5f: {  	_ =	shalt  }
0x60: {  	_ =	shalt  }
0x61: {  	_ =	shalt  }
0x62: {  	_ =	shalt  }
0x63: {  	_ =	shalt  }
0x64: {  	_ =	shalt  }
0x65: {  	_ =	shalt  }
0x66: {  	_ =	shalt  }
0x67: {  	_ =	shalt  }
0x68: {  	_ =	shalt  }
0x69: {  	_ =	shalt  }
0x6a: {  	_ =	shalt  }
0x6b: {  	_ =	shalt  }
0x6c: {  	_ =	shalt  }
0x6d: {  	_ =	shalt  }
0x6e: {  	_ =	shalt  }
0x6f: {  	_ =	shalt  }
0x70: {  	_ =	shalt  }
0x71: {  	_ =	shalt  }
0x72: {  	_ =	shalt  }
0x73: {  	_ =	shalt  }
0x74: {  	_ =	shalt  }
0x75: {  	_ =	shalt  }
0x76: {  	_ =	shalt  }
0x77: {  	_ =	shalt  }
0x78: {  	_ =	shalt  }
0x79: {  	_ =	shalt  }
0x7a: {  	_ =	shalt  }
0x7b: {  	_ =	shalt  }
0x7c: {  	_ =	shalt  }
0x7d: {  	_ =	shalt  }
0x7e: {  	_ =	shalt  }
0x7f: {  	_ =	shalt  }
0x80: {  	_ =	shalt  }
0x81: {  	_ =	shalt  }
0x82: {  	_ =	shalt  }
0x83: {  	_ =	shalt  }
0x84: {  	_ =	shalt  }
0x85: {  	_ =	shalt  }
0x86: {  	_ =	shalt  }
0x87: {  	_ =	shalt  }
.Lfunc_end0:
.L_simem_size_0:
called_computation_lowered:
.L_overlay_start_0:
0x88: {  	s2 =	sld [smem:$0x3FD9]  }
0x89: {  	s3 =	sld [smem:$0x3FFE];
	_ =	sdelay $0x1  }
0x8a: {  	s1 =	srdreg.scid  }
0x8b: {  	s0 =	sand.u32 $0x1, s1  }
0x8c: {  	s15 =	sshll.u32 s0, $0xA;
	s2 =	sadd.s32 s3, s2  }
0x8d: {  	s2 =	sadd.s32 s2, s15  }
0x8e: {  	[smem:$0x3FA5] =	sst s2  }
0x8f: {  	_ = 	snop  }
0x90: {  	(tm) =	ssettm $0x1  }
0x91: {  	s16 =	sld [smem:$0x3FFB];
	_ =	sdelay $0x3  }
0x92: {  	_ =	strace s16  }
0x93: {  	s2 =	sld [smem:$0x3FFC];
	_ =	sdelay $0x3  }
0x94: {  	_ =	strace s2  }
0x95: {  	s2 =	sld [smem:$0x3FFD];
	_ =	sdelay $0x3  }
0x96: {  	_ =	strace s2  }
0x97: {  	_ =	strace $0x8FFFFFFF  }
0x98: {  	s17 =	sld [smem:$0x3FDB];
	_ =	sdelay $0x1  }
0x99: {  	s18 =	simm.s32 $_scs_section_size  }
0x9a: {  	s4 =	simm.s32 $_size__tile_overlayer_lowered;
	s5 =	simm.s32 $_tile_overlayer_lowered  }
0x9b: {  	s21 =	simm.s32 $0x1BFF;
	s20 =	sshll.u32 s5, $0x1;
	s2 =	sadd.s32 s18, s17  }
0x9c: {  	s6 =	simm.s32 $0x0;
	s19 =	sshll.u32 s4, $0x1;
	s4 =	sadd.s32 s20, s2  }
0x9d: {  	[timem:s6], [sflag:s21] =	dma.local [hbm:s4], s19  }
0x9e: {  	_ =	swait.ge [sflag:s21], s19  }
0x9f: {  	s3 =	ssub.s32 $0x0, s19;
	[sflag:s21] =	ssyncset.done $0x0  }
0xa0: {  	[sflag:s21] =	ssyncadd.s32 s3;
	_ =	sdelay $0x1  }
0xa1: {  	s22 =	simm.s32 $0x1B8B  }
0xa2: {  	_ =	swait.ge [sflag:s22], $0x1  }
0xa3: {  	[sflag:s22] =	ssyncset.done $0x0  }
0xa4: {  	s23 =	sld [smem:$0x3FFE];
	[sflag:s22] =	ssyncadd.s32 $0xFFFFFFFF  }
0xa5: {  	s25 =	simm.s32 $0x1B8E;
	s24 =	sld [smem:$0x0]  }
0xa6: {  	s26 =	simm.s32 $execute0_lowered;
	[smem:$0x3FD2] =	sst s25  }
0xa7: {  	s5 =	sshll.u32 s26, $0x1;
	_ =	strace $0x80000049;
	[dreg:$0x1] =	wrdreg $0xFFFFFFFF  }
0xa8: {  	s28 =	simm.s32 $_size_execute0_lowered;
	s2 =	sadd.s32 s2, s5;
	[dreg:$0x0] =	wrdreg $0x0  }
0xa9: {  	s5 =	sshll.u32 s28, $0x1;
	[dreg:$0x2] =	wrdreg s2  }
0xaa: {  	[dreg:$0x3] =	wrdreg s5  }
0xab: {  	[dreg:$0x4] =	wrdreg $0xC0  }
0xac: {  	_ =	task [dreg:s6], $0x5FFFF  }
0xad: {  	[dreg:$0x1] =	wrdreg $0xFFFFFFFF  }
0xae: {  	[dreg:$0x0] =	wrdreg $0x60  }
0xaf: {  	[dreg:$0x2] =	wrdreg s23  }
0xb0: {  	[dreg:$0x3] =	wrdreg s1  }
0xb1: {  	[dreg:$0x4] =	wrdreg s24  }
0xb2: {  	[dreg:$0x5] =	wrdreg $0x9  }
0xb3: {  	_ =	task.clear_ibuf [dreg:s6], $0x6FFFF;
	_ =	strace $0x90000049  }
0xb4: {  	s29 =	simm.s32 $0x9;
	_ =	strace $0x8000004B  }
0xb5: {  	_ =	swait.ge [sflag:s29], $0x1  }
0xb6: {  	[sflag:s29] =	ssyncadd.s32 $0xFFFFFFFF  }
0xb7: {  	_ =	strace $0x9000004B  }
0xb8: {  	_ =	sfence  }
0xb9: {  	s30 =	sld [smem:$0x0];
	_ =	sdelay $0x2  }
0xba: {  	s31 =	sshll.u32 s1, $0xD;
	s1 =	sshrl.u32 s1, $0x2  }
0xbb: {  	s3 =	sand.u32 $0x4000, s31;
	s1 =	sadd.s32 s1, s30  }
0xbc: {  	s0 =	sor.u32 s3, s0;
	s1 =	sshll.u32 s1, $0x11  }
0xbd: {  	s0 =	sor.u32 s1, s0  }
0xbe: {  	s0 =	sadd.s32 $0x8F2B, s0  }
0xbf: {  	[sflag:s0] =	ssyncadd.remote.s32 $0x1  }
0xc0: {  	_ =	sfence.sel $0xFFFF  }
0xc1: {  	[dreg:$0x0] =	wrdreg $0xFFFFFFFF;
	(pc) =	sbr.abs _section_cstart, $3  }
0xc2: {  	[dreg:$0x1] =	wrdreg $0xFFFFFFFF  }
0xc3: {  	_ =	task.clear_ibuf [dreg:s6], $0x2FFFF;
	_ =	strace $0x9FFFFFFF  }
0xc4: {  	(tm) =	ssettm $0x7FFFFFFF  }
0xc5: {  	_ =	shalt  }
tec
execute0_lowered:
.L_overlay_start_1:
0x0: {  	(tag) =	ssettag $0x1  }
0x1: {  	s7 =	rddreg [dreg:$0x0]  }
0x2: {  	s2 =	rddreg [dreg:$0x1];
	_ =	strace $0x8000004A;
	s3 =	simm.s32 $0x1  }
0x3: {  	v0 =	vimm.s32 $0x0;
	[sflag:s3] =	ssyncpa.u1 $0x0  }
0x4: {  	[tilespmem:$0x48] =	vst v0  }
0x5: {  	[tilespmem:$0x58] =	vst v0  }
0x6: {  	[tilespmem:$0x68] =	vst v0  }
0x7: {  	[tilespmem:$0x78] =	vst v0  }
0x8: {  	[tilespmem:$0x88] =	vst v0  }
0x9: {  	[tilespmem:$0x98] =	vst v0  }
0xa: {  	[tilespmem:$0xA8] =	vst v0  }
0xb: {  	[tilespmem:$0xB8] =	vst v0  }
0xc: {  	[tilespmem:$0xC8] =	vst v0  }
0xd: {  	[tilespmem:$0xD8] =	vst v0  }
0xe: {  	[tilespmem:$0xE8] =	vst v0  }
0xf: {  	[tilespmem:$0xF8] =	vst v0  }
0x10: {  	[tilespmem:$0x108] =	vst v0  }
0x11: {  	[tilespmem:$0x118] =	vst v0  }
0x12: {  	[tilespmem:$0x128] =	vst v0  }
0x13: {  	[tilespmem:$0x138] =	vst v0  }
0x14: {  	[tilespmem:$0x148] =	vst v0  }
0x15: {  	[tilespmem:$0x158] =	vst v0  }
0x16: {  	[tilespmem:$0x168] =	vst v0  }
0x17: {  	[tilespmem:$0x178] =	vst v0  }
0x18: {  	[tilespmem:$0x188] =	vst v0  }
0x19: {  	[tilespmem:$0x198] =	vst v0  }
0x1a: {  	[tilespmem:$0x1A8] =	vst v0  }
0x1b: {  	[tilespmem:$0x1B8] =	vst v0  }
0x1c: {  	[tilespmem:$0x1C8] =	vst v0  }
0x1d: {  	[tilespmem:$0x1D8] =	vst v0  }
0x1e: {  	[tilespmem:$0x1E8] =	vst v0  }
0x1f: {  	[tilespmem:$0x1F8] =	vst v0  }
0x20: {  	[tilespmem:$0x208] =	vst v0  }
0x21: {  	[tilespmem:$0x218] =	vst v0  }
0x22: {  	[tilespmem:$0x228] =	vst v0  }
0x23: {  	[tilespmem:$0x238] =	vst v0  }
0x24: {  	[tilespmem:$0x248] =	vst v0  }
0x25: {  	[tilespmem:$0x258] =	vst v0  }
0x26: {  	[tilespmem:$0x268] =	vst v0  }
0x27: {  	[tilespmem:$0x278] =	vst v0  }
0x28: {  	[tilespmem:$0x288] =	vst v0  }
0x29: {  	[tilespmem:$0x298] =	vst v0  }
0x2a: {  	[tilespmem:$0x2A8] =	vst v0  }
0x2b: {  	[tilespmem:$0x2B8] =	vst v0  }
0x2c: {  	[tilespmem:$0x2C8] =	vst v0  }
0x2d: {  	[tilespmem:$0x2D8] =	vst v0  }
0x2e: {  	[tilespmem:$0x2E8] =	vst v0  }
0x2f: {  	[tilespmem:$0x2F8] =	vst v0  }
0x30: {  	[tilespmem:$0x308] =	vst v0  }
0x31: {  	[tilespmem:$0x318] =	vst v0  }
0x32: {  	[tilespmem:$0x328] =	vst v0  }
0x33: {  	[tilespmem:$0x338] =	vst v0  }
0x34: {  	[tilespmem:$0x348] =	vst v0  }
0x35: {  	[tilespmem:$0x358] =	vst v0  }
0x36: {  	[tilespmem:$0x368] =	vst v0  }
0x37: {  	[tilespmem:$0x378] =	vst v0  }
0x38: {  	[tilespmem:$0x388] =	vst v0  }
0x39: {  	[tilespmem:$0x398] =	vst v0  }
0x3a: {  	[tilespmem:$0x3A8] =	vst v0  }
0x3b: {  	[tilespmem:$0x3B8] =	vst v0  }
0x3c: {  	[tilespmem:$0x3C8] =	vst v0  }
0x3d: {  	[tilespmem:$0x3D8] =	vst v0  }
0x3e: {  	[tilespmem:$0x3E8] =	vst v0  }
0x3f: {  	[tilespmem:$0x3F8] =	vst v0  }
0x40: {  	[tilespmem:$0x408] =	vst v0  }
0x41: {  	[tilespmem:$0x418] =	vst v0  }
0x42: {  	[tilespmem:$0x428] =	vst v0  }
0x43: {  	[tilespmem:$0x438] =	vst v0  }
0x44: {  	[tilespmem:$0x448] =	vst v0  }
0x45: {  	[tilespmem:$0x458] =	vst v0  }
0x46: {  	[tilespmem:$0x468] =	vst v0  }
0x47: {  	[tilespmem:$0x478] =	vst v0  }
0x48: {  	[tilespmem:$0x488] =	vst v0  }
0x49: {  	[tilespmem:$0x498] =	vst v0  }
0x4a: {  	[tilespmem:$0x4A8] =	vst v0  }
0x4b: {  	[tilespmem:$0x4B8] =	vst v0  }
0x4c: {  	[tilespmem:$0x4C8] =	vst v0  }
0x4d: {  	[tilespmem:$0x4D8] =	vst v0  }
0x4e: {  	[tilespmem:$0x4E8] =	vst v0  }
0x4f: {  	[tilespmem:$0x4F8] =	vst v0  }
0x50: {  	[tilespmem:$0x508] =	vst v0  }
0x51: {  	[tilespmem:$0x518] =	vst v0  }
0x52: {  	[tilespmem:$0x528] =	vst v0  }
0x53: {  	[tilespmem:$0x538] =	vst v0  }
0x54: {  	[tilespmem:$0x548] =	vst v0  }
0x55: {  	[tilespmem:$0x558] =	vst v0  }
0x56: {  	[tilespmem:$0x568] =	vst v0  }
0x57: {  	[tilespmem:$0x578] =	vst v0  }
0x58: {  	[tilespmem:$0x588] =	vst v0  }
0x59: {  	[tilespmem:$0x598] =	vst v0  }
0x5a: {  	[tilespmem:$0x5A8] =	vst v0  }
0x5b: {  	[tilespmem:$0x5B8] =	vst v0  }
0x5c: {  	[tilespmem:$0x5C8] =	vst v0  }
0x5d: {  	[tilespmem:$0x5D8] =	vst v0  }
0x5e: {  	[tilespmem:$0x5E8] =	vst v0  }
0x5f: {  	[tilespmem:$0x5F8] =	vst v0  }
0x60: {  	[tilespmem:$0x608] =	vst v0  }
0x61: {  	[tilespmem:$0x618] =	vst v0  }
0x62: {  	[tilespmem:$0x628] =	vst v0  }
0x63: {  	[tilespmem:$0x638] =	vst v0  }
0x64: {  	[tilespmem:$0x648] =	vst v0  }
0x65: {  	[tilespmem:$0x658] =	vst v0  }
0x66: {  	[tilespmem:$0x668] =	vst v0  }
0x67: {  	[tilespmem:$0x678] =	vst v0  }
0x68: {  	[tilespmem:$0x688] =	vst v0  }
0x69: {  	[tilespmem:$0x698] =	vst v0  }
0x6a: {  	[tilespmem:$0x6A8] =	vst v0  }
0x6b: {  	[tilespmem:$0x6B8] =	vst v0  }
0x6c: {  	[tilespmem:$0x6C8] =	vst v0  }
0x6d: {  	[tilespmem:$0x6D8] =	vst v0  }
0x6e: {  	[tilespmem:$0x6E8] =	vst v0  }
0x6f: {  	[tilespmem:$0x6F8] =	vst v0  }
0x70: {  	[tilespmem:$0x708] =	vst v0  }
0x71: {  	[tilespmem:$0x718] =	vst v0  }
0x72: {  	[tilespmem:$0x728] =	vst v0  }
0x73: {  	[tilespmem:$0x738] =	vst v0  }
0x74: {  	[tilespmem:$0x748] =	vst v0  }
0x75: {  	[tilespmem:$0x758] =	vst v0  }
0x76: {  	[tilespmem:$0x768] =	vst v0  }
0x77: {  	[tilespmem:$0x778] =	vst v0  }
0x78: {  	[tilespmem:$0x788] =	vst v0  }
0x79: {  	[tilespmem:$0x798] =	vst v0  }
0x7a: {  	[tilespmem:$0x7A8] =	vst v0  }
0x7b: {  	[tilespmem:$0x7B8] =	vst v0  }
0x7c: {  	[tilespmem:$0x7C8] =	vst v0  }
0x7d: {  	[tilespmem:$0x7D8] =	vst v0  }
0x7e: {  	[tilespmem:$0x7E8] =	vst v0  }
0x7f: {  	[tilespmem:$0x7F8] =	vst v0  }
0x80: {  	[tilespmem:$0x808] =	vst v0  }
0x81: {  	[tilespmem:$0x818] =	vst v0  }
0x82: {  	[tilespmem:$0x828] =	vst v0  }
0x83: {  	[tilespmem:$0x838] =	vst v0  }
0x84: {  	[tilespmem:$0x848] =	vst v0  }
0x85: {  	[tilespmem:$0x858] =	vst v0  }
0x86: {  	[tilespmem:$0x868] =	vst v0  }
0x87: {  	[tilespmem:$0x878] =	vst v0  }
0x88: {  	[tilespmem:$0x888] =	vst v0  }
0x89: {  	[tilespmem:$0x898] =	vst v0  }
0x8a: {  	[tilespmem:$0x8A8] =	vst v0  }
0x8b: {  	[tilespmem:$0x8B8] =	vst v0  }
0x8c: {  	[tilespmem:$0x8C8] =	vst v0  }
0x8d: {  	[tilespmem:$0x8D8] =	vst v0  }
0x8e: {  	[tilespmem:$0x8E8] =	vst v0  }
0x8f: {  	[tilespmem:$0x8F8] =	vst v0  }
0x90: {  	[tilespmem:$0x908] =	vst v0  }
0x91: {  	[tilespmem:$0x918] =	vst v0  }
0x92: {  	[tilespmem:$0x928] =	vst v0  }
0x93: {  	[tilespmem:$0x938] =	vst v0  }
0x94: {  	[tilespmem:$0x948] =	vst v0  }
0x95: {  	[tilespmem:$0x958] =	vst v0  }
0x96: {  	[tilespmem:$0x968] =	vst v0  }
0x97: {  	[tilespmem:$0x978] =	vst v0  }
0x98: {  	[tilespmem:$0x988] =	vst v0  }
0x99: {  	[tilespmem:$0x998] =	vst v0  }
0x9a: {  	[tilespmem:$0x9A8] =	vst v0  }
0x9b: {  	[tilespmem:$0x9B8] =	vst v0  }
0x9c: {  	[tilespmem:$0x9C8] =	vst v0  }
0x9d: {  	[tilespmem:$0x9D8] =	vst v0  }
0x9e: {  	[tilespmem:$0x9E8] =	vst v0  }
0x9f: {  	[tilespmem:$0x9F8] =	vst v0  }
0xa0: {  	[tilespmem:$0xA08] =	vst v0  }
0xa1: {  	[tilespmem:$0xA18] =	vst v0  }
0xa2: {  	[tilespmem:$0xA28] =	vst v0  }
0xa3: {  	[tilespmem:$0xA38] =	vst v0  }
0xa4: {  	[tilespmem:$0xA48] =	vst v0  }
0xa5: {  	[tilespmem:$0xA58] =	vst v0  }
0xa6: {  	[tilespmem:$0xA68] =	vst v0  }
0xa7: {  	[tilespmem:$0xA78] =	vst v0  }
0xa8: {  	[tilespmem:$0xA88] =	vst v0  }
0xa9: {  	[tilespmem:$0xA98] =	vst v0  }
0xaa: {  	[tilespmem:$0xAA8] =	vst v0  }
0xab: {  	[tilespmem:$0xAB8] =	vst v0  }
0xac: {  	[tilespmem:$0xAC8] =	vst v0  }
0xad: {  	[tilespmem:$0xAD8] =	vst v0  }
0xae: {  	[tilespmem:$0xAE8] =	vst v0  }
0xaf: {  	[tilespmem:$0xAF8] =	vst v0  }
0xb0: {  	[tilespmem:$0xB08] =	vst v0  }
0xb1: {  	[tilespmem:$0xB18] =	vst v0  }
0xb2: {  	[tilespmem:$0xB28] =	vst v0  }
0xb3: {  	[tilespmem:$0xB38] =	vst v0  }
0xb4: {  	[tilespmem:$0xB48] =	vst v0  }
0xb5: {  	[tilespmem:$0xB58] =	vst v0  }
0xb6: {  	[tilespmem:$0xB68] =	vst v0  }
0xb7: {  	[tilespmem:$0xB78] =	vst v0  }
0xb8: {  	[tilespmem:$0xB88] =	vst v0  }
0xb9: {  	[tilespmem:$0xB98] =	vst v0  }
0xba: {  	[tilespmem:$0xBA8] =	vst v0  }
0xbb: {  	[tilespmem:$0xBB8] =	vst v0  }
0xbc: {  	[tilespmem:$0xBC8] =	vst v0  }
0xbd: {  	[tilespmem:$0xBD8] =	vst v0  }
0xbe: {  	[tilespmem:$0xBE8] =	vst v0  }
0xbf: {  	[tilespmem:$0xBF8] =	vst v0  }
0xc0: {  	[tilespmem:$0xC08] =	vst v0  }
0xc1: {  	[tilespmem:$0xC18] =	vst v0  }
0xc2: {  	[tilespmem:$0xC28] =	vst v0  }
0xc3: {  	[tilespmem:$0xC38] =	vst v0  }
0xc4: {  	[tilespmem:$0xC48] =	vst v0  }
0xc5: {  	[tilespmem:$0xC58] =	vst v0  }
0xc6: {  	[tilespmem:$0xC68] =	vst v0  }
0xc7: {  	[tilespmem:$0xC78] =	vst v0  }
0xc8: {  	[tilespmem:$0xC88] =	vst v0  }
0xc9: {  	[tilespmem:$0xC98] =	vst v0  }
0xca: {  	[tilespmem:$0xCA8] =	vst v0  }
0xcb: {  	[tilespmem:$0xCB8] =	vst v0  }
0xcc: {  	[tilespmem:$0xCC8] =	vst v0  }
0xcd: {  	[tilespmem:$0xCD8] =	vst v0  }
0xce: {  	[tilespmem:$0xCE8] =	vst v0  }
0xcf: {  	[tilespmem:$0xCF8] =	vst v0  }
0xd0: {  	[tilespmem:$0xD08] =	vst v0  }
0xd1: {  	[tilespmem:$0xD18] =	vst v0  }
0xd2: {  	[tilespmem:$0xD28] =	vst v0  }
0xd3: {  	[tilespmem:$0xD38] =	vst v0  }
0xd4: {  	[tilespmem:$0xD48] =	vst v0  }
0xd5: {  	[tilespmem:$0xD58] =	vst v0  }
0xd6: {  	[tilespmem:$0xD68] =	vst v0  }
0xd7: {  	[tilespmem:$0xD78] =	vst v0  }
0xd8: {  	[tilespmem:$0xD88] =	vst v0  }
0xd9: {  	[tilespmem:$0xD98] =	vst v0  }
0xda: {  	[tilespmem:$0xDA8] =	vst v0  }
0xdb: {  	[tilespmem:$0xDB8] =	vst v0  }
0xdc: {  	[tilespmem:$0xDC8] =	vst v0  }
0xdd: {  	[tilespmem:$0xDD8] =	vst v0  }
0xde: {  	[tilespmem:$0xDE8] =	vst v0  }
0xdf: {  	[tilespmem:$0xDF8] =	vst v0  }
0xe0: {  	[tilespmem:$0xE08] =	vst v0  }
0xe1: {  	[tilespmem:$0xE18] =	vst v0  }
0xe2: {  	[tilespmem:$0xE28] =	vst v0  }
0xe3: {  	[tilespmem:$0xE38] =	vst v0  }
0xe4: {  	[tilespmem:$0xE48] =	vst v0  }
0xe5: {  	[tilespmem:$0xE58] =	vst v0  }
0xe6: {  	[tilespmem:$0xE68] =	vst v0  }
0xe7: {  	[tilespmem:$0xE78] =	vst v0  }
0xe8: {  	[tilespmem:$0xE88] =	vst v0  }
0xe9: {  	[tilespmem:$0xE98] =	vst v0  }
0xea: {  	[tilespmem:$0xEA8] =	vst v0  }
0xeb: {  	[tilespmem:$0xEB8] =	vst v0  }
0xec: {  	[tilespmem:$0xEC8] =	vst v0  }
0xed: {  	[tilespmem:$0xED8] =	vst v0  }
0xee: {  	[tilespmem:$0xEE8] =	vst v0  }
0xef: {  	[tilespmem:$0xEF8] =	vst v0  }
0xf0: {  	[tilespmem:$0xF08] =	vst v0  }
0xf1: {  	[tilespmem:$0xF18] =	vst v0  }
0xf2: {  	[tilespmem:$0xF28] =	vst v0  }
0xf3: {  	[tilespmem:$0xF38] =	vst v0  }
0xf4: {  	[tilespmem:$0xF48] =	vst v0  }
0xf5: {  	[tilespmem:$0xF58] =	vst v0  }
0xf6: {  	[tilespmem:$0xF68] =	vst v0  }
0xf7: {  	[tilespmem:$0xF78] =	vst v0  }
0xf8: {  	[tilespmem:$0xF88] =	vst v0  }
0xf9: {  	[tilespmem:$0xF98] =	vst v0  }
0xfa: {  	[tilespmem:$0xFA8] =	vst v0  }
0xfb: {  	[tilespmem:$0xFB8] =	vst v0  }
0xfc: {  	[tilespmem:$0xFC8] =	vst v0  }
0xfd: {  	[tilespmem:$0xFD8] =	vst v0  }
0xfe: {  	[tilespmem:$0xFE8] =	vst v0  }
0xff: {  	[tilespmem:$0xFF8] =	vst v0  }
0x100: {  	[tilespmem:$0x1008] =	vst v0  }
0x101: {  	[tilespmem:$0x1018] =	vst v0  }
0x102: {  	[tilespmem:$0x1028] =	vst v0  }
0x103: {  	[tilespmem:$0x1168] =	vst v0  }
0x104: {  	[tilespmem:$0x1038] =	vst v0  }
0x105: {  	[tilespmem:$0x1048] =	vst v0  }
0x106: {  	[tilespmem:$0x1058] =	vst v0  }
0x107: {  	[tilespmem:$0x1068] =	vst v0  }
0x108: {  	[tilespmem:$0x1078] =	vst v0  }
0x109: {  	[tilespmem:$0x1088] =	vst v0  }
0x10a: {  	[tilespmem:$0x1098] =	vst v0  }
0x10b: {  	[tilespmem:$0x10A8] =	vst v0  }
0x10c: {  	[tilespmem:$0x10B8] =	vst v0  }
0x10d: {  	[tilespmem:$0x10C8] =	vst v0  }
0x10e: {  	[tilespmem:$0x10D8] =	vst v0  }
0x10f: {  	[tilespmem:$0x10E8] =	vst v0  }
0x110: {  	[tilespmem:$0x10F8] =	vst v0  }
0x111: {  	[tilespmem:$0x1108] =	vst v0  }
0x112: {  	[tilespmem:$0x1118] =	vst v0  }
0x113: {  	[tilespmem:$0x1128] =	vst v0  }
0x114: {  	[tilespmem:$0x1138] =	vst v0  }
0x115: {  	[tilespmem:$0x1148] =	vst v0  }
0x116: {  	[tilespmem:$0x1158] =	vst v0  }
0x117: {  	[tilespmem:$0x1178] =	vst v0  }
0x118: {  	[tilespmem:$0x1188] =	vst v0  }
0x119: {  	[tilespmem:$0x1198] =	vst v0  }
0x11a: {  	[tilespmem:$0x11A8] =	vst v0  }
0x11b: {  	[tilespmem:$0x11B8] =	vst v0  }
0x11c: {  	[tilespmem:$0x11C8] =	vst v0  }
0x11d: {  	[tilespmem:$0x11D8] =	vst v0  }
0x11e: {  	[tilespmem:$0x11E8] =	vst v0  }
0x11f: {  	[tilespmem:$0x11F8] =	vst v0  }
0x120: {  	[tilespmem:$0x1208] =	vst v0  }
0x121: {  	[tilespmem:$0x1218] =	vst v0  }
0x122: {  	[tilespmem:$0x1228] =	vst v0  }
0x123: {  	[tilespmem:$0x1238] =	vst v0  }
0x124: {  	[tilespmem:$0x1248] =	vst v0  }
0x125: {  	[tilespmem:$0x1258] =	vst v0  }
0x126: {  	[tilespmem:$0x1268] =	vst v0  }
0x127: {  	[tilespmem:$0x1278] =	vst v0  }
0x128: {  	[tilespmem:$0x1288] =	vst v0  }
0x129: {  	[tilespmem:$0x1298] =	vst v0  }
0x12a: {  	[tilespmem:$0x12A8] =	vst v0  }
0x12b: {  	[tilespmem:$0x12B8] =	vst v0  }
0x12c: {  	[tilespmem:$0x12C8] =	vst v0  }
0x12d: {  	[tilespmem:$0x12D8] =	vst v0  }
0x12e: {  	[tilespmem:$0x12E8] =	vst v0  }
0x12f: {  	[tilespmem:$0x12F8] =	vst v0  }
0x130: {  	[tilespmem:$0x1308] =	vst v0  }
0x131: {  	[tilespmem:$0x1318] =	vst v0  }
0x132: {  	[tilespmem:$0x1328] =	vst v0  }
0x133: {  	[tilespmem:$0x1338] =	vst v0  }
0x134: {  	[tilespmem:$0x1348] =	vst v0  }
0x135: {  	[tilespmem:$0x1358] =	vst v0  }
0x136: {  	[tilespmem:$0x1368] =	vst v0  }
0x137: {  	[tilespmem:$0x1378] =	vst v0  }
0x138: {  	[tilespmem:$0x1388] =	vst v0  }
0x139: {  	[tilespmem:$0x1398] =	vst v0  }
0x13a: {  	[tilespmem:$0x13A8] =	vst v0  }
0x13b: {  	[tilespmem:$0x13B8] =	vst v0  }
0x13c: {  	[tilespmem:$0x13C8] =	vst v0  }
0x13d: {  	[tilespmem:$0x13D8] =	vst v0  }
0x13e: {  	[tilespmem:$0x13E8] =	vst v0  }
0x13f: {  	[tilespmem:$0x13F8] =	vst v0  }
0x140: {  	[tilespmem:$0x1408] =	vst v0  }
0x141: {  	[tilespmem:$0x1418] =	vst v0  }
0x142: {  	[tilespmem:$0x1428] =	vst v0  }
0x143: {  	[tilespmem:$0x1438] =	vst v0  }
0x144: {  	[tilespmem:$0x1448] =	vst v0  }
0x145: {  	[tilespmem:$0x1458] =	vst v0  }
0x146: {  	[tilespmem:$0x1468] =	vst v0  }
0x147: {  	[tilespmem:$0x1478] =	vst v0  }
0x148: {  	[tilespmem:$0x1488] =	vst v0  }
0x149: {  	[tilespmem:$0x1498] =	vst v0  }
0x14a: {  	[tilespmem:$0x14A8] =	vst v0  }
0x14b: {  	[tilespmem:$0x14B8] =	vst v0  }
0x14c: {  	[tilespmem:$0x14C8] =	vst v0  }
0x14d: {  	[tilespmem:$0x14D8] =	vst v0  }
0x14e: {  	[tilespmem:$0x14E8] =	vst v0  }
0x14f: {  	[tilespmem:$0x14F8] =	vst v0  }
0x150: {  	[tilespmem:$0x1508] =	vst v0  }
0x151: {  	[tilespmem:$0x1518] =	vst v0  }
0x152: {  	[tilespmem:$0x1528] =	vst v0  }
0x153: {  	[tilespmem:$0x1538] =	vst v0  }
0x154: {  	[tilespmem:$0x1548] =	vst v0  }
0x155: {  	[tilespmem:$0x1558] =	vst v0  }
0x156: {  	[tilespmem:$0x1568] =	vst v0  }
0x157: {  	[tilespmem:$0x1578] =	vst v0  }
0x158: {  	[tilespmem:$0x1588] =	vst v0  }
0x159: {  	[tilespmem:$0x1598] =	vst v0  }
0x15a: {  	[tilespmem:$0x15A8] =	vst v0  }
0x15b: {  	[tilespmem:$0x15B8] =	vst v0  }
0x15c: {  	[tilespmem:$0x15C8] =	vst v0  }
0x15d: {  	[tilespmem:$0x15D8] =	vst v0  }
0x15e: {  	[tilespmem:$0x15E8] =	vst v0  }
0x15f: {  	[tilespmem:$0x15F8] =	vst v0  }
0x160: {  	[tilespmem:$0x1608] =	vst v0  }
0x161: {  	[tilespmem:$0x1618] =	vst v0  }
0x162: {  	[tilespmem:$0x1628] =	vst v0  }
0x163: {  	[tilespmem:$0x1638] =	vst v0  }
0x164: {  	[tilespmem:$0x1648] =	vst v0  }
0x165: {  	[tilespmem:$0x1658] =	vst v0  }
0x166: {  	[tilespmem:$0x1668] =	vst v0  }
0x167: {  	[tilespmem:$0x1678] =	vst v0  }
0x168: {  	[tilespmem:$0x1688] =	vst v0  }
0x169: {  	[tilespmem:$0x1698] =	vst v0  }
0x16a: {  	[tilespmem:$0x16A8] =	vst v0  }
0x16b: {  	[tilespmem:$0x16B8] =	vst v0  }
0x16c: {  	[tilespmem:$0x16C8] =	vst v0  }
0x16d: {  	[tilespmem:$0x16D8] =	vst v0  }
0x16e: {  	[tilespmem:$0x16E8] =	vst v0  }
0x16f: {  	[tilespmem:$0x16F8] =	vst v0  }
0x170: {  	[tilespmem:$0x1708] =	vst v0  }
0x171: {  	[tilespmem:$0x1718] =	vst v0  }
0x172: {  	[tilespmem:$0x1728] =	vst v0  }
0x173: {  	[tilespmem:$0x1738] =	vst v0  }
0x174: {  	[tilespmem:$0x1748] =	vst v0  }
0x175: {  	[tilespmem:$0x1758] =	vst v0  }
0x176: {  	[tilespmem:$0x1768] =	vst v0  }
0x177: {  	[tilespmem:$0x1778] =	vst v0  }
0x178: {  	[tilespmem:$0x1788] =	vst v0  }
0x179: {  	[tilespmem:$0x1798] =	vst v0  }
0x17a: {  	[tilespmem:$0x17A8] =	vst v0  }
0x17b: {  	[tilespmem:$0x17B8] =	vst v0  }
0x17c: {  	[tilespmem:$0x17C8] =	vst v0  }
0x17d: {  	[tilespmem:$0x17D8] =	vst v0  }
0x17e: {  	[tilespmem:$0x17E8] =	vst v0  }
0x17f: {  	[tilespmem:$0x17F8] =	vst v0  }
0x180: {  	[tilespmem:$0x1808] =	vst v0  }
0x181: {  	[tilespmem:$0x1818] =	vst v0  }
0x182: {  	[tilespmem:$0x1828] =	vst v0  }
0x183: {  	[tilespmem:$0x1838] =	vst v0  }
0x184: {  	[tilespmem:$0x1848] =	vst v0  }
0x185: {  	[tilespmem:$0x1858] =	vst v0  }
0x186: {  	[tilespmem:$0x1868] =	vst v0  }
0x187: {  	[tilespmem:$0x1878] =	vst v0  }
0x188: {  	[tilespmem:$0x1888] =	vst v0  }
0x189: {  	[tilespmem:$0x1898] =	vst v0  }
0x18a: {  	[tilespmem:$0x18A8] =	vst v0  }
0x18b: {  	[tilespmem:$0x18B8] =	vst v0  }
0x18c: {  	[tilespmem:$0x18C8] =	vst v0  }
0x18d: {  	[tilespmem:$0x18D8] =	vst v0  }
0x18e: {  	[tilespmem:$0x18E8] =	vst v0  }
0x18f: {  	[tilespmem:$0x18F8] =	vst v0  }
0x190: {  	[tilespmem:$0x1908] =	vst v0  }
0x191: {  	[tilespmem:$0x1918] =	vst v0  }
0x192: {  	[tilespmem:$0x1928] =	vst v0  }
0x193: {  	[tilespmem:$0x1938] =	vst v0  }
0x194: {  	[tilespmem:$0x1948] =	vst v0  }
0x195: {  	[tilespmem:$0x1958] =	vst v0  }
0x196: {  	[tilespmem:$0x1968] =	vst v0  }
0x197: {  	[tilespmem:$0x1978] =	vst v0  }
0x198: {  	[tilespmem:$0x1988] =	vst v0  }
0x199: {  	[tilespmem:$0x1998] =	vst v0  }
0x19a: {  	[tilespmem:$0x19A8] =	vst v0  }
0x19b: {  	[tilespmem:$0x19B8] =	vst v0  }
0x19c: {  	[tilespmem:$0x19C8] =	vst v0  }
0x19d: {  	[tilespmem:$0x19D8] =	vst v0  }
0x19e: {  	[tilespmem:$0x19E8] =	vst v0  }
0x19f: {  	[tilespmem:$0x19F8] =	vst v0  }
0x1a0: {  	[tilespmem:$0x1A08] =	vst v0  }
0x1a1: {  	[tilespmem:$0x1A18] =	vst v0  }
0x1a2: {  	[tilespmem:$0x1A28] =	vst v0  }
0x1a3: {  	[tilespmem:$0x1A38] =	vst v0  }
0x1a4: {  	[tilespmem:$0x1A48] =	vst v0  }
0x1a5: {  	[tilespmem:$0x1A58] =	vst v0  }
0x1a6: {  	[tilespmem:$0x1A68] =	vst v0  }
0x1a7: {  	[tilespmem:$0x1A78] =	vst v0  }
0x1a8: {  	[tilespmem:$0x1A88] =	vst v0  }
0x1a9: {  	[tilespmem:$0x1A98] =	vst v0  }
0x1aa: {  	[tilespmem:$0x1AA8] =	vst v0  }
0x1ab: {  	[tilespmem:$0x1AB8] =	vst v0  }
0x1ac: {  	[tilespmem:$0x1AC8] =	vst v0  }
0x1ad: {  	[tilespmem:$0x1AD8] =	vst v0  }
0x1ae: {  	[tilespmem:$0x1AE8] =	vst v0  }
0x1af: {  	[tilespmem:$0x1AF8] =	vst v0  }
0x1b0: {  	[tilespmem:$0x1B08] =	vst v0  }
0x1b1: {  	[tilespmem:$0x1B18] =	vst v0  }
0x1b2: {  	[tilespmem:$0x1B28] =	vst v0  }
0x1b3: {  	[tilespmem:$0x1B38] =	vst v0  }
0x1b4: {  	[tilespmem:$0x1B48] =	vst v0  }
0x1b5: {  	[tilespmem:$0x1B58] =	vst v0  }
0x1b6: {  	[tilespmem:$0x1B68] =	vst v0  }
0x1b7: {  	[tilespmem:$0x1B78] =	vst v0  }
0x1b8: {  	[tilespmem:$0x1B88] =	vst v0  }
0x1b9: {  	[tilespmem:$0x1B98] =	vst v0  }
0x1ba: {  	[tilespmem:$0x1BA8] =	vst v0  }
0x1bb: {  	[tilespmem:$0x1BB8] =	vst v0  }
0x1bc: {  	[tilespmem:$0x1BC8] =	vst v0  }
0x1bd: {  	[tilespmem:$0x1BD8] =	vst v0  }
0x1be: {  	[tilespmem:$0x1BE8] =	vst v0  }
0x1bf: {  	[tilespmem:$0x1BF8] =	vst v0  }
0x1c0: {  	[tilespmem:$0x1C08] =	vst v0  }
0x1c1: {  	[tilespmem:$0x1C18] =	vst v0  }
0x1c2: {  	[tilespmem:$0x1C28] =	vst v0  }
0x1c3: {  	[tilespmem:$0x1C38] =	vst v0  }
0x1c4: {  	[tilespmem:$0x1C48] =	vst v0  }
0x1c5: {  	[tilespmem:$0x1C58] =	vst v0  }
0x1c6: {  	[tilespmem:$0x1C68] =	vst v0  }
0x1c7: {  	[tilespmem:$0x1C78] =	vst v0  }
0x1c8: {  	[tilespmem:$0x1C88] =	vst v0  }
0x1c9: {  	[tilespmem:$0x1C98] =	vst v0  }
0x1ca: {  	[tilespmem:$0x1CA8] =	vst v0  }
0x1cb: {  	[tilespmem:$0x1CB8] =	vst v0  }
0x1cc: {  	[tilespmem:$0x1CC8] =	vst v0  }
0x1cd: {  	[tilespmem:$0x1CD8] =	vst v0  }
0x1ce: {  	[tilespmem:$0x1CE8] =	vst v0  }
0x1cf: {  	[tilespmem:$0x1CF8] =	vst v0  }
0x1d0: {  	[tilespmem:$0x1D08] =	vst v0  }
0x1d1: {  	[tilespmem:$0x1D18] =	vst v0  }
0x1d2: {  	[tilespmem:$0x1D28] =	vst v0  }
0x1d3: {  	[tilespmem:$0x1D38] =	vst v0  }
0x1d4: {  	[tilespmem:$0x1D48] =	vst v0  }
0x1d5: {  	[tilespmem:$0x1D58] =	vst v0  }
0x1d6: {  	[tilespmem:$0x1D68] =	vst v0  }
0x1d7: {  	[tilespmem:$0x1D78] =	vst v0  }
0x1d8: {  	[tilespmem:$0x1D88] =	vst v0  }
0x1d9: {  	[tilespmem:$0x1D98] =	vst v0  }
0x1da: {  	[tilespmem:$0x1DA8] =	vst v0  }
0x1db: {  	[tilespmem:$0x1DB8] =	vst v0  }
0x1dc: {  	[tilespmem:$0x1DC8] =	vst v0  }
0x1dd: {  	[tilespmem:$0x1DD8] =	vst v0  }
0x1de: {  	[tilespmem:$0x1DE8] =	vst v0  }
0x1df: {  	[tilespmem:$0x1DF8] =	vst v0  }
0x1e0: {  	[tilespmem:$0x1E08] =	vst v0  }
0x1e1: {  	[tilespmem:$0x1E18] =	vst v0  }
0x1e2: {  	[tilespmem:$0x1E28] =	vst v0  }
0x1e3: {  	[tilespmem:$0x1E38] =	vst v0  }
0x1e4: {  	[tilespmem:$0x1E48] =	vst v0  }
0x1e5: {  	[tilespmem:$0x1E58] =	vst v0  }
0x1e6: {  	[tilespmem:$0x1E68] =	vst v0  }
0x1e7: {  	[tilespmem:$0x1E78] =	vst v0  }
0x1e8: {  	[tilespmem:$0x1E88] =	vst v0  }
0x1e9: {  	[tilespmem:$0x1E98] =	vst v0  }
0x1ea: {  	[tilespmem:$0x1EA8] =	vst v0  }
0x1eb: {  	[tilespmem:$0x1EB8] =	vst v0  }
0x1ec: {  	[tilespmem:$0x1EC8] =	vst v0  }
0x1ed: {  	[tilespmem:$0x1ED8] =	vst v0  }
0x1ee: {  	[tilespmem:$0x1EE8] =	vst v0  }
0x1ef: {  	[tilespmem:$0x1EF8] =	vst v0  }
0x1f0: {  	[tilespmem:$0x1F08] =	vst v0  }
0x1f1: {  	[tilespmem:$0x1F18] =	vst v0  }
0x1f2: {  	[tilespmem:$0x1F28] =	vst v0  }
0x1f3: {  	[tilespmem:$0x1F38] =	vst v0  }
0x1f4: {  	[tilespmem:$0x1F48] =	vst v0  }
0x1f5: {  	[tilespmem:$0x1F58] =	vst v0  }
0x1f6: {  	[tilespmem:$0x1F68] =	vst v0  }
0x1f7: {  	[tilespmem:$0x1F78] =	vst v0  }
0x1f8: {  	[tilespmem:$0x1F88] =	vst v0  }
0x1f9: {  	[tilespmem:$0x1F98] =	vst v0  }
0x1fa: {  	[tilespmem:$0x1FA8] =	vst v0  }
0x1fb: {  	[tilespmem:$0x1FB8] =	vst v0  }
0x1fc: {  	[tilespmem:$0x1FC8] =	vst v0  }
0x1fd: {  	[tilespmem:$0x1FD8] =	vst v0  }
0x1fe: {  	[tilespmem:$0x1FE8] =	vst v0  }
0x1ff: {  	[tilespmem:$0x1FF8] =	vst v0  }
0x200: {  	[tilespmem:$0x2008] =	vst v0  }
0x201: {  	[tilespmem:$0x2018] =	vst v0  }
0x202: {  	[tilespmem:$0x2028] =	vst v0  }
0x203: {  	[tilespmem:$0x2038] =	vst v0  }
0x204: {  	[tilespmem:$0x2048] =	vst v0  }
0x205: {  	[tilespmem:$0x2058] =	vst v0  }
0x206: {  	[tilespmem:$0x2068] =	vst v0  }
0x207: {  	[tilespmem:$0x2078] =	vst v0  }
0x208: {  	[tilespmem:$0x2088] =	vst v0  }
0x209: {  	[tilespmem:$0x2098] =	vst v0  }
0x20a: {  	[tilespmem:$0x20A8] =	vst v0  }
0x20b: {  	[tilespmem:$0x20B8] =	vst v0  }
0x20c: {  	[tilespmem:$0x20C8] =	vst v0  }
0x20d: {  	[tilespmem:$0x20D8] =	vst v0  }
0x20e: {  	[tilespmem:$0x20E8] =	vst v0  }
0x20f: {  	[tilespmem:$0x20F8] =	vst v0  }
0x210: {  	[tilespmem:$0x2108] =	vst v0  }
0x211: {  	[tilespmem:$0x2118] =	vst v0  }
0x212: {  	[tilespmem:$0x2128] =	vst v0  }
0x213: {  	[tilespmem:$0x2138] =	vst v0  }
0x214: {  	[tilespmem:$0x2148] =	vst v0  }
0x215: {  	[tilespmem:$0x2158] =	vst v0  }
0x216: {  	[tilespmem:$0x2168] =	vst v0  }
0x217: {  	[tilespmem:$0x2218] =	vst v0  }
0x218: {  	[tilespmem:$0x3058] =	vst v0  }
0x219: {  	[tilespmem:$0x3048] =	vst v0  }
0x21a: {  	[tilespmem:$0x3038] =	vst v0  }
0x21b: {  	[tilespmem:$0x3028] =	vst v0  }
0x21c: {  	[tilespmem:$0x3018] =	vst v0  }
0x21d: {  	[tilespmem:$0x3008] =	vst v0  }
0x21e: {  	[tilespmem:$0x2FF8] =	vst v0  }
0x21f: {  	[tilespmem:$0x2FE8] =	vst v0  }
0x220: {  	[tilespmem:$0x2FD8] =	vst v0  }
0x221: {  	[tilespmem:$0x2FC8] =	vst v0  }
0x222: {  	[tilespmem:$0x2FB8] =	vst v0  }
0x223: {  	[tilespmem:$0x2FA8] =	vst v0  }
0x224: {  	[tilespmem:$0x2F98] =	vst v0  }
0x225: {  	[tilespmem:$0x2F88] =	vst v0  }
0x226: {  	[tilespmem:$0x2F78] =	vst v0  }
0x227: {  	[tilespmem:$0x2F68] =	vst v0  }
0x228: {  	[tilespmem:$0x2F58] =	vst v0  }
0x229: {  	[tilespmem:$0x2F48] =	vst v0  }
0x22a: {  	[tilespmem:$0x2F38] =	vst v0  }
0x22b: {  	[tilespmem:$0x2F28] =	vst v0  }
0x22c: {  	[tilespmem:$0x2F18] =	vst v0  }
0x22d: {  	[tilespmem:$0x2F08] =	vst v0  }
0x22e: {  	[tilespmem:$0x2EF8] =	vst v0  }
0x22f: {  	[tilespmem:$0x2EE8] =	vst v0  }
0x230: {  	[tilespmem:$0x2ED8] =	vst v0  }
0x231: {  	[tilespmem:$0x2EC8] =	vst v0  }
0x232: {  	[tilespmem:$0x2EB8] =	vst v0  }
0x233: {  	[tilespmem:$0x2EA8] =	vst v0  }
0x234: {  	[tilespmem:$0x2E98] =	vst v0  }
0x235: {  	[tilespmem:$0x2E88] =	vst v0  }
0x236: {  	[tilespmem:$0x2E78] =	vst v0  }
0x237: {  	[tilespmem:$0x2E68] =	vst v0  }
0x238: {  	[tilespmem:$0x2E58] =	vst v0  }
0x239: {  	[tilespmem:$0x2E48] =	vst v0  }
0x23a: {  	[tilespmem:$0x2E38] =	vst v0  }
0x23b: {  	[tilespmem:$0x2E28] =	vst v0  }
0x23c: {  	[tilespmem:$0x2E18] =	vst v0  }
0x23d: {  	[tilespmem:$0x2E08] =	vst v0  }
0x23e: {  	[tilespmem:$0x2DF8] =	vst v0  }
0x23f: {  	[tilespmem:$0x2DE8] =	vst v0  }
0x240: {  	[tilespmem:$0x2DD8] =	vst v0  }
0x241: {  	[tilespmem:$0x2DC8] =	vst v0  }
0x242: {  	[tilespmem:$0x2DB8] =	vst v0  }
0x243: {  	[tilespmem:$0x2DA8] =	vst v0  }
0x244: {  	[tilespmem:$0x2D98] =	vst v0  }
0x245: {  	[tilespmem:$0x2D88] =	vst v0  }
0x246: {  	[tilespmem:$0x2D78] =	vst v0  }
0x247: {  	[tilespmem:$0x2D68] =	vst v0  }
0x248: {  	[tilespmem:$0x2D58] =	vst v0  }
0x249: {  	[tilespmem:$0x2D48] =	vst v0  }
0x24a: {  	[tilespmem:$0x2D38] =	vst v0  }
0x24b: {  	[tilespmem:$0x2D28] =	vst v0  }
0x24c: {  	[tilespmem:$0x2D18] =	vst v0  }
0x24d: {  	[tilespmem:$0x2D08] =	vst v0  }
0x24e: {  	[tilespmem:$0x2CF8] =	vst v0  }
0x24f: {  	[tilespmem:$0x2CE8] =	vst v0  }
0x250: {  	[tilespmem:$0x2CD8] =	vst v0  }
0x251: {  	[tilespmem:$0x2CC8] =	vst v0  }
0x252: {  	[tilespmem:$0x2CB8] =	vst v0  }
0x253: {  	[tilespmem:$0x2CA8] =	vst v0  }
0x254: {  	[tilespmem:$0x2C98] =	vst v0  }
0x255: {  	[tilespmem:$0x2C88] =	vst v0  }
0x256: {  	[tilespmem:$0x2C78] =	vst v0  }
0x257: {  	[tilespmem:$0x2C68] =	vst v0  }
0x258: {  	[tilespmem:$0x2C58] =	vst v0  }
0x259: {  	[tilespmem:$0x2C48] =	vst v0  }
0x25a: {  	[tilespmem:$0x2C38] =	vst v0  }
0x25b: {  	[tilespmem:$0x2C28] =	vst v0  }
0x25c: {  	[tilespmem:$0x2C18] =	vst v0  }
0x25d: {  	[tilespmem:$0x2C08] =	vst v0  }
0x25e: {  	[tilespmem:$0x2BF8] =	vst v0  }
0x25f: {  	[tilespmem:$0x2BE8] =	vst v0  }
0x260: {  	[tilespmem:$0x2BD8] =	vst v0  }
0x261: {  	[tilespmem:$0x2BC8] =	vst v0  }
0x262: {  	[tilespmem:$0x2BB8] =	vst v0  }
0x263: {  	[tilespmem:$0x2BA8] =	vst v0  }
0x264: {  	[tilespmem:$0x2B98] =	vst v0  }
0x265: {  	[tilespmem:$0x2B88] =	vst v0  }
0x266: {  	[tilespmem:$0x2B78] =	vst v0  }
0x267: {  	[tilespmem:$0x2B68] =	vst v0  }
0x268: {  	[tilespmem:$0x2B58] =	vst v0  }
0x269: {  	[tilespmem:$0x2B48] =	vst v0  }
0x26a: {  	[tilespmem:$0x2B38] =	vst v0  }
0x26b: {  	[tilespmem:$0x2B28] =	vst v0  }
0x26c: {  	[tilespmem:$0x2B18] =	vst v0  }
0x26d: {  	[tilespmem:$0x2B08] =	vst v0  }
0x26e: {  	[tilespmem:$0x2AF8] =	vst v0  }
0x26f: {  	[tilespmem:$0x2AE8] =	vst v0  }
0x270: {  	[tilespmem:$0x2AD8] =	vst v0  }
0x271: {  	[tilespmem:$0x2AC8] =	vst v0  }
0x272: {  	[tilespmem:$0x2AB8] =	vst v0  }
0x273: {  	[tilespmem:$0x2AA8] =	vst v0  }
0x274: {  	[tilespmem:$0x2A98] =	vst v0  }
0x275: {  	[tilespmem:$0x2A88] =	vst v0  }
0x276: {  	[tilespmem:$0x2A78] =	vst v0  }
0x277: {  	[tilespmem:$0x2A68] =	vst v0  }
0x278: {  	[tilespmem:$0x2A58] =	vst v0  }
0x279: {  	[tilespmem:$0x2A48] =	vst v0  }
0x27a: {  	[tilespmem:$0x2A38] =	vst v0  }
0x27b: {  	[tilespmem:$0x2A28] =	vst v0  }
0x27c: {  	[tilespmem:$0x2A18] =	vst v0  }
0x27d: {  	[tilespmem:$0x2A08] =	vst v0  }
0x27e: {  	[tilespmem:$0x29F8] =	vst v0  }
0x27f: {  	[tilespmem:$0x29E8] =	vst v0  }
0x280: {  	[tilespmem:$0x29D8] =	vst v0  }
0x281: {  	[tilespmem:$0x29C8] =	vst v0  }
0x282: {  	[tilespmem:$0x29B8] =	vst v0  }
0x283: {  	[tilespmem:$0x29A8] =	vst v0  }
0x284: {  	[tilespmem:$0x2998] =	vst v0  }
0x285: {  	[tilespmem:$0x2988] =	vst v0  }
0x286: {  	[tilespmem:$0x2978] =	vst v0  }
0x287: {  	[tilespmem:$0x2968] =	vst v0  }
0x288: {  	[tilespmem:$0x2958] =	vst v0  }
0x289: {  	[tilespmem:$0x2948] =	vst v0  }
0x28a: {  	[tilespmem:$0x2938] =	vst v0  }
0x28b: {  	[tilespmem:$0x2928] =	vst v0  }
0x28c: {  	[tilespmem:$0x2918] =	vst v0  }
0x28d: {  	[tilespmem:$0x2908] =	vst v0  }
0x28e: {  	[tilespmem:$0x28F8] =	vst v0  }
0x28f: {  	[tilespmem:$0x28E8] =	vst v0  }
0x290: {  	[tilespmem:$0x28D8] =	vst v0  }
0x291: {  	[tilespmem:$0x28C8] =	vst v0  }
0x292: {  	[tilespmem:$0x28B8] =	vst v0  }
0x293: {  	[tilespmem:$0x28A8] =	vst v0  }
0x294: {  	[tilespmem:$0x2898] =	vst v0  }
0x295: {  	[tilespmem:$0x2888] =	vst v0  }
0x296: {  	[tilespmem:$0x2878] =	vst v0  }
0x297: {  	[tilespmem:$0x2868] =	vst v0  }
0x298: {  	[tilespmem:$0x2858] =	vst v0  }
0x299: {  	[tilespmem:$0x2848] =	vst v0  }
0x29a: {  	[tilespmem:$0x2838] =	vst v0  }
0x29b: {  	[tilespmem:$0x2828] =	vst v0  }
0x29c: {  	[tilespmem:$0x2818] =	vst v0  }
0x29d: {  	[tilespmem:$0x2808] =	vst v0  }
0x29e: {  	[tilespmem:$0x27F8] =	vst v0  }
0x29f: {  	[tilespmem:$0x27E8] =	vst v0  }
0x2a0: {  	[tilespmem:$0x27D8] =	vst v0  }
0x2a1: {  	[tilespmem:$0x27C8] =	vst v0  }
0x2a2: {  	[tilespmem:$0x27B8] =	vst v0  }
0x2a3: {  	[tilespmem:$0x27A8] =	vst v0  }
0x2a4: {  	[tilespmem:$0x2798] =	vst v0  }
0x2a5: {  	[tilespmem:$0x2788] =	vst v0  }
0x2a6: {  	[tilespmem:$0x2778] =	vst v0  }
0x2a7: {  	[tilespmem:$0x2768] =	vst v0  }
0x2a8: {  	[tilespmem:$0x2758] =	vst v0  }
0x2a9: {  	[tilespmem:$0x2748] =	vst v0  }
0x2aa: {  	[tilespmem:$0x2738] =	vst v0  }
0x2ab: {  	[tilespmem:$0x2728] =	vst v0  }
0x2ac: {  	[tilespmem:$0x2718] =	vst v0  }
0x2ad: {  	[tilespmem:$0x2708] =	vst v0  }
0x2ae: {  	[tilespmem:$0x26F8] =	vst v0  }
0x2af: {  	[tilespmem:$0x26E8] =	vst v0  }
0x2b0: {  	[tilespmem:$0x26D8] =	vst v0  }
0x2b1: {  	[tilespmem:$0x26C8] =	vst v0  }
0x2b2: {  	[tilespmem:$0x26B8] =	vst v0  }
0x2b3: {  	[tilespmem:$0x26A8] =	vst v0  }
0x2b4: {  	[tilespmem:$0x2698] =	vst v0  }
0x2b5: {  	[tilespmem:$0x2688] =	vst v0  }
0x2b6: {  	[tilespmem:$0x2678] =	vst v0  }
0x2b7: {  	[tilespmem:$0x2668] =	vst v0  }
0x2b8: {  	[tilespmem:$0x2658] =	vst v0  }
0x2b9: {  	[tilespmem:$0x2648] =	vst v0  }
0x2ba: {  	[tilespmem:$0x2638] =	vst v0  }
0x2bb: {  	[tilespmem:$0x2628] =	vst v0  }
0x2bc: {  	[tilespmem:$0x2618] =	vst v0  }
0x2bd: {  	[tilespmem:$0x2608] =	vst v0  }
0x2be: {  	[tilespmem:$0x25F8] =	vst v0  }
0x2bf: {  	[tilespmem:$0x25E8] =	vst v0  }
0x2c0: {  	[tilespmem:$0x25D8] =	vst v0  }
0x2c1: {  	[tilespmem:$0x25C8] =	vst v0  }
0x2c2: {  	[tilespmem:$0x25B8] =	vst v0  }
0x2c3: {  	[tilespmem:$0x25A8] =	vst v0  }
0x2c4: {  	[tilespmem:$0x2598] =	vst v0  }
0x2c5: {  	[tilespmem:$0x2588] =	vst v0  }
0x2c6: {  	[tilespmem:$0x2578] =	vst v0  }
0x2c7: {  	[tilespmem:$0x2568] =	vst v0  }
0x2c8: {  	[tilespmem:$0x2558] =	vst v0  }
0x2c9: {  	[tilespmem:$0x2548] =	vst v0  }
0x2ca: {  	[tilespmem:$0x2538] =	vst v0  }
0x2cb: {  	[tilespmem:$0x2528] =	vst v0  }
0x2cc: {  	[tilespmem:$0x2518] =	vst v0  }
0x2cd: {  	[tilespmem:$0x2508] =	vst v0  }
0x2ce: {  	[tilespmem:$0x24F8] =	vst v0  }
0x2cf: {  	[tilespmem:$0x24E8] =	vst v0  }
0x2d0: {  	[tilespmem:$0x24D8] =	vst v0  }
0x2d1: {  	[tilespmem:$0x24C8] =	vst v0  }
0x2d2: {  	[tilespmem:$0x24B8] =	vst v0  }
0x2d3: {  	[tilespmem:$0x24A8] =	vst v0  }
0x2d4: {  	[tilespmem:$0x2498] =	vst v0  }
0x2d5: {  	[tilespmem:$0x2488] =	vst v0  }
0x2d6: {  	[tilespmem:$0x2478] =	vst v0  }
0x2d7: {  	[tilespmem:$0x2468] =	vst v0  }
0x2d8: {  	[tilespmem:$0x2458] =	vst v0  }
0x2d9: {  	[tilespmem:$0x2448] =	vst v0  }
0x2da: {  	[tilespmem:$0x2438] =	vst v0  }
0x2db: {  	[tilespmem:$0x2428] =	vst v0  }
0x2dc: {  	[tilespmem:$0x2418] =	vst v0  }
0x2dd: {  	[tilespmem:$0x2408] =	vst v0  }
0x2de: {  	[tilespmem:$0x23F8] =	vst v0  }
0x2df: {  	[tilespmem:$0x23E8] =	vst v0  }
0x2e0: {  	[tilespmem:$0x23D8] =	vst v0  }
0x2e1: {  	[tilespmem:$0x23C8] =	vst v0  }
0x2e2: {  	[tilespmem:$0x23B8] =	vst v0  }
0x2e3: {  	[tilespmem:$0x23A8] =	vst v0  }
0x2e4: {  	[tilespmem:$0x2398] =	vst v0  }
0x2e5: {  	[tilespmem:$0x2388] =	vst v0  }
0x2e6: {  	[tilespmem:$0x2378] =	vst v0  }
0x2e7: {  	[tilespmem:$0x2368] =	vst v0  }
0x2e8: {  	[tilespmem:$0x2358] =	vst v0  }
0x2e9: {  	[tilespmem:$0x2348] =	vst v0  }
0x2ea: {  	[tilespmem:$0x2338] =	vst v0  }
0x2eb: {  	[tilespmem:$0x2328] =	vst v0  }
0x2ec: {  	[tilespmem:$0x2318] =	vst v0  }
0x2ed: {  	[tilespmem:$0x2308] =	vst v0  }
0x2ee: {  	[tilespmem:$0x22F8] =	vst v0  }
0x2ef: {  	[tilespmem:$0x22E8] =	vst v0  }
0x2f0: {  	[tilespmem:$0x22D8] =	vst v0  }
0x2f1: {  	[tilespmem:$0x22C8] =	vst v0  }
0x2f2: {  	[tilespmem:$0x22B8] =	vst v0  }
0x2f3: {  	[tilespmem:$0x22A8] =	vst v0  }
0x2f4: {  	[tilespmem:$0x2298] =	vst v0  }
0x2f5: {  	[tilespmem:$0x2288] =	vst v0  }
0x2f6: {  	[tilespmem:$0x2278] =	vst v0  }
0x2f7: {  	s10 =	stileid.u32;
	[tilespmem:$0x2268] =	vst v0  }
0x2f8: {  	s0 =	smul.u32 $0x6, s10;
	[tilespmem:$0x2258] =	vst v0  }
0x2f9: {  	s1 =	smin.u32 s10, $0xB;
	[tilespmem:$0x2248] =	vst v0  }
0x2fa: {  	[tilespmem:$0x2238] =	vst v0;
	s0 =	sadd.s32 s1, s0  }
0x2fb: {  	p0 =	slt.u32 s10, $0xB;
	[tilespmem:$0x2228] =	vst v0;
	s1 =	simm.s32 $0xA80;
	s8 =	smul.u32 $0x180, s0  }
0x2fc: {  	s1 =	simm.s32 @!p0 $0x900;
	[tilespmem:$0x21F8] =	vst v0  }
0x2fd: {  	[tilespmem:$0x2208] =	vst v0;
	s0 =	sadd.s32 s1, s8  }
0x2fe: {  	s4 =	simm.s32 $0x2;
	[tilespmem:$0x21E8] =	vst v0;
	s9 =	smin.u32 s0, $0xA000  }
0x2ff: {  	s31 =	simm.s32 $0x9;
	s5 =	simm.s32 $0xA;
	[tilespmem:$0x2188] =	vst v0;
	s0 =	ssub.s32 s9, s8  }
0x300: {  	s12 =	simm.s32 $0xB;
	s18 =	simm.s32 $0x0;
	[tilespmem:$0x21D8] =	vst v0;
	p0 =	sgt.s32 s0, $0x0  }
0x301: {  	p1 =	por $0x0, $0x0;
	s19 =	simm.s32 $0xC;
	[tilespmem:$0x21C8] =	vst v0;
	s0 =	simm.s32 @!p0 $0x0  }
0x302: {  	s23 =	simm.s32 $0x0;
	s20 =	simm.s32 $0x0;
	[tilespmem:$0x21B8] =	vst v0;
	s30 =	smul.u32 $0xAAAB, s0  }
0x303: {  	s22 =	simm.s32 $0x0;
	s2 =	sand.u32 $0x1, s2;
	s16 =	sshll.u32 s10, $0x6;
	[tilespmem:$0x21A8] =	vst v0  }
0x304: {  	s1 =	sshrl.u32 s30, $0x18;
	[tilespmem:$0x2198] =	vst v0;
	[dreg:$0x4] =	wrdreg s2;
	s2 =	smul.u32 $0x1400, s2  }
0x305: {  	[tilespmem:$0x2178] =	vst v0;
	[sflag:s4] =	ssyncpa.u1 $0x0;
	v0 =	vimm.s32 $0xFFFFFFFF;
	s4 =	sadd.s32 $0xC2C00, s7;
	s6 =	smul.u32 $0x180, s1  }
.Ltmp0:
0x306: {  	[tilespmem:$0x6088] =	vst v0;
	[sflag:s31] =	ssyncpa.u1 $0x0;
	s2 =	sadd.s32 s2, s7;
	(pc) =	sbr.rel .LBB2_1-.Ltmp0, $4  }
0x307: {  	[sflag:s5] =	ssyncpa.u1 $0x0;
	p0 =	sne.s32 s0, s6;
	s0 =	simm.s32 $0x1  }
0x308: {  	s7 =	sadd.s32 $0x3D5800, s7;
	[sflag:s12] =	ssyncpa.u1 $0x0;
	s0 =	simm.s32 @!p0 $0x0  }
0x309: {  	s14 =	sadd.s32 $0x103000, s2;
	s15 =	sadd.s32 $0x100800, s2;
	s13 =	sadd.s32 s1, s0  }
0x30a: {  	v0 =	vlaneseq.u32;
	s21 =	smov.u32 s8;
	p0 =	por $0x1, $0x1;
	s17 =	sadd.s32 $0x1, s13  }
.LBB2_22:
0x30b: {  	s0 =	sshrl.u32 s0, $0x2  }
.LBB2_24:
0x30c: {  	_ =	swait.ge [sflag:s19], s0  }
0x30d: {  	s30 =	ssub.s32 $0x0, s0;
	v1 =	vmov s25;
	vm0 =	veq.s32 v0, $0x0;
	[sflag:s19] =	ssyncset.done $0x0  }
0x30e: {  	vm15 =	veq.s32 v0, $0x2;
	v1 =	vsel vm0, s31, v1;
	[sflag:s19] =	ssyncadd.s32 s30  }
0x30f: {  	v1 =	vsel vm15, s23, v1;
	[sflag:s19] =	ssyncpa.u1 $0x1  }
0x310: {  	[tilespmem:$0x6088] =	vst v1  }
.LBB2_25:
0x311: {  	s0 =	sadd.s32 $0x180, s21  }
0x312: {  	s1 =	smov.u32 s8;
	p2 =	slt.s32 s0, s9  }
0x313: {  	s1 =	smov.u32 @p2 s0;
	p2 =	sne.s32 s22, s17  }
.Ltmp1:
0x314: {  	_ = 	snop;
	(pc) =	sbr.rel @!p2 .LBB2_26-.Ltmp1, $4  }
0x315: {  	_ = 	snop  }
0x316: {  	s23 =	smov.u32 s20  }
0x317: {  	s31 =	sadd.s32 $0x1, s22;
	s20 =	smov.u32 s21;
	p0 =	por !p0, !p0  }
0x318: {  	p1 =	por !p1, !p1;
	s22 =	smov.u32 s31;
	s21 =	smov.u32 s1  }
.LBB2_1:
0x319: {  	p2 =	sge.u32 s22, s13  }
0x31a: {  	s0 =	smulhi.u32 @!p2 $0xAAAAAAAB, s22  }
0x31b: {  	s1 =	smov.u32 s21;
	p3 =	sgt.s32 @!p2 s21, $0x9E80  }
0x31c: {  	s2 =	sshra.s32 @!p2 s21, $0x1F;
	p3 =	por !p3, p2;
	s0 =	sshrl.u32 @!p2 s0, $0x1  }
0x31d: {  	s2 =	sand.u32 @!p2 s2, s21;
	s1 =	simm.s32 @p3 $0x9E80;
	s0 =	smul.u32 @!p2 $0x3, s0  }
0x31e: {  	s1 =	ssub.s32 @!p2 s1, s2  }
0x31f: {  	s1 =	sadd.s32 @!p2 $0xFFFF6180, s1;
	s0 =	ssub.s32 @!p2 s22, s0  }
0x320: {  	s2 =	sshll.u32 @!p2 s1, $0x2;
	p3 =	sgt.s32 @!p2 s1, $0x17F;
	s0 =	smul.u32 @!p2 $0x600, s0  }
0x321: {  	s5 =	sand.u32 @!p2 $0x7, s21;
	s1 =	ssub.s32 @!p2 $0x600, s2;
	p3 =	por !p3, p2  }
0x322: {  	s2 =	sshrl.u32 @!p2 s21, $0x3;
	s1 =	sshrl.u32 @!p2 s1, $0x2;
	s0 =	sshrl.u32 @!p2 s0, $0x2  }
0x323: {  	s2 =	sadd.s32 @!p2 s2, s14;
	s1 =	simm.s32 @!p3 $0x0;
	s0 =	sadd.s32 @!p2 $0x64C8, s0  }
0x324: {  	[tilespmem:s0], [sflag:$0xA] =	stream.linear.gather @!p2 [hbm4b:s2+s5], s1, $0x38;
	[tilespmem:$0x1EC48] =	vst v63  }
0x325: {  	s1 =	sadd.s32 $0xFFFFFFFF, s22  }
0x326: {  	p2 =	sge.u32 s1, s13  }
0x327: {  	p3 =	sgt.s32 @!p2 s20, $0x9E80  }
0x328: {  	s0 =	smov.u32 s20;
	s2 =	sshra.s32 @!p2 s20, $0x1F;
	p3 =	por !p3, p2  }
0x329: {  	s2 =	sand.u32 @!p2 s2, s20;
	s0 =	simm.s32 @p3 $0x9E80  }
0x32a: {  	s0 =	ssub.s32 @!p2 s0, s2  }
0x32b: {  	s0 =	sadd.s32 @!p2 $0xFFFF6180, s0  }
0x32c: {  	s2 =	sshll.u32 @!p2 s0, $0x2  }
0x32d: {  	p3 =	sgt.s32 @!p2 s0, $0x17F;
	s0 =	ssub.s32 @!p2 $0x600, s2  }
0x32e: {  	p3 =	por !p3, p2;
	s0 =	sshrl.u32 @!p2 s0, $0x2  }
0x32f: {  	s5 =	simm.s32 @!p2 $0xA;
	s2 =	sand.u32 @!p2 $0x1, s1;
	s0 =	simm.s32 @!p3 $0x0  }
0x330: {  	s2 =	smul.u32 @!p2 $0x600, s2;
	_ =	swait.ge @!p2 [sflag:s5], s0  }
0x331: {  	s6 =	ssub.s32 @!p2 $0x0, s0;
	[sflag:s5] =	ssyncset.done @!p2 $0x0  }
0x332: {  	s2 =	sshrl.u32 @!p2 s2, $0x2;
	[sflag:s5] =	ssyncadd.s32 @!p2 s6;
	s5 =	sshrl.u32 @!p2 s20, $0x3  }
0x333: {  	s2 =	sadd.s32 @!p2 $0x6948, s2;
	s6 =	sand.u32 @!p2 $0x7, s20;
	s5 =	sadd.s32 @!p2 s5, s15  }
0x334: {  	[tilespmem:s2], [sflag:$0xB] =	stream.linear.gather @!p2 [hbm4b:s5+s6], s0, $0x38;
	[tilespmem:$0x1EC48] =	vst v63  }
0x335: {  	s0 =	ssub.s32 @!p2 $0xA000, s20  }
0x336: {  	p3 =	slt.s32 @!p2 s0, $0x1  }
0x337: {  	p3 =	por p2, p3  }
.Ltmp2:
0x338: {  	_ = 	snop;
	(pc) =	sbr.rel @p3 .LBB2_7-.Ltmp2, $1  }
0x339: {  	_ =	sdelay $0x3  }
0x33a: {  	s2 =	smulhi.u32 $0xAAAAAAAB, s1;
	_ =	sdelay $0x1  }
0x33b: {  	s2 =	sshrl.u32 s2, $0x1  }
0x33c: {  	s2 =	smul.u32 $0x3, s2;
	_ =	sdelay $0x1  }
0x33d: {  	s29 =	ssub.s32 s1, s2  }
0x33e: {  	s5 =	simm.s32 $0x1;
	s1 =	smul.u32 $0x600, s29  }
.Ltmp3:
0x33f: {  	s5 =	simm.s32 @!p0 $0x0;
	(pc) =	sbr.rel .LBB2_4-.Ltmp3, $4  }
0x340: {  	s30 =	smul.u32 $0x30000, s5  }
0x341: {  	p3 =	slt.s32 @!p2 s0, $0x180;
	s1 =	sshrl.u32 s1, $0x2  }
0x342: {  	p2 =	por !p3, p2;
	s2 =	sshrl.u32 s30, $0x2;
	s31 =	sadd.s32 $0x64C8, s1  }
0x343: {  	s24 =	simm.s32 $0x0;
	s0 =	simm.s32 @p2 $0x180;
	s1 =	sadd.s32 $0x6C48, s2;
	v1 =	vmov s31  }
.LBB2_3:
0x344: {  	p2 =	sge.s32 s24, s0  }
.Ltmp4:
0x345: {  	_ = 	snop;
	(pc) =	sbr.rel @p2 .LBB2_7-.Ltmp4, $2  }
0x346: {  	_ =	sdelay $0x2  }
0x347: {  	s1 =	sadd.s32 $0x800, s1  }
.LBB2_4:
0x348: {  	p2 =	sle.s32 s0, s24  }
.Ltmp5:
0x349: {  	_ = 	snop;
	(pc) =	sbr.rel @p2 .LBB2_3-.Ltmp5, $2  }
0x34a: {  	_ =	sdelay $0x2  }
0x34b: {  	s2 =	smov.u32 s24;
	s24 =	sadd.s32 $0x10, s24  }
0x34c: {  	s5 =	ssub.s32 s0, s2  }
0x34d: {  	p2 =	slt.s32 s5, $0x10  }
0x34e: {  	s5 =	simm.s32 @!p2 $0x10  }
0x34f: {  	v2 =	vmov s5  }
0x350: {  	vm0 =	vgt.s32 v2, v0;
	_ =	sdelay $0x5  }
0x351: {  	v2 =	vld.idx.msk [tilespmem:v1+s2+$0x0 ss:$0x1], vm0;
	_ =	sdelay $0x2  }
0x352: {  	s6 =	smov.u32 s0;
	p2 =	slt.s32 s24, s0  }
0x353: {  	s25 =	simm.s32 $0x0;
	s6 =	smov.u32 @p2 s24;
	s5 =	smov.u32 s1  }
.LBB2_6:
0x354: {  	(v2sf) =	vpush v2, s25;
	_ =	sdelay $0xc  }
0x355: {  	s25 =	sadd.s32 $0x1, s25  }
0x356: {  	s31 =	sadd.s32 s25, s2  }
0x357: {  	p2 =	slt.s32 s31, s6;
	s10 =	spop (v2sf)  }
.Ltmp6:
0x358: {  	s10 =	sshll.u32 s10, $0x4;
	(pc) =	sbr.rel @p2 .LBB2_6-.Ltmp6, $4  }
0x359: {  	s10 =	sand.u32 $0x1FFFFFF0, s10  }
0x35a: {  	s10 =	sadd.s32 s7, s10  }
0x35b: {  	[tilespmem:s5], [sflag:$0x9] =	stream.linear.gather [hbm4b:s10+s18], $0x20, $0x38;
	[tilespmem:$0x1EC48] =	vst v63  }
0x35c: {  	s5 =	sadd.s32 $0x80, s5  }
.Ltmp7:
0x35d: {  	_ = 	snop;
	(pc) =	sbr.rel .LBB2_3-.Ltmp7, $1  }
0x35e: {  	_ =	sdelay $0x3  }
.LBB2_7:
0x35f: {  	p2 =	slt.u32 s22, $0x2  }
.Ltmp8:
0x360: {  	_ = 	snop;
	(pc) =	sbr.rel @p2 .LBB2_25-.Ltmp8, $1  }
0x361: {  	_ =	sdelay $0x3  }
0x362: {  	p2 =	sgt.s32 s23, $0x9E80  }
0x363: {  	s0 =	smov.u32 s23;
	s1 =	sshra.s32 s23, $0x1F;
	s2 =	ssub.s32 $0xA000, s23  }
0x364: {  	s0 =	simm.s32 @!p2 $0x9E80;
	s1 =	sand.u32 s1, s23;
	p2 =	slt.s32 s2, $0x180  }
0x365: {  	s0 =	ssub.s32 s0, s1;
	s2 =	simm.s32 @!p2 $0x180  }
0x366: {  	s0 =	sadd.s32 $0xFFFF6180, s0;
	s11 =	sshll.u32 s2, $0x5  }
0x367: {  	s26 =	simm.s32 $0x9;
	s24 =	sshll.u32 s0, $0x2;
	s1 =	sand.u32 $0x3FFFFFE0, s11  }
0x368: {  	p2 =	sgt.s32 s0, $0x17F;
	s25 =	ssub.s32 $0x600, s24;
	_ =	swait.ge [sflag:s26], s1  }
0x369: {  	s1 =	ssub.s32 $0x0, s1;
	[sflag:s26] =	ssyncset.done $0x0;
	s0 =	sshrl.u32 s25, $0x2  }
0x36a: {  	[sflag:s26] =	ssyncadd.s32 s1;
	s0 =	simm.s32 @p2 $0x0  }
0x36b: {  	_ =	swait.ge [sflag:s12], s0  }
0x36c: {  	s0 =	ssub.s32 $0x0, s0;
	[sflag:s12] =	ssyncset.done $0x0  }
0x36d: {  	[sflag:s12] =	ssyncadd.s32 s0  }
0x36e: {  	v1 =	vld [tilespmem:$0x6088];
	_ =	sdelay $0x4  }
0x36f: {  	(v2sf) =	vpush v1, $0x0  }
0x370: {  	(v2sf) =	vpush v1, $0x1  }
0x371: {  	(v2sf) =	vpush v1, $0x2;
	_ =	sdelay $0x3  }
0x372: {  	s0 =	sadd.s32 $0x180, s23  }
0x373: {  	s1 =	ssub.s32 $0x14000, s23;
	p2 =	slt.s32 s9, s0  }
0x374: {  	s0 =	smov.u32 @p2 s9;
	p2 =	sgt.s32 s1, $0x0  }
0x375: {  	s28 =	ssub.s32 s0, s23;
	s1 =	simm.s32 @!p2 $0x0  }
0x376: {  	p2 =	slt.s32 s1, s28  }
0x377: {  	s28 =	smov.u32 @p2 s1  }
0x378: {  	s26 =	simm.s32 $0x1;
	p2 =	slt.s32 s28, $0x1  }
.Ltmp9:
0x379: {  	s26 =	simm.s32 @!p1 $0x0;
	(pc) =	sbr.rel @p2 .LBB2_12-.Ltmp9, $4  }
0x37a: {  	s30 =	smul.u32 $0x600, s26  }
0x37b: {  	s0 =	spop (v2sf)  }
0x37c: {  	s31 =	sshrl.u32 s30, $0x2;
	s29 =	spop (v2sf)  }
0x37d: {  	s24 =	sadd.s32 $0x6948, s31;
	s23 =	spop (v2sf)  }
0x37e: {  	s1 =	smin.u32 s28, $0x10  }
0x37f: {  	v1 =	vmov s1  }
0x380: {  	p3 =	sgt.s32 s28, $0x10;
	vm1 =	vgt.u32 v1, v0  }
.Ltmp10:
0x381: {  	_ = 	snop;
	(pc) =	sbr.rel @!p3 .LBB2_11-.Ltmp10, $2  }
0x382: {  	_ =	sdelay $0x2  }
0x383: {  	s2 =	simm.s32 $0x10;
	s25 =	sadd.s32 $0xFFFFFFF0, s28;
	s1 =	smov.u32 s24;
	vm0 =	vmmov vm1  }
.LBB2_10:
0x384: {  	s5 =	smin.u32 s25, $0x10;
	s2 =	sadd.s32 $0x10, s2;
	v1 =	vld.msk [tilespmem:s1+$0x0 ss:$0x1], vm1  }
0x385: {  	v2 =	vmov s5;
	p3 =	slt.s32 s2, s28  }
0x386: {  	vm1 =	vgt.u32 v2, v0  }
.Ltmp11:
0x387: {  	(pc) =	sbr.rel @p3 .LBB2_10-.Ltmp11, $3  }
0x388: {  	_ =	sdelay $0x1  }
0x389: {  	v1 =	vshll.u32 v1, $0x4  }
0x38a: {  	s25 =	sadd.s32 $0xFFFFFFF0, s25;
	[tilespmem:s1+$0x0] =	vst.msk vm0, v1;
	s1 =	sadd.s32 $0x10, s1;
	vm0 =	vmmov vm1  }
.LBB2_11:
0x38b: {  	_ =	sdelay $0x4  }
0x38c: {  	v1 =	vld.msk [tilespmem:s1+$0x0 ss:$0x1], vm1;
	_ =	sdelay $0x4  }
0x38d: {  	v1 =	vshll.u32 v1, $0x4  }
0x38e: {  	[tilespmem:s1+$0x0] =	vst.msk vm0, v1  }
.LBB2_12:
0x38f: {  	s1 =	sand.u32 $0x1, s22  }
0x390: {  	s1 =	smul.u32 $0x180, s1  }
0x391: {  	p3 =	sne.s32 s29, $0xFFFFFFFF  }
0x392: {  	v1 =	vld.msk @!p3 [tilespmem:s1+$0x6948], $0x1;
	_ =	sdelay $0x4  }
0x393: {  	(v2sf) =	vpush @!p3 v1, $0x0;
	_ =	sdelay $0xc  }
.Ltmp12:
0x394: {  	_ = 	snop;
	(pc) =	sbr.rel @p2 .LBB2_23-.Ltmp12, $4  }
0x395: {  	_ = 	snop  }
0x396: {  	s30 =	spop @!p3 (v2sf)  }
0x397: {  	s23 =	simm.s32 @!p3 $0x0;
	s25 =	smov.u32 s30  }
0x398: {  	[sflag:s19] =	ssyncpa.u1 $0x0;
	s30 =	smov.u32 @p3 s0;
	s25 =	smov.u32 @p3 s29  }
0x399: {  	v1 =	vld.msk [tilespmem:s24+$0x0], $0x1;
	_ =	sdelay $0x4  }
0x39a: {  	(v2sf) =	vpush v1, $0x0;
	_ =	sdelay $0xe  }
0x39b: {  	s0 =	smul.u32 $0x30000, s26;
	s1 =	spop (v2sf)  }
0x39c: {  	s28 =	ssub.s32 $0x0, s28;
	p2 =	seq.s32 s30, s1  }
0x39d: {  	s31 =	sadd.s32 $0x1, s28;
	s0 =	sshrl.u32 s0, $0x2;
	p3 =	sgt.s32 @!p2 s30, $0x0  }
0x39e: {  	s26 =	sadd.s32 $0x6C58, s0;
	s0 =	smov.u32 s30;
	p3 =	por !p3, p2  }
0x39f: {  	s0 =	simm.s32 @p3 $0x0;
	p3 =	seq.s32 s31, $0x0  }
.Ltmp13:
0x3a0: {  	_ = 	snop;
	(pc) =	sbr.rel @p3 .LBB2_15-.Ltmp13, $4  }
0x3a1: {  	_ = 	snop  }
0x3a2: {  	s29 =	simm.s32 $0x0;
	s2 =	simm.s32 @!p2 $0x1;
	s0 =	smin.u32 @!p2 s0, $0x9FFC  }
0x3a3: {  	s6 =	simm.s32 @!p2 $0x3068;
	s2 =	smov.u32 @p2 s29;
	s10 =	sand.u32 @!p2 $0xFFF8, s0  }
0x3a4: {  	s5 =	sand.u32 @!p2 $0x7, s0;
	s0 =	sadd.s32 $0x1, s24;
	s10 =	sadd.s32 @!p2 s4, s10  }
.LBB2_14:
0x3a5: {  	s11 =	smov.u32 s2  }
0x3a6: {  	[tilespmem:s6], [sflag:$0x2] =	stream.linear.gather @!p2 [hbm4b:s10+s5], $0x20, $0x38;
	[tilespmem:$0x1EC48] =	vst v63  }
0x3a7: {  	s31 =	sadd.s32 $0x1, s31;
	s5 =	smov.u32 s1;
	v1 =	vld.msk [tilespmem:s0+$0x0], $0x1  }
0x3a8: {  	p3 =	seq.s32 s31, $0x0;
	_ =	sdelay $0x3  }
0x3a9: {  	(v2sf) =	vpush v1, $0x0;
	_ =	sdelay $0xe  }
0x3aa: {  	s1 =	spop (v2sf)  }
0x3ab: {  	p2 =	seq.s32 s5, s1  }
0x3ac: {  	p4 =	sgt.s32 @!p2 s5, $0x0;
	s6 =	sshll.u32 @!p2 s2, $0x7;
	s2 =	sadd.s32 @!p2 $0x1, s2  }
.Ltmp14:
0x3ad: {  	p4 =	por !p4, p2;
	s6 =	sshra.s32 @!p2 s6, $0x2;
	(pc) =	sbr.rel @!p3 .LBB2_14-.Ltmp14, $4  }
0x3ae: {  	s2 =	smov.u32 @p2 s11;
	s5 =	simm.s32 @p4 $0x0;
	s6 =	sadd.s32 @!p2 $0x3068, s6  }
0x3af: {  	s5 =	smin.u32 @!p2 s5, $0x9FFC  }
0x3b0: {  	s10 =	sand.u32 @!p2 $0xFFF8, s5;
	s5 =	sand.u32 @!p2 $0x7, s5  }
0x3b1: {  	s0 =	sadd.s32 $0x1, s0;
	s10 =	sadd.s32 @!p2 s4, s10  }
.LBB2_15:
0x3b2: {  	[tilespmem:s6], [sflag:$0x2] =	stream.linear.gather @!p2 [hbm4b:s10+s5], $0x20, $0x38;
	[tilespmem:$0x1EC48] =	vst v63  }
.Ltmp15:
0x3b3: {  	s0 =	sshll.u32 s2, $0x5;
	(pc) =	sbr.rel .LBB2_16-.Ltmp15, $4  }
0x3b4: {  	s1 =	simm.s32 $0x2;
	s0 =	sand.u32 $0x3FFFFFE0, s0  }
0x3b5: {  	_ =	swait.ge [sflag:s1], s0  }
0x3b6: {  	s0 =	ssub.s32 $0x0, s0;
	[sflag:s1] =	ssyncset.done $0x0  }
0x3b7: {  	[sflag:s1] =	ssyncadd.s32 s0;
	s0 =	simm.s32 $0x0  }
.LBB2_17:
0x3b8: {  	v1 =	vld [tilespmem:s26+$0xFFFFFFF0];
	_ =	sdelay $0x4  }
0x3b9: {  	[tilespmem:s1+$0x48] =	vst.add.f32.msk $0xffff, v1  }
0x3ba: {  	v1 =	vld [tilespmem:s26+$0x0];
	_ =	sdelay $0x4  }
0x3bb: {  	[tilespmem:s1+$0x58] =	vst.add.f32.msk $0xffff, v1  }
.LBB2_21:
0x3bc: {  	s28 =	sadd.s32 $0x1, s28  }
0x3bd: {  	p2 =	seq.s32 s28, $0x0  }
.Ltmp16:
0x3be: {  	_ = 	snop;
	(pc) =	sbr.rel @p2 .LBB2_22-.Ltmp16, $2  }
0x3bf: {  	_ =	sdelay $0x2  }
0x3c0: {  	s26 =	sadd.s32 $0x80, s26;
	s24 =	sadd.s32 $0x1, s24;
	s30 =	smov.u32 s31  }
.LBB2_16:
0x3c1: {  	v1 =	vld.msk [tilespmem:s24+$0x0], $0x1;
	_ =	sdelay $0x4  }
0x3c2: {  	(v2sf) =	vpush v1, $0x0;
	_ =	sdelay $0xe  }
0x3c3: {  	s31 =	spop (v2sf)  }
0x3c4: {  	p2 =	sne.s32 s30, s31  }
.Ltmp17:
0x3c5: {  	_ = 	snop;
	(pc) =	sbr.rel @!p2 .LBB2_17-.Ltmp17, $3  }
0x3c6: {  	_ =	sdelay $0x1  }
0x3c7: {  	s1 =	sshll.u32 s23, $0x7  }
0x3c8: {  	s1 =	sshra.s32 s1, $0x2  }
0x3c9: {  	p2 =	seq.s32 s30, s25  }
.Ltmp18:
0x3ca: {  	_ = 	snop;
	(pc) =	sbr.rel @!p2 .LBB2_19-.Ltmp18, $1  }
0x3cb: {  	_ =	sdelay $0x3  }
.Ltmp19:
0x3cc: {  	s1 =	sadd.s32 $0x48, s1;
	(pc) =	sbr.rel .LBB2_20-.Ltmp19, $4  }
0x3cd: {  	[spmem:s16] =	stream.linear.scatter [tilespmem:s1], [sflag:$0x1], $0x20, $0x38;
	[tilespmem:$0x1EC48] =	vst v63  }
0x3ce: {  	_ =	swait.ge [sflag:s3], $0x20  }
0x3cf: {  	[sflag:s3] =	ssyncset.done $0x0  }
0x3d0: {  	[sflag:s3] =	ssyncadd.s32 $0xFFFFFFE0  }
.LBB2_19:
0x3d1: {  	s2 =	sshll.u32 s29, $0x7  }
0x3d2: {  	s2 =	sshra.s32 s2, $0x2  }
0x3d3: {  	v1 =	vld [tilespmem:s2+$0x3068];
	_ =	sdelay $0x4  }
0x3d4: {  	[tilespmem:s1+$0x48] =	vst.add.f32.msk $0xffff, v1  }
0x3d5: {  	v1 =	vld [tilespmem:s2+$0x3078];
	_ =	sdelay $0x2  }
0x3d6: {  	p2 =	sgt.u32 s30, $0x9FFC  }
0x3d7: {  	s2 =	sand.u32 @!p2 $0xFFF8, s30  }
0x3d8: {  	s5 =	sadd.s32 $0x48, s1;
	[tilespmem:s1+$0x58] =	vst.add.f32.msk $0xffff, v1;
	s1 =	sadd.s32 @!p2 s4, s2;
	s2 =	sand.u32 @!p2 $0x7, s30  }
0x3d9: {  	[hbm4b:s1+s2] =	stream.linear.scatter @!p2 [tilespmem:s5], [sflag:$0xC], $0x20, $0x38;
	[tilespmem:$0x1EC48] =	vst v63  }
0x3da: {  	s1 =	simm.s32 $0x0  }
0x3db: {  	s1 =	simm.s32 @!p2 $0x80  }
0x3dc: {  	s0 =	sadd.s32 s1, s0  }
.LBB2_20:
0x3dd: {  	s1 =	sadd.s32 $0x1, s23  }
0x3de: {  	s2 =	smulhi.u32 $0xAAAAAAAB, s1;
	_ =	sdelay $0x1  }
0x3df: {  	v1 =	vld [tilespmem:s26+$0xFFFFFFF0];
	s2 =	sshrl.u32 s2, $0x8  }
0x3e0: {  	s2 =	smul.u32 $0x180, s2;
	_ =	sdelay $0x1  }
0x3e1: {  	s23 =	ssub.s32 s1, s2  }
0x3e2: {  	s1 =	sshll.u32 s23, $0x5  }
0x3e3: {  	[tilespmem:s1+$0x48] =	vst v1  }
0x3e4: {  	v1 =	vld [tilespmem:s26+$0x0]  }
.Ltmp20:
0x3e5: {  	_ = 	snop;
	(pc) =	sbr.rel .LBB2_21-.Ltmp20, $2  }
0x3e6: {  	_ =	sdelay $0x2  }
0x3e7: {  	s29 =	sadd.s32 $0x1, s29;
	[tilespmem:s1+$0x58] =	vst v1  }
.LBB2_23:
.Ltmp21:
0x3e8: {  	(pc) =	sbr.rel .LBB2_24-.Ltmp21, $4  }
0x3e9: {  	_ = 	snop  }
0x3ea: {  	s0 =	simm.s32 $0x2  }
0x3eb: {  	_ =	swait.ge [sflag:s0], $0x0  }
0x3ec: {  	s31 =	smov.u32 s30;
	[sflag:s0] =	ssyncset.done $0x0;
	s0 =	simm.s32 $0x0  }
.LBB2_26:
0x3ed: {  	_ =	sfence.sel $0x180000  }
0x3ee: {  	s0 =	simm.s32 $0x9;
	[bflag:$0x0] =	sbarrier.arrive $0xFFFF  }
0x3ef: {  	s24 =	simm.s32 $0xA;
	[sflag:s0] =	ssyncpa.u1 $0x1  }
0x3f0: {  	s25 =	simm.s32 $0xB;
	[sflag:s24] =	ssyncpa.u1 $0x1  }
0x3f1: {  	s26 =	simm.s32 $0x2;
	[sflag:s25] =	ssyncpa.u1 $0x1  }
0x3f2: {  	[sflag:s26] =	ssyncpa.u1 $0x1  }
0x3f3: {  	v0 =	vld [tilespmem:$0x6088];
	_ =	sdelay $0x4  }
0x3f4: {  	(v2sf) =	vpush v0, $0x0  }
0x3f5: {  	(v2sf) =	vpush v0, $0x1;
	_ =	sdelay $0x1  }
0x3f6: {  	(v2sf) =	vpush v0, $0x2;
	_ =	sdelay $0xb  }
0x3f7: {  	s0 =	spop (v2sf)  }
0x3f8: {  	s1 =	spop (v2sf)  }
0x3f9: {  	s2 =	smov.u32 s0;
	p0 =	sne.s32 s0, s1  }
0x3fa: {  	s3 =	spop (v2sf);
	s2 =	simm.s32 @!p0 $0xFFFFFFFF  }
0x3fb: {  	v2 =	vimm.s32 $0x1;
	v3 =	vlaneseq.u32;
	p0 =	seq.s32 s3, $0xFFFFFFFF;
	v1 =	vmov s2  }
0x3fc: {  	s14 =	stileid.u32;
	v0 =	vperm.xlane v0, v2;
	p1 =	sne.s32 @!p0 s0, s1;
	v1 =	vperm.xlane v1, v3  }
0x3fd: {  	vm0 =	vcmask $0x3F04;
	s6 =	simm.s32 $0x6088;
	s0 =	simm.s32 @!p0 $0x1;
	p1 =	por !p1, p0  }
0x3fe: {  	s2 =	sshll.u32 s14, $0x1;
	s1 =	sshll.u32 @!p0 s3, $0x7;
	s0 =	simm.s32 @p1 $0x0;
	v0 =	vsel vm0, v1, v0  }
0x3ff: {  	s5 =	sor.u32 $0x400, s2;
	s1 =	sshra.s32 @!p0 s1, $0x2;
	s0 =	sor.u32 @!p0 s0, s2;
	[tilespmem:$0x6088] =	vst v0  }
0x400: {  	[spmem:s5] =	stream.linear.scatter [tilespmem:s6], [sflag:$0x1], $0x2, $0x38;
	[tilespmem:$0x1EC48] =	vst v63  }
0x401: {  	s1 =	sadd.s32 @!p0 $0x48, s1;
	s0 =	sshll.u32 @!p0 s0, $0x5  }
0x402: {  	[spmem:s0] =	stream.linear.scatter @!p0 [tilespmem:s1], [sflag:$0x1], $0x20, $0x38;
	[tilespmem:$0x1EC48] =	vst v63  }
0x403: {  	s0 =	simm.s32 @!p0 $0x22  }
0x404: {  	s28 =	simm.s32 $0x1;
	s0 =	simm.s32 @p0 $0x2  }
0x405: {  	_ =	swait.ge [sflag:s28], s0  }
0x406: {  	s0 =	ssub.s32 $0x0, s0;
	[sflag:s28] =	ssyncset.done $0x0  }
0x407: {  	p0 =	sne.s32 s14, $0x0;
	[sflag:s28] =	ssyncadd.s32 s0  }
.Ltmp22:
0x408: {  	_ =	sfence.stream.spmem;
	(pc) =	sbr.rel @p0 .LBB2_43-.Ltmp22, $4  }
0x409: {  	s29 =	simm.s32 $0x3;
	[bflag:$0x0] =	sbarrier.arrive $0xFFFF  }
0x40a: {  	s30 =	simm.s32 $0x4;
	[sflag:s29] =	ssyncpa.u1 $0x1  }
0x40b: {  	s31 =	simm.s32 $0x3C;
	[sflag:s30] =	ssyncpa.u1 $0x1  }
0x40c: {  	s15 =	rddreg [dreg:$0x4];
	[sflag:s31] =	ssyncpa.u1 $0x1  }
0x40d: {  	_ =	sfence.stream.spmem;
	s0 =	simm.s32 $0x5  }
0x40e: {  	s1 =	simm.s32 $0x400;
	s2 =	simm.s32 $0x6098;
	[sflag:s0] =	ssyncpa.u1 $0x0  }
0x40f: {  	[tilespmem:s2], [sflag:$0x5] =	stream.linear.gather [spmem:s1], $0x20, $0x38;
	[tilespmem:$0x1EC48] =	vst v63  }
0x410: {  	s26 =	simm.s32 $0x0;
	s28 =	simm.s32 $0x60B8  }
0x411: {  	[tilespmem:s28], [sflag:$0x5] =	stream.linear.gather [spmem:s26], $0x400, $0x38;
	[tilespmem:$0x1EC48] =	vst v63  }
0x412: {  	_ =	swait.ge [sflag:s0], $0x420  }
0x413: {  	[sflag:s0] =	ssyncset.done $0x0  }
0x414: {  	s29 =	simm.s32 $0x0;
	[sflag:s0] =	ssyncadd.s32 $0xFFFFFBE0  }
0x415: {  	v0 =	vld.msk [tilespmem:s29+$0x6098], $0x1;
	_ =	sdelay $0x1  }
0x416: {  	s30 =	simm.s32 $0x1  }
0x417: {  	v1 =	vld.msk [tilespmem:s30+$0x6098], $0x1;
	_ =	sdelay $0x1  }
0x418: {  	(v2sf) =	vpush v0, $0x0;
	_ =	sdelay $0x2  }
0x419: {  	(v2sf) =	vpush v1, $0x0;
	_ =	sdelay $0x2  }
0x41a: {  	s31 =	simm.s32 $0x2  }
0x41b: {  	v0 =	vld.msk [tilespmem:s31+$0x6098], $0x1;
	_ =	sdelay $0x2  }
0x41c: {  	s1 =	simm.s32 $0xFFFFFFFF;
	s2 =	simm.s32 $0xFFFFFFFF;
	s0 =	simm.s32 $0xC  }
.LBB2_28:
0x41d: {  	s3 =	smov.u32 s2;
	s5 =	smov.u32 s1  }
0x41e: {  	s1 =	sshra.s32 s0, $0x2;
	p1 =	sne.s32 s0, $0x7C;
	s0 =	sadd.s32 $0x4, s0;
	(v2sf) =	vpush v0, $0x0  }
0x41f: {  	v0 =	vld.msk [tilespmem:s1+$0x6098], $0x1  }
.Ltmp23:
0x420: {  	(pc) =	sbr.rel @p1 .LBB2_28-.Ltmp23, $4  }
0x421: {  	s2 =	spop (v2sf)  }
0x422: {  	p2 =	sne.s32 s5, $0xFFFFFFFF;
	s1 =	smov.u32 s2  }
0x423: {  	p3 =	seq.s32 s2, $0xFFFFFFFF;
	s1 =	smov.u32 @p2 s5  }
0x424: {  	s2 =	smov.u32 @p3 s3;
	s1 =	smov.u32 @p3 s5  }
0x425: {  	(v2sf) =	vpush v0, $0x0;
	_ =	sdelay $0x8  }
0x426: {  	s0 =	spop (v2sf)  }
0x427: {  	p1 =	sne.s32 s1, $0xFFFFFFFF;
	s3 =	smov.u32 s0  }
0x428: {  	s9 =	simm.s32 $0x6;
	p2 =	seq.s32 s0, $0xFFFFFFFF;
	s3 =	smov.u32 @p1 s1  }
0x429: {  	s10 =	simm.s32 $0x6068;
	s3 =	smov.u32 @p2 s1;
	s1 =	spop (v2sf)  }
0x42a: {  	s0 =	smov.u32 @p2 s2;
	p1 =	sne.s32 s3, $0xFFFFFFFF;
	s5 =	smov.u32 s1  }
.Ltmp24:
0x42b: {  	p2 =	seq.s32 s1, $0xFFFFFFFF;
	s5 =	smov.u32 @p1 s3;
	(pc) =	sbr.rel .LBB2_30-.Ltmp24, $4  }
0x42c: {  	s11 =	simm.s32 $0x0;
	s5 =	smov.u32 @p2 s3;
	s7 =	spop (v2sf)  }
0x42d: {  	[sflag:s9] =	ssyncpa.u1 $0x0;
	p1 =	sne.s32 s5, $0xFFFFFFFF;
	s8 =	smov.u32 s7  }
0x42e: {  	s1 =	smov.u32 @p2 s0;
	p2 =	seq.s32 s7, $0xFFFFFFFF;
	s8 =	smov.u32 @p1 s5  }
0x42f: {  	s3 =	simm.s32 $0x0;
	s7 =	smov.u32 @p2 s1;
	s8 =	smov.u32 @p2 s5  }
.LBB2_36:
0x430: {  	p1 =	sgt.u32 s12, $0x9FFC  }
0x431: {  	p2 =	seq.s32 @!p1 s12, s8  }
0x432: {  	p1 =	por p1, p2  }
0x433: {  	p2 =	sne.s32 @!p1 s12, s7  }
0x434: {  	p1 =	por p1, !p2  }
0x435: {  	s0 =	sshll.u32 @p1 s11, $0x7  }
0x436: {  	s0 =	sand.u32 @!p1 $0xFFF8, s12  }
0x437: {  	s1 =	sand.u32 @!p1 $0x7, s12;
	s0 =	sadd.s32 @!p1 s4, s0  }
0x438: {  	[tilespmem:s10], [sflag:$0x6] =	stream.linear.gather @!p1 [hbm4b:s0+s1], $0x20, $0x38;
	[tilespmem:$0x1EC48] =	vst v63  }
0x439: {  	_ =	swait.ge @!p1 [sflag:s9], $0x20  }
0x43a: {  	[sflag:s9] =	ssyncset.done @!p1 $0x0  }
0x43b: {  	[sflag:s9] =	ssyncadd.s32 @!p1 $0xFFFFFFE0  }
0x43c: {  	v1 =	vld @!p1 [tilespmem:$0x6068];
	_ =	sdelay $0x2  }
0x43d: {  	s0 =	sshll.u32 @!p1 s11, $0x7  }
0x43e: {  	s1 =	sshrl.u32 @!p1 s0, $0x2  }
0x43f: {  	[tilespmem:s1+$0x60B8] =	vst.add.f32.msk @!p1 $0xffff, v1  }
0x440: {  	v1 =	vld @!p1 [tilespmem:$0x6078];
	_ =	sdelay $0x4  }
0x441: {  	[tilespmem:s1+$0x60C8] =	vst.add.f32.msk @!p1 $0xffff, v1  }
0x442: {  	s0 =	sshrl.u32 s0, $0x2;
	[tilespmem:s3+$0x6098] =	vst.msk $0x1, v0  }
0x443: {  	v0 =	vld [tilespmem:s0+$0x60B8];
	_ =	sdelay $0x2  }
0x444: {  	s31 =	sshll.u32 s3, $0x7  }
0x445: {  	s1 =	sshra.s32 s31, $0x2  }
0x446: {  	[tilespmem:s1+$0x60B8] =	vst v0  }
0x447: {  	v0 =	vld [tilespmem:s0+$0x60C8];
	_ =	sdelay $0x4  }
0x448: {  	s3 =	sadd.s32 $0x1, s3;
	[tilespmem:s1+$0x60C8] =	vst v0  }
.LBB2_37:
0x449: {  	s11 =	sadd.s32 $0x1, s11  }
0x44a: {  	p1 =	sne.s32 s11, $0x20  }
.Ltmp25:
0x44b: {  	_ = 	snop;
	(pc) =	sbr.rel @!p1 .LBB2_38-.Ltmp25, $1  }
0x44c: {  	_ =	sdelay $0x3  }
.LBB2_30:
0x44d: {  	v0 =	vld.msk [tilespmem:s11+$0x6098], $0x1;
	_ =	sdelay $0x4  }
0x44e: {  	(v2sf) =	vpush v0, $0x0;
	_ =	sdelay $0xe  }
0x44f: {  	s12 =	spop (v2sf)  }
0x450: {  	p1 =	seq.s32 s12, $0xFFFFFFFF  }
.Ltmp26:
0x451: {  	_ = 	snop;
	(pc) =	sbr.rel @p1 .LBB2_37-.Ltmp26, $1  }
0x452: {  	_ =	sdelay $0x3  }
0x453: {  	p1 =	slt.s32 s3, $0x1  }
.Ltmp27:
0x454: {  	_ = 	snop;
	(pc) =	sbr.rel @p1 .LBB2_36-.Ltmp27, $1  }
0x455: {  	_ =	sdelay $0x3  }
0x456: {  	s0 =	simm.s32 $0x6098;
	p1 =	por $0x0, $0x0  }
0x457: {  	v1 =	vld.msk @!p1 [tilespmem:s0+$0x0], $0x1;
	_ =	sdelay $0x4  }
0x458: {  	(v2sf) =	vpush @!p1 v1, $0x0;
	_ =	sdelay $0xd  }
0x459: {  	p3 =	sne.s32 s3, $0x1  }
.Ltmp28:
0x45a: {  	s1 =	spop @!p1 (v2sf);
	(pc) =	sbr.rel @!p3 .LBB2_34-.Ltmp28, $4  }
0x45b: {  	p2 =	seq.s32 @!p1 s12, s1  }
0x45c: {  	s13 =	simm.s32 $0x0;
	p2 =	por !p2, p1  }
0x45d: {  	s2 =	simm.s32 $0xFFFFFFFF;
	s13 =	simm.s32 @p2 $0xFFFFFFFF  }
0x45e: {  	s1 =	simm.s32 $0x1;
	s13 =	smov.u32 @p1 s2  }
.LBB2_33:
0x45f: {  	s2 =	smov.u32 s13;
	p1 =	sne.s32 s13, $0xFFFFFFFF  }
0x460: {  	s0 =	sadd.s32 $0x1, s0;
	s13 =	smov.u32 s1;
	s1 =	sadd.s32 $0x1, s1  }
0x461: {  	p2 =	sne.s32 s3, s1;
	v1 =	vld.msk @!p1 [tilespmem:s0+$0x0], $0x1;
	_ =	sdelay $0x4  }
0x462: {  	(v2sf) =	vpush @!p1 v1, $0x0;
	_ =	sdelay $0xe  }
.Ltmp29:
0x463: {  	s5 =	spop @!p1 (v2sf);
	(pc) =	sbr.rel @p2 .LBB2_33-.Ltmp29, $4  }
0x464: {  	p3 =	seq.s32 @!p1 s12, s5  }
0x465: {  	p3 =	por !p3, p1  }
0x466: {  	s13 =	simm.s32 @p3 $0xFFFFFFFF  }
0x467: {  	s13 =	smov.u32 @p1 s2  }
.LBB2_34:
0x468: {  	p1 =	seq.s32 s13, $0xFFFFFFFF  }
.Ltmp30:
0x469: {  	_ = 	snop;
	(pc) =	sbr.rel @p1 .LBB2_36-.Ltmp30, $1  }
0x46a: {  	_ =	sdelay $0x3  }
0x46b: {  	s0 =	sshll.u32 s11, $0x5  }
0x46c: {  	s0 =	sand.u32 $0x3FFFFFE0, s0  }
0x46d: {  	v0 =	vld [tilespmem:s0+$0x60B8];
	_ =	sdelay $0x2  }
0x46e: {  	s1 =	sshll.u32 s13, $0x7  }
0x46f: {  	s1 =	sshra.s32 s1, $0x2  }
0x470: {  	[tilespmem:s1+$0x60B8] =	vst.add.f32.msk $0xffff, v0  }
0x471: {  	v0 =	vld [tilespmem:s0+$0x60C8]  }
.Ltmp31:
0x472: {  	_ = 	snop;
	(pc) =	sbr.rel .LBB2_37-.Ltmp31, $2  }
0x473: {  	_ =	sdelay $0x2  }
0x474: {  	[tilespmem:s1+$0x60C8] =	vst.add.f32.msk $0xffff, v0  }
.LBB2_38:
0x475: {  	s0 =	simm.s32 $0x6;
	p1 =	seq.s32 s3, $0x0  }
0x476: {  	[sflag:s0] =	ssyncpa.u1 $0x1;
	v0 =	vimm.s32 @p1 $0xFFFFFFFF  }
0x477: {  	s9 =	sadd.s32 $0xFFFFFFFF, s3;
	[tilespmem:$0x64B8] =	vst @p1 v0  }
0x478: {  	v0 =	vld.msk @!p1 [tilespmem:s9+$0x6098], $0x1;
	_ =	sdelay $0x1  }
0x479: {  	v1 =	vld.msk @!p1 [tilespmem:$0x6098], $0x1;
	_ =	sdelay $0x2  }
0x47a: {  	p2 =	seq.s32 @!p1 s9, $0x0;
	v0 =	vbroadcast @!p1 v0, $0x0  }
0x47b: {  	vm0 =	vmmov @!p1 $0x1;
	p2 =	por !p2, p1  }
0x47c: {  	v1 =	vnsel @!p1 vm0, $0xFFFFFFFF, v1;
	vm0 =	vcmask @!p1 $0x308;
	v0 =	vpsel !p2, $0xFFFFFFFF, v0  }
0x47d: {  	p2 =	sne.s32 @!p1 s8, s7;
	v0 =	vsel @!p1 vm0, v1, v0  }
0x47e: {  	s0 =	simm.s32 @!p1 $0x60B8;
	s1 =	simm.s32 @!p1 $0x0;
	p3 =	por !p2, p1;
	[tilespmem:$0x64B8] =	vst @!p1 v0  }
0x47f: {  	[spmem:s1] =	stream.linear.scatter @!p1 [tilespmem:s0], [sflag:$0x1], $0x20, $0x38;
	[tilespmem:$0x1EC48] =	vst v63  }
0x480: {  	s0 =	sshll.u32 @!p3 s9, $0x7  }
0x481: {  	s0 =	sshra.s32 @!p3 s0, $0x2  }
0x482: {  	s1 =	simm.s32 @!p3 $0x20;
	s0 =	sadd.s32 @!p3 $0x60B8, s0  }
0x483: {  	[spmem:s1] =	stream.linear.scatter @!p3 [tilespmem:s0], [sflag:$0x1], $0x20, $0x38;
	[tilespmem:$0x1EC48] =	vst v63  }
0x484: {  	s0 =	simm.s32 @!p3 $0x1  }
0x485: {  	_ =	swait.ge @!p3 [sflag:s0], $0x40  }
0x486: {  	p1 =	por p2, p1;
	[sflag:s0] =	ssyncset.done @!p3 $0x0  }
0x487: {  	[sflag:s0] =	ssyncadd.s32 @!p3 $0xFFFFFFC0;
	s0 =	simm.s32 @!p1 $0x1  }
0x488: {  	_ =	swait.ge @!p1 [sflag:s0], $0x20  }
0x489: {  	s29 =	simm.s32 $0x64B8;
	[sflag:s0] =	ssyncset.done @!p1 $0x0  }
0x48a: {  	s30 =	simm.s32 $0x400;
	s31 =	simm.s32 $0x1;
	[sflag:s0] =	ssyncadd.s32 @!p1 $0xFFFFFFE0  }
0x48b: {  	[spmem:s30] =	stream.linear.scatter [tilespmem:s29], [sflag:$0x1], $0x10, $0x38;
	[tilespmem:$0x1EC48] =	vst v63  }
0x48c: {  	_ =	swait.ge [sflag:s31], $0x10  }
0x48d: {  	[sflag:s31] =	ssyncset.done $0x0  }
0x48e: {  	p1 =	seq.s32 s15, $0x0;
	s8 =	rddreg [dreg:$0x1];
	[sflag:s31] =	ssyncadd.s32 $0xFFFFFFF0  }
0x48f: {  	s1 =	sshll.u32 @p1 s8, $0xE;
	s7 =	rddreg [dreg:$0x2]  }
0x490: {  	s0 =	sadd.s32 @p1 $0x15C3C, s1;
	s1 =	sshll.u32 @p1 s7, $0x11  }
0x491: {  	_ =	sfence.stream.spmem;
	s0 =	sor.u32 @p1 s1, s0  }
0x492: {  	[sflag:s0] =	ssyncadd.remote.s32 @p1 $0x1;
	s0 =	simm.s32 @p1 $0x4  }
0x493: {  	s2 =	simm.s32 @!p1 $0x3C;
	s1 =	sand.u32 $0xFFFFFFFE, s8;
	_ =	swait.ge @p1 [sflag:s0], $0xA  }
0x494: {  	s5 =	simm.s32 @!p1 $0x0;
	s1 =	sadd.s32 @!p1 $0x4, s1;
	[sflag:s0] =	ssyncset.done @p1 $0x0  }
0x495: {  	s6 =	simm.s32 @!p1 $0x40;
	[sflag:s0] =	ssyncadd.s32 @p1 $0xFFFFFFF6;
	s0 =	sshll.u32 @!p1 s1, $0x1A  }
0x496: {  	s1 =	sshll.u32 @!p1 s1, $0xD;
	s0 =	sor.u32 @!p1 s0, s7;
	_ =	swait.eq @!p1 [sflag:s2], $0x1  }
0x497: {  	s1 =	sor.u32 @!p1 $0x1C04, s1;
	s2 =	simm.s32 @!p1 $0x1C03;
	s0 =	sor.u32 @!p1 $0x80004000, s0  }
0x498: {  	[spmem:s6], [sflag:s1] =	dma.general @!p1 [spmem:s5], [sflag:s2], length:$0x8, [dreg:$0x0], stride_count:$0x0, ici_dest:s0, dma_misc:DstOpCode:WRITE  }
0x499: {  	p2 =	slt.s32 s9, $0x2;
	s5 =	simm.s32 @!p1 $0x80;
	s6 =	simm.s32 @!p1 $0x82  }
0x49a: {  	[spmem:s6], [sflag:s1] =	dma.general @!p1 [spmem:s5], [sflag:s2], length:$0x2, [dreg:$0x0], stride_count:$0x0, ici_dest:s0, dma_misc:DstOpCode:WRITE  }
.Ltmp32:
0x49b: {  	s0 =	simm.s32 @!p1 $0x3;
	(pc) =	sbr.rel @p2 .LBB2_42-.Ltmp32, $4  }
0x49c: {  	s1 =	sshll.u32 @!p1 s8, $0xE;
	_ =	swait.ge @!p1 [sflag:s0], $0xA  }
0x49d: {  	s2 =	sshll.u32 @!p1 s7, $0x11;
	s1 =	sadd.s32 @!p1 $0x11C3C, s1;
	[sflag:s0] =	ssyncset.done @!p1 $0x0  }
0x49e: {  	[sflag:s0] =	ssyncadd.s32 @!p1 $0xFFFFFFF6;
	s0 =	sor.u32 @!p1 s2, s1  }
0x49f: {  	[sflag:s0] =	ssyncadd.remote.s32 @!p1 $0xFFFFFFFF;
	s0 =	simm.s32 $0x0  }
0x4a0: {  	s0 =	simm.s32 $0x6099  }
0x4a1: {  	v0 =	vld.msk [tilespmem:s0+$0x0], $0x1;
	_ =	sdelay $0x4  }
0x4a2: {  	(v2sf) =	vpush v0, $0x0;
	_ =	sdelay $0xc  }
0x4a3: {  	s1 =	sadd.s32 $0xFFFFFFFE, s3  }
0x4a4: {  	s1 =	sadd.s32 $0xFFFFFFFF, s1  }
0x4a5: {  	p2 =	sne.s32 s1, $0x0;
	s2 =	spop (v2sf)  }
.Ltmp33:
0x4a6: {  	p1 =	sgt.u32 s2, $0x9FFC;
	(pc) =	sbr.rel @!p2 .LBB2_41-.Ltmp33, $4  }
0x4a7: {  	s6 =	simm.s32 $0x0;
	s3 =	sand.u32 @!p1 $0xFFF8, s2  }
0x4a8: {  	s0 =	simm.s32 $0x60D8;
	s2 =	sand.u32 @!p1 $0x7, s2;
	s3 =	sadd.s32 @!p1 s4, s3  }
0x4a9: {  	[hbm4b:s3+s2] =	stream.linear.scatter @!p1 [tilespmem:s0], [sflag:$0x5], $0x20, $0x38;
	[tilespmem:$0x1EC48] =	vst v63  }
0x4aa: {  	s6 =	simm.s32 @!p1 $0x80;
	s2 =	simm.s32 $0x0;
	s3 =	simm.s32 $0x609A  }
.LBB2_40:
0x4ab: {  	v0 =	vld.msk [tilespmem:s3+$0x0], $0x1;
	s1 =	sadd.s32 $0xFFFFFFFF, s1;
	s2 =	sadd.s32 s2, s6  }
0x4ac: {  	p1 =	sne.s32 s1, $0x0;
	_ =	sdelay $0x3  }
0x4ad: {  	(v2sf) =	vpush v0, $0x0;
	_ =	sdelay $0xe  }
.Ltmp34:
0x4ae: {  	s5 =	spop (v2sf);
	(pc) =	sbr.rel @p1 .LBB2_40-.Ltmp34, $4  }
0x4af: {  	s6 =	simm.s32 $0x0;
	p2 =	sgt.u32 s5, $0x9FFC  }
0x4b0: {  	s0 =	sadd.s32 $0x20, s0;
	s6 =	simm.s32 @!p2 $0x80;
	s7 =	sand.u32 @!p2 $0xFFF8, s5  }
0x4b1: {  	s3 =	sadd.s32 $0x1, s3;
	s5 =	sand.u32 @!p2 $0x7, s5;
	s7 =	sadd.s32 @!p2 s4, s7  }
0x4b2: {  	[hbm4b:s7+s5] =	stream.linear.scatter @!p2 [tilespmem:s0], [sflag:$0x5], $0x20, $0x38;
	[tilespmem:$0x1EC48] =	vst v63  }
.LBB2_41:
0x4b3: {  	s0 =	sadd.s32 s2, s6  }
0x4b4: {  	s0 =	sshrl.u32 s0, $0x2  }
.LBB2_42:
0x4b5: {  	s1 =	simm.s32 $0x5  }
0x4b6: {  	_ =	swait.ge [sflag:s1], s0  }
0x4b7: {  	s31 =	ssub.s32 $0x0, s0;
	[sflag:s1] =	ssyncset.done $0x0  }
0x4b8: {  	[sflag:s1] =	ssyncadd.s32 s31  }
0x4b9: {  	[sflag:s1] =	ssyncpa.u1 $0x1  }
.LBB2_43:
0x4ba: {  	s0 =	sor.u32 s15, s14  }
0x4bb: {  	p1 =	sne.s32 s0, $0x0  }
.Ltmp35:
0x4bc: {  	_ = 	snop;
	(pc) =	sbr.rel @p1 .LBB2_58-.Ltmp35, $3  }
0x4bd: {  	_ =	sdelay $0x1  }
0x4be: {  	[bflag:$0x0] =	sbarrier.arrive $0xFFFF  }
0x4bf: {  	_ =	sfence  }
0x4c0: {  	s0 =	simm.s32 $0x7  }
0x4c1: {  	s1 =	simm.s32 $0x400;
	s2 =	simm.s32 $0x6098;
	[sflag:s0] =	ssyncpa.u1 $0x0  }
0x4c2: {  	[tilespmem:s2], [sflag:$0x7] =	stream.linear.gather [spmem:s1], $0x20, $0x38;
	[tilespmem:$0x1EC48] =	vst v63  }
0x4c3: {  	s30 =	simm.s32 $0x60B8;
	s1 =	simm.s32 $0x0  }
0x4c4: {  	[tilespmem:s30], [sflag:$0x7] =	stream.linear.gather [spmem:s1], $0x400, $0x38;
	[tilespmem:$0x1EC48] =	vst v63  }
.Ltmp36:
0x4c5: {  	_ = 	snop;
	(pc) =	sbr.rel .LBB2_45-.Ltmp36, $4  }
0x4c6: {  	_ =	swait.ge [sflag:s0], $0x420  }
0x4c7: {  	[sflag:s0] =	ssyncset.done $0x0  }
0x4c8: {  	s31 =	simm.s32 $0x8;
	[sflag:s0] =	ssyncadd.s32 $0xFFFFFBE0  }
0x4c9: {  	s2 =	simm.s32 $0x0;
	[sflag:s31] =	ssyncpa.u1 $0x0  }
.LBB2_51:
0x4ca: {  	p1 =	slt.u32 s3, $0x9FFD  }
0x4cb: {  	s0 =	sand.u32 @p1 $0xFFF8, s3  }
0x4cc: {  	s3 =	sand.u32 @p1 $0x7, s3;
	s5 =	simm.s32 @p1 $0x6068;
	s0 =	sadd.s32 @p1 s4, s0  }
0x4cd: {  	[tilespmem:s5], [sflag:$0x8] =	stream.linear.gather @p1 [hbm4b:s0+s3], $0x20, $0x38;
	[tilespmem:$0x1EC48] =	vst v63  }
0x4ce: {  	s0 =	simm.s32 @p1 $0x8  }
0x4cf: {  	_ =	swait.ge @p1 [sflag:s0], $0x20  }
0x4d0: {  	[sflag:s0] =	ssyncset.done @p1 $0x0  }
0x4d1: {  	[sflag:s0] =	ssyncadd.s32 @p1 $0xFFFFFFE0  }
0x4d2: {  	v1 =	vld @p1 [tilespmem:$0x6068];
	_ =	sdelay $0x2  }
0x4d3: {  	s0 =	sshll.u32 @p1 s2, $0x7  }
0x4d4: {  	s3 =	sshrl.u32 @p1 s0, $0x2  }
0x4d5: {  	[tilespmem:s3+$0x60B8] =	vst.add.f32.msk @p1 $0xffff, v1  }
0x4d6: {  	v1 =	vld @p1 [tilespmem:$0x6078];
	_ =	sdelay $0x3  }
0x4d7: {  	s5 =	sshll.u32 @!p1 s2, $0x7  }
0x4d8: {  	s5 =	smov.u32 @p1 s0;
	[tilespmem:s3+$0x60C8] =	vst.add.f32.msk @p1 $0xffff, v1  }
0x4d9: {  	s0 =	sshrl.u32 s5, $0x2;
	[tilespmem:s1+$0x6098] =	vst.msk $0x1, v0  }
0x4da: {  	v0 =	vld [tilespmem:s0+$0x60B8];
	_ =	sdelay $0x2  }
0x4db: {  	s31 =	sshll.u32 s1, $0x7  }
0x4dc: {  	s3 =	sshra.s32 s31, $0x2  }
0x4dd: {  	[tilespmem:s3+$0x60B8] =	vst v0  }
0x4de: {  	v0 =	vld [tilespmem:s0+$0x60C8];
	_ =	sdelay $0x4  }
0x4df: {  	s1 =	sadd.s32 $0x1, s1;
	[tilespmem:s3+$0x60C8] =	vst v0  }
.LBB2_52:
0x4e0: {  	s2 =	sadd.s32 $0x1, s2  }
0x4e1: {  	p1 =	sne.s32 s2, $0x20  }
.Ltmp37:
0x4e2: {  	_ = 	snop;
	(pc) =	sbr.rel @!p1 .LBB2_53-.Ltmp37, $1  }
0x4e3: {  	_ =	sdelay $0x3  }
.LBB2_45:
0x4e4: {  	v0 =	vld.msk [tilespmem:s2+$0x6098], $0x1;
	_ =	sdelay $0x4  }
0x4e5: {  	(v2sf) =	vpush v0, $0x0;
	_ =	sdelay $0xe  }
0x4e6: {  	s3 =	spop (v2sf)  }
0x4e7: {  	p1 =	seq.s32 s3, $0xFFFFFFFF  }
.Ltmp38:
0x4e8: {  	_ = 	snop;
	(pc) =	sbr.rel @p1 .LBB2_52-.Ltmp38, $1  }
0x4e9: {  	_ =	sdelay $0x3  }
0x4ea: {  	p1 =	slt.s32 s1, $0x1  }
.Ltmp39:
0x4eb: {  	_ = 	snop;
	(pc) =	sbr.rel @p1 .LBB2_51-.Ltmp39, $1  }
0x4ec: {  	_ =	sdelay $0x3  }
0x4ed: {  	s0 =	simm.s32 $0x6098;
	p1 =	por $0x0, $0x0  }
0x4ee: {  	v1 =	vld.msk @!p1 [tilespmem:s0+$0x0], $0x1;
	_ =	sdelay $0x4  }
0x4ef: {  	(v2sf) =	vpush @!p1 v1, $0x0;
	_ =	sdelay $0xd  }
0x4f0: {  	p3 =	sne.s32 s1, $0x1  }
.Ltmp40:
0x4f1: {  	s5 =	spop @!p1 (v2sf);
	(pc) =	sbr.rel @!p3 .LBB2_49-.Ltmp40, $4  }
0x4f2: {  	p2 =	seq.s32 @!p1 s3, s5  }
0x4f3: {  	s5 =	simm.s32 $0x0;
	p2 =	por !p2, p1  }
0x4f4: {  	s7 =	simm.s32 $0xFFFFFFFF;
	s5 =	simm.s32 @p2 $0xFFFFFFFF  }
0x4f5: {  	s6 =	simm.s32 $0x1;
	s5 =	smov.u32 @p1 s7  }
.LBB2_48:
0x4f6: {  	s7 =	smov.u32 s5;
	p1 =	sne.s32 s5, $0xFFFFFFFF  }
0x4f7: {  	s0 =	sadd.s32 $0x1, s0;
	s5 =	smov.u32 s6;
	s6 =	sadd.s32 $0x1, s6  }
0x4f8: {  	p2 =	sne.s32 s1, s6;
	v1 =	vld.msk @!p1 [tilespmem:s0+$0x0], $0x1;
	_ =	sdelay $0x4  }
0x4f9: {  	(v2sf) =	vpush @!p1 v1, $0x0;
	_ =	sdelay $0xe  }
.Ltmp41:
0x4fa: {  	s8 =	spop @!p1 (v2sf);
	(pc) =	sbr.rel @p2 .LBB2_48-.Ltmp41, $4  }
0x4fb: {  	p3 =	seq.s32 @!p1 s3, s8  }
0x4fc: {  	p3 =	por !p3, p1  }
0x4fd: {  	s5 =	simm.s32 @p3 $0xFFFFFFFF  }
0x4fe: {  	s5 =	smov.u32 @p1 s7  }
.LBB2_49:
0x4ff: {  	p1 =	seq.s32 s5, $0xFFFFFFFF  }
.Ltmp42:
0x500: {  	_ = 	snop;
	(pc) =	sbr.rel @p1 .LBB2_51-.Ltmp42, $1  }
0x501: {  	_ =	sdelay $0x3  }
0x502: {  	s0 =	sshll.u32 s2, $0x5  }
0x503: {  	s0 =	sand.u32 $0x3FFFFFE0, s0  }
0x504: {  	v0 =	vld [tilespmem:s0+$0x60B8];
	_ =	sdelay $0x2  }
0x505: {  	s3 =	sshll.u32 s5, $0x7  }
0x506: {  	s3 =	sshra.s32 s3, $0x2  }
0x507: {  	[tilespmem:s3+$0x60B8] =	vst.add.f32.msk $0xffff, v0  }
0x508: {  	v0 =	vld [tilespmem:s0+$0x60C8]  }
.Ltmp43:
0x509: {  	_ = 	snop;
	(pc) =	sbr.rel .LBB2_52-.Ltmp43, $2  }
0x50a: {  	_ =	sdelay $0x2  }
0x50b: {  	[tilespmem:s3+$0x60C8] =	vst.add.f32.msk $0xffff, v0  }
.LBB2_53:
0x50c: {  	p1 =	slt.s32 s1, $0x1  }
.Ltmp44:
0x50d: {  	_ = 	snop;
	(pc) =	sbr.rel @p1 .LBB2_57-.Ltmp44, $3  }
0x50e: {  	_ =	sdelay $0x1  }
0x50f: {  	s0 =	simm.s32 $0x8  }
0x510: {  	s2 =	simm.s32 $0x0;
	[sflag:s0] =	ssyncpa.u1 $0x1  }
0x511: {  	s0 =	simm.s32 $0x6098  }
0x512: {  	v0 =	vld.msk [tilespmem:s0+$0x0], $0x1;
	_ =	sdelay $0x4  }
0x513: {  	(v2sf) =	vpush v0, $0x0;
	_ =	sdelay $0xe  }
0x514: {  	s1 =	sadd.s32 $0xFFFFFFFF, s1;
	s3 =	spop (v2sf)  }
0x515: {  	p2 =	sne.s32 s1, $0x0;
	p1 =	sgt.u32 s3, $0x9FFC  }
.Ltmp45:
0x516: {  	s5 =	sand.u32 @!p1 $0xFFF8, s3;
	(pc) =	sbr.rel @!p2 .LBB2_56-.Ltmp45, $4  }
0x517: {  	s0 =	simm.s32 $0x60B8;
	s3 =	sand.u32 @!p1 $0x7, s3;
	s5 =	sadd.s32 @!p1 s4, s5  }
0x518: {  	[hbm4b:s5+s3] =	stream.linear.scatter @!p1 [tilespmem:s0], [sflag:$0x7], $0x20, $0x38;
	[tilespmem:$0x1EC48] =	vst v63  }
0x519: {  	s5 =	simm.s32 $0x0  }
0x51a: {  	s3 =	simm.s32 $0x6099;
	s5 =	simm.s32 @!p1 $0x80  }
.LBB2_55:
0x51b: {  	v0 =	vld.msk [tilespmem:s3+$0x0], $0x1;
	s1 =	sadd.s32 $0xFFFFFFFF, s1;
	s2 =	sadd.s32 s2, s5  }
0x51c: {  	p1 =	sne.s32 s1, $0x0;
	_ =	sdelay $0x3  }
0x51d: {  	(v2sf) =	vpush v0, $0x0;
	_ =	sdelay $0xe  }
.Ltmp46:
0x51e: {  	s6 =	spop (v2sf);
	(pc) =	sbr.rel @p1 .LBB2_55-.Ltmp46, $4  }
0x51f: {  	s5 =	simm.s32 $0x0;
	p2 =	sgt.u32 s6, $0x9FFC  }
0x520: {  	s0 =	sadd.s32 $0x20, s0;
	s5 =	simm.s32 @!p2 $0x80;
	s7 =	sand.u32 @!p2 $0xFFF8, s6  }
0x521: {  	s3 =	sadd.s32 $0x1, s3;
	s6 =	sand.u32 @!p2 $0x7, s6;
	s7 =	sadd.s32 @!p2 s4, s7  }
0x522: {  	[hbm4b:s7+s6] =	stream.linear.scatter @!p2 [tilespmem:s0], [sflag:$0x7], $0x20, $0x38;
	[tilespmem:$0x1EC48] =	vst v63  }
.LBB2_56:
0x523: {  	s0 =	sadd.s32 s2, s5  }
0x524: {  	s2 =	sshrl.u32 s0, $0x2  }
.LBB2_57:
0x525: {  	s0 =	simm.s32 $0x7  }
0x526: {  	_ =	swait.ge [sflag:s0], s2  }
0x527: {  	s1 =	ssub.s32 $0x0, s2;
	[sflag:s0] =	ssyncset.done $0x0  }
0x528: {  	[sflag:s0] =	ssyncadd.s32 s1  }
0x529: {  	[sflag:s0] =	ssyncpa.u1 $0x1  }
.LBB2_58:
0x52a: {  	_ =	sfence;
	s0 =	simm.s32 $0x1  }
0x52b: {  	[sflag:s0] =	ssyncpa.u1 $0x1  }
0x52c: {  	_ =	strace $0x9000004A  }
0x52d: {  	[bflag:$0x2] =	sbarrier.arrive $0xFFFF  }
0x52e: {  	s0 =	rddreg [dreg:$0x3]  }
0x52f: {  	s0 =	sadd.s32 @!p0 $0x100000, s0  }
0x530: {  	[sflag:s0] =	ssyncadd.tile.s32 @!p0 $0x1;
	_ =	shalt  }
.Lfunc_end2:
_tile_overlayer_lowered:
.L_overlay_start_2:
0x531: {  	(tag) =	ssettag $0x2  }
0x532: {  	s0 =	rddreg [dreg:$0x0];
	s2 =	stileid.u32  }
0x533: {  	s1 =	rddreg [dreg:$0x1];
	p0 =	sne.s32 s2, $0x0  }
0x534: {  	s3 =	rddreg [dreg:$0x2];
	[bflag:$0x3] =	sbarrier.arrive $0xFFFF;
	s2 =	simm.s32 @!p0 $0x1C01  }
0x535: {  	[timem:s3], [sflag:s2] =	dma.local @!p0 [hbm:s0], s1  }
0x536: {  	s0 =	simm.s32 @!p0 $0x1  }
0x537: {  	_ =	swait.ge @!p0 [sflag:s0], s1  }
0x538: {  	s1 =	ssub.s32 @!p0 $0x0, s1;
	[sflag:s0] =	ssyncset.done @!p0 $0x0  }
0x539: {  	[sflag:s0] =	ssyncadd.s32 @!p0 s1  }
0x53a: {  	[bflag:$0x3] =	sbarrier.arrive $0xFFFF  }
0x53b: {  	_ =	shalt  }

</sc_bundles>
